<compile_context>
chip_gen: v7x
topology: tpu7x:2x2x1
jax: 0.10.2.dev20260603
libtpu: 0.0.44.dev20260713+nightly
codegen_flags: <defaults>
</compile_context>

<pallas_src>
import functools

import jax
import jax.numpy as jnp
from jax import lax
from jax.experimental import pallas as pl
from jax.experimental.pallas import tpu as pltpu
from jax.experimental.pallas import tpu_sc as plsc

N_NODES = 100000
D_FEAT = 128
N_READOUT = 16384

NC = 2
NS = 16
L = 16

HALF = N_READOUT // NC
E_PER_W = N_READOUT // NS
CHUNK = 128
STAGE = E_PER_W + CHUNK
NCHUNK = STAGE // CHUNK
NSAMP = N_READOUT // 16
TRASH = HALF
ACC_ROWS = HALF + 8
OUT_PER_W = HALF // NS

_mesh = plsc.VectorSubcoreMesh(
    core_axis_name="c", subcore_axis_name="s", num_cores=NC, num_subcores=NS
)


@functools.partial(
    pl.kernel,
    out_type=jax.ShapeDtypeStruct((N_READOUT, D_FEAT), jnp.float32),
    mesh=_mesh,
    scratch_types=[
        pltpu.VMEM((STAGE,), jnp.int32),
        pltpu.VMEM((STAGE,), jnp.int32),
        pltpu.VMEM((CHUNK,), jnp.int32),
        pltpu.VMEM((CHUNK,), jnp.int32),
        pltpu.VMEM((CHUNK,), jnp.int32),
        pltpu.VMEM((3, CHUNK, D_FEAT), jnp.float32),
        pltpu.VMEM_SHARED((ACC_ROWS, D_FEAT), jnp.float32),
        pltpu.SemaphoreType.DMA,
        pltpu.SemaphoreType.DMA,
        pltpu.SemaphoreType.DMA,
        pltpu.SemaphoreType.DMA,
        pltpu.SemaphoreType.DMA,
        pltpu.SemaphoreType.DMA,
        pltpu.SemaphoreType.DMA,
    ],
)
def _readout_kernel(x_hbm, src_hbm, dst_hbm, samp_hbm, out_hbm,
                    src_v, dst_v, dloc_a, dloc_b, dloc_c, rows_v, acc_sh,
                    gsem_a, gsem_b, gsem_c, wsem_a, wsem_b, wsem_c, zsem):
    c = lax.axis_index("c")
    s = lax.axis_index("s")
    gsems = (gsem_a, gsem_b, gsem_c)
    wsems = (wsem_a, wsem_b, wsem_c)
    dlocs = (dloc_a, dloc_b, dloc_c)

    pltpu.sync_copy(samp_hbm, dst_v.at[pl.ds(0, NSAMP)])
    one = jnp.ones((L,), jnp.int32)
    zint = jnp.zeros((L,), jnp.int32)
    count = jnp.zeros((L,), jnp.int32)
    for i in range(NSAMP // L):
        d = dst_v[pl.ds(i * L, L)]
        count = count + jnp.where(d < HALF, one, zint)

    cnt0 = count[0]
    cut_hi = jnp.minimum(256 * cnt0 + 256, N_READOUT)
    cut_lo = jnp.maximum(256 * cnt0 - 256, 0)

    n_c = cut_hi + c * (N_READOUT - cut_lo - cut_hi)
    lo_c = c * cut_lo
    my_lo = lo_c + (s * n_c) // NS
    my_hi = lo_c + ((s + 1) * n_c) // NS
    base = jnp.minimum((my_lo // 8) * 8, N_READOUT - STAGE)
    base = pl.multiple_of(base, 8)

    pltpu.async_copy(src_hbm.at[pl.ds(base, STAGE)], src_v, gsem_a)
    pltpu.async_copy(dst_hbm.at[pl.ds(base, STAGE)], dst_v, gsem_b)

    zero = jnp.zeros((L,), jnp.float32)

    def _zrow(i, carry):
        for q in range(D_FEAT // L):
            rows_v[2, i, pl.ds(q * L, L)] = zero
        return carry

    lax.fori_loop(0, CHUNK, _zrow, 0)
    for r in range(OUT_PER_W // CHUNK):
        pltpu.async_copy(rows_v.at[2],
                         acc_sh.at[pl.ds(s * OUT_PER_W + r * CHUNK, CHUNK)],
                         zsem)

    pltpu.make_async_copy(src_hbm.at[pl.ds(base, STAGE)], src_v,
                          gsem_a).wait()
    pltpu.make_async_copy(dst_hbm.at[pl.ds(base, STAGE)], dst_v,
                          gsem_b).wait()

    def _active(j):
        return base + j * CHUNK < my_hi

    def _gather(j):
        pltpu.async_copy(
            x_hbm.at[src_v.at[pl.ds(j * CHUNK, CHUNK)]],
            rows_v.at[j % 3], gsems[j % 3],
        )

    def _gwait(j):
        pltpu.make_async_copy(
            x_hbm.at[src_v.at[pl.ds(j * CHUNK, CHUNK)]],
            rows_v.at[j % 3], gsems[j % 3],
        ).wait()

    def _scatter(j):
        pltpu.sync_copy(rows_v.at[j % 3], acc_sh.at[dlocs[j % 3]],
                        add=True)

    @pl.when(_active(0))
    def _():
        _gather(0)

    @pl.when(_active(1))
    def _():
        _gather(1)

    for r in range(OUT_PER_W // CHUNK):
        pltpu.make_async_copy(
            rows_v.at[2],
            acc_sh.at[pl.ds(s * OUT_PER_W + r * CHUNK, CHUNK)], zsem
        ).wait()
    plsc.subcore_barrier()

    base_local = c * HALF
    lane = lax.iota(jnp.int32, L)
    for j in range(NCHUNK):
        if j + 2 < NCHUNK:
            @pl.when(_active(j + 2))
            def _():
                _gather(j + 2)

        @pl.when(_active(j))
        def _():
            dloc = dlocs[j % 3]
            for i in range(CHUNK // L):
                pos = base + j * CHUNK + i * L + lane
                d = dst_v[pl.ds(j * CHUNK + i * L, L)]
                dl = d - base_local
                ok = (pos >= my_lo) & (pos < my_hi) & (dl >= 0) & (dl < HALF)
                dloc[pl.ds(i * L, L)] = jnp.where(ok, dl, TRASH)
            _gwait(j)
            _scatter(j)

    plsc.subcore_barrier()

    out_base = c * HALF + s * OUT_PER_W
    pltpu.sync_copy(
        acc_sh.at[pl.ds(s * OUT_PER_W, OUT_PER_W)],
        out_hbm.at[pl.ds(out_base, OUT_PER_W)],
    )


def kernel(x, readout_src, readout_dst):
    dst32 = readout_dst.astype(jnp.int32)
    return _readout_kernel(x, readout_src.astype(jnp.int32), dst32,
                           dst32[::16])

# --- scband reference (transcript-rebuilt; emitter-appended) ---
"""Pipeline reference for scband-structured-readout-into-feature-47287589929656 (READ-ONLY COPY).

The authoritative reference and input builder live on the scoring server;
editing this copy changes nothing except your own understanding.
"""

import jax, jax.numpy as jnp
import numpy as np

N_NODES = 100000
D_FEAT = 128
N_READOUT = 16384


def setup_inputs(seed: int = 0) -> dict:
    key = jax.random.key(seed)
    k1, k2, k3 = jax.random.split(key, 3)
    x = jax.random.normal(k1, (N_NODES, D_FEAT), dtype=jnp.float32)
    readout_src = jax.random.randint(k2, (N_READOUT,), 0, N_NODES, dtype=jnp.int64)
    readout_dst = jnp.sort(jax.random.randint(k3, (N_READOUT,), 0, N_READOUT, dtype=jnp.int64))
    return {"x": x, "readout_src": readout_src, "readout_dst": readout_dst}


def reference(x, readout_src, readout_dst):
    # tfgnn.structured_readout_into_feature with key="seed":
    # 1) broadcast the source node feature over the aux readout edge set
    #    "_readout/seed" (a gather of x by the edge source indices),
    # 2) pool (sum) the edge values to the "_readout" node set by the edge
    #    target indices (each readout node has exactly one incoming edge in
    #    a well-formed readout structure, so this materializes the readout),
    # 3) store the result as node_sets["_readout"]["hidden_state"]
    #    (overwrite=True). We return that new feature tensor; the rest of
    #    the GraphTensor passes through unchanged.
    gathered = jnp.take(x, readout_src, axis=0)
    readout_feature = jax.ops.segment_sum(gathered, readout_dst, num_segments=N_READOUT)
    return readout_feature

if __name__ == "__main__":
    import jax
    _d = setup_inputs()
    print(jax.jit(kernel)(*tuple(_d.values())))

</pallas_src>

<mosaic_0001>
#map = affine_map<(d0, d1) -> (0, 0)>
#map1 = affine_map<(d0, d1) -> (0)>
module attributes {stable_mosaic.version = 14 : i64} {
  func.func @_readout_kernel(%arg0: i32, %arg1: i32, %arg2: memref<100000x128xf32, #tpu.memory_space<hbm>>, %arg3: memref<16384xi32, #tpu.memory_space<hbm>>, %arg4: memref<16384xi32, #tpu.memory_space<hbm>>, %arg5: memref<1024xi32, #tpu.memory_space<hbm>>, %arg6: memref<16384x128xf32, #tpu.memory_space<hbm>>, %arg7: memref<1152xi32, #tpu.memory_space<vmem>>, %arg8: memref<1152xi32, #tpu.memory_space<vmem>>, %arg9: memref<128xi32, #tpu.memory_space<vmem>>, %arg10: memref<128xi32, #tpu.memory_space<vmem>>, %arg11: memref<128xi32, #tpu.memory_space<vmem>>, %arg12: memref<3x128x128xf32, #tpu.memory_space<vmem>>, %arg13: memref<8200x128xf32, #tpu.memory_space<vmem_shared>>, %arg14: memref<!tpu.dma_semaphore, #tpu.memory_space<semaphore_mem>>, %arg15: memref<!tpu.dma_semaphore, #tpu.memory_space<semaphore_mem>>, %arg16: memref<!tpu.dma_semaphore, #tpu.memory_space<semaphore_mem>>, %arg17: memref<!tpu.dma_semaphore, #tpu.memory_space<semaphore_mem>>, %arg18: memref<!tpu.dma_semaphore, #tpu.memory_space<semaphore_mem>>, %arg19: memref<!tpu.dma_semaphore, #tpu.memory_space<semaphore_mem>>, %arg20: memref<!tpu.dma_semaphore, #tpu.memory_space<semaphore_mem>>) attributes {dimension_semantics = [#tpu.dimension_semantics<core_parallel>, #tpu.dimension_semantics<subcore_parallel>], iteration_bounds = array<i64: 2, 16>, scalar_prefetch = 0 : i64, scratch_operands = 14 : i64, tpu.core_type = #tpu.core_type<sc_vector_subcore>, window_params = [{transform_indices = #map}, {transform_indices = #map1}, {transform_indices = #map1}, {transform_indices = #map1}, {transform_indices = #map}]} {
    "tpu.region"() ({
      %run_scoped3A = tpu.sem_alloc : memref<!tpu.dma_semaphore, #tpu.memory_space<semaphore_mem>>
      %dma_start3A_868 = arith.constant 0 : i32
      %dma_start3A_869 = tpu.memref_slice %arg8[%dma_start3A_868] : memref<1152xi32, #tpu.memory_space<vmem>> -> memref<1024xi32, #tpu.memory_space<vmem>>
      %dma_start3A_870 = arith.constant 0 : i32
      %dma_start3A_871 = tpu.memref_slice %arg8[%dma_start3A_870] : memref<1152xi32, #tpu.memory_space<vmem>> -> memref<1024xi32, #tpu.memory_space<vmem>>
      tpu.enqueue_dma source(%arg5 : memref<1024xi32, #tpu.memory_space<hbm>>) target(%dma_start3A_871 : memref<1024xi32, #tpu.memory_space<vmem>>) target_semaphore(%run_scoped3A : memref<!tpu.dma_semaphore, #tpu.memory_space<semaphore_mem>>)
      %dma_wait3A_872 = arith.constant 0 : i32
      %dma_wait3A_873 = tpu.memref_slice %arg8[%dma_wait3A_872] : memref<1152xi32, #tpu.memory_space<vmem>> -> memref<1024xi32, #tpu.memory_space<vmem>>
      %dma_wait3A_874 = arith.constant 0 : i32
      %dma_wait3A_875 = tpu.memref_slice %arg8[%dma_wait3A_874] : memref<1152xi32, #tpu.memory_space<vmem>> -> memref<1024xi32, #tpu.memory_space<vmem>>
      tpu.wait_dma2 semaphore(%run_scoped3A : memref<!tpu.dma_semaphore, #tpu.memory_space<semaphore_mem>>) src(%arg5 : memref<1024xi32, #tpu.memory_space<hbm>>) dst(%dma_wait3A_875 : memref<1024xi32, #tpu.memory_space<vmem>>)
      tpu.yield
    }) : () -> ()
    %broadcast_in_dim3A = arith.constant 1 : i32
    %broadcast_in_dim3A_0 = vector.broadcast %broadcast_in_dim3A : i32 to vector<16xi32>
    %broadcast_in_dim3A_1 = arith.constant 0 : i32
    %broadcast_in_dim3A_2 = vector.broadcast %broadcast_in_dim3A_1 : i32 to vector<16xi32>
    %broadcast_in_dim3A_3 = arith.constant 0 : i32
    %broadcast_in_dim3A_4 = vector.broadcast %broadcast_in_dim3A_3 : i32 to vector<16xi32>
    %get3A = arith.constant 0 : index
    %get3A_5 = tpu.vector_load %arg8[%get3A] {strides = array<i32>} : memref<1152xi32, #tpu.memory_space<vmem>>, vector<16xi32>,
    %get3A_6 = vector.shape_cast %get3A_5 : vector<16xi32> to vector<16xi32>
    %lt3A = arith.constant 8192 : i32
    %lt3A_7 = vector.broadcast %lt3A : i32 to vector<16xi32>
    %lt3A_8 = arith.cmpi slt, %get3A_6, %lt3A_7 : vector<16xi32>
    %select_n3A = arith.select %lt3A_8, %broadcast_in_dim3A_0, %broadcast_in_dim3A_2 : vector<16xi1>, vector<16xi32>
    %add3A = arith.addi %broadcast_in_dim3A_4, %select_n3A : vector<16xi32>
    %get3A_9 = arith.constant 16 : index
    %get3A_10 = tpu.vector_load %arg8[%get3A_9] {strides = array<i32>} : memref<1152xi32, #tpu.memory_space<vmem>>, vector<16xi32>,
    %get3A_11 = vector.shape_cast %get3A_10 : vector<16xi32> to vector<16xi32>
    %lt3A_12 = arith.constant 8192 : i32
    %lt3A_13 = vector.broadcast %lt3A_12 : i32 to vector<16xi32>
    %lt3A_14 = arith.cmpi slt, %get3A_11, %lt3A_13 : vector<16xi32>
    %select_n3A_15 = arith.select %lt3A_14, %broadcast_in_dim3A_0, %broadcast_in_dim3A_2 : vector<16xi1>, vector<16xi32>
    %add3A_16 = arith.addi %add3A, %select_n3A_15 : vector<16xi32>
    %get3A_17 = arith.constant 32 : index
    %get3A_18 = tpu.vector_load %arg8[%get3A_17] {strides = array<i32>} : memref<1152xi32, #tpu.memory_space<vmem>>, vector<16xi32>,
    %get3A_19 = vector.shape_cast %get3A_18 : vector<16xi32> to vector<16xi32>
    %lt3A_20 = arith.constant 8192 : i32
    %lt3A_21 = vector.broadcast %lt3A_20 : i32 to vector<16xi32>
    %lt3A_22 = arith.cmpi slt, %get3A_19, %lt3A_21 : vector<16xi32>
    %select_n3A_23 = arith.select %lt3A_22, %broadcast_in_dim3A_0, %broadcast_in_dim3A_2 : vector<16xi1>, vector<16xi32>
    %add3A_24 = arith.addi %add3A_16, %select_n3A_23 : vector<16xi32>
    %get3A_25 = arith.constant 48 : index
    %get3A_26 = tpu.vector_load %arg8[%get3A_25] {strides = array<i32>} : memref<1152xi32, #tpu.memory_space<vmem>>, vector<16xi32>,
    %get3A_27 = vector.shape_cast %get3A_26 : vector<16xi32> to vector<16xi32>
    %lt3A_28 = arith.constant 8192 : i32
    %lt3A_29 = vector.broadcast %lt3A_28 : i32 to vector<16xi32>
    %lt3A_30 = arith.cmpi slt, %get3A_27, %lt3A_29 : vector<16xi32>
    %select_n3A_31 = arith.select %lt3A_30, %broadcast_in_dim3A_0, %broadcast_in_dim3A_2 : vector<16xi1>, vector<16xi32>
    %add3A_32 = arith.addi %add3A_24, %select_n3A_31 : vector<16xi32>
    %get3A_33 = arith.constant 64 : index
    %get3A_34 = tpu.vector_load %arg8[%get3A_33] {strides = array<i32>} : memref<1152xi32, #tpu.memory_space<vmem>>, vector<16xi32>,
    %get3A_35 = vector.shape_cast %get3A_34 : vector<16xi32> to vector<16xi32>
    %lt3A_36 = arith.constant 8192 : i32
    %lt3A_37 = vector.broadcast %lt3A_36 : i32 to vector<16xi32>
    %lt3A_38 = arith.cmpi slt, %get3A_35, %lt3A_37 : vector<16xi32>
    %select_n3A_39 = arith.select %lt3A_38, %broadcast_in_dim3A_0, %broadcast_in_dim3A_2 : vector<16xi1>, vector<16xi32>
    %add3A_40 = arith.addi %add3A_32, %select_n3A_39 : vector<16xi32>
    %get3A_41 = arith.constant 80 : index
    %get3A_42 = tpu.vector_load %arg8[%get3A_41] {strides = array<i32>} : memref<1152xi32, #tpu.memory_space<vmem>>, vector<16xi32>,
    %get3A_43 = vector.shape_cast %get3A_42 : vector<16xi32> to vector<16xi32>
    %lt3A_44 = arith.constant 8192 : i32
    %lt3A_45 = vector.broadcast %lt3A_44 : i32 to vector<16xi32>
    %lt3A_46 = arith.cmpi slt, %get3A_43, %lt3A_45 : vector<16xi32>
    %select_n3A_47 = arith.select %lt3A_46, %broadcast_in_dim3A_0, %broadcast_in_dim3A_2 : vector<16xi1>, vector<16xi32>
    %add3A_48 = arith.addi %add3A_40, %select_n3A_47 : vector<16xi32>
    %get3A_49 = arith.constant 96 : index
    %get3A_50 = tpu.vector_load %arg8[%get3A_49] {strides = array<i32>} : memref<1152xi32, #tpu.memory_space<vmem>>, vector<16xi32>,
    %get3A_51 = vector.shape_cast %get3A_50 : vector<16xi32> to vector<16xi32>
    %lt3A_52 = arith.constant 8192 : i32
    %lt3A_53 = vector.broadcast %lt3A_52 : i32 to vector<16xi32>
    %lt3A_54 = arith.cmpi slt, %get3A_51, %lt3A_53 : vector<16xi32>
    %select_n3A_55 = arith.select %lt3A_54, %broadcast_in_dim3A_0, %broadcast_in_dim3A_2 : vector<16xi1>, vector<16xi32>
    %add3A_56 = arith.addi %add3A_48, %select_n3A_55 : vector<16xi32>
    %get3A_57 = arith.constant 112 : index
    %get3A_58 = tpu.vector_load %arg8[%get3A_57] {strides = array<i32>} : memref<1152xi32, #tpu.memory_space<vmem>>, vector<16xi32>,
    %get3A_59 = vector.shape_cast %get3A_58 : vector<16xi32> to vector<16xi32>
    %lt3A_60 = arith.constant 8192 : i32
    %lt3A_61 = vector.broadcast %lt3A_60 : i32 to vector<16xi32>
    %lt3A_62 = arith.cmpi slt, %get3A_59, %lt3A_61 : vector<16xi32>
    %select_n3A_63 = arith.select %lt3A_62, %broadcast_in_dim3A_0, %broadcast_in_dim3A_2 : vector<16xi1>, vector<16xi32>
    %add3A_64 = arith.addi %add3A_56, %select_n3A_63 : vector<16xi32>
    %get3A_65 = arith.constant 128 : index
    %get3A_66 = tpu.vector_load %arg8[%get3A_65] {strides = array<i32>} : memref<1152xi32, #tpu.memory_space<vmem>>, vector<16xi32>,
    %get3A_67 = vector.shape_cast %get3A_66 : vector<16xi32> to vector<16xi32>
    %lt3A_68 = arith.constant 8192 : i32
    %lt3A_69 = vector.broadcast %lt3A_68 : i32 to vector<16xi32>
    %lt3A_70 = arith.cmpi slt, %get3A_67, %lt3A_69 : vector<16xi32>
    %select_n3A_71 = arith.select %lt3A_70, %broadcast_in_dim3A_0, %broadcast_in_dim3A_2 : vector<16xi1>, vector<16xi32>
    %add3A_72 = arith.addi %add3A_64, %select_n3A_71 : vector<16xi32>
    %get3A_73 = arith.constant 144 : index
    %get3A_74 = tpu.vector_load %arg8[%get3A_73] {strides = array<i32>} : memref<1152xi32, #tpu.memory_space<vmem>>, vector<16xi32>,
    %get3A_75 = vector.shape_cast %get3A_74 : vector<16xi32> to vector<16xi32>
    %lt3A_76 = arith.constant 8192 : i32
    %lt3A_77 = vector.broadcast %lt3A_76 : i32 to vector<16xi32>
    %lt3A_78 = arith.cmpi slt, %get3A_75, %lt3A_77 : vector<16xi32>
    %select_n3A_79 = arith.select %lt3A_78, %broadcast_in_dim3A_0, %broadcast_in_dim3A_2 : vector<16xi1>, vector<16xi32>
    %add3A_80 = arith.addi %add3A_72, %select_n3A_79 : vector<16xi32>
    %get3A_81 = arith.constant 160 : index
    %get3A_82 = tpu.vector_load %arg8[%get3A_81] {strides = array<i32>} : memref<1152xi32, #tpu.memory_space<vmem>>, vector<16xi32>,
    %get3A_83 = vector.shape_cast %get3A_82 : vector<16xi32> to vector<16xi32>
    %lt3A_84 = arith.constant 8192 : i32
    %lt3A_85 = vector.broadcast %lt3A_84 : i32 to vector<16xi32>
    %lt3A_86 = arith.cmpi slt, %get3A_83, %lt3A_85 : vector<16xi32>
    %select_n3A_87 = arith.select %lt3A_86, %broadcast_in_dim3A_0, %broadcast_in_dim3A_2 : vector<16xi1>, vector<16xi32>
    %add3A_88 = arith.addi %add3A_80, %select_n3A_87 : vector<16xi32>
    %get3A_89 = arith.constant 176 : index
    %get3A_90 = tpu.vector_load %arg8[%get3A_89] {strides = array<i32>} : memref<1152xi32, #tpu.memory_space<vmem>>, vector<16xi32>,
    %get3A_91 = vector.shape_cast %get3A_90 : vector<16xi32> to vector<16xi32>
    %lt3A_92 = arith.constant 8192 : i32
    %lt3A_93 = vector.broadcast %lt3A_92 : i32 to vector<16xi32>
    %lt3A_94 = arith.cmpi slt, %get3A_91, %lt3A_93 : vector<16xi32>
    %select_n3A_95 = arith.select %lt3A_94, %broadcast_in_dim3A_0, %broadcast_in_dim3A_2 : vector<16xi1>, vector<16xi32>
    %add3A_96 = arith.addi %add3A_88, %select_n3A_95 : vector<16xi32>
    %get3A_97 = arith.constant 192 : index
    %get3A_98 = tpu.vector_load %arg8[%get3A_97] {strides = array<i32>} : memref<1152xi32, #tpu.memory_space<vmem>>, vector<16xi32>,
    %get3A_99 = vector.shape_cast %get3A_98 : vector<16xi32> to vector<16xi32>
    %lt3A_100 = arith.constant 8192 : i32
    %lt3A_101 = vector.broadcast %lt3A_100 : i32 to vector<16xi32>
    %lt3A_102 = arith.cmpi slt, %get3A_99, %lt3A_101 : vector<16xi32>
    %select_n3A_103 = arith.select %lt3A_102, %broadcast_in_dim3A_0, %broadcast_in_dim3A_2 : vector<16xi1>, vector<16xi32>
    %add3A_104 = arith.addi %add3A_96, %select_n3A_103 : vector<16xi32>
    %get3A_105 = arith.constant 208 : index
    %get3A_106 = tpu.vector_load %arg8[%get3A_105] {strides = array<i32>} : memref<1152xi32, #tpu.memory_space<vmem>>, vector<16xi32>,
    %get3A_107 = vector.shape_cast %get3A_106 : vector<16xi32> to vector<16xi32>
    %lt3A_108 = arith.constant 8192 : i32
    %lt3A_109 = vector.broadcast %lt3A_108 : i32 to vector<16xi32>
    %lt3A_110 = arith.cmpi slt, %get3A_107, %lt3A_109 : vector<16xi32>
    %select_n3A_111 = arith.select %lt3A_110, %broadcast_in_dim3A_0, %broadcast_in_dim3A_2 : vector<16xi1>, vector<16xi32>
    %add3A_112 = arith.addi %add3A_104, %select_n3A_111 : vector<16xi32>
    %get3A_113 = arith.constant 224 : index
    %get3A_114 = tpu.vector_load %arg8[%get3A_113] {strides = array<i32>} : memref<1152xi32, #tpu.memory_space<vmem>>, vector<16xi32>,
    %get3A_115 = vector.shape_cast %get3A_114 : vector<16xi32> to vector<16xi32>
    %lt3A_116 = arith.constant 8192 : i32
    %lt3A_117 = vector.broadcast %lt3A_116 : i32 to vector<16xi32>
    %lt3A_118 = arith.cmpi slt, %get3A_115, %lt3A_117 : vector<16xi32>
    %select_n3A_119 = arith.select %lt3A_118, %broadcast_in_dim3A_0, %broadcast_in_dim3A_2 : vector<16xi1>, vector<16xi32>
    %add3A_120 = arith.addi %add3A_112, %select_n3A_119 : vector<16xi32>
    %get3A_121 = arith.constant 240 : index
    %get3A_122 = tpu.vector_load %arg8[%get3A_121] {strides = array<i32>} : memref<1152xi32, #tpu.memory_space<vmem>>, vector<16xi32>,
    %get3A_123 = vector.shape_cast %get3A_122 : vector<16xi32> to vector<16xi32>
    %lt3A_124 = arith.constant 8192 : i32
    %lt3A_125 = vector.broadcast %lt3A_124 : i32 to vector<16xi32>
    %lt3A_126 = arith.cmpi slt, %get3A_123, %lt3A_125 : vector<16xi32>
    %select_n3A_127 = arith.select %lt3A_126, %broadcast_in_dim3A_0, %broadcast_in_dim3A_2 : vector<16xi1>, vector<16xi32>
    %add3A_128 = arith.addi %add3A_120, %select_n3A_127 : vector<16xi32>
    %get3A_129 = arith.constant 256 : index
    %get3A_130 = tpu.vector_load %arg8[%get3A_129] {strides = array<i32>} : memref<1152xi32, #tpu.memory_space<vmem>>, vector<16xi32>,
    %get3A_131 = vector.shape_cast %get3A_130 : vector<16xi32> to vector<16xi32>
    %lt3A_132 = arith.constant 8192 : i32
    %lt3A_133 = vector.broadcast %lt3A_132 : i32 to vector<16xi32>
    %lt3A_134 = arith.cmpi slt, %get3A_131, %lt3A_133 : vector<16xi32>
    %select_n3A_135 = arith.select %lt3A_134, %broadcast_in_dim3A_0, %broadcast_in_dim3A_2 : vector<16xi1>, vector<16xi32>
    %add3A_136 = arith.addi %add3A_128, %select_n3A_135 : vector<16xi32>
    %get3A_137 = arith.constant 272 : index
    %get3A_138 = tpu.vector_load %arg8[%get3A_137] {strides = array<i32>} : memref<1152xi32, #tpu.memory_space<vmem>>, vector<16xi32>,
    %get3A_139 = vector.shape_cast %get3A_138 : vector<16xi32> to vector<16xi32>
    %lt3A_140 = arith.constant 8192 : i32
    %lt3A_141 = vector.broadcast %lt3A_140 : i32 to vector<16xi32>
    %lt3A_142 = arith.cmpi slt, %get3A_139, %lt3A_141 : vector<16xi32>
    %select_n3A_143 = arith.select %lt3A_142, %broadcast_in_dim3A_0, %broadcast_in_dim3A_2 : vector<16xi1>, vector<16xi32>
    %add3A_144 = arith.addi %add3A_136, %select_n3A_143 : vector<16xi32>
    %get3A_145 = arith.constant 288 : index
    %get3A_146 = tpu.vector_load %arg8[%get3A_145] {strides = array<i32>} : memref<1152xi32, #tpu.memory_space<vmem>>, vector<16xi32>,
    %get3A_147 = vector.shape_cast %get3A_146 : vector<16xi32> to vector<16xi32>
    %lt3A_148 = arith.constant 8192 : i32
    %lt3A_149 = vector.broadcast %lt3A_148 : i32 to vector<16xi32>
    %lt3A_150 = arith.cmpi slt, %get3A_147, %lt3A_149 : vector<16xi32>
    %select_n3A_151 = arith.select %lt3A_150, %broadcast_in_dim3A_0, %broadcast_in_dim3A_2 : vector<16xi1>, vector<16xi32>
    %add3A_152 = arith.addi %add3A_144, %select_n3A_151 : vector<16xi32>
    %get3A_153 = arith.constant 304 : index
    %get3A_154 = tpu.vector_load %arg8[%get3A_153] {strides = array<i32>} : memref<1152xi32, #tpu.memory_space<vmem>>, vector<16xi32>,
    %get3A_155 = vector.shape_cast %get3A_154 : vector<16xi32> to vector<16xi32>
    %lt3A_156 = arith.constant 8192 : i32
    %lt3A_157 = vector.broadcast %lt3A_156 : i32 to vector<16xi32>
    %lt3A_158 = arith.cmpi slt, %get3A_155, %lt3A_157 : vector<16xi32>
    %select_n3A_159 = arith.select %lt3A_158, %broadcast_in_dim3A_0, %broadcast_in_dim3A_2 : vector<16xi1>, vector<16xi32>
    %add3A_160 = arith.addi %add3A_152, %select_n3A_159 : vector<16xi32>
    %get3A_161 = arith.constant 320 : index
    %get3A_162 = tpu.vector_load %arg8[%get3A_161] {strides = array<i32>} : memref<1152xi32, #tpu.memory_space<vmem>>, vector<16xi32>,
    %get3A_163 = vector.shape_cast %get3A_162 : vector<16xi32> to vector<16xi32>
    %lt3A_164 = arith.constant 8192 : i32
    %lt3A_165 = vector.broadcast %lt3A_164 : i32 to vector<16xi32>
    %lt3A_166 = arith.cmpi slt, %get3A_163, %lt3A_165 : vector<16xi32>
    %select_n3A_167 = arith.select %lt3A_166, %broadcast_in_dim3A_0, %broadcast_in_dim3A_2 : vector<16xi1>, vector<16xi32>
    %add3A_168 = arith.addi %add3A_160, %select_n3A_167 : vector<16xi32>
    %get3A_169 = arith.constant 336 : index
    %get3A_170 = tpu.vector_load %arg8[%get3A_169] {strides = array<i32>} : memref<1152xi32, #tpu.memory_space<vmem>>, vector<16xi32>,
    %get3A_171 = vector.shape_cast %get3A_170 : vector<16xi32> to vector<16xi32>
    %lt3A_172 = arith.constant 8192 : i32
    %lt3A_173 = vector.broadcast %lt3A_172 : i32 to vector<16xi32>
    %lt3A_174 = arith.cmpi slt, %get3A_171, %lt3A_173 : vector<16xi32>
    %select_n3A_175 = arith.select %lt3A_174, %broadcast_in_dim3A_0, %broadcast_in_dim3A_2 : vector<16xi1>, vector<16xi32>
    %add3A_176 = arith.addi %add3A_168, %select_n3A_175 : vector<16xi32>
    %get3A_177 = arith.constant 352 : index
    %get3A_178 = tpu.vector_load %arg8[%get3A_177] {strides = array<i32>} : memref<1152xi32, #tpu.memory_space<vmem>>, vector<16xi32>,
    %get3A_179 = vector.shape_cast %get3A_178 : vector<16xi32> to vector<16xi32>
    %lt3A_180 = arith.constant 8192 : i32
    %lt3A_181 = vector.broadcast %lt3A_180 : i32 to vector<16xi32>
    %lt3A_182 = arith.cmpi slt, %get3A_179, %lt3A_181 : vector<16xi32>
    %select_n3A_183 = arith.select %lt3A_182, %broadcast_in_dim3A_0, %broadcast_in_dim3A_2 : vector<16xi1>, vector<16xi32>
    %add3A_184 = arith.addi %add3A_176, %select_n3A_183 : vector<16xi32>
    %get3A_185 = arith.constant 368 : index
    %get3A_186 = tpu.vector_load %arg8[%get3A_185] {strides = array<i32>} : memref<1152xi32, #tpu.memory_space<vmem>>, vector<16xi32>,
    %get3A_187 = vector.shape_cast %get3A_186 : vector<16xi32> to vector<16xi32>
    %lt3A_188 = arith.constant 8192 : i32
    %lt3A_189 = vector.broadcast %lt3A_188 : i32 to vector<16xi32>
    %lt3A_190 = arith.cmpi slt, %get3A_187, %lt3A_189 : vector<16xi32>
    %select_n3A_191 = arith.select %lt3A_190, %broadcast_in_dim3A_0, %broadcast_in_dim3A_2 : vector<16xi1>, vector<16xi32>
    %add3A_192 = arith.addi %add3A_184, %select_n3A_191 : vector<16xi32>
    %get3A_193 = arith.constant 384 : index
    %get3A_194 = tpu.vector_load %arg8[%get3A_193] {strides = array<i32>} : memref<1152xi32, #tpu.memory_space<vmem>>, vector<16xi32>,
    %get3A_195 = vector.shape_cast %get3A_194 : vector<16xi32> to vector<16xi32>
    %lt3A_196 = arith.constant 8192 : i32
    %lt3A_197 = vector.broadcast %lt3A_196 : i32 to vector<16xi32>
    %lt3A_198 = arith.cmpi slt, %get3A_195, %lt3A_197 : vector<16xi32>
    %select_n3A_199 = arith.select %lt3A_198, %broadcast_in_dim3A_0, %broadcast_in_dim3A_2 : vector<16xi1>, vector<16xi32>
    %add3A_200 = arith.addi %add3A_192, %select_n3A_199 : vector<16xi32>
    %get3A_201 = arith.constant 400 : index
    %get3A_202 = tpu.vector_load %arg8[%get3A_201] {strides = array<i32>} : memref<1152xi32, #tpu.memory_space<vmem>>, vector<16xi32>,
    %get3A_203 = vector.shape_cast %get3A_202 : vector<16xi32> to vector<16xi32>
    %lt3A_204 = arith.constant 8192 : i32
    %lt3A_205 = vector.broadcast %lt3A_204 : i32 to vector<16xi32>
    %lt3A_206 = arith.cmpi slt, %get3A_203, %lt3A_205 : vector<16xi32>
    %select_n3A_207 = arith.select %lt3A_206, %broadcast_in_dim3A_0, %broadcast_in_dim3A_2 : vector<16xi1>, vector<16xi32>
    %add3A_208 = arith.addi %add3A_200, %select_n3A_207 : vector<16xi32>
    %get3A_209 = arith.constant 416 : index
    %get3A_210 = tpu.vector_load %arg8[%get3A_209] {strides = array<i32>} : memref<1152xi32, #tpu.memory_space<vmem>>, vector<16xi32>,
    %get3A_211 = vector.shape_cast %get3A_210 : vector<16xi32> to vector<16xi32>
    %lt3A_212 = arith.constant 8192 : i32
    %lt3A_213 = vector.broadcast %lt3A_212 : i32 to vector<16xi32>
    %lt3A_214 = arith.cmpi slt, %get3A_211, %lt3A_213 : vector<16xi32>
    %select_n3A_215 = arith.select %lt3A_214, %broadcast_in_dim3A_0, %broadcast_in_dim3A_2 : vector<16xi1>, vector<16xi32>
    %add3A_216 = arith.addi %add3A_208, %select_n3A_215 : vector<16xi32>
    %get3A_217 = arith.constant 432 : index
    %get3A_218 = tpu.vector_load %arg8[%get3A_217] {strides = array<i32>} : memref<1152xi32, #tpu.memory_space<vmem>>, vector<16xi32>,
    %get3A_219 = vector.shape_cast %get3A_218 : vector<16xi32> to vector<16xi32>
    %lt3A_220 = arith.constant 8192 : i32
    %lt3A_221 = vector.broadcast %lt3A_220 : i32 to vector<16xi32>
    %lt3A_222 = arith.cmpi slt, %get3A_219, %lt3A_221 : vector<16xi32>
    %select_n3A_223 = arith.select %lt3A_222, %broadcast_in_dim3A_0, %broadcast_in_dim3A_2 : vector<16xi1>, vector<16xi32>
    %add3A_224 = arith.addi %add3A_216, %select_n3A_223 : vector<16xi32>
    %get3A_225 = arith.constant 448 : index
    %get3A_226 = tpu.vector_load %arg8[%get3A_225] {strides = array<i32>} : memref<1152xi32, #tpu.memory_space<vmem>>, vector<16xi32>,
    %get3A_227 = vector.shape_cast %get3A_226 : vector<16xi32> to vector<16xi32>
    %lt3A_228 = arith.constant 8192 : i32
    %lt3A_229 = vector.broadcast %lt3A_228 : i32 to vector<16xi32>
    %lt3A_230 = arith.cmpi slt, %get3A_227, %lt3A_229 : vector<16xi32>
    %select_n3A_231 = arith.select %lt3A_230, %broadcast_in_dim3A_0, %broadcast_in_dim3A_2 : vector<16xi1>, vector<16xi32>
    %add3A_232 = arith.addi %add3A_224, %select_n3A_231 : vector<16xi32>
    %get3A_233 = arith.constant 464 : index
    %get3A_234 = tpu.vector_load %arg8[%get3A_233] {strides = array<i32>} : memref<1152xi32, #tpu.memory_space<vmem>>, vector<16xi32>,
    %get3A_235 = vector.shape_cast %get3A_234 : vector<16xi32> to vector<16xi32>
    %lt3A_236 = arith.constant 8192 : i32
    %lt3A_237 = vector.broadcast %lt3A_236 : i32 to vector<16xi32>
    %lt3A_238 = arith.cmpi slt, %get3A_235, %lt3A_237 : vector<16xi32>
    %select_n3A_239 = arith.select %lt3A_238, %broadcast_in_dim3A_0, %broadcast_in_dim3A_2 : vector<16xi1>, vector<16xi32>
    %add3A_240 = arith.addi %add3A_232, %select_n3A_239 : vector<16xi32>
    %get3A_241 = arith.constant 480 : index
    %get3A_242 = tpu.vector_load %arg8[%get3A_241] {strides = array<i32>} : memref<1152xi32, #tpu.memory_space<vmem>>, vector<16xi32>,
    %get3A_243 = vector.shape_cast %get3A_242 : vector<16xi32> to vector<16xi32>
    %lt3A_244 = arith.constant 8192 : i32
    %lt3A_245 = vector.broadcast %lt3A_244 : i32 to vector<16xi32>
    %lt3A_246 = arith.cmpi slt, %get3A_243, %lt3A_245 : vector<16xi32>
    %select_n3A_247 = arith.select %lt3A_246, %broadcast_in_dim3A_0, %broadcast_in_dim3A_2 : vector<16xi1>, vector<16xi32>
    %add3A_248 = arith.addi %add3A_240, %select_n3A_247 : vector<16xi32>
    %get3A_249 = arith.constant 496 : index
    %get3A_250 = tpu.vector_load %arg8[%get3A_249] {strides = array<i32>} : memref<1152xi32, #tpu.memory_space<vmem>>, vector<16xi32>,
    %get3A_251 = vector.shape_cast %get3A_250 : vector<16xi32> to vector<16xi32>
    %lt3A_252 = arith.constant 8192 : i32
    %lt3A_253 = vector.broadcast %lt3A_252 : i32 to vector<16xi32>
    %lt3A_254 = arith.cmpi slt, %get3A_251, %lt3A_253 : vector<16xi32>
    %select_n3A_255 = arith.select %lt3A_254, %broadcast_in_dim3A_0, %broadcast_in_dim3A_2 : vector<16xi1>, vector<16xi32>
    %add3A_256 = arith.addi %add3A_248, %select_n3A_255 : vector<16xi32>
    %get3A_257 = arith.constant 512 : index
    %get3A_258 = tpu.vector_load %arg8[%get3A_257] {strides = array<i32>} : memref<1152xi32, #tpu.memory_space<vmem>>, vector<16xi32>,
    %get3A_259 = vector.shape_cast %get3A_258 : vector<16xi32> to vector<16xi32>
    %lt3A_260 = arith.constant 8192 : i32
    %lt3A_261 = vector.broadcast %lt3A_260 : i32 to vector<16xi32>
    %lt3A_262 = arith.cmpi slt, %get3A_259, %lt3A_261 : vector<16xi32>
    %select_n3A_263 = arith.select %lt3A_262, %broadcast_in_dim3A_0, %broadcast_in_dim3A_2 : vector<16xi1>, vector<16xi32>
    %add3A_264 = arith.addi %add3A_256, %select_n3A_263 : vector<16xi32>
    %get3A_265 = arith.constant 528 : index
    %get3A_266 = tpu.vector_load %arg8[%get3A_265] {strides = array<i32>} : memref<1152xi32, #tpu.memory_space<vmem>>, vector<16xi32>,
    %get3A_267 = vector.shape_cast %get3A_266 : vector<16xi32> to vector<16xi32>
    %lt3A_268 = arith.constant 8192 : i32
    %lt3A_269 = vector.broadcast %lt3A_268 : i32 to vector<16xi32>
    %lt3A_270 = arith.cmpi slt, %get3A_267, %lt3A_269 : vector<16xi32>
    %select_n3A_271 = arith.select %lt3A_270, %broadcast_in_dim3A_0, %broadcast_in_dim3A_2 : vector<16xi1>, vector<16xi32>
    %add3A_272 = arith.addi %add3A_264, %select_n3A_271 : vector<16xi32>
    %get3A_273 = arith.constant 544 : index
    %get3A_274 = tpu.vector_load %arg8[%get3A_273] {strides = array<i32>} : memref<1152xi32, #tpu.memory_space<vmem>>, vector<16xi32>,
    %get3A_275 = vector.shape_cast %get3A_274 : vector<16xi32> to vector<16xi32>
    %lt3A_276 = arith.constant 8192 : i32
    %lt3A_277 = vector.broadcast %lt3A_276 : i32 to vector<16xi32>
    %lt3A_278 = arith.cmpi slt, %get3A_275, %lt3A_277 : vector<16xi32>
    %select_n3A_279 = arith.select %lt3A_278, %broadcast_in_dim3A_0, %broadcast_in_dim3A_2 : vector<16xi1>, vector<16xi32>
    %add3A_280 = arith.addi %add3A_272, %select_n3A_279 : vector<16xi32>
    %get3A_281 = arith.constant 560 : index
    %get3A_282 = tpu.vector_load %arg8[%get3A_281] {strides = array<i32>} : memref<1152xi32, #tpu.memory_space<vmem>>, vector<16xi32>,
    %get3A_283 = vector.shape_cast %get3A_282 : vector<16xi32> to vector<16xi32>
    %lt3A_284 = arith.constant 8192 : i32
    %lt3A_285 = vector.broadcast %lt3A_284 : i32 to vector<16xi32>
    %lt3A_286 = arith.cmpi slt, %get3A_283, %lt3A_285 : vector<16xi32>
    %select_n3A_287 = arith.select %lt3A_286, %broadcast_in_dim3A_0, %broadcast_in_dim3A_2 : vector<16xi1>, vector<16xi32>
    %add3A_288 = arith.addi %add3A_280, %select_n3A_287 : vector<16xi32>
    %get3A_289 = arith.constant 576 : index
    %get3A_290 = tpu.vector_load %arg8[%get3A_289] {strides = array<i32>} : memref<1152xi32, #tpu.memory_space<vmem>>, vector<16xi32>,
    %get3A_291 = vector.shape_cast %get3A_290 : vector<16xi32> to vector<16xi32>
    %lt3A_292 = arith.constant 8192 : i32
    %lt3A_293 = vector.broadcast %lt3A_292 : i32 to vector<16xi32>
    %lt3A_294 = arith.cmpi slt, %get3A_291, %lt3A_293 : vector<16xi32>
    %select_n3A_295 = arith.select %lt3A_294, %broadcast_in_dim3A_0, %broadcast_in_dim3A_2 : vector<16xi1>, vector<16xi32>
    %add3A_296 = arith.addi %add3A_288, %select_n3A_295 : vector<16xi32>
    %get3A_297 = arith.constant 592 : index
    %get3A_298 = tpu.vector_load %arg8[%get3A_297] {strides = array<i32>} : memref<1152xi32, #tpu.memory_space<vmem>>, vector<16xi32>,
    %get3A_299 = vector.shape_cast %get3A_298 : vector<16xi32> to vector<16xi32>
    %lt3A_300 = arith.constant 8192 : i32
    %lt3A_301 = vector.broadcast %lt3A_300 : i32 to vector<16xi32>
    %lt3A_302 = arith.cmpi slt, %get3A_299, %lt3A_301 : vector<16xi32>
    %select_n3A_303 = arith.select %lt3A_302, %broadcast_in_dim3A_0, %broadcast_in_dim3A_2 : vector<16xi1>, vector<16xi32>
    %add3A_304 = arith.addi %add3A_296, %select_n3A_303 : vector<16xi32>
    %get3A_305 = arith.constant 608 : index
    %get3A_306 = tpu.vector_load %arg8[%get3A_305] {strides = array<i32>} : memref<1152xi32, #tpu.memory_space<vmem>>, vector<16xi32>,
    %get3A_307 = vector.shape_cast %get3A_306 : vector<16xi32> to vector<16xi32>
    %lt3A_308 = arith.constant 8192 : i32
    %lt3A_309 = vector.broadcast %lt3A_308 : i32 to vector<16xi32>
    %lt3A_310 = arith.cmpi slt, %get3A_307, %lt3A_309 : vector<16xi32>
    %select_n3A_311 = arith.select %lt3A_310, %broadcast_in_dim3A_0, %broadcast_in_dim3A_2 : vector<16xi1>, vector<16xi32>
    %add3A_312 = arith.addi %add3A_304, %select_n3A_311 : vector<16xi32>
    %get3A_313 = arith.constant 624 : index
    %get3A_314 = tpu.vector_load %arg8[%get3A_313] {strides = array<i32>} : memref<1152xi32, #tpu.memory_space<vmem>>, vector<16xi32>,
    %get3A_315 = vector.shape_cast %get3A_314 : vector<16xi32> to vector<16xi32>
    %lt3A_316 = arith.constant 8192 : i32
    %lt3A_317 = vector.broadcast %lt3A_316 : i32 to vector<16xi32>
    %lt3A_318 = arith.cmpi slt, %get3A_315, %lt3A_317 : vector<16xi32>
    %select_n3A_319 = arith.select %lt3A_318, %broadcast_in_dim3A_0, %broadcast_in_dim3A_2 : vector<16xi1>, vector<16xi32>
    %add3A_320 = arith.addi %add3A_312, %select_n3A_319 : vector<16xi32>
    %get3A_321 = arith.constant 640 : index
    %get3A_322 = tpu.vector_load %arg8[%get3A_321] {strides = array<i32>} : memref<1152xi32, #tpu.memory_space<vmem>>, vector<16xi32>,
    %get3A_323 = vector.shape_cast %get3A_322 : vector<16xi32> to vector<16xi32>
    %lt3A_324 = arith.constant 8192 : i32
    %lt3A_325 = vector.broadcast %lt3A_324 : i32 to vector<16xi32>
    %lt3A_326 = arith.cmpi slt, %get3A_323, %lt3A_325 : vector<16xi32>
    %select_n3A_327 = arith.select %lt3A_326, %broadcast_in_dim3A_0, %broadcast_in_dim3A_2 : vector<16xi1>, vector<16xi32>
    %add3A_328 = arith.addi %add3A_320, %select_n3A_327 : vector<16xi32>
    %get3A_329 = arith.constant 656 : index
    %get3A_330 = tpu.vector_load %arg8[%get3A_329] {strides = array<i32>} : memref<1152xi32, #tpu.memory_space<vmem>>, vector<16xi32>,
    %get3A_331 = vector.shape_cast %get3A_330 : vector<16xi32> to vector<16xi32>
    %lt3A_332 = arith.constant 8192 : i32
    %lt3A_333 = vector.broadcast %lt3A_332 : i32 to vector<16xi32>
    %lt3A_334 = arith.cmpi slt, %get3A_331, %lt3A_333 : vector<16xi32>
    %select_n3A_335 = arith.select %lt3A_334, %broadcast_in_dim3A_0, %broadcast_in_dim3A_2 : vector<16xi1>, vector<16xi32>
    %add3A_336 = arith.addi %add3A_328, %select_n3A_335 : vector<16xi32>
    %get3A_337 = arith.constant 672 : index
    %get3A_338 = tpu.vector_load %arg8[%get3A_337] {strides = array<i32>} : memref<1152xi32, #tpu.memory_space<vmem>>, vector<16xi32>,
    %get3A_339 = vector.shape_cast %get3A_338 : vector<16xi32> to vector<16xi32>
    %lt3A_340 = arith.constant 8192 : i32
    %lt3A_341 = vector.broadcast %lt3A_340 : i32 to vector<16xi32>
    %lt3A_342 = arith.cmpi slt, %get3A_339, %lt3A_341 : vector<16xi32>
    %select_n3A_343 = arith.select %lt3A_342, %broadcast_in_dim3A_0, %broadcast_in_dim3A_2 : vector<16xi1>, vector<16xi32>
    %add3A_344 = arith.addi %add3A_336, %select_n3A_343 : vector<16xi32>
    %get3A_345 = arith.constant 688 : index
    %get3A_346 = tpu.vector_load %arg8[%get3A_345] {strides = array<i32>} : memref<1152xi32, #tpu.memory_space<vmem>>, vector<16xi32>,
    %get3A_347 = vector.shape_cast %get3A_346 : vector<16xi32> to vector<16xi32>
    %lt3A_348 = arith.constant 8192 : i32
    %lt3A_349 = vector.broadcast %lt3A_348 : i32 to vector<16xi32>
    %lt3A_350 = arith.cmpi slt, %get3A_347, %lt3A_349 : vector<16xi32>
    %select_n3A_351 = arith.select %lt3A_350, %broadcast_in_dim3A_0, %broadcast_in_dim3A_2 : vector<16xi1>, vector<16xi32>
    %add3A_352 = arith.addi %add3A_344, %select_n3A_351 : vector<16xi32>
    %get3A_353 = arith.constant 704 : index
    %get3A_354 = tpu.vector_load %arg8[%get3A_353] {strides = array<i32>} : memref<1152xi32, #tpu.memory_space<vmem>>, vector<16xi32>,
    %get3A_355 = vector.shape_cast %get3A_354 : vector<16xi32> to vector<16xi32>
    %lt3A_356 = arith.constant 8192 : i32
    %lt3A_357 = vector.broadcast %lt3A_356 : i32 to vector<16xi32>
    %lt3A_358 = arith.cmpi slt, %get3A_355, %lt3A_357 : vector<16xi32>
    %select_n3A_359 = arith.select %lt3A_358, %broadcast_in_dim3A_0, %broadcast_in_dim3A_2 : vector<16xi1>, vector<16xi32>
    %add3A_360 = arith.addi %add3A_352, %select_n3A_359 : vector<16xi32>
    %get3A_361 = arith.constant 720 : index
    %get3A_362 = tpu.vector_load %arg8[%get3A_361] {strides = array<i32>} : memref<1152xi32, #tpu.memory_space<vmem>>, vector<16xi32>,
    %get3A_363 = vector.shape_cast %get3A_362 : vector<16xi32> to vector<16xi32>
    %lt3A_364 = arith.constant 8192 : i32
    %lt3A_365 = vector.broadcast %lt3A_364 : i32 to vector<16xi32>
    %lt3A_366 = arith.cmpi slt, %get3A_363, %lt3A_365 : vector<16xi32>
    %select_n3A_367 = arith.select %lt3A_366, %broadcast_in_dim3A_0, %broadcast_in_dim3A_2 : vector<16xi1>, vector<16xi32>
    %add3A_368 = arith.addi %add3A_360, %select_n3A_367 : vector<16xi32>
    %get3A_369 = arith.constant 736 : index
    %get3A_370 = tpu.vector_load %arg8[%get3A_369] {strides = array<i32>} : memref<1152xi32, #tpu.memory_space<vmem>>, vector<16xi32>,
    %get3A_371 = vector.shape_cast %get3A_370 : vector<16xi32> to vector<16xi32>
    %lt3A_372 = arith.constant 8192 : i32
    %lt3A_373 = vector.broadcast %lt3A_372 : i32 to vector<16xi32>
    %lt3A_374 = arith.cmpi slt, %get3A_371, %lt3A_373 : vector<16xi32>
    %select_n3A_375 = arith.select %lt3A_374, %broadcast_in_dim3A_0, %broadcast_in_dim3A_2 : vector<16xi1>, vector<16xi32>
    %add3A_376 = arith.addi %add3A_368, %select_n3A_375 : vector<16xi32>
    %get3A_377 = arith.constant 752 : index
    %get3A_378 = tpu.vector_load %arg8[%get3A_377] {strides = array<i32>} : memref<1152xi32, #tpu.memory_space<vmem>>, vector<16xi32>,
    %get3A_379 = vector.shape_cast %get3A_378 : vector<16xi32> to vector<16xi32>
    %lt3A_380 = arith.constant 8192 : i32
    %lt3A_381 = vector.broadcast %lt3A_380 : i32 to vector<16xi32>
    %lt3A_382 = arith.cmpi slt, %get3A_379, %lt3A_381 : vector<16xi32>
    %select_n3A_383 = arith.select %lt3A_382, %broadcast_in_dim3A_0, %broadcast_in_dim3A_2 : vector<16xi1>, vector<16xi32>
    %add3A_384 = arith.addi %add3A_376, %select_n3A_383 : vector<16xi32>
    %get3A_385 = arith.constant 768 : index
    %get3A_386 = tpu.vector_load %arg8[%get3A_385] {strides = array<i32>} : memref<1152xi32, #tpu.memory_space<vmem>>, vector<16xi32>,
    %get3A_387 = vector.shape_cast %get3A_386 : vector<16xi32> to vector<16xi32>
    %lt3A_388 = arith.constant 8192 : i32
    %lt3A_389 = vector.broadcast %lt3A_388 : i32 to vector<16xi32>
    %lt3A_390 = arith.cmpi slt, %get3A_387, %lt3A_389 : vector<16xi32>
    %select_n3A_391 = arith.select %lt3A_390, %broadcast_in_dim3A_0, %broadcast_in_dim3A_2 : vector<16xi1>, vector<16xi32>
    %add3A_392 = arith.addi %add3A_384, %select_n3A_391 : vector<16xi32>
    %get3A_393 = arith.constant 784 : index
    %get3A_394 = tpu.vector_load %arg8[%get3A_393] {strides = array<i32>} : memref<1152xi32, #tpu.memory_space<vmem>>, vector<16xi32>,
    %get3A_395 = vector.shape_cast %get3A_394 : vector<16xi32> to vector<16xi32>
    %lt3A_396 = arith.constant 8192 : i32
    %lt3A_397 = vector.broadcast %lt3A_396 : i32 to vector<16xi32>
    %lt3A_398 = arith.cmpi slt, %get3A_395, %lt3A_397 : vector<16xi32>
    %select_n3A_399 = arith.select %lt3A_398, %broadcast_in_dim3A_0, %broadcast_in_dim3A_2 : vector<16xi1>, vector<16xi32>
    %add3A_400 = arith.addi %add3A_392, %select_n3A_399 : vector<16xi32>
    %get3A_401 = arith.constant 800 : index
    %get3A_402 = tpu.vector_load %arg8[%get3A_401] {strides = array<i32>} : memref<1152xi32, #tpu.memory_space<vmem>>, vector<16xi32>,
    %get3A_403 = vector.shape_cast %get3A_402 : vector<16xi32> to vector<16xi32>
    %lt3A_404 = arith.constant 8192 : i32
    %lt3A_405 = vector.broadcast %lt3A_404 : i32 to vector<16xi32>
    %lt3A_406 = arith.cmpi slt, %get3A_403, %lt3A_405 : vector<16xi32>
    %select_n3A_407 = arith.select %lt3A_406, %broadcast_in_dim3A_0, %broadcast_in_dim3A_2 : vector<16xi1>, vector<16xi32>
    %add3A_408 = arith.addi %add3A_400, %select_n3A_407 : vector<16xi32>
    %get3A_409 = arith.constant 816 : index
    %get3A_410 = tpu.vector_load %arg8[%get3A_409] {strides = array<i32>} : memref<1152xi32, #tpu.memory_space<vmem>>, vector<16xi32>,
    %get3A_411 = vector.shape_cast %get3A_410 : vector<16xi32> to vector<16xi32>
    %lt3A_412 = arith.constant 8192 : i32
    %lt3A_413 = vector.broadcast %lt3A_412 : i32 to vector<16xi32>
    %lt3A_414 = arith.cmpi slt, %get3A_411, %lt3A_413 : vector<16xi32>
    %select_n3A_415 = arith.select %lt3A_414, %broadcast_in_dim3A_0, %broadcast_in_dim3A_2 : vector<16xi1>, vector<16xi32>
    %add3A_416 = arith.addi %add3A_408, %select_n3A_415 : vector<16xi32>
    %get3A_417 = arith.constant 832 : index
    %get3A_418 = tpu.vector_load %arg8[%get3A_417] {strides = array<i32>} : memref<1152xi32, #tpu.memory_space<vmem>>, vector<16xi32>,
    %get3A_419 = vector.shape_cast %get3A_418 : vector<16xi32> to vector<16xi32>
    %lt3A_420 = arith.constant 8192 : i32
    %lt3A_421 = vector.broadcast %lt3A_420 : i32 to vector<16xi32>
    %lt3A_422 = arith.cmpi slt, %get3A_419, %lt3A_421 : vector<16xi32>
    %select_n3A_423 = arith.select %lt3A_422, %broadcast_in_dim3A_0, %broadcast_in_dim3A_2 : vector<16xi1>, vector<16xi32>
    %add3A_424 = arith.addi %add3A_416, %select_n3A_423 : vector<16xi32>
    %get3A_425 = arith.constant 848 : index
    %get3A_426 = tpu.vector_load %arg8[%get3A_425] {strides = array<i32>} : memref<1152xi32, #tpu.memory_space<vmem>>, vector<16xi32>,
    %get3A_427 = vector.shape_cast %get3A_426 : vector<16xi32> to vector<16xi32>
    %lt3A_428 = arith.constant 8192 : i32
    %lt3A_429 = vector.broadcast %lt3A_428 : i32 to vector<16xi32>
    %lt3A_430 = arith.cmpi slt, %get3A_427, %lt3A_429 : vector<16xi32>
    %select_n3A_431 = arith.select %lt3A_430, %broadcast_in_dim3A_0, %broadcast_in_dim3A_2 : vector<16xi1>, vector<16xi32>
    %add3A_432 = arith.addi %add3A_424, %select_n3A_431 : vector<16xi32>
    %get3A_433 = arith.constant 864 : index
    %get3A_434 = tpu.vector_load %arg8[%get3A_433] {strides = array<i32>} : memref<1152xi32, #tpu.memory_space<vmem>>, vector<16xi32>,
    %get3A_435 = vector.shape_cast %get3A_434 : vector<16xi32> to vector<16xi32>
    %lt3A_436 = arith.constant 8192 : i32
    %lt3A_437 = vector.broadcast %lt3A_436 : i32 to vector<16xi32>
    %lt3A_438 = arith.cmpi slt, %get3A_435, %lt3A_437 : vector<16xi32>
    %select_n3A_439 = arith.select %lt3A_438, %broadcast_in_dim3A_0, %broadcast_in_dim3A_2 : vector<16xi1>, vector<16xi32>
    %add3A_440 = arith.addi %add3A_432, %select_n3A_439 : vector<16xi32>
    %get3A_441 = arith.constant 880 : index
    %get3A_442 = tpu.vector_load %arg8[%get3A_441] {strides = array<i32>} : memref<1152xi32, #tpu.memory_space<vmem>>, vector<16xi32>,
    %get3A_443 = vector.shape_cast %get3A_442 : vector<16xi32> to vector<16xi32>
    %lt3A_444 = arith.constant 8192 : i32
    %lt3A_445 = vector.broadcast %lt3A_444 : i32 to vector<16xi32>
    %lt3A_446 = arith.cmpi slt, %get3A_443, %lt3A_445 : vector<16xi32>
    %select_n3A_447 = arith.select %lt3A_446, %broadcast_in_dim3A_0, %broadcast_in_dim3A_2 : vector<16xi1>, vector<16xi32>
    %add3A_448 = arith.addi %add3A_440, %select_n3A_447 : vector<16xi32>
    %get3A_449 = arith.constant 896 : index
    %get3A_450 = tpu.vector_load %arg8[%get3A_449] {strides = array<i32>} : memref<1152xi32, #tpu.memory_space<vmem>>, vector<16xi32>,
    %get3A_451 = vector.shape_cast %get3A_450 : vector<16xi32> to vector<16xi32>
    %lt3A_452 = arith.constant 8192 : i32
    %lt3A_453 = vector.broadcast %lt3A_452 : i32 to vector<16xi32>
    %lt3A_454 = arith.cmpi slt, %get3A_451, %lt3A_453 : vector<16xi32>
    %select_n3A_455 = arith.select %lt3A_454, %broadcast_in_dim3A_0, %broadcast_in_dim3A_2 : vector<16xi1>, vector<16xi32>
    %add3A_456 = arith.addi %add3A_448, %select_n3A_455 : vector<16xi32>
    %get3A_457 = arith.constant 912 : index
    %get3A_458 = tpu.vector_load %arg8[%get3A_457] {strides = array<i32>} : memref<1152xi32, #tpu.memory_space<vmem>>, vector<16xi32>,
    %get3A_459 = vector.shape_cast %get3A_458 : vector<16xi32> to vector<16xi32>
    %lt3A_460 = arith.constant 8192 : i32
    %lt3A_461 = vector.broadcast %lt3A_460 : i32 to vector<16xi32>
    %lt3A_462 = arith.cmpi slt, %get3A_459, %lt3A_461 : vector<16xi32>
    %select_n3A_463 = arith.select %lt3A_462, %broadcast_in_dim3A_0, %broadcast_in_dim3A_2 : vector<16xi1>, vector<16xi32>
    %add3A_464 = arith.addi %add3A_456, %select_n3A_463 : vector<16xi32>
    %get3A_465 = arith.constant 928 : index
    %get3A_466 = tpu.vector_load %arg8[%get3A_465] {strides = array<i32>} : memref<1152xi32, #tpu.memory_space<vmem>>, vector<16xi32>,
    %get3A_467 = vector.shape_cast %get3A_466 : vector<16xi32> to vector<16xi32>
    %lt3A_468 = arith.constant 8192 : i32
    %lt3A_469 = vector.broadcast %lt3A_468 : i32 to vector<16xi32>
    %lt3A_470 = arith.cmpi slt, %get3A_467, %lt3A_469 : vector<16xi32>
    %select_n3A_471 = arith.select %lt3A_470, %broadcast_in_dim3A_0, %broadcast_in_dim3A_2 : vector<16xi1>, vector<16xi32>
    %add3A_472 = arith.addi %add3A_464, %select_n3A_471 : vector<16xi32>
    %get3A_473 = arith.constant 944 : index
    %get3A_474 = tpu.vector_load %arg8[%get3A_473] {strides = array<i32>} : memref<1152xi32, #tpu.memory_space<vmem>>, vector<16xi32>,
    %get3A_475 = vector.shape_cast %get3A_474 : vector<16xi32> to vector<16xi32>
    %lt3A_476 = arith.constant 8192 : i32
    %lt3A_477 = vector.broadcast %lt3A_476 : i32 to vector<16xi32>
    %lt3A_478 = arith.cmpi slt, %get3A_475, %lt3A_477 : vector<16xi32>
    %select_n3A_479 = arith.select %lt3A_478, %broadcast_in_dim3A_0, %broadcast_in_dim3A_2 : vector<16xi1>, vector<16xi32>
    %add3A_480 = arith.addi %add3A_472, %select_n3A_479 : vector<16xi32>
    %get3A_481 = arith.constant 960 : index
    %get3A_482 = tpu.vector_load %arg8[%get3A_481] {strides = array<i32>} : memref<1152xi32, #tpu.memory_space<vmem>>, vector<16xi32>,
    %get3A_483 = vector.shape_cast %get3A_482 : vector<16xi32> to vector<16xi32>
    %lt3A_484 = arith.constant 8192 : i32
    %lt3A_485 = vector.broadcast %lt3A_484 : i32 to vector<16xi32>
    %lt3A_486 = arith.cmpi slt, %get3A_483, %lt3A_485 : vector<16xi32>
    %select_n3A_487 = arith.select %lt3A_486, %broadcast_in_dim3A_0, %broadcast_in_dim3A_2 : vector<16xi1>, vector<16xi32>
    %add3A_488 = arith.addi %add3A_480, %select_n3A_487 : vector<16xi32>
    %get3A_489 = arith.constant 976 : index
    %get3A_490 = tpu.vector_load %arg8[%get3A_489] {strides = array<i32>} : memref<1152xi32, #tpu.memory_space<vmem>>, vector<16xi32>,
    %get3A_491 = vector.shape_cast %get3A_490 : vector<16xi32> to vector<16xi32>
    %lt3A_492 = arith.constant 8192 : i32
    %lt3A_493 = vector.broadcast %lt3A_492 : i32 to vector<16xi32>
    %lt3A_494 = arith.cmpi slt, %get3A_491, %lt3A_493 : vector<16xi32>
    %select_n3A_495 = arith.select %lt3A_494, %broadcast_in_dim3A_0, %broadcast_in_dim3A_2 : vector<16xi1>, vector<16xi32>
    %add3A_496 = arith.addi %add3A_488, %select_n3A_495 : vector<16xi32>
    %get3A_497 = arith.constant 992 : index
    %get3A_498 = tpu.vector_load %arg8[%get3A_497] {strides = array<i32>} : memref<1152xi32, #tpu.memory_space<vmem>>, vector<16xi32>,
    %get3A_499 = vector.shape_cast %get3A_498 : vector<16xi32> to vector<16xi32>
    %lt3A_500 = arith.constant 8192 : i32
    %lt3A_501 = vector.broadcast %lt3A_500 : i32 to vector<16xi32>
    %lt3A_502 = arith.cmpi slt, %get3A_499, %lt3A_501 : vector<16xi32>
    %select_n3A_503 = arith.select %lt3A_502, %broadcast_in_dim3A_0, %broadcast_in_dim3A_2 : vector<16xi1>, vector<16xi32>
    %add3A_504 = arith.addi %add3A_496, %select_n3A_503 : vector<16xi32>
    %get3A_505 = arith.constant 1008 : index
    %get3A_506 = tpu.vector_load %arg8[%get3A_505] {strides = array<i32>} : memref<1152xi32, #tpu.memory_space<vmem>>, vector<16xi32>,
    %get3A_507 = vector.shape_cast %get3A_506 : vector<16xi32> to vector<16xi32>
    %lt3A_508 = arith.constant 8192 : i32
    %lt3A_509 = vector.broadcast %lt3A_508 : i32 to vector<16xi32>
    %lt3A_510 = arith.cmpi slt, %get3A_507, %lt3A_509 : vector<16xi32>
    %select_n3A_511 = arith.select %lt3A_510, %broadcast_in_dim3A_0, %broadcast_in_dim3A_2 : vector<16xi1>, vector<16xi32>
    %add3A_512 = arith.addi %add3A_504, %select_n3A_511 : vector<16xi32>
    %slice3A = vector.extract_strided_slice %add3A_512 {offsets = [0], sizes = [1], strides = [1]} : vector<16xi32> to vector<1xi32>
    %squeeze3A = vector.extract %slice3A[0] : i32 from vector<1xi32>
    %mul3A = arith.constant 256 : i32
    %mul3A_513 = arith.muli %mul3A, %squeeze3A : i32
    %add3A_514 = arith.constant 256 : i32
    %add3A_515 = arith.addi %mul3A_513, %add3A_514 : i32
    %min3A = arith.constant 16384 : i32
    %min3A_516 = arith.minsi %add3A_515, %min3A : i32
    %mul3A_517 = arith.constant 256 : i32
    %mul3A_518 = arith.muli %mul3A_517, %squeeze3A : i32
    %sub3A = arith.constant 256 : i32
    %sub3A_519 = arith.subi %mul3A_518, %sub3A : i32
    %max3A = arith.constant 0 : i32
    %max3A_520 = arith.maxsi %sub3A_519, %max3A : i32
    %sub3A_521 = arith.constant 16384 : i32
    %sub3A_522 = arith.subi %sub3A_521, %max3A_520 : i32
    %sub3A_523 = arith.subi %sub3A_522, %min3A_516 : i32
    %mul3A_524 = arith.muli %arg0, %sub3A_523 : i32
    %add3A_525 = arith.addi %min3A_516, %mul3A_524 : i32
    %mul3A_526 = arith.muli %arg0, %max3A_520 : i32
    %mul3A_527 = arith.muli %arg1, %add3A_525 : i32
    %jit3A = arith.constant 16 : i32
    %div3A = arith.divsi %mul3A_527, %jit3A : i32
    %sign3A = arith.constant 0 : i32
    %sign3A_528 = arith.cmpi sgt, %mul3A_527, %sign3A : i32
    %sign3A_529 = arith.extui %sign3A_528 : i1 to i32
    %sign3A_530 = arith.constant 0 : i32
    %sign3A_531 = arith.cmpi slt, %mul3A_527, %sign3A_530 : i32
    %sign3A_532 = arith.extui %sign3A_531 : i1 to i32
    %sign3A_533 = arith.subi %sign3A_529, %sign3A_532 : i32
    %sign3A_534 = arith.constant 0 : i32
    %sign3A_535 = arith.cmpi sgt, %jit3A, %sign3A_534 : i32
    %sign3A_536 = arith.extui %sign3A_535 : i1 to i32
    %sign3A_537 = arith.constant 0 : i32
    %sign3A_538 = arith.cmpi slt, %jit3A, %sign3A_537 : i32
    %sign3A_539 = arith.extui %sign3A_538 : i1 to i32
    %sign3A_540 = arith.subi %sign3A_536, %sign3A_539 : i32
    %ne3A = arith.cmpi ne, %sign3A_533, %sign3A_540 : i32
    %rem3A = arith.remsi %mul3A_527, %jit3A : i32
    %ne3A_541 = arith.constant 0 : i32
    %ne3A_542 = arith.cmpi ne, %rem3A, %ne3A_541 : i32
    %and3A = arith.andi %ne3A, %ne3A_542 : i1
    %sub3A_543 = arith.constant 1 : i32
    %sub3A_544 = arith.subi %div3A, %sub3A_543 : i32
    %select_n3A_545 = arith.select %and3A, %sub3A_544, %div3A : i32
    %add3A_546 = arith.addi %mul3A_526, %select_n3A_545 : i32
    %add3A_547 = arith.constant 1 : i32
    %add3A_548 = arith.addi %arg1, %add3A_547 : i32
    %mul3A_549 = arith.muli %add3A_548, %add3A_525 : i32
    %jit3A_550 = arith.constant 16 : i32
    %div3A_551 = arith.divsi %mul3A_549, %jit3A_550 : i32
    %sign3A_552 = arith.constant 0 : i32
    %sign3A_553 = arith.cmpi sgt, %mul3A_549, %sign3A_552 : i32
    %sign3A_554 = arith.extui %sign3A_553 : i1 to i32
    %sign3A_555 = arith.constant 0 : i32
    %sign3A_556 = arith.cmpi slt, %mul3A_549, %sign3A_555 : i32
    %sign3A_557 = arith.extui %sign3A_556 : i1 to i32
    %sign3A_558 = arith.subi %sign3A_554, %sign3A_557 : i32
    %sign3A_559 = arith.constant 0 : i32
    %sign3A_560 = arith.cmpi sgt, %jit3A_550, %sign3A_559 : i32
    %sign3A_561 = arith.extui %sign3A_560 : i1 to i32
    %sign3A_562 = arith.constant 0 : i32
    %sign3A_563 = arith.cmpi slt, %jit3A_550, %sign3A_562 : i32
    %sign3A_564 = arith.extui %sign3A_563 : i1 to i32
    %sign3A_565 = arith.subi %sign3A_561, %sign3A_564 : i32
    %ne3A_566 = arith.cmpi ne, %sign3A_558, %sign3A_565 : i32
    %rem3A_567 = arith.remsi %mul3A_549, %jit3A_550 : i32
    %ne3A_568 = arith.constant 0 : i32
    %ne3A_569 = arith.cmpi ne, %rem3A_567, %ne3A_568 : i32
    %and3A_570 = arith.andi %ne3A_566, %ne3A_569 : i1
    %sub3A_571 = arith.constant 1 : i32
    %sub3A_572 = arith.subi %div3A_551, %sub3A_571 : i32
    %select_n3A_573 = arith.select %and3A_570, %sub3A_572, %div3A_551 : i32
    %add3A_574 = arith.addi %mul3A_526, %select_n3A_573 : i32
    %jit3A_575 = arith.constant 8 : i32
    %div3A_576 = arith.divsi %add3A_546, %jit3A_575 : i32
    %sign3A_577 = arith.constant 0 : i32
    %sign3A_578 = arith.cmpi sgt, %add3A_546, %sign3A_577 : i32
    %sign3A_579 = arith.extui %sign3A_578 : i1 to i32
    %sign3A_580 = arith.constant 0 : i32
    %sign3A_581 = arith.cmpi slt, %add3A_546, %sign3A_580 : i32
    %sign3A_582 = arith.extui %sign3A_581 : i1 to i32
    %sign3A_583 = arith.subi %sign3A_579, %sign3A_582 : i32
    %sign3A_584 = arith.constant 0 : i32
    %sign3A_585 = arith.cmpi sgt, %jit3A_575, %sign3A_584 : i32
    %sign3A_586 = arith.extui %sign3A_585 : i1 to i32
    %sign3A_587 = arith.constant 0 : i32
    %sign3A_588 = arith.cmpi slt, %jit3A_575, %sign3A_587 : i32
    %sign3A_589 = arith.extui %sign3A_588 : i1 to i32
    %sign3A_590 = arith.subi %sign3A_586, %sign3A_589 : i32
    %ne3A_591 = arith.cmpi ne, %sign3A_583, %sign3A_590 : i32
    %rem3A_592 = arith.remsi %add3A_546, %jit3A_575 : i32
    %ne3A_593 = arith.constant 0 : i32
    %ne3A_594 = arith.cmpi ne, %rem3A_592, %ne3A_593 : i32
    %and3A_595 = arith.andi %ne3A_591, %ne3A_594 : i1
    %sub3A_596 = arith.constant 1 : i32
    %sub3A_597 = arith.subi %div3A_576, %sub3A_596 : i32
    %select_n3A_598 = arith.select %and3A_595, %sub3A_597, %div3A_576 : i32
    %mul3A_599 = arith.constant 8 : i32
    %mul3A_600 = arith.muli %select_n3A_598, %mul3A_599 : i32
    %min3A_601 = arith.constant 15232 : i32
    %min3A_602 = arith.minsi %mul3A_600, %min3A_601 : i32
    %multiple_of3A = tpu.assume_multiple %min3A_602, 8 : i32
    %dma_start3A = tpu.memref_slice %arg3[%multiple_of3A] : memref<16384xi32, #tpu.memory_space<hbm>> -> memref<1152xi32, #tpu.memory_space<hbm>>
    %dma_start3A_603 = tpu.memref_slice %arg3[%multiple_of3A] : memref<16384xi32, #tpu.memory_space<hbm>> -> memref<1152xi32, #tpu.memory_space<hbm>>
    tpu.enqueue_dma source(%dma_start3A_603 : memref<1152xi32, #tpu.memory_space<hbm>>) target(%arg7 : memref<1152xi32, #tpu.memory_space<vmem>>) target_semaphore(%arg14 : memref<!tpu.dma_semaphore, #tpu.memory_space<semaphore_mem>>)
    %dma_start3A_604 = tpu.memref_slice %arg4[%multiple_of3A] : memref<16384xi32, #tpu.memory_space<hbm>> -> memref<1152xi32, #tpu.memory_space<hbm>>
    %dma_start3A_605 = tpu.memref_slice %arg4[%multiple_of3A] : memref<16384xi32, #tpu.memory_space<hbm>> -> memref<1152xi32, #tpu.memory_space<hbm>>
    tpu.enqueue_dma source(%dma_start3A_605 : memref<1152xi32, #tpu.memory_space<hbm>>) target(%arg8 : memref<1152xi32, #tpu.memory_space<vmem>>) target_semaphore(%arg15 : memref<!tpu.dma_semaphore, #tpu.memory_space<semaphore_mem>>)
    %broadcast_in_dim3A_606 = arith.constant 0.000000e+00 : f32
    %broadcast_in_dim3A_607 = vector.broadcast %broadcast_in_dim3A_606 : f32 to vector<16xf32>
    %scan3A = arith.constant 0 : i32
    %scan3A_608 = arith.constant 0 : i32
    %scan3A_609 = arith.constant 128 : i32
    %scan3A_610 = arith.addi %scan3A_608, %scan3A_609 : i32
    %scan3A_611 = arith.constant 1 : i32
    scf.for %scan3A_868 = %scan3A_608 to %scan3A_610 step %scan3A_611  : i32 {
      %swap3A = arith.constant 2 : i32
      %swap3A_869 = arith.index_cast %swap3A : i32 to index
      %swap3A_870 = arith.index_cast %scan3A_868 : i32 to index
      %swap3A_871 = arith.constant 0 : index
      %swap3A_872 = tpu.vector_load %arg12[%swap3A_869, %swap3A_870, %swap3A_871] {strides = array<i32>} : memref<3x128x128xf32, #tpu.memory_space<vmem>>, vector<1x1x16xf32>,
      %swap3A_873 = vector.shape_cast %swap3A_872 : vector<1x1x16xf32> to vector<16xf32>
      %swap3A_874 = vector.shape_cast %broadcast_in_dim3A_607 : vector<16xf32> to vector<1x1x16xf32>
      tpu.vector_store %arg12[%swap3A_869, %swap3A_870, %swap3A_871], %swap3A_874 {strides = array<i32>} : memref<3x128x128xf32, #tpu.memory_space<vmem>>, vector<1x1x16xf32>,
      %swap3A_875 = arith.constant 2 : i32
      %swap3A_876 = arith.index_cast %swap3A_875 : i32 to index
      %swap3A_877 = arith.index_cast %scan3A_868 : i32 to index
      %swap3A_878 = arith.constant 16 : index
      %swap3A_879 = tpu.vector_load %arg12[%swap3A_876, %swap3A_877, %swap3A_878] {strides = array<i32>} : memref<3x128x128xf32, #tpu.memory_space<vmem>>, vector<1x1x16xf32>,
      %swap3A_880 = vector.shape_cast %swap3A_879 : vector<1x1x16xf32> to vector<16xf32>
      %swap3A_881 = vector.shape_cast %broadcast_in_dim3A_607 : vector<16xf32> to vector<1x1x16xf32>
      tpu.vector_store %arg12[%swap3A_876, %swap3A_877, %swap3A_878], %swap3A_881 {strides = array<i32>} : memref<3x128x128xf32, #tpu.memory_space<vmem>>, vector<1x1x16xf32>,
      %swap3A_882 = arith.constant 2 : i32
      %swap3A_883 = arith.index_cast %swap3A_882 : i32 to index
      %swap3A_884 = arith.index_cast %scan3A_868 : i32 to index
      %swap3A_885 = arith.constant 32 : index
      %swap3A_886 = tpu.vector_load %arg12[%swap3A_883, %swap3A_884, %swap3A_885] {strides = array<i32>} : memref<3x128x128xf32, #tpu.memory_space<vmem>>, vector<1x1x16xf32>,
      %swap3A_887 = vector.shape_cast %swap3A_886 : vector<1x1x16xf32> to vector<16xf32>
      %swap3A_888 = vector.shape_cast %broadcast_in_dim3A_607 : vector<16xf32> to vector<1x1x16xf32>
      tpu.vector_store %arg12[%swap3A_883, %swap3A_884, %swap3A_885], %swap3A_888 {strides = array<i32>} : memref<3x128x128xf32, #tpu.memory_space<vmem>>, vector<1x1x16xf32>,
      %swap3A_889 = arith.constant 2 : i32
      %swap3A_890 = arith.index_cast %swap3A_889 : i32 to index
      %swap3A_891 = arith.index_cast %scan3A_868 : i32 to index
      %swap3A_892 = arith.constant 48 : index
      %swap3A_893 = tpu.vector_load %arg12[%swap3A_890, %swap3A_891, %swap3A_892] {strides = array<i32>} : memref<3x128x128xf32, #tpu.memory_space<vmem>>, vector<1x1x16xf32>,
      %swap3A_894 = vector.shape_cast %swap3A_893 : vector<1x1x16xf32> to vector<16xf32>
      %swap3A_895 = vector.shape_cast %broadcast_in_dim3A_607 : vector<16xf32> to vector<1x1x16xf32>
      tpu.vector_store %arg12[%swap3A_890, %swap3A_891, %swap3A_892], %swap3A_895 {strides = array<i32>} : memref<3x128x128xf32, #tpu.memory_space<vmem>>, vector<1x1x16xf32>,
      %swap3A_896 = arith.constant 2 : i32
      %swap3A_897 = arith.index_cast %swap3A_896 : i32 to index
      %swap3A_898 = arith.index_cast %scan3A_868 : i32 to index
      %swap3A_899 = arith.constant 64 : index
      %swap3A_900 = tpu.vector_load %arg12[%swap3A_897, %swap3A_898, %swap3A_899] {strides = array<i32>} : memref<3x128x128xf32, #tpu.memory_space<vmem>>, vector<1x1x16xf32>,
      %swap3A_901 = vector.shape_cast %swap3A_900 : vector<1x1x16xf32> to vector<16xf32>
      %swap3A_902 = vector.shape_cast %broadcast_in_dim3A_607 : vector<16xf32> to vector<1x1x16xf32>
      tpu.vector_store %arg12[%swap3A_897, %swap3A_898, %swap3A_899], %swap3A_902 {strides = array<i32>} : memref<3x128x128xf32, #tpu.memory_space<vmem>>, vector<1x1x16xf32>,
      %swap3A_903 = arith.constant 2 : i32
      %swap3A_904 = arith.index_cast %swap3A_903 : i32 to index
      %swap3A_905 = arith.index_cast %scan3A_868 : i32 to index
      %swap3A_906 = arith.constant 80 : index
      %swap3A_907 = tpu.vector_load %arg12[%swap3A_904, %swap3A_905, %swap3A_906] {strides = array<i32>} : memref<3x128x128xf32, #tpu.memory_space<vmem>>, vector<1x1x16xf32>,
      %swap3A_908 = vector.shape_cast %swap3A_907 : vector<1x1x16xf32> to vector<16xf32>
      %swap3A_909 = vector.shape_cast %broadcast_in_dim3A_607 : vector<16xf32> to vector<1x1x16xf32>
      tpu.vector_store %arg12[%swap3A_904, %swap3A_905, %swap3A_906], %swap3A_909 {strides = array<i32>} : memref<3x128x128xf32, #tpu.memory_space<vmem>>, vector<1x1x16xf32>,
      %swap3A_910 = arith.constant 2 : i32
      %swap3A_911 = arith.index_cast %swap3A_910 : i32 to index
      %swap3A_912 = arith.index_cast %scan3A_868 : i32 to index
      %swap3A_913 = arith.constant 96 : index
      %swap3A_914 = tpu.vector_load %arg12[%swap3A_911, %swap3A_912, %swap3A_913] {strides = array<i32>} : memref<3x128x128xf32, #tpu.memory_space<vmem>>, vector<1x1x16xf32>,
      %swap3A_915 = vector.shape_cast %swap3A_914 : vector<1x1x16xf32> to vector<16xf32>
      %swap3A_916 = vector.shape_cast %broadcast_in_dim3A_607 : vector<16xf32> to vector<1x1x16xf32>
      tpu.vector_store %arg12[%swap3A_911, %swap3A_912, %swap3A_913], %swap3A_916 {strides = array<i32>} : memref<3x128x128xf32, #tpu.memory_space<vmem>>, vector<1x1x16xf32>,
      %swap3A_917 = arith.constant 2 : i32
      %swap3A_918 = arith.index_cast %swap3A_917 : i32 to index
      %swap3A_919 = arith.index_cast %scan3A_868 : i32 to index
      %swap3A_920 = arith.constant 112 : index
      %swap3A_921 = tpu.vector_load %arg12[%swap3A_918, %swap3A_919, %swap3A_920] {strides = array<i32>} : memref<3x128x128xf32, #tpu.memory_space<vmem>>, vector<1x1x16xf32>,
      %swap3A_922 = vector.shape_cast %swap3A_921 : vector<1x1x16xf32> to vector<16xf32>
      %swap3A_923 = vector.shape_cast %broadcast_in_dim3A_607 : vector<16xf32> to vector<1x1x16xf32>
      tpu.vector_store %arg12[%swap3A_918, %swap3A_919, %swap3A_920], %swap3A_923 {strides = array<i32>} : memref<3x128x128xf32, #tpu.memory_space<vmem>>, vector<1x1x16xf32>,
    }
    %scan3A_612 = arith.constant 128 : i32
    %mul3A_613 = arith.constant 512 : i32
    %mul3A_614 = arith.muli %arg1, %mul3A_613 : i32
    %add3A_615 = arith.constant 0 : i32
    %add3A_616 = arith.addi %mul3A_614, %add3A_615 : i32
    %dma_start3A_617 = arith.constant 2 : i32
    %dma_start3A_618 = arith.constant 0 : i32
    %dma_start3A_619 = arith.constant 0 : i32
    %dma_start3A_620 = tpu.memref_slice %arg12[%dma_start3A_617, %dma_start3A_618, %dma_start3A_619] : memref<3x128x128xf32, #tpu.memory_space<vmem>> -> memref<1x128x128xf32, #tpu.memory_space<vmem>>
    %dma_start3A_621 = tpu.memref_squeeze %dma_start3A_620 : memref<1x128x128xf32, #tpu.memory_space<vmem>> -> memref<128x128xf32, #tpu.memory_space<vmem>>
    %dma_start3A_622 = arith.constant 0 : i32
    %dma_start3A_623 = tpu.memref_slice %arg13[%add3A_616, %dma_start3A_622] : memref<8200x128xf32, #tpu.memory_space<vmem_shared>> -> memref<128x128xf32, #tpu.memory_space<vmem_shared>>
    %dma_start3A_624 = arith.constant 0 : i32
    %dma_start3A_625 = tpu.memref_slice %arg13[%add3A_616, %dma_start3A_624] : memref<8200x128xf32, #tpu.memory_space<vmem_shared>> -> memref<128x128xf32, #tpu.memory_space<vmem_shared>>
    %dma_start3A_626 = arith.constant 0 : i32
    %dma_start3A_627 = arith.constant 0 : i32
    %dma_start3A_628 = tpu.memref_slice %arg12[%dma_start3A_617, %dma_start3A_626, %dma_start3A_627] : memref<3x128x128xf32, #tpu.memory_space<vmem>> -> memref<1x128x128xf32, #tpu.memory_space<vmem>>
    %dma_start3A_629 = tpu.memref_squeeze %dma_start3A_628 : memref<1x128x128xf32, #tpu.memory_space<vmem>> -> memref<128x128xf32, #tpu.memory_space<vmem>>
    tpu.enqueue_dma source(%dma_start3A_629 : memref<128x128xf32, #tpu.memory_space<vmem>>) target(%dma_start3A_625 : memref<128x128xf32, #tpu.memory_space<vmem_shared>>) target_semaphore(%arg20 : memref<!tpu.dma_semaphore, #tpu.memory_space<semaphore_mem>>)
    %mul3A_630 = arith.constant 512 : i32
    %mul3A_631 = arith.muli %arg1, %mul3A_630 : i32
    %add3A_632 = arith.constant 128 : i32
    %add3A_633 = arith.addi %mul3A_631, %add3A_632 : i32
    %dma_start3A_634 = arith.constant 2 : i32
    %dma_start3A_635 = arith.constant 0 : i32
    %dma_start3A_636 = arith.constant 0 : i32
    %dma_start3A_637 = tpu.memref_slice %arg12[%dma_start3A_634, %dma_start3A_635, %dma_start3A_636] : memref<3x128x128xf32, #tpu.memory_space<vmem>> -> memref<1x128x128xf32, #tpu.memory_space<vmem>>
    %dma_start3A_638 = tpu.memref_squeeze %dma_start3A_637 : memref<1x128x128xf32, #tpu.memory_space<vmem>> -> memref<128x128xf32, #tpu.memory_space<vmem>>
    %dma_start3A_639 = arith.constant 0 : i32
    %dma_start3A_640 = tpu.memref_slice %arg13[%add3A_633, %dma_start3A_639] : memref<8200x128xf32, #tpu.memory_space<vmem_shared>> -> memref<128x128xf32, #tpu.memory_space<vmem_shared>>
    %dma_start3A_641 = arith.constant 0 : i32
    %dma_start3A_642 = tpu.memref_slice %arg13[%add3A_633, %dma_start3A_641] : memref<8200x128xf32, #tpu.memory_space<vmem_shared>> -> memref<128x128xf32, #tpu.memory_space<vmem_shared>>
    %dma_start3A_643 = arith.constant 0 : i32
    %dma_start3A_644 = arith.constant 0 : i32
    %dma_start3A_645 = tpu.memref_slice %arg12[%dma_start3A_634, %dma_start3A_643, %dma_start3A_644] : memref<3x128x128xf32, #tpu.memory_space<vmem>> -> memref<1x128x128xf32, #tpu.memory_space<vmem>>
    %dma_start3A_646 = tpu.memref_squeeze %dma_start3A_645 : memref<1x128x128xf32, #tpu.memory_space<vmem>> -> memref<128x128xf32, #tpu.memory_space<vmem>>
    tpu.enqueue_dma source(%dma_start3A_646 : memref<128x128xf32, #tpu.memory_space<vmem>>) target(%dma_start3A_642 : memref<128x128xf32, #tpu.memory_space<vmem_shared>>) target_semaphore(%arg20 : memref<!tpu.dma_semaphore, #tpu.memory_space<semaphore_mem>>)
    %mul3A_647 = arith.constant 512 : i32
    %mul3A_648 = arith.muli %arg1, %mul3A_647 : i32
    %add3A_649 = arith.constant 256 : i32
    %add3A_650 = arith.addi %mul3A_648, %add3A_649 : i32
    %dma_start3A_651 = arith.constant 2 : i32
    %dma_start3A_652 = arith.constant 0 : i32
    %dma_start3A_653 = arith.constant 0 : i32
    %dma_start3A_654 = tpu.memref_slice %arg12[%dma_start3A_651, %dma_start3A_652, %dma_start3A_653] : memref<3x128x128xf32, #tpu.memory_space<vmem>> -> memref<1x128x128xf32, #tpu.memory_space<vmem>>
    %dma_start3A_655 = tpu.memref_squeeze %dma_start3A_654 : memref<1x128x128xf32, #tpu.memory_space<vmem>> -> memref<128x128xf32, #tpu.memory_space<vmem>>
    %dma_start3A_656 = arith.constant 0 : i32
    %dma_start3A_657 = tpu.memref_slice %arg13[%add3A_650, %dma_start3A_656] : memref<8200x128xf32, #tpu.memory_space<vmem_shared>> -> memref<128x128xf32, #tpu.memory_space<vmem_shared>>
    %dma_start3A_658 = arith.constant 0 : i32
    %dma_start3A_659 = tpu.memref_slice %arg13[%add3A_650, %dma_start3A_658] : memref<8200x128xf32, #tpu.memory_space<vmem_shared>> -> memref<128x128xf32, #tpu.memory_space<vmem_shared>>
    %dma_start3A_660 = arith.constant 0 : i32
    %dma_start3A_661 = arith.constant 0 : i32
    %dma_start3A_662 = tpu.memref_slice %arg12[%dma_start3A_651, %dma_start3A_660, %dma_start3A_661] : memref<3x128x128xf32, #tpu.memory_space<vmem>> -> memref<1x128x128xf32, #tpu.memory_space<vmem>>
    %dma_start3A_663 = tpu.memref_squeeze %dma_start3A_662 : memref<1x128x128xf32, #tpu.memory_space<vmem>> -> memref<128x128xf32, #tpu.memory_space<vmem>>
    tpu.enqueue_dma source(%dma_start3A_663 : memref<128x128xf32, #tpu.memory_space<vmem>>) target(%dma_start3A_659 : memref<128x128xf32, #tpu.memory_space<vmem_shared>>) target_semaphore(%arg20 : memref<!tpu.dma_semaphore, #tpu.memory_space<semaphore_mem>>)
    %mul3A_664 = arith.constant 512 : i32
    %mul3A_665 = arith.muli %arg1, %mul3A_664 : i32
    %add3A_666 = arith.constant 384 : i32
    %add3A_667 = arith.addi %mul3A_665, %add3A_666 : i32
    %dma_start3A_668 = arith.constant 2 : i32
    %dma_start3A_669 = arith.constant 0 : i32
    %dma_start3A_670 = arith.constant 0 : i32
    %dma_start3A_671 = tpu.memref_slice %arg12[%dma_start3A_668, %dma_start3A_669, %dma_start3A_670] : memref<3x128x128xf32, #tpu.memory_space<vmem>> -> memref<1x128x128xf32, #tpu.memory_space<vmem>>
    %dma_start3A_672 = tpu.memref_squeeze %dma_start3A_671 : memref<1x128x128xf32, #tpu.memory_space<vmem>> -> memref<128x128xf32, #tpu.memory_space<vmem>>
    %dma_start3A_673 = arith.constant 0 : i32
    %dma_start3A_674 = tpu.memref_slice %arg13[%add3A_667, %dma_start3A_673] : memref<8200x128xf32, #tpu.memory_space<vmem_shared>> -> memref<128x128xf32, #tpu.memory_space<vmem_shared>>
    %dma_start3A_675 = arith.constant 0 : i32
    %dma_start3A_676 = tpu.memref_slice %arg13[%add3A_667, %dma_start3A_675] : memref<8200x128xf32, #tpu.memory_space<vmem_shared>> -> memref<128x128xf32, #tpu.memory_space<vmem_shared>>
    %dma_start3A_677 = arith.constant 0 : i32
    %dma_start3A_678 = arith.constant 0 : i32
    %dma_start3A_679 = tpu.memref_slice %arg12[%dma_start3A_668, %dma_start3A_677, %dma_start3A_678] : memref<3x128x128xf32, #tpu.memory_space<vmem>> -> memref<1x128x128xf32, #tpu.memory_space<vmem>>
    %dma_start3A_680 = tpu.memref_squeeze %dma_start3A_679 : memref<1x128x128xf32, #tpu.memory_space<vmem>> -> memref<128x128xf32, #tpu.memory_space<vmem>>
    tpu.enqueue_dma source(%dma_start3A_680 : memref<128x128xf32, #tpu.memory_space<vmem>>) target(%dma_start3A_676 : memref<128x128xf32, #tpu.memory_space<vmem_shared>>) target_semaphore(%arg20 : memref<!tpu.dma_semaphore, #tpu.memory_space<semaphore_mem>>)
    %dma_wait3A = tpu.memref_slice %arg3[%multiple_of3A] : memref<16384xi32, #tpu.memory_space<hbm>> -> memref<1152xi32, #tpu.memory_space<hbm>>
    %dma_wait3A_681 = tpu.memref_slice %arg3[%multiple_of3A] : memref<16384xi32, #tpu.memory_space<hbm>> -> memref<1152xi32, #tpu.memory_space<hbm>>
    tpu.wait_dma2 semaphore(%arg14 : memref<!tpu.dma_semaphore, #tpu.memory_space<semaphore_mem>>) src(%dma_wait3A_681 : memref<1152xi32, #tpu.memory_space<hbm>>) dst(%arg7 : memref<1152xi32, #tpu.memory_space<vmem>>)
    %dma_wait3A_682 = tpu.memref_slice %arg4[%multiple_of3A] : memref<16384xi32, #tpu.memory_space<hbm>> -> memref<1152xi32, #tpu.memory_space<hbm>>
    %dma_wait3A_683 = tpu.memref_slice %arg4[%multiple_of3A] : memref<16384xi32, #tpu.memory_space<hbm>> -> memref<1152xi32, #tpu.memory_space<hbm>>
    tpu.wait_dma2 semaphore(%arg15 : memref<!tpu.dma_semaphore, #tpu.memory_space<semaphore_mem>>) src(%dma_wait3A_683 : memref<1152xi32, #tpu.memory_space<hbm>>) dst(%arg8 : memref<1152xi32, #tpu.memory_space<vmem>>)
    %add3A_684 = arith.constant 0 : i32
    %add3A_685 = arith.addi %multiple_of3A, %add3A_684 : i32
    %lt3A_686 = arith.cmpi slt, %add3A_685, %add3A_574 : i32
    %convert_element_type3A = arith.extui %lt3A_686 : i1 to i32
    %cond3A = arith.constant 0 : i32
    %cond3A_687 = arith.cmpi ne, %convert_element_type3A, %cond3A : i32
    scf.if %cond3A_687 {
      %dma_start3A_868 = arith.constant 0 : i32
      %dma_start3A_869 = arith.constant 0 : i32
      %dma_start3A_870 = arith.constant 0 : i32
      %dma_start3A_871 = tpu.memref_slice %arg12[%dma_start3A_868, %dma_start3A_869, %dma_start3A_870] : memref<3x128x128xf32, #tpu.memory_space<vmem>> -> memref<1x128x128xf32, #tpu.memory_space<vmem>>
      %dma_start3A_872 = tpu.memref_squeeze %dma_start3A_871 : memref<1x128x128xf32, #tpu.memory_space<vmem>> -> memref<128x128xf32, #tpu.memory_space<vmem>>
      %dma_start3A_873 = arith.constant 0 : i32
      %dma_start3A_874 = tpu.memref_slice %arg7[%dma_start3A_873] : memref<1152xi32, #tpu.memory_space<vmem>> -> memref<128xi32, #tpu.memory_space<vmem>>
      %dma_start3A_875 = arith.constant 0 : i32
      %dma_start3A_876 = arith.constant 0 : i32
      %dma_start3A_877 = tpu.memref_slice %arg2[%dma_start3A_875, %dma_start3A_876] : memref<100000x128xf32, #tpu.memory_space<hbm>> -> memref<100000x128xf32, #tpu.memory_space<hbm>>
      tpu.enqueue_indirect_dma source(%dma_start3A_877 : memref<100000x128xf32, #tpu.memory_space<hbm>>) target(%dma_start3A_872 : memref<128x128xf32, #tpu.memory_space<vmem>>) offsets(%dma_start3A_874 : memref<128xi32, #tpu.memory_space<vmem>>) semaphore(%arg14 : memref<!tpu.dma_semaphore, #tpu.memory_space<semaphore_mem>>)
    } else {
    }
    %add3A_688 = arith.constant 128 : i32
    %add3A_689 = arith.addi %multiple_of3A, %add3A_688 : i32
    %lt3A_690 = arith.cmpi slt, %add3A_689, %add3A_574 : i32
    %convert_element_type3A_691 = arith.extui %lt3A_690 : i1 to i32
    %cond3A_692 = arith.constant 0 : i32
    %cond3A_693 = arith.cmpi ne, %convert_element_type3A_691, %cond3A_692 : i32
    scf.if %cond3A_693 {
      %dma_start3A_868 = arith.constant 1 : i32
      %dma_start3A_869 = arith.constant 0 : i32
      %dma_start3A_870 = arith.constant 0 : i32
      %dma_start3A_871 = tpu.memref_slice %arg12[%dma_start3A_868, %dma_start3A_869, %dma_start3A_870] : memref<3x128x128xf32, #tpu.memory_space<vmem>> -> memref<1x128x128xf32, #tpu.memory_space<vmem>>
      %dma_start3A_872 = tpu.memref_squeeze %dma_start3A_871 : memref<1x128x128xf32, #tpu.memory_space<vmem>> -> memref<128x128xf32, #tpu.memory_space<vmem>>
      %dma_start3A_873 = arith.constant 128 : i32
      %dma_start3A_874 = tpu.memref_slice %arg7[%dma_start3A_873] : memref<1152xi32, #tpu.memory_space<vmem>> -> memref<128xi32, #tpu.memory_space<vmem>>
      %dma_start3A_875 = arith.constant 0 : i32
      %dma_start3A_876 = arith.constant 0 : i32
      %dma_start3A_877 = tpu.memref_slice %arg2[%dma_start3A_875, %dma_start3A_876] : memref<100000x128xf32, #tpu.memory_space<hbm>> -> memref<100000x128xf32, #tpu.memory_space<hbm>>
      tpu.enqueue_indirect_dma source(%dma_start3A_877 : memref<100000x128xf32, #tpu.memory_space<hbm>>) target(%dma_start3A_872 : memref<128x128xf32, #tpu.memory_space<vmem>>) offsets(%dma_start3A_874 : memref<128xi32, #tpu.memory_space<vmem>>) semaphore(%arg15 : memref<!tpu.dma_semaphore, #tpu.memory_space<semaphore_mem>>)
    } else {
    }
    %mul3A_694 = arith.constant 512 : i32
    %mul3A_695 = arith.muli %arg1, %mul3A_694 : i32
    %add3A_696 = arith.constant 0 : i32
    %add3A_697 = arith.addi %mul3A_695, %add3A_696 : i32
    %dma_wait3A_698 = arith.constant 2 : i32
    %dma_wait3A_699 = arith.constant 0 : i32
    %dma_wait3A_700 = arith.constant 0 : i32
    %dma_wait3A_701 = tpu.memref_slice %arg12[%dma_wait3A_698, %dma_wait3A_699, %dma_wait3A_700] : memref<3x128x128xf32, #tpu.memory_space<vmem>> -> memref<1x128x128xf32, #tpu.memory_space<vmem>>
    %dma_wait3A_702 = tpu.memref_squeeze %dma_wait3A_701 : memref<1x128x128xf32, #tpu.memory_space<vmem>> -> memref<128x128xf32, #tpu.memory_space<vmem>>
    %dma_wait3A_703 = arith.constant 0 : i32
    %dma_wait3A_704 = tpu.memref_slice %arg13[%add3A_697, %dma_wait3A_703] : memref<8200x128xf32, #tpu.memory_space<vmem_shared>> -> memref<128x128xf32, #tpu.memory_space<vmem_shared>>
    %dma_wait3A_705 = arith.constant 0 : i32
    %dma_wait3A_706 = tpu.memref_slice %arg13[%add3A_697, %dma_wait3A_705] : memref<8200x128xf32, #tpu.memory_space<vmem_shared>> -> memref<128x128xf32, #tpu.memory_space<vmem_shared>>
    %dma_wait3A_707 = arith.constant 0 : i32
    %dma_wait3A_708 = arith.constant 0 : i32
    %dma_wait3A_709 = tpu.memref_slice %arg12[%dma_wait3A_698, %dma_wait3A_707, %dma_wait3A_708] : memref<3x128x128xf32, #tpu.memory_space<vmem>> -> memref<1x128x128xf32, #tpu.memory_space<vmem>>
    %dma_wait3A_710 = tpu.memref_squeeze %dma_wait3A_709 : memref<1x128x128xf32, #tpu.memory_space<vmem>> -> memref<128x128xf32, #tpu.memory_space<vmem>>
    tpu.wait_dma2 semaphore(%arg20 : memref<!tpu.dma_semaphore, #tpu.memory_space<semaphore_mem>>) src(%dma_wait3A_710 : memref<128x128xf32, #tpu.memory_space<vmem>>) dst(%dma_wait3A_706 : memref<128x128xf32, #tpu.memory_space<vmem_shared>>)
    %mul3A_711 = arith.constant 512 : i32
    %mul3A_712 = arith.muli %arg1, %mul3A_711 : i32
    %add3A_713 = arith.constant 128 : i32
    %add3A_714 = arith.addi %mul3A_712, %add3A_713 : i32
    %dma_wait3A_715 = arith.constant 2 : i32
    %dma_wait3A_716 = arith.constant 0 : i32
    %dma_wait3A_717 = arith.constant 0 : i32
    %dma_wait3A_718 = tpu.memref_slice %arg12[%dma_wait3A_715, %dma_wait3A_716, %dma_wait3A_717] : memref<3x128x128xf32, #tpu.memory_space<vmem>> -> memref<1x128x128xf32, #tpu.memory_space<vmem>>
    %dma_wait3A_719 = tpu.memref_squeeze %dma_wait3A_718 : memref<1x128x128xf32, #tpu.memory_space<vmem>> -> memref<128x128xf32, #tpu.memory_space<vmem>>
    %dma_wait3A_720 = arith.constant 0 : i32
    %dma_wait3A_721 = tpu.memref_slice %arg13[%add3A_714, %dma_wait3A_720] : memref<8200x128xf32, #tpu.memory_space<vmem_shared>> -> memref<128x128xf32, #tpu.memory_space<vmem_shared>>
    %dma_wait3A_722 = arith.constant 0 : i32
    %dma_wait3A_723 = tpu.memref_slice %arg13[%add3A_714, %dma_wait3A_722] : memref<8200x128xf32, #tpu.memory_space<vmem_shared>> -> memref<128x128xf32, #tpu.memory_space<vmem_shared>>
    %dma_wait3A_724 = arith.constant 0 : i32
    %dma_wait3A_725 = arith.constant 0 : i32
    %dma_wait3A_726 = tpu.memref_slice %arg12[%dma_wait3A_715, %dma_wait3A_724, %dma_wait3A_725] : memref<3x128x128xf32, #tpu.memory_space<vmem>> -> memref<1x128x128xf32, #tpu.memory_space<vmem>>
    %dma_wait3A_727 = tpu.memref_squeeze %dma_wait3A_726 : memref<1x128x128xf32, #tpu.memory_space<vmem>> -> memref<128x128xf32, #tpu.memory_space<vmem>>
    tpu.wait_dma2 semaphore(%arg20 : memref<!tpu.dma_semaphore, #tpu.memory_space<semaphore_mem>>) src(%dma_wait3A_727 : memref<128x128xf32, #tpu.memory_space<vmem>>) dst(%dma_wait3A_723 : memref<128x128xf32, #tpu.memory_space<vmem_shared>>)
    %mul3A_728 = arith.constant 512 : i32
    %mul3A_729 = arith.muli %arg1, %mul3A_728 : i32
    %add3A_730 = arith.constant 256 : i32
    %add3A_731 = arith.addi %mul3A_729, %add3A_730 : i32
    %dma_wait3A_732 = arith.constant 2 : i32
    %dma_wait3A_733 = arith.constant 0 : i32
    %dma_wait3A_734 = arith.constant 0 : i32
    %dma_wait3A_735 = tpu.memref_slice %arg12[%dma_wait3A_732, %dma_wait3A_733, %dma_wait3A_734] : memref<3x128x128xf32, #tpu.memory_space<vmem>> -> memref<1x128x128xf32, #tpu.memory_space<vmem>>
    %dma_wait3A_736 = tpu.memref_squeeze %dma_wait3A_735 : memref<1x128x128xf32, #tpu.memory_space<vmem>> -> memref<128x128xf32, #tpu.memory_space<vmem>>
    %dma_wait3A_737 = arith.constant 0 : i32
    %dma_wait3A_738 = tpu.memref_slice %arg13[%add3A_731, %dma_wait3A_737] : memref<8200x128xf32, #tpu.memory_space<vmem_shared>> -> memref<128x128xf32, #tpu.memory_space<vmem_shared>>
    %dma_wait3A_739 = arith.constant 0 : i32
    %dma_wait3A_740 = tpu.memref_slice %arg13[%add3A_731, %dma_wait3A_739] : memref<8200x128xf32, #tpu.memory_space<vmem_shared>> -> memref<128x128xf32, #tpu.memory_space<vmem_shared>>
    %dma_wait3A_741 = arith.constant 0 : i32
    %dma_wait3A_742 = arith.constant 0 : i32
    %dma_wait3A_743 = tpu.memref_slice %arg12[%dma_wait3A_732, %dma_wait3A_741, %dma_wait3A_742] : memref<3x128x128xf32, #tpu.memory_space<vmem>> -> memref<1x128x128xf32, #tpu.memory_space<vmem>>
    %dma_wait3A_744 = tpu.memref_squeeze %dma_wait3A_743 : memref<1x128x128xf32, #tpu.memory_space<vmem>> -> memref<128x128xf32, #tpu.memory_space<vmem>>
    tpu.wait_dma2 semaphore(%arg20 : memref<!tpu.dma_semaphore, #tpu.memory_space<semaphore_mem>>) src(%dma_wait3A_744 : memref<128x128xf32, #tpu.memory_space<vmem>>) dst(%dma_wait3A_740 : memref<128x128xf32, #tpu.memory_space<vmem_shared>>)
    %mul3A_745 = arith.constant 512 : i32
    %mul3A_746 = arith.muli %arg1, %mul3A_745 : i32
    %add3A_747 = arith.constant 384 : i32
    %add3A_748 = arith.addi %mul3A_746, %add3A_747 : i32
    %dma_wait3A_749 = arith.constant 2 : i32
    %dma_wait3A_750 = arith.constant 0 : i32
    %dma_wait3A_751 = arith.constant 0 : i32
    %dma_wait3A_752 = tpu.memref_slice %arg12[%dma_wait3A_749, %dma_wait3A_750, %dma_wait3A_751] : memref<3x128x128xf32, #tpu.memory_space<vmem>> -> memref<1x128x128xf32, #tpu.memory_space<vmem>>
    %dma_wait3A_753 = tpu.memref_squeeze %dma_wait3A_752 : memref<1x128x128xf32, #tpu.memory_space<vmem>> -> memref<128x128xf32, #tpu.memory_space<vmem>>
    %dma_wait3A_754 = arith.constant 0 : i32
    %dma_wait3A_755 = tpu.memref_slice %arg13[%add3A_748, %dma_wait3A_754] : memref<8200x128xf32, #tpu.memory_space<vmem_shared>> -> memref<128x128xf32, #tpu.memory_space<vmem_shared>>
    %dma_wait3A_756 = arith.constant 0 : i32
    %dma_wait3A_757 = tpu.memref_slice %arg13[%add3A_748, %dma_wait3A_756] : memref<8200x128xf32, #tpu.memory_space<vmem_shared>> -> memref<128x128xf32, #tpu.memory_space<vmem_shared>>
    %dma_wait3A_758 = arith.constant 0 : i32
    %dma_wait3A_759 = arith.constant 0 : i32
    %dma_wait3A_760 = tpu.memref_slice %arg12[%dma_wait3A_749, %dma_wait3A_758, %dma_wait3A_759] : memref<3x128x128xf32, #tpu.memory_space<vmem>> -> memref<1x128x128xf32, #tpu.memory_space<vmem>>
    %dma_wait3A_761 = tpu.memref_squeeze %dma_wait3A_760 : memref<1x128x128xf32, #tpu.memory_space<vmem>> -> memref<128x128xf32, #tpu.memory_space<vmem>>
    tpu.wait_dma2 semaphore(%arg20 : memref<!tpu.dma_semaphore, #tpu.memory_space<semaphore_mem>>) src(%dma_wait3A_761 : memref<128x128xf32, #tpu.memory_space<vmem>>) dst(%dma_wait3A_757 : memref<128x128xf32, #tpu.memory_space<vmem_shared>>)
    %barrier3A = arith.constant 0 : index
    tpu.barrier barrier_id(%barrier3A)
    %mul3A_762 = arith.constant 8192 : i32
    %mul3A_763 = arith.muli %arg0, %mul3A_762 : i32
    %iota3A = tpu.iota {dimensions = array<i32: 0>} : vector<16xi32>
    %add3A_764 = arith.constant 256 : i32
    %add3A_765 = arith.addi %multiple_of3A, %add3A_764 : i32
    %lt3A_766 = arith.cmpi slt, %add3A_765, %add3A_574 : i32
    %convert_element_type3A_767 = arith.extui %lt3A_766 : i1 to i32
    %cond3A_768 = arith.constant 0 : i32
    %cond3A_769 = arith.cmpi ne, %convert_element_type3A_767, %cond3A_768 : i32
    scf.if %cond3A_769 {
      %dma_start3A_868 = arith.constant 2 : i32
      %dma_start3A_869 = arith.constant 0 : i32
      %dma_start3A_870 = arith.constant 0 : i32
      %dma_start3A_871 = tpu.memref_slice %arg12[%dma_start3A_868, %dma_start3A_869, %dma_start3A_870] : memref<3x128x128xf32, #tpu.memory_space<vmem>> -> memref<1x128x128xf32, #tpu.memory_space<vmem>>
      %dma_start3A_872 = tpu.memref_squeeze %dma_start3A_871 : memref<1x128x128xf32, #tpu.memory_space<vmem>> -> memref<128x128xf32, #tpu.memory_space<vmem>>
      %dma_start3A_873 = arith.constant 256 : i32
      %dma_start3A_874 = tpu.memref_slice %arg7[%dma_start3A_873] : memref<1152xi32, #tpu.memory_space<vmem>> -> memref<128xi32, #tpu.memory_space<vmem>>
      %dma_start3A_875 = arith.constant 0 : i32
      %dma_start3A_876 = arith.constant 0 : i32
      %dma_start3A_877 = tpu.memref_slice %arg2[%dma_start3A_875, %dma_start3A_876] : memref<100000x128xf32, #tpu.memory_space<hbm>> -> memref<100000x128xf32, #tpu.memory_space<hbm>>
      tpu.enqueue_indirect_dma source(%dma_start3A_877 : memref<100000x128xf32, #tpu.memory_space<hbm>>) target(%dma_start3A_872 : memref<128x128xf32, #tpu.memory_space<vmem>>) offsets(%dma_start3A_874 : memref<128xi32, #tpu.memory_space<vmem>>) semaphore(%arg16 : memref<!tpu.dma_semaphore, #tpu.memory_space<semaphore_mem>>)
    } else {
    }
    %add3A_770 = arith.constant 0 : i32
    %add3A_771 = arith.addi %multiple_of3A, %add3A_770 : i32
    %lt3A_772 = arith.cmpi slt, %add3A_771, %add3A_574 : i32
    %convert_element_type3A_773 = arith.extui %lt3A_772 : i1 to i32
    %cond3A_774 = arith.constant 0 : i32
    %cond3A_775 = arith.cmpi ne, %convert_element_type3A_773, %cond3A_774 : i32
    scf.if %cond3A_775 {
      %add3A_868 = arith.constant 0 : i32
      %add3A_869 = arith.addi %multiple_of3A, %add3A_868 : i32
      %add3A_870 = arith.constant 0 : i32
      %add3A_871 = arith.addi %add3A_869, %add3A_870 : i32
      %add3A_872 = vector.broadcast %add3A_871 : i32 to vector<16xi32>
      %add3A_873 = arith.addi %add3A_872, %iota3A : vector<16xi32>
      %get3A_874 = arith.constant 0 : index
      %get3A_875 = tpu.vector_load %arg8[%get3A_874] {strides = array<i32>} : memref<1152xi32, #tpu.memory_space<vmem>>, vector<16xi32>,
      %get3A_876 = vector.shape_cast %get3A_875 : vector<16xi32> to vector<16xi32>
      %sub3A_877 = vector.broadcast %mul3A_763 : i32 to vector<16xi32>
      %sub3A_878 = arith.subi %get3A_876, %sub3A_877 : vector<16xi32>
      %ge3A = vector.broadcast %add3A_546 : i32 to vector<16xi32>
      %ge3A_879 = arith.cmpi sge, %add3A_873, %ge3A : vector<16xi32>
      %lt3A_880 = vector.broadcast %add3A_574 : i32 to vector<16xi32>
      %lt3A_881 = arith.cmpi slt, %add3A_873, %lt3A_880 : vector<16xi32>
      %and3A_882 = arith.andi %ge3A_879, %lt3A_881 : vector<16xi1>
      %ge3A_883 = arith.constant 0 : i32
      %ge3A_884 = vector.broadcast %ge3A_883 : i32 to vector<16xi32>
      %ge3A_885 = arith.cmpi sge, %sub3A_878, %ge3A_884 : vector<16xi32>
      %and3A_886 = arith.andi %and3A_882, %ge3A_885 : vector<16xi1>
      %lt3A_887 = arith.constant 8192 : i32
      %lt3A_888 = vector.broadcast %lt3A_887 : i32 to vector<16xi32>
      %lt3A_889 = arith.cmpi slt, %sub3A_878, %lt3A_888 : vector<16xi32>
      %and3A_890 = arith.andi %and3A_886, %lt3A_889 : vector<16xi1>
      %jit3A_891 = arith.constant 8192 : i32
      %broadcast_in_dim3A_892 = vector.broadcast %jit3A_891 : i32 to vector<16xi32>
      %select_n3A_893 = arith.select %and3A_890, %sub3A_878, %broadcast_in_dim3A_892 : vector<16xi1>, vector<16xi32>
      %swap3A = arith.constant 0 : index
      %swap3A_894 = tpu.vector_load %arg9[%swap3A] {strides = array<i32>} : memref<128xi32, #tpu.memory_space<vmem>>, vector<16xi32>,
      %swap3A_895 = vector.shape_cast %swap3A_894 : vector<16xi32> to vector<16xi32>
      %swap3A_896 = vector.shape_cast %select_n3A_893 : vector<16xi32> to vector<16xi32>
      tpu.vector_store %arg9[%swap3A], %swap3A_896 {strides = array<i32>} : memref<128xi32, #tpu.memory_space<vmem>>, vector<16xi32>,
      %add3A_897 = arith.constant 0 : i32
      %add3A_898 = arith.addi %multiple_of3A, %add3A_897 : i32
      %add3A_899 = arith.constant 16 : i32
      %add3A_900 = arith.addi %add3A_898, %add3A_899 : i32
      %add3A_901 = vector.broadcast %add3A_900 : i32 to vector<16xi32>
      %add3A_902 = arith.addi %add3A_901, %iota3A : vector<16xi32>
      %get3A_903 = arith.constant 16 : index
      %get3A_904 = tpu.vector_load %arg8[%get3A_903] {strides = array<i32>} : memref<1152xi32, #tpu.memory_space<vmem>>, vector<16xi32>,
      %get3A_905 = vector.shape_cast %get3A_904 : vector<16xi32> to vector<16xi32>
      %sub3A_906 = vector.broadcast %mul3A_763 : i32 to vector<16xi32>
      %sub3A_907 = arith.subi %get3A_905, %sub3A_906 : vector<16xi32>
      %ge3A_908 = vector.broadcast %add3A_546 : i32 to vector<16xi32>
      %ge3A_909 = arith.cmpi sge, %add3A_902, %ge3A_908 : vector<16xi32>
      %lt3A_910 = vector.broadcast %add3A_574 : i32 to vector<16xi32>
      %lt3A_911 = arith.cmpi slt, %add3A_902, %lt3A_910 : vector<16xi32>
      %and3A_912 = arith.andi %ge3A_909, %lt3A_911 : vector<16xi1>
      %ge3A_913 = arith.constant 0 : i32
      %ge3A_914 = vector.broadcast %ge3A_913 : i32 to vector<16xi32>
      %ge3A_915 = arith.cmpi sge, %sub3A_907, %ge3A_914 : vector<16xi32>
      %and3A_916 = arith.andi %and3A_912, %ge3A_915 : vector<16xi1>
      %lt3A_917 = arith.constant 8192 : i32
      %lt3A_918 = vector.broadcast %lt3A_917 : i32 to vector<16xi32>
      %lt3A_919 = arith.cmpi slt, %sub3A_907, %lt3A_918 : vector<16xi32>
      %and3A_920 = arith.andi %and3A_916, %lt3A_919 : vector<16xi1>
      %jit3A_921 = arith.constant 8192 : i32
      %broadcast_in_dim3A_922 = vector.broadcast %jit3A_921 : i32 to vector<16xi32>
      %select_n3A_923 = arith.select %and3A_920, %sub3A_907, %broadcast_in_dim3A_922 : vector<16xi1>, vector<16xi32>
      %swap3A_924 = arith.constant 16 : index
      %swap3A_925 = tpu.vector_load %arg9[%swap3A_924] {strides = array<i32>} : memref<128xi32, #tpu.memory_space<vmem>>, vector<16xi32>,
      %swap3A_926 = vector.shape_cast %swap3A_925 : vector<16xi32> to vector<16xi32>
      %swap3A_927 = vector.shape_cast %select_n3A_923 : vector<16xi32> to vector<16xi32>
      tpu.vector_store %arg9[%swap3A_924], %swap3A_927 {strides = array<i32>} : memref<128xi32, #tpu.memory_space<vmem>>, vector<16xi32>,
      %add3A_928 = arith.constant 0 : i32
      %add3A_929 = arith.addi %multiple_of3A, %add3A_928 : i32
      %add3A_930 = arith.constant 32 : i32
      %add3A_931 = arith.addi %add3A_929, %add3A_930 : i32
      %add3A_932 = vector.broadcast %add3A_931 : i32 to vector<16xi32>
      %add3A_933 = arith.addi %add3A_932, %iota3A : vector<16xi32>
      %get3A_934 = arith.constant 32 : index
      %get3A_935 = tpu.vector_load %arg8[%get3A_934] {strides = array<i32>} : memref<1152xi32, #tpu.memory_space<vmem>>, vector<16xi32>,
      %get3A_936 = vector.shape_cast %get3A_935 : vector<16xi32> to vector<16xi32>
      %sub3A_937 = vector.broadcast %mul3A_763 : i32 to vector<16xi32>
      %sub3A_938 = arith.subi %get3A_936, %sub3A_937 : vector<16xi32>
      %ge3A_939 = vector.broadcast %add3A_546 : i32 to vector<16xi32>
      %ge3A_940 = arith.cmpi sge, %add3A_933, %ge3A_939 : vector<16xi32>
      %lt3A_941 = vector.broadcast %add3A_574 : i32 to vector<16xi32>
      %lt3A_942 = arith.cmpi slt, %add3A_933, %lt3A_941 : vector<16xi32>
      %and3A_943 = arith.andi %ge3A_940, %lt3A_942 : vector<16xi1>
      %ge3A_944 = arith.constant 0 : i32
      %ge3A_945 = vector.broadcast %ge3A_944 : i32 to vector<16xi32>
      %ge3A_946 = arith.cmpi sge, %sub3A_938, %ge3A_945 : vector<16xi32>
      %and3A_947 = arith.andi %and3A_943, %ge3A_946 : vector<16xi1>
      %lt3A_948 = arith.constant 8192 : i32
      %lt3A_949 = vector.broadcast %lt3A_948 : i32 to vector<16xi32>
      %lt3A_950 = arith.cmpi slt, %sub3A_938, %lt3A_949 : vector<16xi32>
      %and3A_951 = arith.andi %and3A_947, %lt3A_950 : vector<16xi1>
      %jit3A_952 = arith.constant 8192 : i32
      %broadcast_in_dim3A_953 = vector.broadcast %jit3A_952 : i32 to vector<16xi32>
      %select_n3A_954 = arith.select %and3A_951, %sub3A_938, %broadcast_in_dim3A_953 : vector<16xi1>, vector<16xi32>
      %swap3A_955 = arith.constant 32 : index
      %swap3A_956 = tpu.vector_load %arg9[%swap3A_955] {strides = array<i32>} : memref<128xi32, #tpu.memory_space<vmem>>, vector<16xi32>,
      %swap3A_957 = vector.shape_cast %swap3A_956 : vector<16xi32> to vector<16xi32>
      %swap3A_958 = vector.shape_cast %select_n3A_954 : vector<16xi32> to vector<16xi32>
      tpu.vector_store %arg9[%swap3A_955], %swap3A_958 {strides = array<i32>} : memref<128xi32, #tpu.memory_space<vmem>>, vector<16xi32>,
      %add3A_959 = arith.constant 0 : i32
      %add3A_960 = arith.addi %multiple_of3A, %add3A_959 : i32
      %add3A_961 = arith.constant 48 : i32
      %add3A_962 = arith.addi %add3A_960, %add3A_961 : i32
      %add3A_963 = vector.broadcast %add3A_962 : i32 to vector<16xi32>
      %add3A_964 = arith.addi %add3A_963, %iota3A : vector<16xi32>
      %get3A_965 = arith.constant 48 : index
      %get3A_966 = tpu.vector_load %arg8[%get3A_965] {strides = array<i32>} : memref<1152xi32, #tpu.memory_space<vmem>>, vector<16xi32>,
      %get3A_967 = vector.shape_cast %get3A_966 : vector<16xi32> to vector<16xi32>
      %sub3A_968 = vector.broadcast %mul3A_763 : i32 to vector<16xi32>
      %sub3A_969 = arith.subi %get3A_967, %sub3A_968 : vector<16xi32>
      %ge3A_970 = vector.broadcast %add3A_546 : i32 to vector<16xi32>
      %ge3A_971 = arith.cmpi sge, %add3A_964, %ge3A_970 : vector<16xi32>
      %lt3A_972 = vector.broadcast %add3A_574 : i32 to vector<16xi32>
      %lt3A_973 = arith.cmpi slt, %add3A_964, %lt3A_972 : vector<16xi32>
      %and3A_974 = arith.andi %ge3A_971, %lt3A_973 : vector<16xi1>
      %ge3A_975 = arith.constant 0 : i32
      %ge3A_976 = vector.broadcast %ge3A_975 : i32 to vector<16xi32>
      %ge3A_977 = arith.cmpi sge, %sub3A_969, %ge3A_976 : vector<16xi32>
      %and3A_978 = arith.andi %and3A_974, %ge3A_977 : vector<16xi1>
      %lt3A_979 = arith.constant 8192 : i32
      %lt3A_980 = vector.broadcast %lt3A_979 : i32 to vector<16xi32>
      %lt3A_981 = arith.cmpi slt, %sub3A_969, %lt3A_980 : vector<16xi32>
      %and3A_982 = arith.andi %and3A_978, %lt3A_981 : vector<16xi1>
      %jit3A_983 = arith.constant 8192 : i32
      %broadcast_in_dim3A_984 = vector.broadcast %jit3A_983 : i32 to vector<16xi32>
      %select_n3A_985 = arith.select %and3A_982, %sub3A_969, %broadcast_in_dim3A_984 : vector<16xi1>, vector<16xi32>
      %swap3A_986 = arith.constant 48 : index
      %swap3A_987 = tpu.vector_load %arg9[%swap3A_986] {strides = array<i32>} : memref<128xi32, #tpu.memory_space<vmem>>, vector<16xi32>,
      %swap3A_988 = vector.shape_cast %swap3A_987 : vector<16xi32> to vector<16xi32>
      %swap3A_989 = vector.shape_cast %select_n3A_985 : vector<16xi32> to vector<16xi32>
      tpu.vector_store %arg9[%swap3A_986], %swap3A_989 {strides = array<i32>} : memref<128xi32, #tpu.memory_space<vmem>>, vector<16xi32>,
      %add3A_990 = arith.constant 0 : i32
      %add3A_991 = arith.addi %multiple_of3A, %add3A_990 : i32
      %add3A_992 = arith.constant 64 : i32
      %add3A_993 = arith.addi %add3A_991, %add3A_992 : i32
      %add3A_994 = vector.broadcast %add3A_993 : i32 to vector<16xi32>
      %add3A_995 = arith.addi %add3A_994, %iota3A : vector<16xi32>
      %get3A_996 = arith.constant 64 : index
      %get3A_997 = tpu.vector_load %arg8[%get3A_996] {strides = array<i32>} : memref<1152xi32, #tpu.memory_space<vmem>>, vector<16xi32>,
      %get3A_998 = vector.shape_cast %get3A_997 : vector<16xi32> to vector<16xi32>
      %sub3A_999 = vector.broadcast %mul3A_763 : i32 to vector<16xi32>
      %sub3A_1000 = arith.subi %get3A_998, %sub3A_999 : vector<16xi32>
      %ge3A_1001 = vector.broadcast %add3A_546 : i32 to vector<16xi32>
      %ge3A_1002 = arith.cmpi sge, %add3A_995, %ge3A_1001 : vector<16xi32>
      %lt3A_1003 = vector.broadcast %add3A_574 : i32 to vector<16xi32>
      %lt3A_1004 = arith.cmpi slt, %add3A_995, %lt3A_1003 : vector<16xi32>
      %and3A_1005 = arith.andi %ge3A_1002, %lt3A_1004 : vector<16xi1>
      %ge3A_1006 = arith.constant 0 : i32
      %ge3A_1007 = vector.broadcast %ge3A_1006 : i32 to vector<16xi32>
      %ge3A_1008 = arith.cmpi sge, %sub3A_1000, %ge3A_1007 : vector<16xi32>
      %and3A_1009 = arith.andi %and3A_1005, %ge3A_1008 : vector<16xi1>
      %lt3A_1010 = arith.constant 8192 : i32
      %lt3A_1011 = vector.broadcast %lt3A_1010 : i32 to vector<16xi32>
      %lt3A_1012 = arith.cmpi slt, %sub3A_1000, %lt3A_1011 : vector<16xi32>
      %and3A_1013 = arith.andi %and3A_1009, %lt3A_1012 : vector<16xi1>
      %jit3A_1014 = arith.constant 8192 : i32
      %broadcast_in_dim3A_1015 = vector.broadcast %jit3A_1014 : i32 to vector<16xi32>
      %select_n3A_1016 = arith.select %and3A_1013, %sub3A_1000, %broadcast_in_dim3A_1015 : vector<16xi1>, vector<16xi32>
      %swap3A_1017 = arith.constant 64 : index
      %swap3A_1018 = tpu.vector_load %arg9[%swap3A_1017] {strides = array<i32>} : memref<128xi32, #tpu.memory_space<vmem>>, vector<16xi32>,
      %swap3A_1019 = vector.shape_cast %swap3A_1018 : vector<16xi32> to vector<16xi32>
      %swap3A_1020 = vector.shape_cast %select_n3A_1016 : vector<16xi32> to vector<16xi32>
      tpu.vector_store %arg9[%swap3A_1017], %swap3A_1020 {strides = array<i32>} : memref<128xi32, #tpu.memory_space<vmem>>, vector<16xi32>,
      %add3A_1021 = arith.constant 0 : i32
      %add3A_1022 = arith.addi %multiple_of3A, %add3A_1021 : i32
      %add3A_1023 = arith.constant 80 : i32
      %add3A_1024 = arith.addi %add3A_1022, %add3A_1023 : i32
      %add3A_1025 = vector.broadcast %add3A_1024 : i32 to vector<16xi32>
      %add3A_1026 = arith.addi %add3A_1025, %iota3A : vector<16xi32>
      %get3A_1027 = arith.constant 80 : index
      %get3A_1028 = tpu.vector_load %arg8[%get3A_1027] {strides = array<i32>} : memref<1152xi32, #tpu.memory_space<vmem>>, vector<16xi32>,
      %get3A_1029 = vector.shape_cast %get3A_1028 : vector<16xi32> to vector<16xi32>
      %sub3A_1030 = vector.broadcast %mul3A_763 : i32 to vector<16xi32>
      %sub3A_1031 = arith.subi %get3A_1029, %sub3A_1030 : vector<16xi32>
      %ge3A_1032 = vector.broadcast %add3A_546 : i32 to vector<16xi32>
      %ge3A_1033 = arith.cmpi sge, %add3A_1026, %ge3A_1032 : vector<16xi32>
      %lt3A_1034 = vector.broadcast %add3A_574 : i32 to vector<16xi32>
      %lt3A_1035 = arith.cmpi slt, %add3A_1026, %lt3A_1034 : vector<16xi32>
      %and3A_1036 = arith.andi %ge3A_1033, %lt3A_1035 : vector<16xi1>
      %ge3A_1037 = arith.constant 0 : i32
      %ge3A_1038 = vector.broadcast %ge3A_1037 : i32 to vector<16xi32>
      %ge3A_1039 = arith.cmpi sge, %sub3A_1031, %ge3A_1038 : vector<16xi32>
      %and3A_1040 = arith.andi %and3A_1036, %ge3A_1039 : vector<16xi1>
      %lt3A_1041 = arith.constant 8192 : i32
      %lt3A_1042 = vector.broadcast %lt3A_1041 : i32 to vector<16xi32>
      %lt3A_1043 = arith.cmpi slt, %sub3A_1031, %lt3A_1042 : vector<16xi32>
      %and3A_1044 = arith.andi %and3A_1040, %lt3A_1043 : vector<16xi1>
      %jit3A_1045 = arith.constant 8192 : i32
      %broadcast_in_dim3A_1046 = vector.broadcast %jit3A_1045 : i32 to vector<16xi32>
      %select_n3A_1047 = arith.select %and3A_1044, %sub3A_1031, %broadcast_in_dim3A_1046 : vector<16xi1>, vector<16xi32>
      %swap3A_1048 = arith.constant 80 : index
      %swap3A_1049 = tpu.vector_load %arg9[%swap3A_1048] {strides = array<i32>} : memref<128xi32, #tpu.memory_space<vmem>>, vector<16xi32>,
      %swap3A_1050 = vector.shape_cast %swap3A_1049 : vector<16xi32> to vector<16xi32>
      %swap3A_1051 = vector.shape_cast %select_n3A_1047 : vector<16xi32> to vector<16xi32>
      tpu.vector_store %arg9[%swap3A_1048], %swap3A_1051 {strides = array<i32>} : memref<128xi32, #tpu.memory_space<vmem>>, vector<16xi32>,
      %add3A_1052 = arith.constant 0 : i32
      %add3A_1053 = arith.addi %multiple_of3A, %add3A_1052 : i32
      %add3A_1054 = arith.constant 96 : i32
      %add3A_1055 = arith.addi %add3A_1053, %add3A_1054 : i32
      %add3A_1056 = vector.broadcast %add3A_1055 : i32 to vector<16xi32>
      %add3A_1057 = arith.addi %add3A_1056, %iota3A : vector<16xi32>
      %get3A_1058 = arith.constant 96 : index
      %get3A_1059 = tpu.vector_load %arg8[%get3A_1058] {strides = array<i32>} : memref<1152xi32, #tpu.memory_space<vmem>>, vector<16xi32>,
      %get3A_1060 = vector.shape_cast %get3A_1059 : vector<16xi32> to vector<16xi32>
      %sub3A_1061 = vector.broadcast %mul3A_763 : i32 to vector<16xi32>
      %sub3A_1062 = arith.subi %get3A_1060, %sub3A_1061 : vector<16xi32>
      %ge3A_1063 = vector.broadcast %add3A_546 : i32 to vector<16xi32>
      %ge3A_1064 = arith.cmpi sge, %add3A_1057, %ge3A_1063 : vector<16xi32>
      %lt3A_1065 = vector.broadcast %add3A_574 : i32 to vector<16xi32>
      %lt3A_1066 = arith.cmpi slt, %add3A_1057, %lt3A_1065 : vector<16xi32>
      %and3A_1067 = arith.andi %ge3A_1064, %lt3A_1066 : vector<16xi1>
      %ge3A_1068 = arith.constant 0 : i32
      %ge3A_1069 = vector.broadcast %ge3A_1068 : i32 to vector<16xi32>
      %ge3A_1070 = arith.cmpi sge, %sub3A_1062, %ge3A_1069 : vector<16xi32>
      %and3A_1071 = arith.andi %and3A_1067, %ge3A_1070 : vector<16xi1>
      %lt3A_1072 = arith.constant 8192 : i32
      %lt3A_1073 = vector.broadcast %lt3A_1072 : i32 to vector<16xi32>
      %lt3A_1074 = arith.cmpi slt, %sub3A_1062, %lt3A_1073 : vector<16xi32>
      %and3A_1075 = arith.andi %and3A_1071, %lt3A_1074 : vector<16xi1>
      %jit3A_1076 = arith.constant 8192 : i32
      %broadcast_in_dim3A_1077 = vector.broadcast %jit3A_1076 : i32 to vector<16xi32>
      %select_n3A_1078 = arith.select %and3A_1075, %sub3A_1062, %broadcast_in_dim3A_1077 : vector<16xi1>, vector<16xi32>
      %swap3A_1079 = arith.constant 96 : index
      %swap3A_1080 = tpu.vector_load %arg9[%swap3A_1079] {strides = array<i32>} : memref<128xi32, #tpu.memory_space<vmem>>, vector<16xi32>,
      %swap3A_1081 = vector.shape_cast %swap3A_1080 : vector<16xi32> to vector<16xi32>
      %swap3A_1082 = vector.shape_cast %select_n3A_1078 : vector<16xi32> to vector<16xi32>
      tpu.vector_store %arg9[%swap3A_1079], %swap3A_1082 {strides = array<i32>} : memref<128xi32, #tpu.memory_space<vmem>>, vector<16xi32>,
      %add3A_1083 = arith.constant 0 : i32
      %add3A_1084 = arith.addi %multiple_of3A, %add3A_1083 : i32
      %add3A_1085 = arith.constant 112 : i32
      %add3A_1086 = arith.addi %add3A_1084, %add3A_1085 : i32
      %add3A_1087 = vector.broadcast %add3A_1086 : i32 to vector<16xi32>
      %add3A_1088 = arith.addi %add3A_1087, %iota3A : vector<16xi32>
      %get3A_1089 = arith.constant 112 : index
      %get3A_1090 = tpu.vector_load %arg8[%get3A_1089] {strides = array<i32>} : memref<1152xi32, #tpu.memory_space<vmem>>, vector<16xi32>,
      %get3A_1091 = vector.shape_cast %get3A_1090 : vector<16xi32> to vector<16xi32>
      %sub3A_1092 = vector.broadcast %mul3A_763 : i32 to vector<16xi32>
      %sub3A_1093 = arith.subi %get3A_1091, %sub3A_1092 : vector<16xi32>
      %ge3A_1094 = vector.broadcast %add3A_546 : i32 to vector<16xi32>
      %ge3A_1095 = arith.cmpi sge, %add3A_1088, %ge3A_1094 : vector<16xi32>
      %lt3A_1096 = vector.broadcast %add3A_574 : i32 to vector<16xi32>
      %lt3A_1097 = arith.cmpi slt, %add3A_1088, %lt3A_1096 : vector<16xi32>
      %and3A_1098 = arith.andi %ge3A_1095, %lt3A_1097 : vector<16xi1>
      %ge3A_1099 = arith.constant 0 : i32
      %ge3A_1100 = vector.broadcast %ge3A_1099 : i32 to vector<16xi32>
      %ge3A_1101 = arith.cmpi sge, %sub3A_1093, %ge3A_1100 : vector<16xi32>
      %and3A_1102 = arith.andi %and3A_1098, %ge3A_1101 : vector<16xi1>
      %lt3A_1103 = arith.constant 8192 : i32
      %lt3A_1104 = vector.broadcast %lt3A_1103 : i32 to vector<16xi32>
      %lt3A_1105 = arith.cmpi slt, %sub3A_1093, %lt3A_1104 : vector<16xi32>
      %and3A_1106 = arith.andi %and3A_1102, %lt3A_1105 : vector<16xi1>
      %jit3A_1107 = arith.constant 8192 : i32
      %broadcast_in_dim3A_1108 = vector.broadcast %jit3A_1107 : i32 to vector<16xi32>
      %select_n3A_1109 = arith.select %and3A_1106, %sub3A_1093, %broadcast_in_dim3A_1108 : vector<16xi1>, vector<16xi32>
      %swap3A_1110 = arith.constant 112 : index
      %swap3A_1111 = tpu.vector_load %arg9[%swap3A_1110] {strides = array<i32>} : memref<128xi32, #tpu.memory_space<vmem>>, vector<16xi32>,
      %swap3A_1112 = vector.shape_cast %swap3A_1111 : vector<16xi32> to vector<16xi32>
      %swap3A_1113 = vector.shape_cast %select_n3A_1109 : vector<16xi32> to vector<16xi32>
      tpu.vector_store %arg9[%swap3A_1110], %swap3A_1113 {strides = array<i32>} : memref<128xi32, #tpu.memory_space<vmem>>, vector<16xi32>,
      %dma_wait3A_1114 = arith.constant 0 : i32
      %dma_wait3A_1115 = arith.constant 0 : i32
      %dma_wait3A_1116 = arith.constant 0 : i32
      %dma_wait3A_1117 = tpu.memref_slice %arg12[%dma_wait3A_1114, %dma_wait3A_1115, %dma_wait3A_1116] : memref<3x128x128xf32, #tpu.memory_space<vmem>> -> memref<1x128x128xf32, #tpu.memory_space<vmem>>
      %dma_wait3A_1118 = tpu.memref_squeeze %dma_wait3A_1117 : memref<1x128x128xf32, #tpu.memory_space<vmem>> -> memref<128x128xf32, #tpu.memory_space<vmem>>
      %dma_wait3A_1119 = arith.constant 0 : i32
      %dma_wait3A_1120 = tpu.memref_slice %arg7[%dma_wait3A_1119] : memref<1152xi32, #tpu.memory_space<vmem>> -> memref<128xi32, #tpu.memory_space<vmem>>
      %dma_wait3A_1121 = arith.constant 0 : i32
      %dma_wait3A_1122 = arith.constant 0 : i32
      %dma_wait3A_1123 = tpu.memref_slice %arg2[%dma_wait3A_1121, %dma_wait3A_1122] : memref<100000x128xf32, #tpu.memory_space<hbm>> -> memref<100000x128xf32, #tpu.memory_space<hbm>>
      tpu.wait_indirect_dma semaphore(%arg14 : memref<!tpu.dma_semaphore, #tpu.memory_space<semaphore_mem>>) src(%dma_wait3A_1123 : memref<100000x128xf32, #tpu.memory_space<hbm>>) dst(%dma_wait3A_1118 : memref<128x128xf32, #tpu.memory_space<vmem>>)
      %run_scoped3A = arith.constant 0 : i32
      "tpu.region"() ({
        %run_scoped3A_1124 = tpu.sem_alloc : memref<!tpu.dma_semaphore, #tpu.memory_space<semaphore_mem>>
        %dma_start3A_1125 = arith.constant 0 : i32
        %dma_start3A_1126 = arith.constant 0 : i32
        %dma_start3A_1127 = tpu.memref_slice %arg12[%run_scoped3A, %dma_start3A_1125, %dma_start3A_1126] : memref<3x128x128xf32, #tpu.memory_space<vmem>> -> memref<1x128x128xf32, #tpu.memory_space<vmem>>
        %dma_start3A_1128 = tpu.memref_squeeze %dma_start3A_1127 : memref<1x128x128xf32, #tpu.memory_space<vmem>> -> memref<128x128xf32, #tpu.memory_space<vmem>>
        %dma_start3A_1129 = arith.constant 0 : i32
        %dma_start3A_1130 = arith.constant 0 : i32
        %dma_start3A_1131 = tpu.memref_slice %arg13[%dma_start3A_1129, %dma_start3A_1130] : memref<8200x128xf32, #tpu.memory_space<vmem_shared>> -> memref<8200x128xf32, #tpu.memory_space<vmem_shared>>
        tpu.enqueue_indirect_dma source(%dma_start3A_1128 : memref<128x128xf32, #tpu.memory_space<vmem>>) target(%dma_start3A_1131 : memref<8200x128xf32, #tpu.memory_space<vmem_shared>>) offsets(%arg9 : memref<128xi32, #tpu.memory_space<vmem>>) semaphore(%run_scoped3A_1124 : memref<!tpu.dma_semaphore, #tpu.memory_space<semaphore_mem>>) {add = true}
        %dma_wait3A_1132 = arith.constant 0 : i32
        %dma_wait3A_1133 = arith.constant 0 : i32
        %dma_wait3A_1134 = tpu.memref_slice %arg12[%run_scoped3A, %dma_wait3A_1132, %dma_wait3A_1133] : memref<3x128x128xf32, #tpu.memory_space<vmem>> -> memref<1x128x128xf32, #tpu.memory_space<vmem>>
        %dma_wait3A_1135 = tpu.memref_squeeze %dma_wait3A_1134 : memref<1x128x128xf32, #tpu.memory_space<vmem>> -> memref<128x128xf32, #tpu.memory_space<vmem>>
        %dma_wait3A_1136 = arith.constant 0 : i32
        %dma_wait3A_1137 = arith.constant 0 : i32
        %dma_wait3A_1138 = tpu.memref_slice %arg13[%dma_wait3A_1136, %dma_wait3A_1137] : memref<8200x128xf32, #tpu.memory_space<vmem_shared>> -> memref<8200x128xf32, #tpu.memory_space<vmem_shared>>
        tpu.wait_indirect_dma semaphore(%run_scoped3A_1124 : memref<!tpu.dma_semaphore, #tpu.memory_space<semaphore_mem>>) src(%dma_wait3A_1135 : memref<128x128xf32, #tpu.memory_space<vmem>>) dst(%dma_wait3A_1138 : memref<8200x128xf32, #tpu.memory_space<vmem_shared>>)
        tpu.yield
      }) : () -> ()
    } else {
    }
    %add3A_776 = arith.constant 384 : i32
    %add3A_777 = arith.addi %multiple_of3A, %add3A_776 : i32
    %lt3A_778 = arith.cmpi slt, %add3A_777, %add3A_574 : i32
    %convert_element_type3A_779 = arith.extui %lt3A_778 : i1 to i32
    %cond3A_780 = arith.constant 0 : i32
    %cond3A_781 = arith.cmpi ne, %convert_element_type3A_779, %cond3A_780 : i32
    scf.if %cond3A_781 {
      %dma_start3A_868 = arith.constant 0 : i32
      %dma_start3A_869 = arith.constant 0 : i32
      %dma_start3A_870 = arith.constant 0 : i32
      %dma_start3A_871 = tpu.memref_slice %arg12[%dma_start3A_868, %dma_start3A_869, %dma_start3A_870] : memref<3x128x128xf32, #tpu.memory_space<vmem>> -> memref<1x128x128xf32, #tpu.memory_space<vmem>>
      %dma_start3A_872 = tpu.memref_squeeze %dma_start3A_871 : memref<1x128x128xf32, #tpu.memory_space<vmem>> -> memref<128x128xf32, #tpu.memory_space<vmem>>
      %dma_start3A_873 = arith.constant 384 : i32
      %dma_start3A_874 = tpu.memref_slice %arg7[%dma_start3A_873] : memref<1152xi32, #tpu.memory_space<vmem>> -> memref<128xi32, #tpu.memory_space<vmem>>
      %dma_start3A_875 = arith.constant 0 : i32
      %dma_start3A_876 = arith.constant 0 : i32
      %dma_start3A_877 = tpu.memref_slice %arg2[%dma_start3A_875, %dma_start3A_876] : memref<100000x128xf32, #tpu.memory_space<hbm>> -> memref<100000x128xf32, #tpu.memory_space<hbm>>
      tpu.enqueue_indirect_dma source(%dma_start3A_877 : memref<100000x128xf32, #tpu.memory_space<hbm>>) target(%dma_start3A_872 : memref<128x128xf32, #tpu.memory_space<vmem>>) offsets(%dma_start3A_874 : memref<128xi32, #tpu.memory_space<vmem>>) semaphore(%arg14 : memref<!tpu.dma_semaphore, #tpu.memory_space<semaphore_mem>>)
    } else {
    }
    %add3A_782 = arith.constant 128 : i32
    %add3A_783 = arith.addi %multiple_of3A, %add3A_782 : i32
    %lt3A_784 = arith.cmpi slt, %add3A_783, %add3A_574 : i32
    %convert_element_type3A_785 = arith.extui %lt3A_784 : i1 to i32
    %cond3A_786 = arith.constant 0 : i32
    %cond3A_787 = arith.cmpi ne, %convert_element_type3A_785, %cond3A_786 : i32
    scf.if %cond3A_787 {
      %add3A_868 = arith.constant 128 : i32
      %add3A_869 = arith.addi %multiple_of3A, %add3A_868 : i32
      %add3A_870 = arith.constant 0 : i32
      %add3A_871 = arith.addi %add3A_869, %add3A_870 : i32
      %add3A_872 = vector.broadcast %add3A_871 : i32 to vector<16xi32>
      %add3A_873 = arith.addi %add3A_872, %iota3A : vector<16xi32>
      %get3A_874 = arith.constant 128 : index
      %get3A_875 = tpu.vector_load %arg8[%get3A_874] {strides = array<i32>} : memref<1152xi32, #tpu.memory_space<vmem>>, vector<16xi32>,
      %get3A_876 = vector.shape_cast %get3A_875 : vector<16xi32> to vector<16xi32>
      %sub3A_877 = vector.broadcast %mul3A_763 : i32 to vector<16xi32>
      %sub3A_878 = arith.subi %get3A_876, %sub3A_877 : vector<16xi32>
      %ge3A = vector.broadcast %add3A_546 : i32 to vector<16xi32>
      %ge3A_879 = arith.cmpi sge, %add3A_873, %ge3A : vector<16xi32>
      %lt3A_880 = vector.broadcast %add3A_574 : i32 to vector<16xi32>
      %lt3A_881 = arith.cmpi slt, %add3A_873, %lt3A_880 : vector<16xi32>
      %and3A_882 = arith.andi %ge3A_879, %lt3A_881 : vector<16xi1>
      %ge3A_883 = arith.constant 0 : i32
      %ge3A_884 = vector.broadcast %ge3A_883 : i32 to vector<16xi32>
      %ge3A_885 = arith.cmpi sge, %sub3A_878, %ge3A_884 : vector<16xi32>
      %and3A_886 = arith.andi %and3A_882, %ge3A_885 : vector<16xi1>
      %lt3A_887 = arith.constant 8192 : i32
      %lt3A_888 = vector.broadcast %lt3A_887 : i32 to vector<16xi32>
      %lt3A_889 = arith.cmpi slt, %sub3A_878, %lt3A_888 : vector<16xi32>
      %and3A_890 = arith.andi %and3A_886, %lt3A_889 : vector<16xi1>
      %jit3A_891 = arith.constant 8192 : i32
      %broadcast_in_dim3A_892 = vector.broadcast %jit3A_891 : i32 to vector<16xi32>
      %select_n3A_893 = arith.select %and3A_890, %sub3A_878, %broadcast_in_dim3A_892 : vector<16xi1>, vector<16xi32>
      %swap3A = arith.constant 0 : index
      %swap3A_894 = tpu.vector_load %arg10[%swap3A] {strides = array<i32>} : memref<128xi32, #tpu.memory_space<vmem>>, vector<16xi32>,
      %swap3A_895 = vector.shape_cast %swap3A_894 : vector<16xi32> to vector<16xi32>
      %swap3A_896 = vector.shape_cast %select_n3A_893 : vector<16xi32> to vector<16xi32>
      tpu.vector_store %arg10[%swap3A], %swap3A_896 {strides = array<i32>} : memref<128xi32, #tpu.memory_space<vmem>>, vector<16xi32>,
      %add3A_897 = arith.constant 128 : i32
      %add3A_898 = arith.addi %multiple_of3A, %add3A_897 : i32
      %add3A_899 = arith.constant 16 : i32
      %add3A_900 = arith.addi %add3A_898, %add3A_899 : i32
      %add3A_901 = vector.broadcast %add3A_900 : i32 to vector<16xi32>
      %add3A_902 = arith.addi %add3A_901, %iota3A : vector<16xi32>
      %get3A_903 = arith.constant 144 : index
      %get3A_904 = tpu.vector_load %arg8[%get3A_903] {strides = array<i32>} : memref<1152xi32, #tpu.memory_space<vmem>>, vector<16xi32>,
      %get3A_905 = vector.shape_cast %get3A_904 : vector<16xi32> to vector<16xi32>
      %sub3A_906 = vector.broadcast %mul3A_763 : i32 to vector<16xi32>
      %sub3A_907 = arith.subi %get3A_905, %sub3A_906 : vector<16xi32>
      %ge3A_908 = vector.broadcast %add3A_546 : i32 to vector<16xi32>
      %ge3A_909 = arith.cmpi sge, %add3A_902, %ge3A_908 : vector<16xi32>
      %lt3A_910 = vector.broadcast %add3A_574 : i32 to vector<16xi32>
      %lt3A_911 = arith.cmpi slt, %add3A_902, %lt3A_910 : vector<16xi32>
      %and3A_912 = arith.andi %ge3A_909, %lt3A_911 : vector<16xi1>
      %ge3A_913 = arith.constant 0 : i32
      %ge3A_914 = vector.broadcast %ge3A_913 : i32 to vector<16xi32>
      %ge3A_915 = arith.cmpi sge, %sub3A_907, %ge3A_914 : vector<16xi32>
      %and3A_916 = arith.andi %and3A_912, %ge3A_915 : vector<16xi1>
      %lt3A_917 = arith.constant 8192 : i32
      %lt3A_918 = vector.broadcast %lt3A_917 : i32 to vector<16xi32>
      %lt3A_919 = arith.cmpi slt, %sub3A_907, %lt3A_918 : vector<16xi32>
      %and3A_920 = arith.andi %and3A_916, %lt3A_919 : vector<16xi1>
      %jit3A_921 = arith.constant 8192 : i32
      %broadcast_in_dim3A_922 = vector.broadcast %jit3A_921 : i32 to vector<16xi32>
      %select_n3A_923 = arith.select %and3A_920, %sub3A_907, %broadcast_in_dim3A_922 : vector<16xi1>, vector<16xi32>
      %swap3A_924 = arith.constant 16 : index
      %swap3A_925 = tpu.vector_load %arg10[%swap3A_924] {strides = array<i32>} : memref<128xi32, #tpu.memory_space<vmem>>, vector<16xi32>,
      %swap3A_926 = vector.shape_cast %swap3A_925 : vector<16xi32> to vector<16xi32>
      %swap3A_927 = vector.shape_cast %select_n3A_923 : vector<16xi32> to vector<16xi32>
      tpu.vector_store %arg10[%swap3A_924], %swap3A_927 {strides = array<i32>} : memref<128xi32, #tpu.memory_space<vmem>>, vector<16xi32>,
      %add3A_928 = arith.constant 128 : i32
      %add3A_929 = arith.addi %multiple_of3A, %add3A_928 : i32
      %add3A_930 = arith.constant 32 : i32
      %add3A_931 = arith.addi %add3A_929, %add3A_930 : i32
      %add3A_932 = vector.broadcast %add3A_931 : i32 to vector<16xi32>
      %add3A_933 = arith.addi %add3A_932, %iota3A : vector<16xi32>
      %get3A_934 = arith.constant 160 : index
      %get3A_935 = tpu.vector_load %arg8[%get3A_934] {strides = array<i32>} : memref<1152xi32, #tpu.memory_space<vmem>>, vector<16xi32>,
      %get3A_936 = vector.shape_cast %get3A_935 : vector<16xi32> to vector<16xi32>
      %sub3A_937 = vector.broadcast %mul3A_763 : i32 to vector<16xi32>
      %sub3A_938 = arith.subi %get3A_936, %sub3A_937 : vector<16xi32>
      %ge3A_939 = vector.broadcast %add3A_546 : i32 to vector<16xi32>
      %ge3A_940 = arith.cmpi sge, %add3A_933, %ge3A_939 : vector<16xi32>
      %lt3A_941 = vector.broadcast %add3A_574 : i32 to vector<16xi32>
      %lt3A_942 = arith.cmpi slt, %add3A_933, %lt3A_941 : vector<16xi32>
      %and3A_943 = arith.andi %ge3A_940, %lt3A_942 : vector<16xi1>
      %ge3A_944 = arith.constant 0 : i32
      %ge3A_945 = vector.broadcast %ge3A_944 : i32 to vector<16xi32>
      %ge3A_946 = arith.cmpi sge, %sub3A_938, %ge3A_945 : vector<16xi32>
      %and3A_947 = arith.andi %and3A_943, %ge3A_946 : vector<16xi1>
      %lt3A_948 = arith.constant 8192 : i32
      %lt3A_949 = vector.broadcast %lt3A_948 : i32 to vector<16xi32>
      %lt3A_950 = arith.cmpi slt, %sub3A_938, %lt3A_949 : vector<16xi32>
      %and3A_951 = arith.andi %and3A_947, %lt3A_950 : vector<16xi1>
      %jit3A_952 = arith.constant 8192 : i32
      %broadcast_in_dim3A_953 = vector.broadcast %jit3A_952 : i32 to vector<16xi32>
      %select_n3A_954 = arith.select %and3A_951, %sub3A_938, %broadcast_in_dim3A_953 : vector<16xi1>, vector<16xi32>
      %swap3A_955 = arith.constant 32 : index
      %swap3A_956 = tpu.vector_load %arg10[%swap3A_955] {strides = array<i32>} : memref<128xi32, #tpu.memory_space<vmem>>, vector<16xi32>,
      %swap3A_957 = vector.shape_cast %swap3A_956 : vector<16xi32> to vector<16xi32>
      %swap3A_958 = vector.shape_cast %select_n3A_954 : vector<16xi32> to vector<16xi32>
      tpu.vector_store %arg10[%swap3A_955], %swap3A_958 {strides = array<i32>} : memref<128xi32, #tpu.memory_space<vmem>>, vector<16xi32>,
      %add3A_959 = arith.constant 128 : i32
      %add3A_960 = arith.addi %multiple_of3A, %add3A_959 : i32
      %add3A_961 = arith.constant 48 : i32
      %add3A_962 = arith.addi %add3A_960, %add3A_961 : i32
      %add3A_963 = vector.broadcast %add3A_962 : i32 to vector<16xi32>
      %add3A_964 = arith.addi %add3A_963, %iota3A : vector<16xi32>
      %get3A_965 = arith.constant 176 : index
      %get3A_966 = tpu.vector_load %arg8[%get3A_965] {strides = array<i32>} : memref<1152xi32, #tpu.memory_space<vmem>>, vector<16xi32>,
      %get3A_967 = vector.shape_cast %get3A_966 : vector<16xi32> to vector<16xi32>
      %sub3A_968 = vector.broadcast %mul3A_763 : i32 to vector<16xi32>
      %sub3A_969 = arith.subi %get3A_967, %sub3A_968 : vector<16xi32>
      %ge3A_970 = vector.broadcast %add3A_546 : i32 to vector<16xi32>
      %ge3A_971 = arith.cmpi sge, %add3A_964, %ge3A_970 : vector<16xi32>
      %lt3A_972 = vector.broadcast %add3A_574 : i32 to vector<16xi32>
      %lt3A_973 = arith.cmpi slt, %add3A_964, %lt3A_972 : vector<16xi32>
      %and3A_974 = arith.andi %ge3A_971, %lt3A_973 : vector<16xi1>
      %ge3A_975 = arith.constant 0 : i32
      %ge3A_976 = vector.broadcast %ge3A_975 : i32 to vector<16xi32>
      %ge3A_977 = arith.cmpi sge, %sub3A_969, %ge3A_976 : vector<16xi32>
      %and3A_978 = arith.andi %and3A_974, %ge3A_977 : vector<16xi1>
      %lt3A_979 = arith.constant 8192 : i32
      %lt3A_980 = vector.broadcast %lt3A_979 : i32 to vector<16xi32>
      %lt3A_981 = arith.cmpi slt, %sub3A_969, %lt3A_980 : vector<16xi32>
      %and3A_982 = arith.andi %and3A_978, %lt3A_981 : vector<16xi1>
      %jit3A_983 = arith.constant 8192 : i32
      %broadcast_in_dim3A_984 = vector.broadcast %jit3A_983 : i32 to vector<16xi32>
      %select_n3A_985 = arith.select %and3A_982, %sub3A_969, %broadcast_in_dim3A_984 : vector<16xi1>, vector<16xi32>
      %swap3A_986 = arith.constant 48 : index
      %swap3A_987 = tpu.vector_load %arg10[%swap3A_986] {strides = array<i32>} : memref<128xi32, #tpu.memory_space<vmem>>, vector<16xi32>,
      %swap3A_988 = vector.shape_cast %swap3A_987 : vector<16xi32> to vector<16xi32>
      %swap3A_989 = vector.shape_cast %select_n3A_985 : vector<16xi32> to vector<16xi32>
      tpu.vector_store %arg10[%swap3A_986], %swap3A_989 {strides = array<i32>} : memref<128xi32, #tpu.memory_space<vmem>>, vector<16xi32>,
      %add3A_990 = arith.constant 128 : i32
      %add3A_991 = arith.addi %multiple_of3A, %add3A_990 : i32
      %add3A_992 = arith.constant 64 : i32
      %add3A_993 = arith.addi %add3A_991, %add3A_992 : i32
      %add3A_994 = vector.broadcast %add3A_993 : i32 to vector<16xi32>
      %add3A_995 = arith.addi %add3A_994, %iota3A : vector<16xi32>
      %get3A_996 = arith.constant 192 : index
      %get3A_997 = tpu.vector_load %arg8[%get3A_996] {strides = array<i32>} : memref<1152xi32, #tpu.memory_space<vmem>>, vector<16xi32>,
      %get3A_998 = vector.shape_cast %get3A_997 : vector<16xi32> to vector<16xi32>
      %sub3A_999 = vector.broadcast %mul3A_763 : i32 to vector<16xi32>
      %sub3A_1000 = arith.subi %get3A_998, %sub3A_999 : vector<16xi32>
      %ge3A_1001 = vector.broadcast %add3A_546 : i32 to vector<16xi32>
      %ge3A_1002 = arith.cmpi sge, %add3A_995, %ge3A_1001 : vector<16xi32>
      %lt3A_1003 = vector.broadcast %add3A_574 : i32 to vector<16xi32>
      %lt3A_1004 = arith.cmpi slt, %add3A_995, %lt3A_1003 : vector<16xi32>
      %and3A_1005 = arith.andi %ge3A_1002, %lt3A_1004 : vector<16xi1>
      %ge3A_1006 = arith.constant 0 : i32
      %ge3A_1007 = vector.broadcast %ge3A_1006 : i32 to vector<16xi32>
      %ge3A_1008 = arith.cmpi sge, %sub3A_1000, %ge3A_1007 : vector<16xi32>
      %and3A_1009 = arith.andi %and3A_1005, %ge3A_1008 : vector<16xi1>
      %lt3A_1010 = arith.constant 8192 : i32
      %lt3A_1011 = vector.broadcast %lt3A_1010 : i32 to vector<16xi32>
      %lt3A_1012 = arith.cmpi slt, %sub3A_1000, %lt3A_1011 : vector<16xi32>
      %and3A_1013 = arith.andi %and3A_1009, %lt3A_1012 : vector<16xi1>
      %jit3A_1014 = arith.constant 8192 : i32
      %broadcast_in_dim3A_1015 = vector.broadcast %jit3A_1014 : i32 to vector<16xi32>
      %select_n3A_1016 = arith.select %and3A_1013, %sub3A_1000, %broadcast_in_dim3A_1015 : vector<16xi1>, vector<16xi32>
      %swap3A_1017 = arith.constant 64 : index
      %swap3A_1018 = tpu.vector_load %arg10[%swap3A_1017] {strides = array<i32>} : memref<128xi32, #tpu.memory_space<vmem>>, vector<16xi32>,
      %swap3A_1019 = vector.shape_cast %swap3A_1018 : vector<16xi32> to vector<16xi32>
      %swap3A_1020 = vector.shape_cast %select_n3A_1016 : vector<16xi32> to vector<16xi32>
      tpu.vector_store %arg10[%swap3A_1017], %swap3A_1020 {strides = array<i32>} : memref<128xi32, #tpu.memory_space<vmem>>, vector<16xi32>,
      %add3A_1021 = arith.constant 128 : i32
      %add3A_1022 = arith.addi %multiple_of3A, %add3A_1021 : i32
      %add3A_1023 = arith.constant 80 : i32
      %add3A_1024 = arith.addi %add3A_1022, %add3A_1023 : i32
      %add3A_1025 = vector.broadcast %add3A_1024 : i32 to vector<16xi32>
      %add3A_1026 = arith.addi %add3A_1025, %iota3A : vector<16xi32>
      %get3A_1027 = arith.constant 208 : index
      %get3A_1028 = tpu.vector_load %arg8[%get3A_1027] {strides = array<i32>} : memref<1152xi32, #tpu.memory_space<vmem>>, vector<16xi32>,
      %get3A_1029 = vector.shape_cast %get3A_1028 : vector<16xi32> to vector<16xi32>
      %sub3A_1030 = vector.broadcast %mul3A_763 : i32 to vector<16xi32>
      %sub3A_1031 = arith.subi %get3A_1029, %sub3A_1030 : vector<16xi32>
      %ge3A_1032 = vector.broadcast %add3A_546 : i32 to vector<16xi32>
      %ge3A_1033 = arith.cmpi sge, %add3A_1026, %ge3A_1032 : vector<16xi32>
      %lt3A_1034 = vector.broadcast %add3A_574 : i32 to vector<16xi32>
      %lt3A_1035 = arith.cmpi slt, %add3A_1026, %lt3A_1034 : vector<16xi32>
      %and3A_1036 = arith.andi %ge3A_1033, %lt3A_1035 : vector<16xi1>
      %ge3A_1037 = arith.constant 0 : i32
      %ge3A_1038 = vector.broadcast %ge3A_1037 : i32 to vector<16xi32>
      %ge3A_1039 = arith.cmpi sge, %sub3A_1031, %ge3A_1038 : vector<16xi32>
      %and3A_1040 = arith.andi %and3A_1036, %ge3A_1039 : vector<16xi1>
      %lt3A_1041 = arith.constant 8192 : i32
      %lt3A_1042 = vector.broadcast %lt3A_1041 : i32 to vector<16xi32>
      %lt3A_1043 = arith.cmpi slt, %sub3A_1031, %lt3A_1042 : vector<16xi32>
      %and3A_1044 = arith.andi %and3A_1040, %lt3A_1043 : vector<16xi1>
      %jit3A_1045 = arith.constant 8192 : i32
      %broadcast_in_dim3A_1046 = vector.broadcast %jit3A_1045 : i32 to vector<16xi32>
      %select_n3A_1047 = arith.select %and3A_1044, %sub3A_1031, %broadcast_in_dim3A_1046 : vector<16xi1>, vector<16xi32>
      %swap3A_1048 = arith.constant 80 : index
      %swap3A_1049 = tpu.vector_load %arg10[%swap3A_1048] {strides = array<i32>} : memref<128xi32, #tpu.memory_space<vmem>>, vector<16xi32>,
      %swap3A_1050 = vector.shape_cast %swap3A_1049 : vector<16xi32> to vector<16xi32>
      %swap3A_1051 = vector.shape_cast %select_n3A_1047 : vector<16xi32> to vector<16xi32>
      tpu.vector_store %arg10[%swap3A_1048], %swap3A_1051 {strides = array<i32>} : memref<128xi32, #tpu.memory_space<vmem>>, vector<16xi32>,
      %add3A_1052 = arith.constant 128 : i32
      %add3A_1053 = arith.addi %multiple_of3A, %add3A_1052 : i32
      %add3A_1054 = arith.constant 96 : i32
      %add3A_1055 = arith.addi %add3A_1053, %add3A_1054 : i32
      %add3A_1056 = vector.broadcast %add3A_1055 : i32 to vector<16xi32>
      %add3A_1057 = arith.addi %add3A_1056, %iota3A : vector<16xi32>
      %get3A_1058 = arith.constant 224 : index
      %get3A_1059 = tpu.vector_load %arg8[%get3A_1058] {strides = array<i32>} : memref<1152xi32, #tpu.memory_space<vmem>>, vector<16xi32>,
      %get3A_1060 = vector.shape_cast %get3A_1059 : vector<16xi32> to vector<16xi32>
      %sub3A_1061 = vector.broadcast %mul3A_763 : i32 to vector<16xi32>
      %sub3A_1062 = arith.subi %get3A_1060, %sub3A_1061 : vector<16xi32>
      %ge3A_1063 = vector.broadcast %add3A_546 : i32 to vector<16xi32>
      %ge3A_1064 = arith.cmpi sge, %add3A_1057, %ge3A_1063 : vector<16xi32>
      %lt3A_1065 = vector.broadcast %add3A_574 : i32 to vector<16xi32>
      %lt3A_1066 = arith.cmpi slt, %add3A_1057, %lt3A_1065 : vector<16xi32>
      %and3A_1067 = arith.andi %ge3A_1064, %lt3A_1066 : vector<16xi1>
      %ge3A_1068 = arith.constant 0 : i32
      %ge3A_1069 = vector.broadcast %ge3A_1068 : i32 to vector<16xi32>
      %ge3A_1070 = arith.cmpi sge, %sub3A_1062, %ge3A_1069 : vector<16xi32>
      %and3A_1071 = arith.andi %and3A_1067, %ge3A_1070 : vector<16xi1>
      %lt3A_1072 = arith.constant 8192 : i32
      %lt3A_1073 = vector.broadcast %lt3A_1072 : i32 to vector<16xi32>
      %lt3A_1074 = arith.cmpi slt, %sub3A_1062, %lt3A_1073 : vector<16xi32>
      %and3A_1075 = arith.andi %and3A_1071, %lt3A_1074 : vector<16xi1>
      %jit3A_1076 = arith.constant 8192 : i32
      %broadcast_in_dim3A_1077 = vector.broadcast %jit3A_1076 : i32 to vector<16xi32>
      %select_n3A_1078 = arith.select %and3A_1075, %sub3A_1062, %broadcast_in_dim3A_1077 : vector<16xi1>, vector<16xi32>
      %swap3A_1079 = arith.constant 96 : index
      %swap3A_1080 = tpu.vector_load %arg10[%swap3A_1079] {strides = array<i32>} : memref<128xi32, #tpu.memory_space<vmem>>, vector<16xi32>,
      %swap3A_1081 = vector.shape_cast %swap3A_1080 : vector<16xi32> to vector<16xi32>
      %swap3A_1082 = vector.shape_cast %select_n3A_1078 : vector<16xi32> to vector<16xi32>
      tpu.vector_store %arg10[%swap3A_1079], %swap3A_1082 {strides = array<i32>} : memref<128xi32, #tpu.memory_space<vmem>>, vector<16xi32>,
      %add3A_1083 = arith.constant 128 : i32
      %add3A_1084 = arith.addi %multiple_of3A, %add3A_1083 : i32
      %add3A_1085 = arith.constant 112 : i32
      %add3A_1086 = arith.addi %add3A_1084, %add3A_1085 : i32
      %add3A_1087 = vector.broadcast %add3A_1086 : i32 to vector<16xi32>
      %add3A_1088 = arith.addi %add3A_1087, %iota3A : vector<16xi32>
      %get3A_1089 = arith.constant 240 : index
      %get3A_1090 = tpu.vector_load %arg8[%get3A_1089] {strides = array<i32>} : memref<1152xi32, #tpu.memory_space<vmem>>, vector<16xi32>,
      %get3A_1091 = vector.shape_cast %get3A_1090 : vector<16xi32> to vector<16xi32>
      %sub3A_1092 = vector.broadcast %mul3A_763 : i32 to vector<16xi32>
      %sub3A_1093 = arith.subi %get3A_1091, %sub3A_1092 : vector<16xi32>
      %ge3A_1094 = vector.broadcast %add3A_546 : i32 to vector<16xi32>
      %ge3A_1095 = arith.cmpi sge, %add3A_1088, %ge3A_1094 : vector<16xi32>
      %lt3A_1096 = vector.broadcast %add3A_574 : i32 to vector<16xi32>
      %lt3A_1097 = arith.cmpi slt, %add3A_1088, %lt3A_1096 : vector<16xi32>
      %and3A_1098 = arith.andi %ge3A_1095, %lt3A_1097 : vector<16xi1>
      %ge3A_1099 = arith.constant 0 : i32
      %ge3A_1100 = vector.broadcast %ge3A_1099 : i32 to vector<16xi32>
      %ge3A_1101 = arith.cmpi sge, %sub3A_1093, %ge3A_1100 : vector<16xi32>
      %and3A_1102 = arith.andi %and3A_1098, %ge3A_1101 : vector<16xi1>
      %lt3A_1103 = arith.constant 8192 : i32
      %lt3A_1104 = vector.broadcast %lt3A_1103 : i32 to vector<16xi32>
      %lt3A_1105 = arith.cmpi slt, %sub3A_1093, %lt3A_1104 : vector<16xi32>
      %and3A_1106 = arith.andi %and3A_1102, %lt3A_1105 : vector<16xi1>
      %jit3A_1107 = arith.constant 8192 : i32
      %broadcast_in_dim3A_1108 = vector.broadcast %jit3A_1107 : i32 to vector<16xi32>
      %select_n3A_1109 = arith.select %and3A_1106, %sub3A_1093, %broadcast_in_dim3A_1108 : vector<16xi1>, vector<16xi32>
      %swap3A_1110 = arith.constant 112 : index
      %swap3A_1111 = tpu.vector_load %arg10[%swap3A_1110] {strides = array<i32>} : memref<128xi32, #tpu.memory_space<vmem>>, vector<16xi32>,
      %swap3A_1112 = vector.shape_cast %swap3A_1111 : vector<16xi32> to vector<16xi32>
      %swap3A_1113 = vector.shape_cast %select_n3A_1109 : vector<16xi32> to vector<16xi32>
      tpu.vector_store %arg10[%swap3A_1110], %swap3A_1113 {strides = array<i32>} : memref<128xi32, #tpu.memory_space<vmem>>, vector<16xi32>,
      %dma_wait3A_1114 = arith.constant 1 : i32
      %dma_wait3A_1115 = arith.constant 0 : i32
      %dma_wait3A_1116 = arith.constant 0 : i32
      %dma_wait3A_1117 = tpu.memref_slice %arg12[%dma_wait3A_1114, %dma_wait3A_1115, %dma_wait3A_1116] : memref<3x128x128xf32, #tpu.memory_space<vmem>> -> memref<1x128x128xf32, #tpu.memory_space<vmem>>
      %dma_wait3A_1118 = tpu.memref_squeeze %dma_wait3A_1117 : memref<1x128x128xf32, #tpu.memory_space<vmem>> -> memref<128x128xf32, #tpu.memory_space<vmem>>
      %dma_wait3A_1119 = arith.constant 128 : i32
      %dma_wait3A_1120 = tpu.memref_slice %arg7[%dma_wait3A_1119] : memref<1152xi32, #tpu.memory_space<vmem>> -> memref<128xi32, #tpu.memory_space<vmem>>
      %dma_wait3A_1121 = arith.constant 0 : i32
      %dma_wait3A_1122 = arith.constant 0 : i32
      %dma_wait3A_1123 = tpu.memref_slice %arg2[%dma_wait3A_1121, %dma_wait3A_1122] : memref<100000x128xf32, #tpu.memory_space<hbm>> -> memref<100000x128xf32, #tpu.memory_space<hbm>>
      tpu.wait_indirect_dma semaphore(%arg15 : memref<!tpu.dma_semaphore, #tpu.memory_space<semaphore_mem>>) src(%dma_wait3A_1123 : memref<100000x128xf32, #tpu.memory_space<hbm>>) dst(%dma_wait3A_1118 : memref<128x128xf32, #tpu.memory_space<vmem>>)
      %run_scoped3A = arith.constant 1 : i32
      "tpu.region"() ({
        %run_scoped3A_1124 = tpu.sem_alloc : memref<!tpu.dma_semaphore, #tpu.memory_space<semaphore_mem>>
        %dma_start3A_1125 = arith.constant 0 : i32
        %dma_start3A_1126 = arith.constant 0 : i32
        %dma_start3A_1127 = tpu.memref_slice %arg12[%run_scoped3A, %dma_start3A_1125, %dma_start3A_1126] : memref<3x128x128xf32, #tpu.memory_space<vmem>> -> memref<1x128x128xf32, #tpu.memory_space<vmem>>
        %dma_start3A_1128 = tpu.memref_squeeze %dma_start3A_1127 : memref<1x128x128xf32, #tpu.memory_space<vmem>> -> memref<128x128xf32, #tpu.memory_space<vmem>>
        %dma_start3A_1129 = arith.constant 0 : i32
        %dma_start3A_1130 = arith.constant 0 : i32
        %dma_start3A_1131 = tpu.memref_slice %arg13[%dma_start3A_1129, %dma_start3A_1130] : memref<8200x128xf32, #tpu.memory_space<vmem_shared>> -> memref<8200x128xf32, #tpu.memory_space<vmem_shared>>
        tpu.enqueue_indirect_dma source(%dma_start3A_1128 : memref<128x128xf32, #tpu.memory_space<vmem>>) target(%dma_start3A_1131 : memref<8200x128xf32, #tpu.memory_space<vmem_shared>>) offsets(%arg10 : memref<128xi32, #tpu.memory_space<vmem>>) semaphore(%run_scoped3A_1124 : memref<!tpu.dma_semaphore, #tpu.memory_space<semaphore_mem>>) {add = true}
        %dma_wait3A_1132 = arith.constant 0 : i32
        %dma_wait3A_1133 = arith.constant 0 : i32
        %dma_wait3A_1134 = tpu.memref_slice %arg12[%run_scoped3A, %dma_wait3A_1132, %dma_wait3A_1133] : memref<3x128x128xf32, #tpu.memory_space<vmem>> -> memref<1x128x128xf32, #tpu.memory_space<vmem>>
        %dma_wait3A_1135 = tpu.memref_squeeze %dma_wait3A_1134 : memref<1x128x128xf32, #tpu.memory_space<vmem>> -> memref<128x128xf32, #tpu.memory_space<vmem>>
        %dma_wait3A_1136 = arith.constant 0 : i32
        %dma_wait3A_1137 = arith.constant 0 : i32
        %dma_wait3A_1138 = tpu.memref_slice %arg13[%dma_wait3A_1136, %dma_wait3A_1137] : memref<8200x128xf32, #tpu.memory_space<vmem_shared>> -> memref<8200x128xf32, #tpu.memory_space<vmem_shared>>
        tpu.wait_indirect_dma semaphore(%run_scoped3A_1124 : memref<!tpu.dma_semaphore, #tpu.memory_space<semaphore_mem>>) src(%dma_wait3A_1135 : memref<128x128xf32, #tpu.memory_space<vmem>>) dst(%dma_wait3A_1138 : memref<8200x128xf32, #tpu.memory_space<vmem_shared>>)
        tpu.yield
      }) : () -> ()
    } else {
    }
    %add3A_788 = arith.constant 512 : i32
    %add3A_789 = arith.addi %multiple_of3A, %add3A_788 : i32
    %lt3A_790 = arith.cmpi slt, %add3A_789, %add3A_574 : i32
    %convert_element_type3A_791 = arith.extui %lt3A_790 : i1 to i32
    %cond3A_792 = arith.constant 0 : i32
    %cond3A_793 = arith.cmpi ne, %convert_element_type3A_791, %cond3A_792 : i32
    scf.if %cond3A_793 {
      %dma_start3A_868 = arith.constant 1 : i32
      %dma_start3A_869 = arith.constant 0 : i32
      %dma_start3A_870 = arith.constant 0 : i32
      %dma_start3A_871 = tpu.memref_slice %arg12[%dma_start3A_868, %dma_start3A_869, %dma_start3A_870] : memref<3x128x128xf32, #tpu.memory_space<vmem>> -> memref<1x128x128xf32, #tpu.memory_space<vmem>>
      %dma_start3A_872 = tpu.memref_squeeze %dma_start3A_871 : memref<1x128x128xf32, #tpu.memory_space<vmem>> -> memref<128x128xf32, #tpu.memory_space<vmem>>
      %dma_start3A_873 = arith.constant 512 : i32
      %dma_start3A_874 = tpu.memref_slice %arg7[%dma_start3A_873] : memref<1152xi32, #tpu.memory_space<vmem>> -> memref<128xi32, #tpu.memory_space<vmem>>
      %dma_start3A_875 = arith.constant 0 : i32
      %dma_start3A_876 = arith.constant 0 : i32
      %dma_start3A_877 = tpu.memref_slice %arg2[%dma_start3A_875, %dma_start3A_876] : memref<100000x128xf32, #tpu.memory_space<hbm>> -> memref<100000x128xf32, #tpu.memory_space<hbm>>
      tpu.enqueue_indirect_dma source(%dma_start3A_877 : memref<100000x128xf32, #tpu.memory_space<hbm>>) target(%dma_start3A_872 : memref<128x128xf32, #tpu.memory_space<vmem>>) offsets(%dma_start3A_874 : memref<128xi32, #tpu.memory_space<vmem>>) semaphore(%arg15 : memref<!tpu.dma_semaphore, #tpu.memory_space<semaphore_mem>>)
    } else {
    }
    %add3A_794 = arith.constant 256 : i32
    %add3A_795 = arith.addi %multiple_of3A, %add3A_794 : i32
    %lt3A_796 = arith.cmpi slt, %add3A_795, %add3A_574 : i32
    %convert_element_type3A_797 = arith.extui %lt3A_796 : i1 to i32
    %cond3A_798 = arith.constant 0 : i32
    %cond3A_799 = arith.cmpi ne, %convert_element_type3A_797, %cond3A_798 : i32
    scf.if %cond3A_799 {
      %add3A_868 = arith.constant 256 : i32
      %add3A_869 = arith.addi %multiple_of3A, %add3A_868 : i32
      %add3A_870 = arith.constant 0 : i32
      %add3A_871 = arith.addi %add3A_869, %add3A_870 : i32
      %add3A_872 = vector.broadcast %add3A_871 : i32 to vector<16xi32>
      %add3A_873 = arith.addi %add3A_872, %iota3A : vector<16xi32>
      %get3A_874 = arith.constant 256 : index
      %get3A_875 = tpu.vector_load %arg8[%get3A_874] {strides = array<i32>} : memref<1152xi32, #tpu.memory_space<vmem>>, vector<16xi32>,
      %get3A_876 = vector.shape_cast %get3A_875 : vector<16xi32> to vector<16xi32>
      %sub3A_877 = vector.broadcast %mul3A_763 : i32 to vector<16xi32>
      %sub3A_878 = arith.subi %get3A_876, %sub3A_877 : vector<16xi32>
      %ge3A = vector.broadcast %add3A_546 : i32 to vector<16xi32>
      %ge3A_879 = arith.cmpi sge, %add3A_873, %ge3A : vector<16xi32>
      %lt3A_880 = vector.broadcast %add3A_574 : i32 to vector<16xi32>
      %lt3A_881 = arith.cmpi slt, %add3A_873, %lt3A_880 : vector<16xi32>
      %and3A_882 = arith.andi %ge3A_879, %lt3A_881 : vector<16xi1>
      %ge3A_883 = arith.constant 0 : i32
      %ge3A_884 = vector.broadcast %ge3A_883 : i32 to vector<16xi32>
      %ge3A_885 = arith.cmpi sge, %sub3A_878, %ge3A_884 : vector<16xi32>
      %and3A_886 = arith.andi %and3A_882, %ge3A_885 : vector<16xi1>
      %lt3A_887 = arith.constant 8192 : i32
      %lt3A_888 = vector.broadcast %lt3A_887 : i32 to vector<16xi32>
      %lt3A_889 = arith.cmpi slt, %sub3A_878, %lt3A_888 : vector<16xi32>
      %and3A_890 = arith.andi %and3A_886, %lt3A_889 : vector<16xi1>
      %jit3A_891 = arith.constant 8192 : i32
      %broadcast_in_dim3A_892 = vector.broadcast %jit3A_891 : i32 to vector<16xi32>
      %select_n3A_893 = arith.select %and3A_890, %sub3A_878, %broadcast_in_dim3A_892 : vector<16xi1>, vector<16xi32>
      %swap3A = arith.constant 0 : index
      %swap3A_894 = tpu.vector_load %arg11[%swap3A] {strides = array<i32>} : memref<128xi32, #tpu.memory_space<vmem>>, vector<16xi32>,
      %swap3A_895 = vector.shape_cast %swap3A_894 : vector<16xi32> to vector<16xi32>
      %swap3A_896 = vector.shape_cast %select_n3A_893 : vector<16xi32> to vector<16xi32>
      tpu.vector_store %arg11[%swap3A], %swap3A_896 {strides = array<i32>} : memref<128xi32, #tpu.memory_space<vmem>>, vector<16xi32>,
      %add3A_897 = arith.constant 256 : i32
      %add3A_898 = arith.addi %multiple_of3A, %add3A_897 : i32
      %add3A_899 = arith.constant 16 : i32
      %add3A_900 = arith.addi %add3A_898, %add3A_899 : i32
      %add3A_901 = vector.broadcast %add3A_900 : i32 to vector<16xi32>
      %add3A_902 = arith.addi %add3A_901, %iota3A : vector<16xi32>
      %get3A_903 = arith.constant 272 : index
      %get3A_904 = tpu.vector_load %arg8[%get3A_903] {strides = array<i32>} : memref<1152xi32, #tpu.memory_space<vmem>>, vector<16xi32>,
      %get3A_905 = vector.shape_cast %get3A_904 : vector<16xi32> to vector<16xi32>
      %sub3A_906 = vector.broadcast %mul3A_763 : i32 to vector<16xi32>
      %sub3A_907 = arith.subi %get3A_905, %sub3A_906 : vector<16xi32>
      %ge3A_908 = vector.broadcast %add3A_546 : i32 to vector<16xi32>
      %ge3A_909 = arith.cmpi sge, %add3A_902, %ge3A_908 : vector<16xi32>
      %lt3A_910 = vector.broadcast %add3A_574 : i32 to vector<16xi32>
      %lt3A_911 = arith.cmpi slt, %add3A_902, %lt3A_910 : vector<16xi32>
      %and3A_912 = arith.andi %ge3A_909, %lt3A_911 : vector<16xi1>
      %ge3A_913 = arith.constant 0 : i32
      %ge3A_914 = vector.broadcast %ge3A_913 : i32 to vector<16xi32>
      %ge3A_915 = arith.cmpi sge, %sub3A_907, %ge3A_914 : vector<16xi32>
      %and3A_916 = arith.andi %and3A_912, %ge3A_915 : vector<16xi1>
      %lt3A_917 = arith.constant 8192 : i32
      %lt3A_918 = vector.broadcast %lt3A_917 : i32 to vector<16xi32>
      %lt3A_919 = arith.cmpi slt, %sub3A_907, %lt3A_918 : vector<16xi32>
      %and3A_920 = arith.andi %and3A_916, %lt3A_919 : vector<16xi1>
      %jit3A_921 = arith.constant 8192 : i32
      %broadcast_in_dim3A_922 = vector.broadcast %jit3A_921 : i32 to vector<16xi32>
      %select_n3A_923 = arith.select %and3A_920, %sub3A_907, %broadcast_in_dim3A_922 : vector<16xi1>, vector<16xi32>
      %swap3A_924 = arith.constant 16 : index
      %swap3A_925 = tpu.vector_load %arg11[%swap3A_924] {strides = array<i32>} : memref<128xi32, #tpu.memory_space<vmem>>, vector<16xi32>,
      %swap3A_926 = vector.shape_cast %swap3A_925 : vector<16xi32> to vector<16xi32>
      %swap3A_927 = vector.shape_cast %select_n3A_923 : vector<16xi32> to vector<16xi32>
      tpu.vector_store %arg11[%swap3A_924], %swap3A_927 {strides = array<i32>} : memref<128xi32, #tpu.memory_space<vmem>>, vector<16xi32>,
      %add3A_928 = arith.constant 256 : i32
      %add3A_929 = arith.addi %multiple_of3A, %add3A_928 : i32
      %add3A_930 = arith.constant 32 : i32
      %add3A_931 = arith.addi %add3A_929, %add3A_930 : i32
      %add3A_932 = vector.broadcast %add3A_931 : i32 to vector<16xi32>
      %add3A_933 = arith.addi %add3A_932, %iota3A : vector<16xi32>
      %get3A_934 = arith.constant 288 : index
      %get3A_935 = tpu.vector_load %arg8[%get3A_934] {strides = array<i32>} : memref<1152xi32, #tpu.memory_space<vmem>>, vector<16xi32>,
      %get3A_936 = vector.shape_cast %get3A_935 : vector<16xi32> to vector<16xi32>
      %sub3A_937 = vector.broadcast %mul3A_763 : i32 to vector<16xi32>
      %sub3A_938 = arith.subi %get3A_936, %sub3A_937 : vector<16xi32>
      %ge3A_939 = vector.broadcast %add3A_546 : i32 to vector<16xi32>
      %ge3A_940 = arith.cmpi sge, %add3A_933, %ge3A_939 : vector<16xi32>
      %lt3A_941 = vector.broadcast %add3A_574 : i32 to vector<16xi32>
      %lt3A_942 = arith.cmpi slt, %add3A_933, %lt3A_941 : vector<16xi32>
      %and3A_943 = arith.andi %ge3A_940, %lt3A_942 : vector<16xi1>
      %ge3A_944 = arith.constant 0 : i32
      %ge3A_945 = vector.broadcast %ge3A_944 : i32 to vector<16xi32>
      %ge3A_946 = arith.cmpi sge, %sub3A_938, %ge3A_945 : vector<16xi32>
      %and3A_947 = arith.andi %and3A_943, %ge3A_946 : vector<16xi1>
      %lt3A_948 = arith.constant 8192 : i32
      %lt3A_949 = vector.broadcast %lt3A_948 : i32 to vector<16xi32>
      %lt3A_950 = arith.cmpi slt, %sub3A_938, %lt3A_949 : vector<16xi32>
      %and3A_951 = arith.andi %and3A_947, %lt3A_950 : vector<16xi1>
      %jit3A_952 = arith.constant 8192 : i32
      %broadcast_in_dim3A_953 = vector.broadcast %jit3A_952 : i32 to vector<16xi32>
      %select_n3A_954 = arith.select %and3A_951, %sub3A_938, %broadcast_in_dim3A_953 : vector<16xi1>, vector<16xi32>
      %swap3A_955 = arith.constant 32 : index
      %swap3A_956 = tpu.vector_load %arg11[%swap3A_955] {strides = array<i32>} : memref<128xi32, #tpu.memory_space<vmem>>, vector<16xi32>,
      %swap3A_957 = vector.shape_cast %swap3A_956 : vector<16xi32> to vector<16xi32>
      %swap3A_958 = vector.shape_cast %select_n3A_954 : vector<16xi32> to vector<16xi32>
      tpu.vector_store %arg11[%swap3A_955], %swap3A_958 {strides = array<i32>} : memref<128xi32, #tpu.memory_space<vmem>>, vector<16xi32>,
      %add3A_959 = arith.constant 256 : i32
      %add3A_960 = arith.addi %multiple_of3A, %add3A_959 : i32
      %add3A_961 = arith.constant 48 : i32
      %add3A_962 = arith.addi %add3A_960, %add3A_961 : i32
      %add3A_963 = vector.broadcast %add3A_962 : i32 to vector<16xi32>
      %add3A_964 = arith.addi %add3A_963, %iota3A : vector<16xi32>
      %get3A_965 = arith.constant 304 : index
      %get3A_966 = tpu.vector_load %arg8[%get3A_965] {strides = array<i32>} : memref<1152xi32, #tpu.memory_space<vmem>>, vector<16xi32>,
      %get3A_967 = vector.shape_cast %get3A_966 : vector<16xi32> to vector<16xi32>
      %sub3A_968 = vector.broadcast %mul3A_763 : i32 to vector<16xi32>
      %sub3A_969 = arith.subi %get3A_967, %sub3A_968 : vector<16xi32>
      %ge3A_970 = vector.broadcast %add3A_546 : i32 to vector<16xi32>
      %ge3A_971 = arith.cmpi sge, %add3A_964, %ge3A_970 : vector<16xi32>
      %lt3A_972 = vector.broadcast %add3A_574 : i32 to vector<16xi32>
      %lt3A_973 = arith.cmpi slt, %add3A_964, %lt3A_972 : vector<16xi32>
      %and3A_974 = arith.andi %ge3A_971, %lt3A_973 : vector<16xi1>
      %ge3A_975 = arith.constant 0 : i32
      %ge3A_976 = vector.broadcast %ge3A_975 : i32 to vector<16xi32>
      %ge3A_977 = arith.cmpi sge, %sub3A_969, %ge3A_976 : vector<16xi32>
      %and3A_978 = arith.andi %and3A_974, %ge3A_977 : vector<16xi1>
      %lt3A_979 = arith.constant 8192 : i32
      %lt3A_980 = vector.broadcast %lt3A_979 : i32 to vector<16xi32>
      %lt3A_981 = arith.cmpi slt, %sub3A_969, %lt3A_980 : vector<16xi32>
      %and3A_982 = arith.andi %and3A_978, %lt3A_981 : vector<16xi1>
      %jit3A_983 = arith.constant 8192 : i32
      %broadcast_in_dim3A_984 = vector.broadcast %jit3A_983 : i32 to vector<16xi32>
      %select_n3A_985 = arith.select %and3A_982, %sub3A_969, %broadcast_in_dim3A_984 : vector<16xi1>, vector<16xi32>
      %swap3A_986 = arith.constant 48 : index
      %swap3A_987 = tpu.vector_load %arg11[%swap3A_986] {strides = array<i32>} : memref<128xi32, #tpu.memory_space<vmem>>, vector<16xi32>,
      %swap3A_988 = vector.shape_cast %swap3A_987 : vector<16xi32> to vector<16xi32>
      %swap3A_989 = vector.shape_cast %select_n3A_985 : vector<16xi32> to vector<16xi32>
      tpu.vector_store %arg11[%swap3A_986], %swap3A_989 {strides = array<i32>} : memref<128xi32, #tpu.memory_space<vmem>>, vector<16xi32>,
      %add3A_990 = arith.constant 256 : i32
      %add3A_991 = arith.addi %multiple_of3A, %add3A_990 : i32
      %add3A_992 = arith.constant 64 : i32
      %add3A_993 = arith.addi %add3A_991, %add3A_992 : i32
      %add3A_994 = vector.broadcast %add3A_993 : i32 to vector<16xi32>
      %add3A_995 = arith.addi %add3A_994, %iota3A : vector<16xi32>
      %get3A_996 = arith.constant 320 : index
      %get3A_997 = tpu.vector_load %arg8[%get3A_996] {strides = array<i32>} : memref<1152xi32, #tpu.memory_space<vmem>>, vector<16xi32>,
      %get3A_998 = vector.shape_cast %get3A_997 : vector<16xi32> to vector<16xi32>
      %sub3A_999 = vector.broadcast %mul3A_763 : i32 to vector<16xi32>
      %sub3A_1000 = arith.subi %get3A_998, %sub3A_999 : vector<16xi32>
      %ge3A_1001 = vector.broadcast %add3A_546 : i32 to vector<16xi32>
      %ge3A_1002 = arith.cmpi sge, %add3A_995, %ge3A_1001 : vector<16xi32>
      %lt3A_1003 = vector.broadcast %add3A_574 : i32 to vector<16xi32>
      %lt3A_1004 = arith.cmpi slt, %add3A_995, %lt3A_1003 : vector<16xi32>
      %and3A_1005 = arith.andi %ge3A_1002, %lt3A_1004 : vector<16xi1>
      %ge3A_1006 = arith.constant 0 : i32
      %ge3A_1007 = vector.broadcast %ge3A_1006 : i32 to vector<16xi32>
      %ge3A_1008 = arith.cmpi sge, %sub3A_1000, %ge3A_1007 : vector<16xi32>
      %and3A_1009 = arith.andi %and3A_1005, %ge3A_1008 : vector<16xi1>
      %lt3A_1010 = arith.constant 8192 : i32
      %lt3A_1011 = vector.broadcast %lt3A_1010 : i32 to vector<16xi32>
      %lt3A_1012 = arith.cmpi slt, %sub3A_1000, %lt3A_1011 : vector<16xi32>
      %and3A_1013 = arith.andi %and3A_1009, %lt3A_1012 : vector<16xi1>
      %jit3A_1014 = arith.constant 8192 : i32
      %broadcast_in_dim3A_1015 = vector.broadcast %jit3A_1014 : i32 to vector<16xi32>
      %select_n3A_1016 = arith.select %and3A_1013, %sub3A_1000, %broadcast_in_dim3A_1015 : vector<16xi1>, vector<16xi32>
      %swap3A_1017 = arith.constant 64 : index
      %swap3A_1018 = tpu.vector_load %arg11[%swap3A_1017] {strides = array<i32>} : memref<128xi32, #tpu.memory_space<vmem>>, vector<16xi32>,
      %swap3A_1019 = vector.shape_cast %swap3A_1018 : vector<16xi32> to vector<16xi32>
      %swap3A_1020 = vector.shape_cast %select_n3A_1016 : vector<16xi32> to vector<16xi32>
      tpu.vector_store %arg11[%swap3A_1017], %swap3A_1020 {strides = array<i32>} : memref<128xi32, #tpu.memory_space<vmem>>, vector<16xi32>,
      %add3A_1021 = arith.constant 256 : i32
      %add3A_1022 = arith.addi %multiple_of3A, %add3A_1021 : i32
      %add3A_1023 = arith.constant 80 : i32
      %add3A_1024 = arith.addi %add3A_1022, %add3A_1023 : i32
      %add3A_1025 = vector.broadcast %add3A_1024 : i32 to vector<16xi32>
      %add3A_1026 = arith.addi %add3A_1025, %iota3A : vector<16xi32>
      %get3A_1027 = arith.constant 336 : index
      %get3A_1028 = tpu.vector_load %arg8[%get3A_1027] {strides = array<i32>} : memref<1152xi32, #tpu.memory_space<vmem>>, vector<16xi32>,
      %get3A_1029 = vector.shape_cast %get3A_1028 : vector<16xi32> to vector<16xi32>
      %sub3A_1030 = vector.broadcast %mul3A_763 : i32 to vector<16xi32>
      %sub3A_1031 = arith.subi %get3A_1029, %sub3A_1030 : vector<16xi32>
      %ge3A_1032 = vector.broadcast %add3A_546 : i32 to vector<16xi32>
      %ge3A_1033 = arith.cmpi sge, %add3A_1026, %ge3A_1032 : vector<16xi32>
      %lt3A_1034 = vector.broadcast %add3A_574 : i32 to vector<16xi32>
      %lt3A_1035 = arith.cmpi slt, %add3A_1026, %lt3A_1034 : vector<16xi32>
      %and3A_1036 = arith.andi %ge3A_1033, %lt3A_1035 : vector<16xi1>
      %ge3A_1037 = arith.constant 0 : i32
      %ge3A_1038 = vector.broadcast %ge3A_1037 : i32 to vector<16xi32>
      %ge3A_1039 = arith.cmpi sge, %sub3A_1031, %ge3A_1038 : vector<16xi32>
      %and3A_1040 = arith.andi %and3A_1036, %ge3A_1039 : vector<16xi1>
      %lt3A_1041 = arith.constant 8192 : i32
      %lt3A_1042 = vector.broadcast %lt3A_1041 : i32 to vector<16xi32>
      %lt3A_1043 = arith.cmpi slt, %sub3A_1031, %lt3A_1042 : vector<16xi32>
      %and3A_1044 = arith.andi %and3A_1040, %lt3A_1043 : vector<16xi1>
      %jit3A_1045 = arith.constant 8192 : i32
      %broadcast_in_dim3A_1046 = vector.broadcast %jit3A_1045 : i32 to vector<16xi32>
      %select_n3A_1047 = arith.select %and3A_1044, %sub3A_1031, %broadcast_in_dim3A_1046 : vector<16xi1>, vector<16xi32>
      %swap3A_1048 = arith.constant 80 : index
      %swap3A_1049 = tpu.vector_load %arg11[%swap3A_1048] {strides = array<i32>} : memref<128xi32, #tpu.memory_space<vmem>>, vector<16xi32>,
      %swap3A_1050 = vector.shape_cast %swap3A_1049 : vector<16xi32> to vector<16xi32>
      %swap3A_1051 = vector.shape_cast %select_n3A_1047 : vector<16xi32> to vector<16xi32>
      tpu.vector_store %arg11[%swap3A_1048], %swap3A_1051 {strides = array<i32>} : memref<128xi32, #tpu.memory_space<vmem>>, vector<16xi32>,
      %add3A_1052 = arith.constant 256 : i32
      %add3A_1053 = arith.addi %multiple_of3A, %add3A_1052 : i32
      %add3A_1054 = arith.constant 96 : i32
      %add3A_1055 = arith.addi %add3A_1053, %add3A_1054 : i32
      %add3A_1056 = vector.broadcast %add3A_1055 : i32 to vector<16xi32>
      %add3A_1057 = arith.addi %add3A_1056, %iota3A : vector<16xi32>
      %get3A_1058 = arith.constant 352 : index
      %get3A_1059 = tpu.vector_load %arg8[%get3A_1058] {strides = array<i32>} : memref<1152xi32, #tpu.memory_space<vmem>>, vector<16xi32>,
      %get3A_1060 = vector.shape_cast %get3A_1059 : vector<16xi32> to vector<16xi32>
      %sub3A_1061 = vector.broadcast %mul3A_763 : i32 to vector<16xi32>
      %sub3A_1062 = arith.subi %get3A_1060, %sub3A_1061 : vector<16xi32>
      %ge3A_1063 = vector.broadcast %add3A_546 : i32 to vector<16xi32>
      %ge3A_1064 = arith.cmpi sge, %add3A_1057, %ge3A_1063 : vector<16xi32>
      %lt3A_1065 = vector.broadcast %add3A_574 : i32 to vector<16xi32>
      %lt3A_1066 = arith.cmpi slt, %add3A_1057, %lt3A_1065 : vector<16xi32>
      %and3A_1067 = arith.andi %ge3A_1064, %lt3A_1066 : vector<16xi1>
      %ge3A_1068 = arith.constant 0 : i32
      %ge3A_1069 = vector.broadcast %ge3A_1068 : i32 to vector<16xi32>
      %ge3A_1070 = arith.cmpi sge, %sub3A_1062, %ge3A_1069 : vector<16xi32>
      %and3A_1071 = arith.andi %and3A_1067, %ge3A_1070 : vector<16xi1>
      %lt3A_1072 = arith.constant 8192 : i32
      %lt3A_1073 = vector.broadcast %lt3A_1072 : i32 to vector<16xi32>
      %lt3A_1074 = arith.cmpi slt, %sub3A_1062, %lt3A_1073 : vector<16xi32>
      %and3A_1075 = arith.andi %and3A_1071, %lt3A_1074 : vector<16xi1>
      %jit3A_1076 = arith.constant 8192 : i32
      %broadcast_in_dim3A_1077 = vector.broadcast %jit3A_1076 : i32 to vector<16xi32>
      %select_n3A_1078 = arith.select %and3A_1075, %sub3A_1062, %broadcast_in_dim3A_1077 : vector<16xi1>, vector<16xi32>
      %swap3A_1079 = arith.constant 96 : index
      %swap3A_1080 = tpu.vector_load %arg11[%swap3A_1079] {strides = array<i32>} : memref<128xi32, #tpu.memory_space<vmem>>, vector<16xi32>,
      %swap3A_1081 = vector.shape_cast %swap3A_1080 : vector<16xi32> to vector<16xi32>
      %swap3A_1082 = vector.shape_cast %select_n3A_1078 : vector<16xi32> to vector<16xi32>
      tpu.vector_store %arg11[%swap3A_1079], %swap3A_1082 {strides = array<i32>} : memref<128xi32, #tpu.memory_space<vmem>>, vector<16xi32>,
      %add3A_1083 = arith.constant 256 : i32
      %add3A_1084 = arith.addi %multiple_of3A, %add3A_1083 : i32
      %add3A_1085 = arith.constant 112 : i32
      %add3A_1086 = arith.addi %add3A_1084, %add3A_1085 : i32
      %add3A_1087 = vector.broadcast %add3A_1086 : i32 to vector<16xi32>
      %add3A_1088 = arith.addi %add3A_1087, %iota3A : vector<16xi32>
      %get3A_1089 = arith.constant 368 : index
      %get3A_1090 = tpu.vector_load %arg8[%get3A_1089] {strides = array<i32>} : memref<1152xi32, #tpu.memory_space<vmem>>, vector<16xi32>,
      %get3A_1091 = vector.shape_cast %get3A_1090 : vector<16xi32> to vector<16xi32>
      %sub3A_1092 = vector.broadcast %mul3A_763 : i32 to vector<16xi32>
      %sub3A_1093 = arith.subi %get3A_1091, %sub3A_1092 : vector<16xi32>
      %ge3A_1094 = vector.broadcast %add3A_546 : i32 to vector<16xi32>
      %ge3A_1095 = arith.cmpi sge, %add3A_1088, %ge3A_1094 : vector<16xi32>
      %lt3A_1096 = vector.broadcast %add3A_574 : i32 to vector<16xi32>
      %lt3A_1097 = arith.cmpi slt, %add3A_1088, %lt3A_1096 : vector<16xi32>
      %and3A_1098 = arith.andi %ge3A_1095, %lt3A_1097 : vector<16xi1>
      %ge3A_1099 = arith.constant 0 : i32
      %ge3A_1100 = vector.broadcast %ge3A_1099 : i32 to vector<16xi32>
      %ge3A_1101 = arith.cmpi sge, %sub3A_1093, %ge3A_1100 : vector<16xi32>
      %and3A_1102 = arith.andi %and3A_1098, %ge3A_1101 : vector<16xi1>
      %lt3A_1103 = arith.constant 8192 : i32
      %lt3A_1104 = vector.broadcast %lt3A_1103 : i32 to vector<16xi32>
      %lt3A_1105 = arith.cmpi slt, %sub3A_1093, %lt3A_1104 : vector<16xi32>
      %and3A_1106 = arith.andi %and3A_1102, %lt3A_1105 : vector<16xi1>
      %jit3A_1107 = arith.constant 8192 : i32
      %broadcast_in_dim3A_1108 = vector.broadcast %jit3A_1107 : i32 to vector<16xi32>
      %select_n3A_1109 = arith.select %and3A_1106, %sub3A_1093, %broadcast_in_dim3A_1108 : vector<16xi1>, vector<16xi32>
      %swap3A_1110 = arith.constant 112 : index
      %swap3A_1111 = tpu.vector_load %arg11[%swap3A_1110] {strides = array<i32>} : memref<128xi32, #tpu.memory_space<vmem>>, vector<16xi32>,
      %swap3A_1112 = vector.shape_cast %swap3A_1111 : vector<16xi32> to vector<16xi32>
      %swap3A_1113 = vector.shape_cast %select_n3A_1109 : vector<16xi32> to vector<16xi32>
      tpu.vector_store %arg11[%swap3A_1110], %swap3A_1113 {strides = array<i32>} : memref<128xi32, #tpu.memory_space<vmem>>, vector<16xi32>,
      %dma_wait3A_1114 = arith.constant 2 : i32
      %dma_wait3A_1115 = arith.constant 0 : i32
      %dma_wait3A_1116 = arith.constant 0 : i32
      %dma_wait3A_1117 = tpu.memref_slice %arg12[%dma_wait3A_1114, %dma_wait3A_1115, %dma_wait3A_1116] : memref<3x128x128xf32, #tpu.memory_space<vmem>> -> memref<1x128x128xf32, #tpu.memory_space<vmem>>
      %dma_wait3A_1118 = tpu.memref_squeeze %dma_wait3A_1117 : memref<1x128x128xf32, #tpu.memory_space<vmem>> -> memref<128x128xf32, #tpu.memory_space<vmem>>
      %dma_wait3A_1119 = arith.constant 256 : i32
      %dma_wait3A_1120 = tpu.memref_slice %arg7[%dma_wait3A_1119] : memref<1152xi32, #tpu.memory_space<vmem>> -> memref<128xi32, #tpu.memory_space<vmem>>
      %dma_wait3A_1121 = arith.constant 0 : i32
      %dma_wait3A_1122 = arith.constant 0 : i32
      %dma_wait3A_1123 = tpu.memref_slice %arg2[%dma_wait3A_1121, %dma_wait3A_1122] : memref<100000x128xf32, #tpu.memory_space<hbm>> -> memref<100000x128xf32, #tpu.memory_space<hbm>>
      tpu.wait_indirect_dma semaphore(%arg16 : memref<!tpu.dma_semaphore, #tpu.memory_space<semaphore_mem>>) src(%dma_wait3A_1123 : memref<100000x128xf32, #tpu.memory_space<hbm>>) dst(%dma_wait3A_1118 : memref<128x128xf32, #tpu.memory_space<vmem>>)
      %run_scoped3A = arith.constant 2 : i32
      "tpu.region"() ({
        %run_scoped3A_1124 = tpu.sem_alloc : memref<!tpu.dma_semaphore, #tpu.memory_space<semaphore_mem>>
        %dma_start3A_1125 = arith.constant 0 : i32
        %dma_start3A_1126 = arith.constant 0 : i32
        %dma_start3A_1127 = tpu.memref_slice %arg12[%run_scoped3A, %dma_start3A_1125, %dma_start3A_1126] : memref<3x128x128xf32, #tpu.memory_space<vmem>> -> memref<1x128x128xf32, #tpu.memory_space<vmem>>
        %dma_start3A_1128 = tpu.memref_squeeze %dma_start3A_1127 : memref<1x128x128xf32, #tpu.memory_space<vmem>> -> memref<128x128xf32, #tpu.memory_space<vmem>>
        %dma_start3A_1129 = arith.constant 0 : i32
        %dma_start3A_1130 = arith.constant 0 : i32
        %dma_start3A_1131 = tpu.memref_slice %arg13[%dma_start3A_1129, %dma_start3A_1130] : memref<8200x128xf32, #tpu.memory_space<vmem_shared>> -> memref<8200x128xf32, #tpu.memory_space<vmem_shared>>
        tpu.enqueue_indirect_dma source(%dma_start3A_1128 : memref<128x128xf32, #tpu.memory_space<vmem>>) target(%dma_start3A_1131 : memref<8200x128xf32, #tpu.memory_space<vmem_shared>>) offsets(%arg11 : memref<128xi32, #tpu.memory_space<vmem>>) semaphore(%run_scoped3A_1124 : memref<!tpu.dma_semaphore, #tpu.memory_space<semaphore_mem>>) {add = true}
        %dma_wait3A_1132 = arith.constant 0 : i32
        %dma_wait3A_1133 = arith.constant 0 : i32
        %dma_wait3A_1134 = tpu.memref_slice %arg12[%run_scoped3A, %dma_wait3A_1132, %dma_wait3A_1133] : memref<3x128x128xf32, #tpu.memory_space<vmem>> -> memref<1x128x128xf32, #tpu.memory_space<vmem>>
        %dma_wait3A_1135 = tpu.memref_squeeze %dma_wait3A_1134 : memref<1x128x128xf32, #tpu.memory_space<vmem>> -> memref<128x128xf32, #tpu.memory_space<vmem>>
        %dma_wait3A_1136 = arith.constant 0 : i32
        %dma_wait3A_1137 = arith.constant 0 : i32
        %dma_wait3A_1138 = tpu.memref_slice %arg13[%dma_wait3A_1136, %dma_wait3A_1137] : memref<8200x128xf32, #tpu.memory_space<vmem_shared>> -> memref<8200x128xf32, #tpu.memory_space<vmem_shared>>
        tpu.wait_indirect_dma semaphore(%run_scoped3A_1124 : memref<!tpu.dma_semaphore, #tpu.memory_space<semaphore_mem>>) src(%dma_wait3A_1135 : memref<128x128xf32, #tpu.memory_space<vmem>>) dst(%dma_wait3A_1138 : memref<8200x128xf32, #tpu.memory_space<vmem_shared>>)
        tpu.yield
      }) : () -> ()
    } else {
    }
    %add3A_800 = arith.constant 640 : i32
    %add3A_801 = arith.addi %multiple_of3A, %add3A_800 : i32
    %lt3A_802 = arith.cmpi slt, %add3A_801, %add3A_574 : i32
    %convert_element_type3A_803 = arith.extui %lt3A_802 : i1 to i32
    %cond3A_804 = arith.constant 0 : i32
    %cond3A_805 = arith.cmpi ne, %convert_element_type3A_803, %cond3A_804 : i32
    scf.if %cond3A_805 {
      %dma_start3A_868 = arith.constant 2 : i32
      %dma_start3A_869 = arith.constant 0 : i32
      %dma_start3A_870 = arith.constant 0 : i32
      %dma_start3A_871 = tpu.memref_slice %arg12[%dma_start3A_868, %dma_start3A_869, %dma_start3A_870] : memref<3x128x128xf32, #tpu.memory_space<vmem>> -> memref<1x128x128xf32, #tpu.memory_space<vmem>>
      %dma_start3A_872 = tpu.memref_squeeze %dma_start3A_871 : memref<1x128x128xf32, #tpu.memory_space<vmem>> -> memref<128x128xf32, #tpu.memory_space<vmem>>
      %dma_start3A_873 = arith.constant 640 : i32
      %dma_start3A_874 = tpu.memref_slice %arg7[%dma_start3A_873] : memref<1152xi32, #tpu.memory_space<vmem>> -> memref<128xi32, #tpu.memory_space<vmem>>
      %dma_start3A_875 = arith.constant 0 : i32
      %dma_start3A_876 = arith.constant 0 : i32
      %dma_start3A_877 = tpu.memref_slice %arg2[%dma_start3A_875, %dma_start3A_876] : memref<100000x128xf32, #tpu.memory_space<hbm>> -> memref<100000x128xf32, #tpu.memory_space<hbm>>
      tpu.enqueue_indirect_dma source(%dma_start3A_877 : memref<100000x128xf32, #tpu.memory_space<hbm>>) target(%dma_start3A_872 : memref<128x128xf32, #tpu.memory_space<vmem>>) offsets(%dma_start3A_874 : memref<128xi32, #tpu.memory_space<vmem>>) semaphore(%arg16 : memref<!tpu.dma_semaphore, #tpu.memory_space<semaphore_mem>>)
    } else {
    }
    %add3A_806 = arith.constant 384 : i32
    %add3A_807 = arith.addi %multiple_of3A, %add3A_806 : i32
    %lt3A_808 = arith.cmpi slt, %add3A_807, %add3A_574 : i32
    %convert_element_type3A_809 = arith.extui %lt3A_808 : i1 to i32
    %cond3A_810 = arith.constant 0 : i32
    %cond3A_811 = arith.cmpi ne, %convert_element_type3A_809, %cond3A_810 : i32
    scf.if %cond3A_811 {
      %add3A_868 = arith.constant 384 : i32
      %add3A_869 = arith.addi %multiple_of3A, %add3A_868 : i32
      %add3A_870 = arith.constant 0 : i32
      %add3A_871 = arith.addi %add3A_869, %add3A_870 : i32
      %add3A_872 = vector.broadcast %add3A_871 : i32 to vector<16xi32>
      %add3A_873 = arith.addi %add3A_872, %iota3A : vector<16xi32>
      %get3A_874 = arith.constant 384 : index
      %get3A_875 = tpu.vector_load %arg8[%get3A_874] {strides = array<i32>} : memref<1152xi32, #tpu.memory_space<vmem>>, vector<16xi32>,
      %get3A_876 = vector.shape_cast %get3A_875 : vector<16xi32> to vector<16xi32>
      %sub3A_877 = vector.broadcast %mul3A_763 : i32 to vector<16xi32>
      %sub3A_878 = arith.subi %get3A_876, %sub3A_877 : vector<16xi32>
      %ge3A = vector.broadcast %add3A_546 : i32 to vector<16xi32>
      %ge3A_879 = arith.cmpi sge, %add3A_873, %ge3A : vector<16xi32>
      %lt3A_880 = vector.broadcast %add3A_574 : i32 to vector<16xi32>
      %lt3A_881 = arith.cmpi slt, %add3A_873, %lt3A_880 : vector<16xi32>
      %and3A_882 = arith.andi %ge3A_879, %lt3A_881 : vector<16xi1>
      %ge3A_883 = arith.constant 0 : i32
      %ge3A_884 = vector.broadcast %ge3A_883 : i32 to vector<16xi32>
      %ge3A_885 = arith.cmpi sge, %sub3A_878, %ge3A_884 : vector<16xi32>
      %and3A_886 = arith.andi %and3A_882, %ge3A_885 : vector<16xi1>
      %lt3A_887 = arith.constant 8192 : i32
      %lt3A_888 = vector.broadcast %lt3A_887 : i32 to vector<16xi32>
      %lt3A_889 = arith.cmpi slt, %sub3A_878, %lt3A_888 : vector<16xi32>
      %and3A_890 = arith.andi %and3A_886, %lt3A_889 : vector<16xi1>
      %jit3A_891 = arith.constant 8192 : i32
      %broadcast_in_dim3A_892 = vector.broadcast %jit3A_891 : i32 to vector<16xi32>
      %select_n3A_893 = arith.select %and3A_890, %sub3A_878, %broadcast_in_dim3A_892 : vector<16xi1>, vector<16xi32>
      %swap3A = arith.constant 0 : index
      %swap3A_894 = tpu.vector_load %arg9[%swap3A] {strides = array<i32>} : memref<128xi32, #tpu.memory_space<vmem>>, vector<16xi32>,
      %swap3A_895 = vector.shape_cast %swap3A_894 : vector<16xi32> to vector<16xi32>
      %swap3A_896 = vector.shape_cast %select_n3A_893 : vector<16xi32> to vector<16xi32>
      tpu.vector_store %arg9[%swap3A], %swap3A_896 {strides = array<i32>} : memref<128xi32, #tpu.memory_space<vmem>>, vector<16xi32>,
      %add3A_897 = arith.constant 384 : i32
      %add3A_898 = arith.addi %multiple_of3A, %add3A_897 : i32
      %add3A_899 = arith.constant 16 : i32
      %add3A_900 = arith.addi %add3A_898, %add3A_899 : i32
      %add3A_901 = vector.broadcast %add3A_900 : i32 to vector<16xi32>
      %add3A_902 = arith.addi %add3A_901, %iota3A : vector<16xi32>
      %get3A_903 = arith.constant 400 : index
      %get3A_904 = tpu.vector_load %arg8[%get3A_903] {strides = array<i32>} : memref<1152xi32, #tpu.memory_space<vmem>>, vector<16xi32>,
      %get3A_905 = vector.shape_cast %get3A_904 : vector<16xi32> to vector<16xi32>
      %sub3A_906 = vector.broadcast %mul3A_763 : i32 to vector<16xi32>
      %sub3A_907 = arith.subi %get3A_905, %sub3A_906 : vector<16xi32>
      %ge3A_908 = vector.broadcast %add3A_546 : i32 to vector<16xi32>
      %ge3A_909 = arith.cmpi sge, %add3A_902, %ge3A_908 : vector<16xi32>
      %lt3A_910 = vector.broadcast %add3A_574 : i32 to vector<16xi32>
      %lt3A_911 = arith.cmpi slt, %add3A_902, %lt3A_910 : vector<16xi32>
      %and3A_912 = arith.andi %ge3A_909, %lt3A_911 : vector<16xi1>
      %ge3A_913 = arith.constant 0 : i32
      %ge3A_914 = vector.broadcast %ge3A_913 : i32 to vector<16xi32>
      %ge3A_915 = arith.cmpi sge, %sub3A_907, %ge3A_914 : vector<16xi32>
      %and3A_916 = arith.andi %and3A_912, %ge3A_915 : vector<16xi1>
      %lt3A_917 = arith.constant 8192 : i32
      %lt3A_918 = vector.broadcast %lt3A_917 : i32 to vector<16xi32>
      %lt3A_919 = arith.cmpi slt, %sub3A_907, %lt3A_918 : vector<16xi32>
      %and3A_920 = arith.andi %and3A_916, %lt3A_919 : vector<16xi1>
      %jit3A_921 = arith.constant 8192 : i32
      %broadcast_in_dim3A_922 = vector.broadcast %jit3A_921 : i32 to vector<16xi32>
      %select_n3A_923 = arith.select %and3A_920, %sub3A_907, %broadcast_in_dim3A_922 : vector<16xi1>, vector<16xi32>
      %swap3A_924 = arith.constant 16 : index
      %swap3A_925 = tpu.vector_load %arg9[%swap3A_924] {strides = array<i32>} : memref<128xi32, #tpu.memory_space<vmem>>, vector<16xi32>,
      %swap3A_926 = vector.shape_cast %swap3A_925 : vector<16xi32> to vector<16xi32>
      %swap3A_927 = vector.shape_cast %select_n3A_923 : vector<16xi32> to vector<16xi32>
      tpu.vector_store %arg9[%swap3A_924], %swap3A_927 {strides = array<i32>} : memref<128xi32, #tpu.memory_space<vmem>>, vector<16xi32>,
      %add3A_928 = arith.constant 384 : i32
      %add3A_929 = arith.addi %multiple_of3A, %add3A_928 : i32
      %add3A_930 = arith.constant 32 : i32
      %add3A_931 = arith.addi %add3A_929, %add3A_930 : i32
      %add3A_932 = vector.broadcast %add3A_931 : i32 to vector<16xi32>
      %add3A_933 = arith.addi %add3A_932, %iota3A : vector<16xi32>
      %get3A_934 = arith.constant 416 : index
      %get3A_935 = tpu.vector_load %arg8[%get3A_934] {strides = array<i32>} : memref<1152xi32, #tpu.memory_space<vmem>>, vector<16xi32>,
      %get3A_936 = vector.shape_cast %get3A_935 : vector<16xi32> to vector<16xi32>
      %sub3A_937 = vector.broadcast %mul3A_763 : i32 to vector<16xi32>
      %sub3A_938 = arith.subi %get3A_936, %sub3A_937 : vector<16xi32>
      %ge3A_939 = vector.broadcast %add3A_546 : i32 to vector<16xi32>
      %ge3A_940 = arith.cmpi sge, %add3A_933, %ge3A_939 : vector<16xi32>
      %lt3A_941 = vector.broadcast %add3A_574 : i32 to vector<16xi32>
      %lt3A_942 = arith.cmpi slt, %add3A_933, %lt3A_941 : vector<16xi32>
      %and3A_943 = arith.andi %ge3A_940, %lt3A_942 : vector<16xi1>
      %ge3A_944 = arith.constant 0 : i32
      %ge3A_945 = vector.broadcast %ge3A_944 : i32 to vector<16xi32>
      %ge3A_946 = arith.cmpi sge, %sub3A_938, %ge3A_945 : vector<16xi32>
      %and3A_947 = arith.andi %and3A_943, %ge3A_946 : vector<16xi1>
      %lt3A_948 = arith.constant 8192 : i32
      %lt3A_949 = vector.broadcast %lt3A_948 : i32 to vector<16xi32>
      %lt3A_950 = arith.cmpi slt, %sub3A_938, %lt3A_949 : vector<16xi32>
      %and3A_951 = arith.andi %and3A_947, %lt3A_950 : vector<16xi1>
      %jit3A_952 = arith.constant 8192 : i32
      %broadcast_in_dim3A_953 = vector.broadcast %jit3A_952 : i32 to vector<16xi32>
      %select_n3A_954 = arith.select %and3A_951, %sub3A_938, %broadcast_in_dim3A_953 : vector<16xi1>, vector<16xi32>
      %swap3A_955 = arith.constant 32 : index
      %swap3A_956 = tpu.vector_load %arg9[%swap3A_955] {strides = array<i32>} : memref<128xi32, #tpu.memory_space<vmem>>, vector<16xi32>,
      %swap3A_957 = vector.shape_cast %swap3A_956 : vector<16xi32> to vector<16xi32>
      %swap3A_958 = vector.shape_cast %select_n3A_954 : vector<16xi32> to vector<16xi32>
      tpu.vector_store %arg9[%swap3A_955], %swap3A_958 {strides = array<i32>} : memref<128xi32, #tpu.memory_space<vmem>>, vector<16xi32>,
      %add3A_959 = arith.constant 384 : i32
      %add3A_960 = arith.addi %multiple_of3A, %add3A_959 : i32
      %add3A_961 = arith.constant 48 : i32
      %add3A_962 = arith.addi %add3A_960, %add3A_961 : i32
      %add3A_963 = vector.broadcast %add3A_962 : i32 to vector<16xi32>
      %add3A_964 = arith.addi %add3A_963, %iota3A : vector<16xi32>
      %get3A_965 = arith.constant 432 : index
      %get3A_966 = tpu.vector_load %arg8[%get3A_965] {strides = array<i32>} : memref<1152xi32, #tpu.memory_space<vmem>>, vector<16xi32>,
      %get3A_967 = vector.shape_cast %get3A_966 : vector<16xi32> to vector<16xi32>
      %sub3A_968 = vector.broadcast %mul3A_763 : i32 to vector<16xi32>
      %sub3A_969 = arith.subi %get3A_967, %sub3A_968 : vector<16xi32>
      %ge3A_970 = vector.broadcast %add3A_546 : i32 to vector<16xi32>
      %ge3A_971 = arith.cmpi sge, %add3A_964, %ge3A_970 : vector<16xi32>
      %lt3A_972 = vector.broadcast %add3A_574 : i32 to vector<16xi32>
      %lt3A_973 = arith.cmpi slt, %add3A_964, %lt3A_972 : vector<16xi32>
      %and3A_974 = arith.andi %ge3A_971, %lt3A_973 : vector<16xi1>
      %ge3A_975 = arith.constant 0 : i32
      %ge3A_976 = vector.broadcast %ge3A_975 : i32 to vector<16xi32>
      %ge3A_977 = arith.cmpi sge, %sub3A_969, %ge3A_976 : vector<16xi32>
      %and3A_978 = arith.andi %and3A_974, %ge3A_977 : vector<16xi1>
      %lt3A_979 = arith.constant 8192 : i32
      %lt3A_980 = vector.broadcast %lt3A_979 : i32 to vector<16xi32>
      %lt3A_981 = arith.cmpi slt, %sub3A_969, %lt3A_980 : vector<16xi32>
      %and3A_982 = arith.andi %and3A_978, %lt3A_981 : vector<16xi1>
      %jit3A_983 = arith.constant 8192 : i32
      %broadcast_in_dim3A_984 = vector.broadcast %jit3A_983 : i32 to vector<16xi32>
      %select_n3A_985 = arith.select %and3A_982, %sub3A_969, %broadcast_in_dim3A_984 : vector<16xi1>, vector<16xi32>
      %swap3A_986 = arith.constant 48 : index
      %swap3A_987 = tpu.vector_load %arg9[%swap3A_986] {strides = array<i32>} : memref<128xi32, #tpu.memory_space<vmem>>, vector<16xi32>,
      %swap3A_988 = vector.shape_cast %swap3A_987 : vector<16xi32> to vector<16xi32>
      %swap3A_989 = vector.shape_cast %select_n3A_985 : vector<16xi32> to vector<16xi32>
      tpu.vector_store %arg9[%swap3A_986], %swap3A_989 {strides = array<i32>} : memref<128xi32, #tpu.memory_space<vmem>>, vector<16xi32>,
      %add3A_990 = arith.constant 384 : i32
      %add3A_991 = arith.addi %multiple_of3A, %add3A_990 : i32
      %add3A_992 = arith.constant 64 : i32
      %add3A_993 = arith.addi %add3A_991, %add3A_992 : i32
      %add3A_994 = vector.broadcast %add3A_993 : i32 to vector<16xi32>
      %add3A_995 = arith.addi %add3A_994, %iota3A : vector<16xi32>
      %get3A_996 = arith.constant 448 : index
      %get3A_997 = tpu.vector_load %arg8[%get3A_996] {strides = array<i32>} : memref<1152xi32, #tpu.memory_space<vmem>>, vector<16xi32>,
      %get3A_998 = vector.shape_cast %get3A_997 : vector<16xi32> to vector<16xi32>
      %sub3A_999 = vector.broadcast %mul3A_763 : i32 to vector<16xi32>
      %sub3A_1000 = arith.subi %get3A_998, %sub3A_999 : vector<16xi32>
      %ge3A_1001 = vector.broadcast %add3A_546 : i32 to vector<16xi32>
      %ge3A_1002 = arith.cmpi sge, %add3A_995, %ge3A_1001 : vector<16xi32>
      %lt3A_1003 = vector.broadcast %add3A_574 : i32 to vector<16xi32>
      %lt3A_1004 = arith.cmpi slt, %add3A_995, %lt3A_1003 : vector<16xi32>
      %and3A_1005 = arith.andi %ge3A_1002, %lt3A_1004 : vector<16xi1>
      %ge3A_1006 = arith.constant 0 : i32
      %ge3A_1007 = vector.broadcast %ge3A_1006 : i32 to vector<16xi32>
      %ge3A_1008 = arith.cmpi sge, %sub3A_1000, %ge3A_1007 : vector<16xi32>
      %and3A_1009 = arith.andi %and3A_1005, %ge3A_1008 : vector<16xi1>
      %lt3A_1010 = arith.constant 8192 : i32
      %lt3A_1011 = vector.broadcast %lt3A_1010 : i32 to vector<16xi32>
      %lt3A_1012 = arith.cmpi slt, %sub3A_1000, %lt3A_1011 : vector<16xi32>
      %and3A_1013 = arith.andi %and3A_1009, %lt3A_1012 : vector<16xi1>
      %jit3A_1014 = arith.constant 8192 : i32
      %broadcast_in_dim3A_1015 = vector.broadcast %jit3A_1014 : i32 to vector<16xi32>
      %select_n3A_1016 = arith.select %and3A_1013, %sub3A_1000, %broadcast_in_dim3A_1015 : vector<16xi1>, vector<16xi32>
      %swap3A_1017 = arith.constant 64 : index
      %swap3A_1018 = tpu.vector_load %arg9[%swap3A_1017] {strides = array<i32>} : memref<128xi32, #tpu.memory_space<vmem>>, vector<16xi32>,
      %swap3A_1019 = vector.shape_cast %swap3A_1018 : vector<16xi32> to vector<16xi32>
      %swap3A_1020 = vector.shape_cast %select_n3A_1016 : vector<16xi32> to vector<16xi32>
      tpu.vector_store %arg9[%swap3A_1017], %swap3A_1020 {strides = array<i32>} : memref<128xi32, #tpu.memory_space<vmem>>, vector<16xi32>,
      %add3A_1021 = arith.constant 384 : i32
      %add3A_1022 = arith.addi %multiple_of3A, %add3A_1021 : i32
      %add3A_1023 = arith.constant 80 : i32
      %add3A_1024 = arith.addi %add3A_1022, %add3A_1023 : i32
      %add3A_1025 = vector.broadcast %add3A_1024 : i32 to vector<16xi32>
      %add3A_1026 = arith.addi %add3A_1025, %iota3A : vector<16xi32>
      %get3A_1027 = arith.constant 464 : index
      %get3A_1028 = tpu.vector_load %arg8[%get3A_1027] {strides = array<i32>} : memref<1152xi32, #tpu.memory_space<vmem>>, vector<16xi32>,
      %get3A_1029 = vector.shape_cast %get3A_1028 : vector<16xi32> to vector<16xi32>
      %sub3A_1030 = vector.broadcast %mul3A_763 : i32 to vector<16xi32>
      %sub3A_1031 = arith.subi %get3A_1029, %sub3A_1030 : vector<16xi32>
      %ge3A_1032 = vector.broadcast %add3A_546 : i32 to vector<16xi32>
      %ge3A_1033 = arith.cmpi sge, %add3A_1026, %ge3A_1032 : vector<16xi32>
      %lt3A_1034 = vector.broadcast %add3A_574 : i32 to vector<16xi32>
      %lt3A_1035 = arith.cmpi slt, %add3A_1026, %lt3A_1034 : vector<16xi32>
      %and3A_1036 = arith.andi %ge3A_1033, %lt3A_1035 : vector<16xi1>
      %ge3A_1037 = arith.constant 0 : i32
      %ge3A_1038 = vector.broadcast %ge3A_1037 : i32 to vector<16xi32>
      %ge3A_1039 = arith.cmpi sge, %sub3A_1031, %ge3A_1038 : vector<16xi32>
      %and3A_1040 = arith.andi %and3A_1036, %ge3A_1039 : vector<16xi1>
      %lt3A_1041 = arith.constant 8192 : i32
      %lt3A_1042 = vector.broadcast %lt3A_1041 : i32 to vector<16xi32>
      %lt3A_1043 = arith.cmpi slt, %sub3A_1031, %lt3A_1042 : vector<16xi32>
      %and3A_1044 = arith.andi %and3A_1040, %lt3A_1043 : vector<16xi1>
      %jit3A_1045 = arith.constant 8192 : i32
      %broadcast_in_dim3A_1046 = vector.broadcast %jit3A_1045 : i32 to vector<16xi32>
      %select_n3A_1047 = arith.select %and3A_1044, %sub3A_1031, %broadcast_in_dim3A_1046 : vector<16xi1>, vector<16xi32>
      %swap3A_1048 = arith.constant 80 : index
      %swap3A_1049 = tpu.vector_load %arg9[%swap3A_1048] {strides = array<i32>} : memref<128xi32, #tpu.memory_space<vmem>>, vector<16xi32>,
      %swap3A_1050 = vector.shape_cast %swap3A_1049 : vector<16xi32> to vector<16xi32>
      %swap3A_1051 = vector.shape_cast %select_n3A_1047 : vector<16xi32> to vector<16xi32>
      tpu.vector_store %arg9[%swap3A_1048], %swap3A_1051 {strides = array<i32>} : memref<128xi32, #tpu.memory_space<vmem>>, vector<16xi32>,
      %add3A_1052 = arith.constant 384 : i32
      %add3A_1053 = arith.addi %multiple_of3A, %add3A_1052 : i32
      %add3A_1054 = arith.constant 96 : i32
      %add3A_1055 = arith.addi %add3A_1053, %add3A_1054 : i32
      %add3A_1056 = vector.broadcast %add3A_1055 : i32 to vector<16xi32>
      %add3A_1057 = arith.addi %add3A_1056, %iota3A : vector<16xi32>
      %get3A_1058 = arith.constant 480 : index
      %get3A_1059 = tpu.vector_load %arg8[%get3A_1058] {strides = array<i32>} : memref<1152xi32, #tpu.memory_space<vmem>>, vector<16xi32>,
      %get3A_1060 = vector.shape_cast %get3A_1059 : vector<16xi32> to vector<16xi32>
      %sub3A_1061 = vector.broadcast %mul3A_763 : i32 to vector<16xi32>
      %sub3A_1062 = arith.subi %get3A_1060, %sub3A_1061 : vector<16xi32>
      %ge3A_1063 = vector.broadcast %add3A_546 : i32 to vector<16xi32>
      %ge3A_1064 = arith.cmpi sge, %add3A_1057, %ge3A_1063 : vector<16xi32>
      %lt3A_1065 = vector.broadcast %add3A_574 : i32 to vector<16xi32>
      %lt3A_1066 = arith.cmpi slt, %add3A_1057, %lt3A_1065 : vector<16xi32>
      %and3A_1067 = arith.andi %ge3A_1064, %lt3A_1066 : vector<16xi1>
      %ge3A_1068 = arith.constant 0 : i32
      %ge3A_1069 = vector.broadcast %ge3A_1068 : i32 to vector<16xi32>
      %ge3A_1070 = arith.cmpi sge, %sub3A_1062, %ge3A_1069 : vector<16xi32>
      %and3A_1071 = arith.andi %and3A_1067, %ge3A_1070 : vector<16xi1>
      %lt3A_1072 = arith.constant 8192 : i32
      %lt3A_1073 = vector.broadcast %lt3A_1072 : i32 to vector<16xi32>
      %lt3A_1074 = arith.cmpi slt, %sub3A_1062, %lt3A_1073 : vector<16xi32>
      %and3A_1075 = arith.andi %and3A_1071, %lt3A_1074 : vector<16xi1>
      %jit3A_1076 = arith.constant 8192 : i32
      %broadcast_in_dim3A_1077 = vector.broadcast %jit3A_1076 : i32 to vector<16xi32>
      %select_n3A_1078 = arith.select %and3A_1075, %sub3A_1062, %broadcast_in_dim3A_1077 : vector<16xi1>, vector<16xi32>
      %swap3A_1079 = arith.constant 96 : index
      %swap3A_1080 = tpu.vector_load %arg9[%swap3A_1079] {strides = array<i32>} : memref<128xi32, #tpu.memory_space<vmem>>, vector<16xi32>,
      %swap3A_1081 = vector.shape_cast %swap3A_1080 : vector<16xi32> to vector<16xi32>
      %swap3A_1082 = vector.shape_cast %select_n3A_1078 : vector<16xi32> to vector<16xi32>
      tpu.vector_store %arg9[%swap3A_1079], %swap3A_1082 {strides = array<i32>} : memref<128xi32, #tpu.memory_space<vmem>>, vector<16xi32>,
      %add3A_1083 = arith.constant 384 : i32
      %add3A_1084 = arith.addi %multiple_of3A, %add3A_1083 : i32
      %add3A_1085 = arith.constant 112 : i32
      %add3A_1086 = arith.addi %add3A_1084, %add3A_1085 : i32
      %add3A_1087 = vector.broadcast %add3A_1086 : i32 to vector<16xi32>
      %add3A_1088 = arith.addi %add3A_1087, %iota3A : vector<16xi32>
      %get3A_1089 = arith.constant 496 : index
      %get3A_1090 = tpu.vector_load %arg8[%get3A_1089] {strides = array<i32>} : memref<1152xi32, #tpu.memory_space<vmem>>, vector<16xi32>,
      %get3A_1091 = vector.shape_cast %get3A_1090 : vector<16xi32> to vector<16xi32>
      %sub3A_1092 = vector.broadcast %mul3A_763 : i32 to vector<16xi32>
      %sub3A_1093 = arith.subi %get3A_1091, %sub3A_1092 : vector<16xi32>
      %ge3A_1094 = vector.broadcast %add3A_546 : i32 to vector<16xi32>
      %ge3A_1095 = arith.cmpi sge, %add3A_1088, %ge3A_1094 : vector<16xi32>
      %lt3A_1096 = vector.broadcast %add3A_574 : i32 to vector<16xi32>
      %lt3A_1097 = arith.cmpi slt, %add3A_1088, %lt3A_1096 : vector<16xi32>
      %and3A_1098 = arith.andi %ge3A_1095, %lt3A_1097 : vector<16xi1>
      %ge3A_1099 = arith.constant 0 : i32
      %ge3A_1100 = vector.broadcast %ge3A_1099 : i32 to vector<16xi32>
      %ge3A_1101 = arith.cmpi sge, %sub3A_1093, %ge3A_1100 : vector<16xi32>
      %and3A_1102 = arith.andi %and3A_1098, %ge3A_1101 : vector<16xi1>
      %lt3A_1103 = arith.constant 8192 : i32
      %lt3A_1104 = vector.broadcast %lt3A_1103 : i32 to vector<16xi32>
      %lt3A_1105 = arith.cmpi slt, %sub3A_1093, %lt3A_1104 : vector<16xi32>
      %and3A_1106 = arith.andi %and3A_1102, %lt3A_1105 : vector<16xi1>
      %jit3A_1107 = arith.constant 8192 : i32
      %broadcast_in_dim3A_1108 = vector.broadcast %jit3A_1107 : i32 to vector<16xi32>
      %select_n3A_1109 = arith.select %and3A_1106, %sub3A_1093, %broadcast_in_dim3A_1108 : vector<16xi1>, vector<16xi32>
      %swap3A_1110 = arith.constant 112 : index
      %swap3A_1111 = tpu.vector_load %arg9[%swap3A_1110] {strides = array<i32>} : memref<128xi32, #tpu.memory_space<vmem>>, vector<16xi32>,
      %swap3A_1112 = vector.shape_cast %swap3A_1111 : vector<16xi32> to vector<16xi32>
      %swap3A_1113 = vector.shape_cast %select_n3A_1109 : vector<16xi32> to vector<16xi32>
      tpu.vector_store %arg9[%swap3A_1110], %swap3A_1113 {strides = array<i32>} : memref<128xi32, #tpu.memory_space<vmem>>, vector<16xi32>,
      %dma_wait3A_1114 = arith.constant 0 : i32
      %dma_wait3A_1115 = arith.constant 0 : i32
      %dma_wait3A_1116 = arith.constant 0 : i32
      %dma_wait3A_1117 = tpu.memref_slice %arg12[%dma_wait3A_1114, %dma_wait3A_1115, %dma_wait3A_1116] : memref<3x128x128xf32, #tpu.memory_space<vmem>> -> memref<1x128x128xf32, #tpu.memory_space<vmem>>
      %dma_wait3A_1118 = tpu.memref_squeeze %dma_wait3A_1117 : memref<1x128x128xf32, #tpu.memory_space<vmem>> -> memref<128x128xf32, #tpu.memory_space<vmem>>
      %dma_wait3A_1119 = arith.constant 384 : i32
      %dma_wait3A_1120 = tpu.memref_slice %arg7[%dma_wait3A_1119] : memref<1152xi32, #tpu.memory_space<vmem>> -> memref<128xi32, #tpu.memory_space<vmem>>
      %dma_wait3A_1121 = arith.constant 0 : i32
      %dma_wait3A_1122 = arith.constant 0 : i32
      %dma_wait3A_1123 = tpu.memref_slice %arg2[%dma_wait3A_1121, %dma_wait3A_1122] : memref<100000x128xf32, #tpu.memory_space<hbm>> -> memref<100000x128xf32, #tpu.memory_space<hbm>>
      tpu.wait_indirect_dma semaphore(%arg14 : memref<!tpu.dma_semaphore, #tpu.memory_space<semaphore_mem>>) src(%dma_wait3A_1123 : memref<100000x128xf32, #tpu.memory_space<hbm>>) dst(%dma_wait3A_1118 : memref<128x128xf32, #tpu.memory_space<vmem>>)
      %run_scoped3A = arith.constant 0 : i32
      "tpu.region"() ({
        %run_scoped3A_1124 = tpu.sem_alloc : memref<!tpu.dma_semaphore, #tpu.memory_space<semaphore_mem>>
        %dma_start3A_1125 = arith.constant 0 : i32
        %dma_start3A_1126 = arith.constant 0 : i32
        %dma_start3A_1127 = tpu.memref_slice %arg12[%run_scoped3A, %dma_start3A_1125, %dma_start3A_1126] : memref<3x128x128xf32, #tpu.memory_space<vmem>> -> memref<1x128x128xf32, #tpu.memory_space<vmem>>
        %dma_start3A_1128 = tpu.memref_squeeze %dma_start3A_1127 : memref<1x128x128xf32, #tpu.memory_space<vmem>> -> memref<128x128xf32, #tpu.memory_space<vmem>>
        %dma_start3A_1129 = arith.constant 0 : i32
        %dma_start3A_1130 = arith.constant 0 : i32
        %dma_start3A_1131 = tpu.memref_slice %arg13[%dma_start3A_1129, %dma_start3A_1130] : memref<8200x128xf32, #tpu.memory_space<vmem_shared>> -> memref<8200x128xf32, #tpu.memory_space<vmem_shared>>
        tpu.enqueue_indirect_dma source(%dma_start3A_1128 : memref<128x128xf32, #tpu.memory_space<vmem>>) target(%dma_start3A_1131 : memref<8200x128xf32, #tpu.memory_space<vmem_shared>>) offsets(%arg9 : memref<128xi32, #tpu.memory_space<vmem>>) semaphore(%run_scoped3A_1124 : memref<!tpu.dma_semaphore, #tpu.memory_space<semaphore_mem>>) {add = true}
        %dma_wait3A_1132 = arith.constant 0 : i32
        %dma_wait3A_1133 = arith.constant 0 : i32
        %dma_wait3A_1134 = tpu.memref_slice %arg12[%run_scoped3A, %dma_wait3A_1132, %dma_wait3A_1133] : memref<3x128x128xf32, #tpu.memory_space<vmem>> -> memref<1x128x128xf32, #tpu.memory_space<vmem>>
        %dma_wait3A_1135 = tpu.memref_squeeze %dma_wait3A_1134 : memref<1x128x128xf32, #tpu.memory_space<vmem>> -> memref<128x128xf32, #tpu.memory_space<vmem>>
        %dma_wait3A_1136 = arith.constant 0 : i32
        %dma_wait3A_1137 = arith.constant 0 : i32
        %dma_wait3A_1138 = tpu.memref_slice %arg13[%dma_wait3A_1136, %dma_wait3A_1137] : memref<8200x128xf32, #tpu.memory_space<vmem_shared>> -> memref<8200x128xf32, #tpu.memory_space<vmem_shared>>
        tpu.wait_indirect_dma semaphore(%run_scoped3A_1124 : memref<!tpu.dma_semaphore, #tpu.memory_space<semaphore_mem>>) src(%dma_wait3A_1135 : memref<128x128xf32, #tpu.memory_space<vmem>>) dst(%dma_wait3A_1138 : memref<8200x128xf32, #tpu.memory_space<vmem_shared>>)
        tpu.yield
      }) : () -> ()
    } else {
    }
    %add3A_812 = arith.constant 768 : i32
    %add3A_813 = arith.addi %multiple_of3A, %add3A_812 : i32
    %lt3A_814 = arith.cmpi slt, %add3A_813, %add3A_574 : i32
    %convert_element_type3A_815 = arith.extui %lt3A_814 : i1 to i32
    %cond3A_816 = arith.constant 0 : i32
    %cond3A_817 = arith.cmpi ne, %convert_element_type3A_815, %cond3A_816 : i32
    scf.if %cond3A_817 {
      %dma_start3A_868 = arith.constant 0 : i32
      %dma_start3A_869 = arith.constant 0 : i32
      %dma_start3A_870 = arith.constant 0 : i32
      %dma_start3A_871 = tpu.memref_slice %arg12[%dma_start3A_868, %dma_start3A_869, %dma_start3A_870] : memref<3x128x128xf32, #tpu.memory_space<vmem>> -> memref<1x128x128xf32, #tpu.memory_space<vmem>>
      %dma_start3A_872 = tpu.memref_squeeze %dma_start3A_871 : memref<1x128x128xf32, #tpu.memory_space<vmem>> -> memref<128x128xf32, #tpu.memory_space<vmem>>
      %dma_start3A_873 = arith.constant 768 : i32
      %dma_start3A_874 = tpu.memref_slice %arg7[%dma_start3A_873] : memref<1152xi32, #tpu.memory_space<vmem>> -> memref<128xi32, #tpu.memory_space<vmem>>
      %dma_start3A_875 = arith.constant 0 : i32
      %dma_start3A_876 = arith.constant 0 : i32
      %dma_start3A_877 = tpu.memref_slice %arg2[%dma_start3A_875, %dma_start3A_876] : memref<100000x128xf32, #tpu.memory_space<hbm>> -> memref<100000x128xf32, #tpu.memory_space<hbm>>
      tpu.enqueue_indirect_dma source(%dma_start3A_877 : memref<100000x128xf32, #tpu.memory_space<hbm>>) target(%dma_start3A_872 : memref<128x128xf32, #tpu.memory_space<vmem>>) offsets(%dma_start3A_874 : memref<128xi32, #tpu.memory_space<vmem>>) semaphore(%arg14 : memref<!tpu.dma_semaphore, #tpu.memory_space<semaphore_mem>>)
    } else {
    }
    %add3A_818 = arith.constant 512 : i32
    %add3A_819 = arith.addi %multiple_of3A, %add3A_818 : i32
    %lt3A_820 = arith.cmpi slt, %add3A_819, %add3A_574 : i32
    %convert_element_type3A_821 = arith.extui %lt3A_820 : i1 to i32
    %cond3A_822 = arith.constant 0 : i32
    %cond3A_823 = arith.cmpi ne, %convert_element_type3A_821, %cond3A_822 : i32
    scf.if %cond3A_823 {
      %add3A_868 = arith.constant 512 : i32
      %add3A_869 = arith.addi %multiple_of3A, %add3A_868 : i32
      %add3A_870 = arith.constant 0 : i32
      %add3A_871 = arith.addi %add3A_869, %add3A_870 : i32
      %add3A_872 = vector.broadcast %add3A_871 : i32 to vector<16xi32>
      %add3A_873 = arith.addi %add3A_872, %iota3A : vector<16xi32>
      %get3A_874 = arith.constant 512 : index
      %get3A_875 = tpu.vector_load %arg8[%get3A_874] {strides = array<i32>} : memref<1152xi32, #tpu.memory_space<vmem>>, vector<16xi32>,
      %get3A_876 = vector.shape_cast %get3A_875 : vector<16xi32> to vector<16xi32>
      %sub3A_877 = vector.broadcast %mul3A_763 : i32 to vector<16xi32>
      %sub3A_878 = arith.subi %get3A_876, %sub3A_877 : vector<16xi32>
      %ge3A = vector.broadcast %add3A_546 : i32 to vector<16xi32>
      %ge3A_879 = arith.cmpi sge, %add3A_873, %ge3A : vector<16xi32>
      %lt3A_880 = vector.broadcast %add3A_574 : i32 to vector<16xi32>
      %lt3A_881 = arith.cmpi slt, %add3A_873, %lt3A_880 : vector<16xi32>
      %and3A_882 = arith.andi %ge3A_879, %lt3A_881 : vector<16xi1>
      %ge3A_883 = arith.constant 0 : i32
      %ge3A_884 = vector.broadcast %ge3A_883 : i32 to vector<16xi32>
      %ge3A_885 = arith.cmpi sge, %sub3A_878, %ge3A_884 : vector<16xi32>
      %and3A_886 = arith.andi %and3A_882, %ge3A_885 : vector<16xi1>
      %lt3A_887 = arith.constant 8192 : i32
      %lt3A_888 = vector.broadcast %lt3A_887 : i32 to vector<16xi32>
      %lt3A_889 = arith.cmpi slt, %sub3A_878, %lt3A_888 : vector<16xi32>
      %and3A_890 = arith.andi %and3A_886, %lt3A_889 : vector<16xi1>
      %jit3A_891 = arith.constant 8192 : i32
      %broadcast_in_dim3A_892 = vector.broadcast %jit3A_891 : i32 to vector<16xi32>
      %select_n3A_893 = arith.select %and3A_890, %sub3A_878, %broadcast_in_dim3A_892 : vector<16xi1>, vector<16xi32>
      %swap3A = arith.constant 0 : index
      %swap3A_894 = tpu.vector_load %arg10[%swap3A] {strides = array<i32>} : memref<128xi32, #tpu.memory_space<vmem>>, vector<16xi32>,
      %swap3A_895 = vector.shape_cast %swap3A_894 : vector<16xi32> to vector<16xi32>
      %swap3A_896 = vector.shape_cast %select_n3A_893 : vector<16xi32> to vector<16xi32>
      tpu.vector_store %arg10[%swap3A], %swap3A_896 {strides = array<i32>} : memref<128xi32, #tpu.memory_space<vmem>>, vector<16xi32>,
      %add3A_897 = arith.constant 512 : i32
      %add3A_898 = arith.addi %multiple_of3A, %add3A_897 : i32
      %add3A_899 = arith.constant 16 : i32
      %add3A_900 = arith.addi %add3A_898, %add3A_899 : i32
      %add3A_901 = vector.broadcast %add3A_900 : i32 to vector<16xi32>
      %add3A_902 = arith.addi %add3A_901, %iota3A : vector<16xi32>
      %get3A_903 = arith.constant 528 : index
      %get3A_904 = tpu.vector_load %arg8[%get3A_903] {strides = array<i32>} : memref<1152xi32, #tpu.memory_space<vmem>>, vector<16xi32>,
      %get3A_905 = vector.shape_cast %get3A_904 : vector<16xi32> to vector<16xi32>
      %sub3A_906 = vector.broadcast %mul3A_763 : i32 to vector<16xi32>
      %sub3A_907 = arith.subi %get3A_905, %sub3A_906 : vector<16xi32>
      %ge3A_908 = vector.broadcast %add3A_546 : i32 to vector<16xi32>
      %ge3A_909 = arith.cmpi sge, %add3A_902, %ge3A_908 : vector<16xi32>
      %lt3A_910 = vector.broadcast %add3A_574 : i32 to vector<16xi32>
      %lt3A_911 = arith.cmpi slt, %add3A_902, %lt3A_910 : vector<16xi32>
      %and3A_912 = arith.andi %ge3A_909, %lt3A_911 : vector<16xi1>
      %ge3A_913 = arith.constant 0 : i32
      %ge3A_914 = vector.broadcast %ge3A_913 : i32 to vector<16xi32>
      %ge3A_915 = arith.cmpi sge, %sub3A_907, %ge3A_914 : vector<16xi32>
      %and3A_916 = arith.andi %and3A_912, %ge3A_915 : vector<16xi1>
      %lt3A_917 = arith.constant 8192 : i32
      %lt3A_918 = vector.broadcast %lt3A_917 : i32 to vector<16xi32>
      %lt3A_919 = arith.cmpi slt, %sub3A_907, %lt3A_918 : vector<16xi32>
      %and3A_920 = arith.andi %and3A_916, %lt3A_919 : vector<16xi1>
      %jit3A_921 = arith.constant 8192 : i32
      %broadcast_in_dim3A_922 = vector.broadcast %jit3A_921 : i32 to vector<16xi32>
      %select_n3A_923 = arith.select %and3A_920, %sub3A_907, %broadcast_in_dim3A_922 : vector<16xi1>, vector<16xi32>
      %swap3A_924 = arith.constant 16 : index
      %swap3A_925 = tpu.vector_load %arg10[%swap3A_924] {strides = array<i32>} : memref<128xi32, #tpu.memory_space<vmem>>, vector<16xi32>,
      %swap3A_926 = vector.shape_cast %swap3A_925 : vector<16xi32> to vector<16xi32>
      %swap3A_927 = vector.shape_cast %select_n3A_923 : vector<16xi32> to vector<16xi32>
      tpu.vector_store %arg10[%swap3A_924], %swap3A_927 {strides = array<i32>} : memref<128xi32, #tpu.memory_space<vmem>>, vector<16xi32>,
      %add3A_928 = arith.constant 512 : i32
      %add3A_929 = arith.addi %multiple_of3A, %add3A_928 : i32
      %add3A_930 = arith.constant 32 : i32
      %add3A_931 = arith.addi %add3A_929, %add3A_930 : i32
      %add3A_932 = vector.broadcast %add3A_931 : i32 to vector<16xi32>
      %add3A_933 = arith.addi %add3A_932, %iota3A : vector<16xi32>
      %get3A_934 = arith.constant 544 : index
      %get3A_935 = tpu.vector_load %arg8[%get3A_934] {strides = array<i32>} : memref<1152xi32, #tpu.memory_space<vmem>>, vector<16xi32>,
      %get3A_936 = vector.shape_cast %get3A_935 : vector<16xi32> to vector<16xi32>
      %sub3A_937 = vector.broadcast %mul3A_763 : i32 to vector<16xi32>
      %sub3A_938 = arith.subi %get3A_936, %sub3A_937 : vector<16xi32>
      %ge3A_939 = vector.broadcast %add3A_546 : i32 to vector<16xi32>
      %ge3A_940 = arith.cmpi sge, %add3A_933, %ge3A_939 : vector<16xi32>
      %lt3A_941 = vector.broadcast %add3A_574 : i32 to vector<16xi32>
      %lt3A_942 = arith.cmpi slt, %add3A_933, %lt3A_941 : vector<16xi32>
      %and3A_943 = arith.andi %ge3A_940, %lt3A_942 : vector<16xi1>
      %ge3A_944 = arith.constant 0 : i32
      %ge3A_945 = vector.broadcast %ge3A_944 : i32 to vector<16xi32>
      %ge3A_946 = arith.cmpi sge, %sub3A_938, %ge3A_945 : vector<16xi32>
      %and3A_947 = arith.andi %and3A_943, %ge3A_946 : vector<16xi1>
      %lt3A_948 = arith.constant 8192 : i32
      %lt3A_949 = vector.broadcast %lt3A_948 : i32 to vector<16xi32>
      %lt3A_950 = arith.cmpi slt, %sub3A_938, %lt3A_949 : vector<16xi32>
      %and3A_951 = arith.andi %and3A_947, %lt3A_950 : vector<16xi1>
      %jit3A_952 = arith.constant 8192 : i32
      %broadcast_in_dim3A_953 = vector.broadcast %jit3A_952 : i32 to vector<16xi32>
      %select_n3A_954 = arith.select %and3A_951, %sub3A_938, %broadcast_in_dim3A_953 : vector<16xi1>, vector<16xi32>
      %swap3A_955 = arith.constant 32 : index
      %swap3A_956 = tpu.vector_load %arg10[%swap3A_955] {strides = array<i32>} : memref<128xi32, #tpu.memory_space<vmem>>, vector<16xi32>,
      %swap3A_957 = vector.shape_cast %swap3A_956 : vector<16xi32> to vector<16xi32>
      %swap3A_958 = vector.shape_cast %select_n3A_954 : vector<16xi32> to vector<16xi32>
      tpu.vector_store %arg10[%swap3A_955], %swap3A_958 {strides = array<i32>} : memref<128xi32, #tpu.memory_space<vmem>>, vector<16xi32>,
      %add3A_959 = arith.constant 512 : i32
      %add3A_960 = arith.addi %multiple_of3A, %add3A_959 : i32
      %add3A_961 = arith.constant 48 : i32
      %add3A_962 = arith.addi %add3A_960, %add3A_961 : i32
      %add3A_963 = vector.broadcast %add3A_962 : i32 to vector<16xi32>
      %add3A_964 = arith.addi %add3A_963, %iota3A : vector<16xi32>
      %get3A_965 = arith.constant 560 : index
      %get3A_966 = tpu.vector_load %arg8[%get3A_965] {strides = array<i32>} : memref<1152xi32, #tpu.memory_space<vmem>>, vector<16xi32>,
      %get3A_967 = vector.shape_cast %get3A_966 : vector<16xi32> to vector<16xi32>
      %sub3A_968 = vector.broadcast %mul3A_763 : i32 to vector<16xi32>
      %sub3A_969 = arith.subi %get3A_967, %sub3A_968 : vector<16xi32>
      %ge3A_970 = vector.broadcast %add3A_546 : i32 to vector<16xi32>
      %ge3A_971 = arith.cmpi sge, %add3A_964, %ge3A_970 : vector<16xi32>
      %lt3A_972 = vector.broadcast %add3A_574 : i32 to vector<16xi32>
      %lt3A_973 = arith.cmpi slt, %add3A_964, %lt3A_972 : vector<16xi32>
      %and3A_974 = arith.andi %ge3A_971, %lt3A_973 : vector<16xi1>
      %ge3A_975 = arith.constant 0 : i32
      %ge3A_976 = vector.broadcast %ge3A_975 : i32 to vector<16xi32>
      %ge3A_977 = arith.cmpi sge, %sub3A_969, %ge3A_976 : vector<16xi32>
      %and3A_978 = arith.andi %and3A_974, %ge3A_977 : vector<16xi1>
      %lt3A_979 = arith.constant 8192 : i32
      %lt3A_980 = vector.broadcast %lt3A_979 : i32 to vector<16xi32>
      %lt3A_981 = arith.cmpi slt, %sub3A_969, %lt3A_980 : vector<16xi32>
      %and3A_982 = arith.andi %and3A_978, %lt3A_981 : vector<16xi1>
      %jit3A_983 = arith.constant 8192 : i32
      %broadcast_in_dim3A_984 = vector.broadcast %jit3A_983 : i32 to vector<16xi32>
      %select_n3A_985 = arith.select %and3A_982, %sub3A_969, %broadcast_in_dim3A_984 : vector<16xi1>, vector<16xi32>
      %swap3A_986 = arith.constant 48 : index
      %swap3A_987 = tpu.vector_load %arg10[%swap3A_986] {strides = array<i32>} : memref<128xi32, #tpu.memory_space<vmem>>, vector<16xi32>,
      %swap3A_988 = vector.shape_cast %swap3A_987 : vector<16xi32> to vector<16xi32>
      %swap3A_989 = vector.shape_cast %select_n3A_985 : vector<16xi32> to vector<16xi32>
      tpu.vector_store %arg10[%swap3A_986], %swap3A_989 {strides = array<i32>} : memref<128xi32, #tpu.memory_space<vmem>>, vector<16xi32>,
      %add3A_990 = arith.constant 512 : i32
      %add3A_991 = arith.addi %multiple_of3A, %add3A_990 : i32
      %add3A_992 = arith.constant 64 : i32
      %add3A_993 = arith.addi %add3A_991, %add3A_992 : i32
      %add3A_994 = vector.broadcast %add3A_993 : i32 to vector<16xi32>
      %add3A_995 = arith.addi %add3A_994, %iota3A : vector<16xi32>
      %get3A_996 = arith.constant 576 : index
      %get3A_997 = tpu.vector_load %arg8[%get3A_996] {strides = array<i32>} : memref<1152xi32, #tpu.memory_space<vmem>>, vector<16xi32>,
      %get3A_998 = vector.shape_cast %get3A_997 : vector<16xi32> to vector<16xi32>
      %sub3A_999 = vector.broadcast %mul3A_763 : i32 to vector<16xi32>
      %sub3A_1000 = arith.subi %get3A_998, %sub3A_999 : vector<16xi32>
      %ge3A_1001 = vector.broadcast %add3A_546 : i32 to vector<16xi32>
      %ge3A_1002 = arith.cmpi sge, %add3A_995, %ge3A_1001 : vector<16xi32>
      %lt3A_1003 = vector.broadcast %add3A_574 : i32 to vector<16xi32>
      %lt3A_1004 = arith.cmpi slt, %add3A_995, %lt3A_1003 : vector<16xi32>
      %and3A_1005 = arith.andi %ge3A_1002, %lt3A_1004 : vector<16xi1>
      %ge3A_1006 = arith.constant 0 : i32
      %ge3A_1007 = vector.broadcast %ge3A_1006 : i32 to vector<16xi32>
      %ge3A_1008 = arith.cmpi sge, %sub3A_1000, %ge3A_1007 : vector<16xi32>
      %and3A_1009 = arith.andi %and3A_1005, %ge3A_1008 : vector<16xi1>
      %lt3A_1010 = arith.constant 8192 : i32
      %lt3A_1011 = vector.broadcast %lt3A_1010 : i32 to vector<16xi32>
      %lt3A_1012 = arith.cmpi slt, %sub3A_1000, %lt3A_1011 : vector<16xi32>
      %and3A_1013 = arith.andi %and3A_1009, %lt3A_1012 : vector<16xi1>
      %jit3A_1014 = arith.constant 8192 : i32
      %broadcast_in_dim3A_1015 = vector.broadcast %jit3A_1014 : i32 to vector<16xi32>
      %select_n3A_1016 = arith.select %and3A_1013, %sub3A_1000, %broadcast_in_dim3A_1015 : vector<16xi1>, vector<16xi32>
      %swap3A_1017 = arith.constant 64 : index
      %swap3A_1018 = tpu.vector_load %arg10[%swap3A_1017] {strides = array<i32>} : memref<128xi32, #tpu.memory_space<vmem>>, vector<16xi32>,
      %swap3A_1019 = vector.shape_cast %swap3A_1018 : vector<16xi32> to vector<16xi32>
      %swap3A_1020 = vector.shape_cast %select_n3A_1016 : vector<16xi32> to vector<16xi32>
      tpu.vector_store %arg10[%swap3A_1017], %swap3A_1020 {strides = array<i32>} : memref<128xi32, #tpu.memory_space<vmem>>, vector<16xi32>,
      %add3A_1021 = arith.constant 512 : i32
      %add3A_1022 = arith.addi %multiple_of3A, %add3A_1021 : i32
      %add3A_1023 = arith.constant 80 : i32
      %add3A_1024 = arith.addi %add3A_1022, %add3A_1023 : i32
      %add3A_1025 = vector.broadcast %add3A_1024 : i32 to vector<16xi32>
      %add3A_1026 = arith.addi %add3A_1025, %iota3A : vector<16xi32>
      %get3A_1027 = arith.constant 592 : index
      %get3A_1028 = tpu.vector_load %arg8[%get3A_1027] {strides = array<i32>} : memref<1152xi32, #tpu.memory_space<vmem>>, vector<16xi32>,
      %get3A_1029 = vector.shape_cast %get3A_1028 : vector<16xi32> to vector<16xi32>
      %sub3A_1030 = vector.broadcast %mul3A_763 : i32 to vector<16xi32>
      %sub3A_1031 = arith.subi %get3A_1029, %sub3A_1030 : vector<16xi32>
      %ge3A_1032 = vector.broadcast %add3A_546 : i32 to vector<16xi32>
      %ge3A_1033 = arith.cmpi sge, %add3A_1026, %ge3A_1032 : vector<16xi32>
      %lt3A_1034 = vector.broadcast %add3A_574 : i32 to vector<16xi32>
      %lt3A_1035 = arith.cmpi slt, %add3A_1026, %lt3A_1034 : vector<16xi32>
      %and3A_1036 = arith.andi %ge3A_1033, %lt3A_1035 : vector<16xi1>
      %ge3A_1037 = arith.constant 0 : i32
      %ge3A_1038 = vector.broadcast %ge3A_1037 : i32 to vector<16xi32>
      %ge3A_1039 = arith.cmpi sge, %sub3A_1031, %ge3A_1038 : vector<16xi32>
      %and3A_1040 = arith.andi %and3A_1036, %ge3A_1039 : vector<16xi1>
      %lt3A_1041 = arith.constant 8192 : i32
      %lt3A_1042 = vector.broadcast %lt3A_1041 : i32 to vector<16xi32>
      %lt3A_1043 = arith.cmpi slt, %sub3A_1031, %lt3A_1042 : vector<16xi32>
      %and3A_1044 = arith.andi %and3A_1040, %lt3A_1043 : vector<16xi1>
      %jit3A_1045 = arith.constant 8192 : i32
      %broadcast_in_dim3A_1046 = vector.broadcast %jit3A_1045 : i32 to vector<16xi32>
      %select_n3A_1047 = arith.select %and3A_1044, %sub3A_1031, %broadcast_in_dim3A_1046 : vector<16xi1>, vector<16xi32>
      %swap3A_1048 = arith.constant 80 : index
      %swap3A_1049 = tpu.vector_load %arg10[%swap3A_1048] {strides = array<i32>} : memref<128xi32, #tpu.memory_space<vmem>>, vector<16xi32>,
      %swap3A_1050 = vector.shape_cast %swap3A_1049 : vector<16xi32> to vector<16xi32>
      %swap3A_1051 = vector.shape_cast %select_n3A_1047 : vector<16xi32> to vector<16xi32>
      tpu.vector_store %arg10[%swap3A_1048], %swap3A_1051 {strides = array<i32>} : memref<128xi32, #tpu.memory_space<vmem>>, vector<16xi32>,
      %add3A_1052 = arith.constant 512 : i32
      %add3A_1053 = arith.addi %multiple_of3A, %add3A_1052 : i32
      %add3A_1054 = arith.constant 96 : i32
      %add3A_1055 = arith.addi %add3A_1053, %add3A_1054 : i32
      %add3A_1056 = vector.broadcast %add3A_1055 : i32 to vector<16xi32>
      %add3A_1057 = arith.addi %add3A_1056, %iota3A : vector<16xi32>
      %get3A_1058 = arith.constant 608 : index
      %get3A_1059 = tpu.vector_load %arg8[%get3A_1058] {strides = array<i32>} : memref<1152xi32, #tpu.memory_space<vmem>>, vector<16xi32>,
      %get3A_1060 = vector.shape_cast %get3A_1059 : vector<16xi32> to vector<16xi32>
      %sub3A_1061 = vector.broadcast %mul3A_763 : i32 to vector<16xi32>
      %sub3A_1062 = arith.subi %get3A_1060, %sub3A_1061 : vector<16xi32>
      %ge3A_1063 = vector.broadcast %add3A_546 : i32 to vector<16xi32>
      %ge3A_1064 = arith.cmpi sge, %add3A_1057, %ge3A_1063 : vector<16xi32>
      %lt3A_1065 = vector.broadcast %add3A_574 : i32 to vector<16xi32>
      %lt3A_1066 = arith.cmpi slt, %add3A_1057, %lt3A_1065 : vector<16xi32>
      %and3A_1067 = arith.andi %ge3A_1064, %lt3A_1066 : vector<16xi1>
      %ge3A_1068 = arith.constant 0 : i32
      %ge3A_1069 = vector.broadcast %ge3A_1068 : i32 to vector<16xi32>
      %ge3A_1070 = arith.cmpi sge, %sub3A_1062, %ge3A_1069 : vector<16xi32>
      %and3A_1071 = arith.andi %and3A_1067, %ge3A_1070 : vector<16xi1>
      %lt3A_1072 = arith.constant 8192 : i32
      %lt3A_1073 = vector.broadcast %lt3A_1072 : i32 to vector<16xi32>
      %lt3A_1074 = arith.cmpi slt, %sub3A_1062, %lt3A_1073 : vector<16xi32>
      %and3A_1075 = arith.andi %and3A_1071, %lt3A_1074 : vector<16xi1>
      %jit3A_1076 = arith.constant 8192 : i32
      %broadcast_in_dim3A_1077 = vector.broadcast %jit3A_1076 : i32 to vector<16xi32>
      %select_n3A_1078 = arith.select %and3A_1075, %sub3A_1062, %broadcast_in_dim3A_1077 : vector<16xi1>, vector<16xi32>
      %swap3A_1079 = arith.constant 96 : index
      %swap3A_1080 = tpu.vector_load %arg10[%swap3A_1079] {strides = array<i32>} : memref<128xi32, #tpu.memory_space<vmem>>, vector<16xi32>,
      %swap3A_1081 = vector.shape_cast %swap3A_1080 : vector<16xi32> to vector<16xi32>
      %swap3A_1082 = vector.shape_cast %select_n3A_1078 : vector<16xi32> to vector<16xi32>
      tpu.vector_store %arg10[%swap3A_1079], %swap3A_1082 {strides = array<i32>} : memref<128xi32, #tpu.memory_space<vmem>>, vector<16xi32>,
      %add3A_1083 = arith.constant 512 : i32
      %add3A_1084 = arith.addi %multiple_of3A, %add3A_1083 : i32
      %add3A_1085 = arith.constant 112 : i32
      %add3A_1086 = arith.addi %add3A_1084, %add3A_1085 : i32
      %add3A_1087 = vector.broadcast %add3A_1086 : i32 to vector<16xi32>
      %add3A_1088 = arith.addi %add3A_1087, %iota3A : vector<16xi32>
      %get3A_1089 = arith.constant 624 : index
      %get3A_1090 = tpu.vector_load %arg8[%get3A_1089] {strides = array<i32>} : memref<1152xi32, #tpu.memory_space<vmem>>, vector<16xi32>,
      %get3A_1091 = vector.shape_cast %get3A_1090 : vector<16xi32> to vector<16xi32>
      %sub3A_1092 = vector.broadcast %mul3A_763 : i32 to vector<16xi32>
      %sub3A_1093 = arith.subi %get3A_1091, %sub3A_1092 : vector<16xi32>
      %ge3A_1094 = vector.broadcast %add3A_546 : i32 to vector<16xi32>
      %ge3A_1095 = arith.cmpi sge, %add3A_1088, %ge3A_1094 : vector<16xi32>
      %lt3A_1096 = vector.broadcast %add3A_574 : i32 to vector<16xi32>
      %lt3A_1097 = arith.cmpi slt, %add3A_1088, %lt3A_1096 : vector<16xi32>
      %and3A_1098 = arith.andi %ge3A_1095, %lt3A_1097 : vector<16xi1>
      %ge3A_1099 = arith.constant 0 : i32
      %ge3A_1100 = vector.broadcast %ge3A_1099 : i32 to vector<16xi32>
      %ge3A_1101 = arith.cmpi sge, %sub3A_1093, %ge3A_1100 : vector<16xi32>
      %and3A_1102 = arith.andi %and3A_1098, %ge3A_1101 : vector<16xi1>
      %lt3A_1103 = arith.constant 8192 : i32
      %lt3A_1104 = vector.broadcast %lt3A_1103 : i32 to vector<16xi32>
      %lt3A_1105 = arith.cmpi slt, %sub3A_1093, %lt3A_1104 : vector<16xi32>
      %and3A_1106 = arith.andi %and3A_1102, %lt3A_1105 : vector<16xi1>
      %jit3A_1107 = arith.constant 8192 : i32
      %broadcast_in_dim3A_1108 = vector.broadcast %jit3A_1107 : i32 to vector<16xi32>
      %select_n3A_1109 = arith.select %and3A_1106, %sub3A_1093, %broadcast_in_dim3A_1108 : vector<16xi1>, vector<16xi32>
      %swap3A_1110 = arith.constant 112 : index
      %swap3A_1111 = tpu.vector_load %arg10[%swap3A_1110] {strides = array<i32>} : memref<128xi32, #tpu.memory_space<vmem>>, vector<16xi32>,
      %swap3A_1112 = vector.shape_cast %swap3A_1111 : vector<16xi32> to vector<16xi32>
      %swap3A_1113 = vector.shape_cast %select_n3A_1109 : vector<16xi32> to vector<16xi32>
      tpu.vector_store %arg10[%swap3A_1110], %swap3A_1113 {strides = array<i32>} : memref<128xi32, #tpu.memory_space<vmem>>, vector<16xi32>,
      %dma_wait3A_1114 = arith.constant 1 : i32
      %dma_wait3A_1115 = arith.constant 0 : i32
      %dma_wait3A_1116 = arith.constant 0 : i32
      %dma_wait3A_1117 = tpu.memref_slice %arg12[%dma_wait3A_1114, %dma_wait3A_1115, %dma_wait3A_1116] : memref<3x128x128xf32, #tpu.memory_space<vmem>> -> memref<1x128x128xf32, #tpu.memory_space<vmem>>
      %dma_wait3A_1118 = tpu.memref_squeeze %dma_wait3A_1117 : memref<1x128x128xf32, #tpu.memory_space<vmem>> -> memref<128x128xf32, #tpu.memory_space<vmem>>
      %dma_wait3A_1119 = arith.constant 512 : i32
      %dma_wait3A_1120 = tpu.memref_slice %arg7[%dma_wait3A_1119] : memref<1152xi32, #tpu.memory_space<vmem>> -> memref<128xi32, #tpu.memory_space<vmem>>
      %dma_wait3A_1121 = arith.constant 0 : i32
      %dma_wait3A_1122 = arith.constant 0 : i32
      %dma_wait3A_1123 = tpu.memref_slice %arg2[%dma_wait3A_1121, %dma_wait3A_1122] : memref<100000x128xf32, #tpu.memory_space<hbm>> -> memref<100000x128xf32, #tpu.memory_space<hbm>>
      tpu.wait_indirect_dma semaphore(%arg15 : memref<!tpu.dma_semaphore, #tpu.memory_space<semaphore_mem>>) src(%dma_wait3A_1123 : memref<100000x128xf32, #tpu.memory_space<hbm>>) dst(%dma_wait3A_1118 : memref<128x128xf32, #tpu.memory_space<vmem>>)
      %run_scoped3A = arith.constant 1 : i32
      "tpu.region"() ({
        %run_scoped3A_1124 = tpu.sem_alloc : memref<!tpu.dma_semaphore, #tpu.memory_space<semaphore_mem>>
        %dma_start3A_1125 = arith.constant 0 : i32
        %dma_start3A_1126 = arith.constant 0 : i32
        %dma_start3A_1127 = tpu.memref_slice %arg12[%run_scoped3A, %dma_start3A_1125, %dma_start3A_1126] : memref<3x128x128xf32, #tpu.memory_space<vmem>> -> memref<1x128x128xf32, #tpu.memory_space<vmem>>
        %dma_start3A_1128 = tpu.memref_squeeze %dma_start3A_1127 : memref<1x128x128xf32, #tpu.memory_space<vmem>> -> memref<128x128xf32, #tpu.memory_space<vmem>>
        %dma_start3A_1129 = arith.constant 0 : i32
        %dma_start3A_1130 = arith.constant 0 : i32
        %dma_start3A_1131 = tpu.memref_slice %arg13[%dma_start3A_1129, %dma_start3A_1130] : memref<8200x128xf32, #tpu.memory_space<vmem_shared>> -> memref<8200x128xf32, #tpu.memory_space<vmem_shared>>
        tpu.enqueue_indirect_dma source(%dma_start3A_1128 : memref<128x128xf32, #tpu.memory_space<vmem>>) target(%dma_start3A_1131 : memref<8200x128xf32, #tpu.memory_space<vmem_shared>>) offsets(%arg10 : memref<128xi32, #tpu.memory_space<vmem>>) semaphore(%run_scoped3A_1124 : memref<!tpu.dma_semaphore, #tpu.memory_space<semaphore_mem>>) {add = true}
        %dma_wait3A_1132 = arith.constant 0 : i32
        %dma_wait3A_1133 = arith.constant 0 : i32
        %dma_wait3A_1134 = tpu.memref_slice %arg12[%run_scoped3A, %dma_wait3A_1132, %dma_wait3A_1133] : memref<3x128x128xf32, #tpu.memory_space<vmem>> -> memref<1x128x128xf32, #tpu.memory_space<vmem>>
        %dma_wait3A_1135 = tpu.memref_squeeze %dma_wait3A_1134 : memref<1x128x128xf32, #tpu.memory_space<vmem>> -> memref<128x128xf32, #tpu.memory_space<vmem>>
        %dma_wait3A_1136 = arith.constant 0 : i32
        %dma_wait3A_1137 = arith.constant 0 : i32
        %dma_wait3A_1138 = tpu.memref_slice %arg13[%dma_wait3A_1136, %dma_wait3A_1137] : memref<8200x128xf32, #tpu.memory_space<vmem_shared>> -> memref<8200x128xf32, #tpu.memory_space<vmem_shared>>
        tpu.wait_indirect_dma semaphore(%run_scoped3A_1124 : memref<!tpu.dma_semaphore, #tpu.memory_space<semaphore_mem>>) src(%dma_wait3A_1135 : memref<128x128xf32, #tpu.memory_space<vmem>>) dst(%dma_wait3A_1138 : memref<8200x128xf32, #tpu.memory_space<vmem_shared>>)
        tpu.yield
      }) : () -> ()
    } else {
    }
    %add3A_824 = arith.constant 896 : i32
    %add3A_825 = arith.addi %multiple_of3A, %add3A_824 : i32
    %lt3A_826 = arith.cmpi slt, %add3A_825, %add3A_574 : i32
    %convert_element_type3A_827 = arith.extui %lt3A_826 : i1 to i32
    %cond3A_828 = arith.constant 0 : i32
    %cond3A_829 = arith.cmpi ne, %convert_element_type3A_827, %cond3A_828 : i32
    scf.if %cond3A_829 {
      %dma_start3A_868 = arith.constant 1 : i32
      %dma_start3A_869 = arith.constant 0 : i32
      %dma_start3A_870 = arith.constant 0 : i32
      %dma_start3A_871 = tpu.memref_slice %arg12[%dma_start3A_868, %dma_start3A_869, %dma_start3A_870] : memref<3x128x128xf32, #tpu.memory_space<vmem>> -> memref<1x128x128xf32, #tpu.memory_space<vmem>>
      %dma_start3A_872 = tpu.memref_squeeze %dma_start3A_871 : memref<1x128x128xf32, #tpu.memory_space<vmem>> -> memref<128x128xf32, #tpu.memory_space<vmem>>
      %dma_start3A_873 = arith.constant 896 : i32
      %dma_start3A_874 = tpu.memref_slice %arg7[%dma_start3A_873] : memref<1152xi32, #tpu.memory_space<vmem>> -> memref<128xi32, #tpu.memory_space<vmem>>
      %dma_start3A_875 = arith.constant 0 : i32
      %dma_start3A_876 = arith.constant 0 : i32
      %dma_start3A_877 = tpu.memref_slice %arg2[%dma_start3A_875, %dma_start3A_876] : memref<100000x128xf32, #tpu.memory_space<hbm>> -> memref<100000x128xf32, #tpu.memory_space<hbm>>
      tpu.enqueue_indirect_dma source(%dma_start3A_877 : memref<100000x128xf32, #tpu.memory_space<hbm>>) target(%dma_start3A_872 : memref<128x128xf32, #tpu.memory_space<vmem>>) offsets(%dma_start3A_874 : memref<128xi32, #tpu.memory_space<vmem>>) semaphore(%arg15 : memref<!tpu.dma_semaphore, #tpu.memory_space<semaphore_mem>>)
    } else {
    }
    %add3A_830 = arith.constant 640 : i32
    %add3A_831 = arith.addi %multiple_of3A, %add3A_830 : i32
    %lt3A_832 = arith.cmpi slt, %add3A_831, %add3A_574 : i32
    %convert_element_type3A_833 = arith.extui %lt3A_832 : i1 to i32
    %cond3A_834 = arith.constant 0 : i32
    %cond3A_835 = arith.cmpi ne, %convert_element_type3A_833, %cond3A_834 : i32
    scf.if %cond3A_835 {
      %add3A_868 = arith.constant 640 : i32
      %add3A_869 = arith.addi %multiple_of3A, %add3A_868 : i32
      %add3A_870 = arith.constant 0 : i32
      %add3A_871 = arith.addi %add3A_869, %add3A_870 : i32
      %add3A_872 = vector.broadcast %add3A_871 : i32 to vector<16xi32>
      %add3A_873 = arith.addi %add3A_872, %iota3A : vector<16xi32>
      %get3A_874 = arith.constant 640 : index
      %get3A_875 = tpu.vector_load %arg8[%get3A_874] {strides = array<i32>} : memref<1152xi32, #tpu.memory_space<vmem>>, vector<16xi32>,
      %get3A_876 = vector.shape_cast %get3A_875 : vector<16xi32> to vector<16xi32>
      %sub3A_877 = vector.broadcast %mul3A_763 : i32 to vector<16xi32>
      %sub3A_878 = arith.subi %get3A_876, %sub3A_877 : vector<16xi32>
      %ge3A = vector.broadcast %add3A_546 : i32 to vector<16xi32>
      %ge3A_879 = arith.cmpi sge, %add3A_873, %ge3A : vector<16xi32>
      %lt3A_880 = vector.broadcast %add3A_574 : i32 to vector<16xi32>
      %lt3A_881 = arith.cmpi slt, %add3A_873, %lt3A_880 : vector<16xi32>
      %and3A_882 = arith.andi %ge3A_879, %lt3A_881 : vector<16xi1>
      %ge3A_883 = arith.constant 0 : i32
      %ge3A_884 = vector.broadcast %ge3A_883 : i32 to vector<16xi32>
      %ge3A_885 = arith.cmpi sge, %sub3A_878, %ge3A_884 : vector<16xi32>
      %and3A_886 = arith.andi %and3A_882, %ge3A_885 : vector<16xi1>
      %lt3A_887 = arith.constant 8192 : i32
      %lt3A_888 = vector.broadcast %lt3A_887 : i32 to vector<16xi32>
      %lt3A_889 = arith.cmpi slt, %sub3A_878, %lt3A_888 : vector<16xi32>
      %and3A_890 = arith.andi %and3A_886, %lt3A_889 : vector<16xi1>
      %jit3A_891 = arith.constant 8192 : i32
      %broadcast_in_dim3A_892 = vector.broadcast %jit3A_891 : i32 to vector<16xi32>
      %select_n3A_893 = arith.select %and3A_890, %sub3A_878, %broadcast_in_dim3A_892 : vector<16xi1>, vector<16xi32>
      %swap3A = arith.constant 0 : index
      %swap3A_894 = tpu.vector_load %arg11[%swap3A] {strides = array<i32>} : memref<128xi32, #tpu.memory_space<vmem>>, vector<16xi32>,
      %swap3A_895 = vector.shape_cast %swap3A_894 : vector<16xi32> to vector<16xi32>
      %swap3A_896 = vector.shape_cast %select_n3A_893 : vector<16xi32> to vector<16xi32>
      tpu.vector_store %arg11[%swap3A], %swap3A_896 {strides = array<i32>} : memref<128xi32, #tpu.memory_space<vmem>>, vector<16xi32>,
      %add3A_897 = arith.constant 640 : i32
      %add3A_898 = arith.addi %multiple_of3A, %add3A_897 : i32
      %add3A_899 = arith.constant 16 : i32
      %add3A_900 = arith.addi %add3A_898, %add3A_899 : i32
      %add3A_901 = vector.broadcast %add3A_900 : i32 to vector<16xi32>
      %add3A_902 = arith.addi %add3A_901, %iota3A : vector<16xi32>
      %get3A_903 = arith.constant 656 : index
      %get3A_904 = tpu.vector_load %arg8[%get3A_903] {strides = array<i32>} : memref<1152xi32, #tpu.memory_space<vmem>>, vector<16xi32>,
      %get3A_905 = vector.shape_cast %get3A_904 : vector<16xi32> to vector<16xi32>
      %sub3A_906 = vector.broadcast %mul3A_763 : i32 to vector<16xi32>
      %sub3A_907 = arith.subi %get3A_905, %sub3A_906 : vector<16xi32>
      %ge3A_908 = vector.broadcast %add3A_546 : i32 to vector<16xi32>
      %ge3A_909 = arith.cmpi sge, %add3A_902, %ge3A_908 : vector<16xi32>
      %lt3A_910 = vector.broadcast %add3A_574 : i32 to vector<16xi32>
      %lt3A_911 = arith.cmpi slt, %add3A_902, %lt3A_910 : vector<16xi32>
      %and3A_912 = arith.andi %ge3A_909, %lt3A_911 : vector<16xi1>
      %ge3A_913 = arith.constant 0 : i32
      %ge3A_914 = vector.broadcast %ge3A_913 : i32 to vector<16xi32>
      %ge3A_915 = arith.cmpi sge, %sub3A_907, %ge3A_914 : vector<16xi32>
      %and3A_916 = arith.andi %and3A_912, %ge3A_915 : vector<16xi1>
      %lt3A_917 = arith.constant 8192 : i32
      %lt3A_918 = vector.broadcast %lt3A_917 : i32 to vector<16xi32>
      %lt3A_919 = arith.cmpi slt, %sub3A_907, %lt3A_918 : vector<16xi32>
      %and3A_920 = arith.andi %and3A_916, %lt3A_919 : vector<16xi1>
      %jit3A_921 = arith.constant 8192 : i32
      %broadcast_in_dim3A_922 = vector.broadcast %jit3A_921 : i32 to vector<16xi32>
      %select_n3A_923 = arith.select %and3A_920, %sub3A_907, %broadcast_in_dim3A_922 : vector<16xi1>, vector<16xi32>
      %swap3A_924 = arith.constant 16 : index
      %swap3A_925 = tpu.vector_load %arg11[%swap3A_924] {strides = array<i32>} : memref<128xi32, #tpu.memory_space<vmem>>, vector<16xi32>,
      %swap3A_926 = vector.shape_cast %swap3A_925 : vector<16xi32> to vector<16xi32>
      %swap3A_927 = vector.shape_cast %select_n3A_923 : vector<16xi32> to vector<16xi32>
      tpu.vector_store %arg11[%swap3A_924], %swap3A_927 {strides = array<i32>} : memref<128xi32, #tpu.memory_space<vmem>>, vector<16xi32>,
      %add3A_928 = arith.constant 640 : i32
      %add3A_929 = arith.addi %multiple_of3A, %add3A_928 : i32
      %add3A_930 = arith.constant 32 : i32
      %add3A_931 = arith.addi %add3A_929, %add3A_930 : i32
      %add3A_932 = vector.broadcast %add3A_931 : i32 to vector<16xi32>
      %add3A_933 = arith.addi %add3A_932, %iota3A : vector<16xi32>
      %get3A_934 = arith.constant 672 : index
      %get3A_935 = tpu.vector_load %arg8[%get3A_934] {strides = array<i32>} : memref<1152xi32, #tpu.memory_space<vmem>>, vector<16xi32>,
      %get3A_936 = vector.shape_cast %get3A_935 : vector<16xi32> to vector<16xi32>
      %sub3A_937 = vector.broadcast %mul3A_763 : i32 to vector<16xi32>
      %sub3A_938 = arith.subi %get3A_936, %sub3A_937 : vector<16xi32>
      %ge3A_939 = vector.broadcast %add3A_546 : i32 to vector<16xi32>
      %ge3A_940 = arith.cmpi sge, %add3A_933, %ge3A_939 : vector<16xi32>
      %lt3A_941 = vector.broadcast %add3A_574 : i32 to vector<16xi32>
      %lt3A_942 = arith.cmpi slt, %add3A_933, %lt3A_941 : vector<16xi32>
      %and3A_943 = arith.andi %ge3A_940, %lt3A_942 : vector<16xi1>
      %ge3A_944 = arith.constant 0 : i32
      %ge3A_945 = vector.broadcast %ge3A_944 : i32 to vector<16xi32>
      %ge3A_946 = arith.cmpi sge, %sub3A_938, %ge3A_945 : vector<16xi32>
      %and3A_947 = arith.andi %and3A_943, %ge3A_946 : vector<16xi1>
      %lt3A_948 = arith.constant 8192 : i32
      %lt3A_949 = vector.broadcast %lt3A_948 : i32 to vector<16xi32>
      %lt3A_950 = arith.cmpi slt, %sub3A_938, %lt3A_949 : vector<16xi32>
      %and3A_951 = arith.andi %and3A_947, %lt3A_950 : vector<16xi1>
      %jit3A_952 = arith.constant 8192 : i32
      %broadcast_in_dim3A_953 = vector.broadcast %jit3A_952 : i32 to vector<16xi32>
      %select_n3A_954 = arith.select %and3A_951, %sub3A_938, %broadcast_in_dim3A_953 : vector<16xi1>, vector<16xi32>
      %swap3A_955 = arith.constant 32 : index
      %swap3A_956 = tpu.vector_load %arg11[%swap3A_955] {strides = array<i32>} : memref<128xi32, #tpu.memory_space<vmem>>, vector<16xi32>,
      %swap3A_957 = vector.shape_cast %swap3A_956 : vector<16xi32> to vector<16xi32>
      %swap3A_958 = vector.shape_cast %select_n3A_954 : vector<16xi32> to vector<16xi32>
      tpu.vector_store %arg11[%swap3A_955], %swap3A_958 {strides = array<i32>} : memref<128xi32, #tpu.memory_space<vmem>>, vector<16xi32>,
      %add3A_959 = arith.constant 640 : i32
      %add3A_960 = arith.addi %multiple_of3A, %add3A_959 : i32
      %add3A_961 = arith.constant 48 : i32
      %add3A_962 = arith.addi %add3A_960, %add3A_961 : i32
      %add3A_963 = vector.broadcast %add3A_962 : i32 to vector<16xi32>
      %add3A_964 = arith.addi %add3A_963, %iota3A : vector<16xi32>
      %get3A_965 = arith.constant 688 : index
      %get3A_966 = tpu.vector_load %arg8[%get3A_965] {strides = array<i32>} : memref<1152xi32, #tpu.memory_space<vmem>>, vector<16xi32>,
      %get3A_967 = vector.shape_cast %get3A_966 : vector<16xi32> to vector<16xi32>
      %sub3A_968 = vector.broadcast %mul3A_763 : i32 to vector<16xi32>
      %sub3A_969 = arith.subi %get3A_967, %sub3A_968 : vector<16xi32>
      %ge3A_970 = vector.broadcast %add3A_546 : i32 to vector<16xi32>
      %ge3A_971 = arith.cmpi sge, %add3A_964, %ge3A_970 : vector<16xi32>
      %lt3A_972 = vector.broadcast %add3A_574 : i32 to vector<16xi32>
      %lt3A_973 = arith.cmpi slt, %add3A_964, %lt3A_972 : vector<16xi32>
      %and3A_974 = arith.andi %ge3A_971, %lt3A_973 : vector<16xi1>
      %ge3A_975 = arith.constant 0 : i32
      %ge3A_976 = vector.broadcast %ge3A_975 : i32 to vector<16xi32>
      %ge3A_977 = arith.cmpi sge, %sub3A_969, %ge3A_976 : vector<16xi32>
      %and3A_978 = arith.andi %and3A_974, %ge3A_977 : vector<16xi1>
      %lt3A_979 = arith.constant 8192 : i32
      %lt3A_980 = vector.broadcast %lt3A_979 : i32 to vector<16xi32>
      %lt3A_981 = arith.cmpi slt, %sub3A_969, %lt3A_980 : vector<16xi32>
      %and3A_982 = arith.andi %and3A_978, %lt3A_981 : vector<16xi1>
      %jit3A_983 = arith.constant 8192 : i32
      %broadcast_in_dim3A_984 = vector.broadcast %jit3A_983 : i32 to vector<16xi32>
      %select_n3A_985 = arith.select %and3A_982, %sub3A_969, %broadcast_in_dim3A_984 : vector<16xi1>, vector<16xi32>
      %swap3A_986 = arith.constant 48 : index
      %swap3A_987 = tpu.vector_load %arg11[%swap3A_986] {strides = array<i32>} : memref<128xi32, #tpu.memory_space<vmem>>, vector<16xi32>,
      %swap3A_988 = vector.shape_cast %swap3A_987 : vector<16xi32> to vector<16xi32>
      %swap3A_989 = vector.shape_cast %select_n3A_985 : vector<16xi32> to vector<16xi32>
      tpu.vector_store %arg11[%swap3A_986], %swap3A_989 {strides = array<i32>} : memref<128xi32, #tpu.memory_space<vmem>>, vector<16xi32>,
      %add3A_990 = arith.constant 640 : i32
      %add3A_991 = arith.addi %multiple_of3A, %add3A_990 : i32
      %add3A_992 = arith.constant 64 : i32
      %add3A_993 = arith.addi %add3A_991, %add3A_992 : i32
      %add3A_994 = vector.broadcast %add3A_993 : i32 to vector<16xi32>
      %add3A_995 = arith.addi %add3A_994, %iota3A : vector<16xi32>
      %get3A_996 = arith.constant 704 : index
      %get3A_997 = tpu.vector_load %arg8[%get3A_996] {strides = array<i32>} : memref<1152xi32, #tpu.memory_space<vmem>>, vector<16xi32>,
      %get3A_998 = vector.shape_cast %get3A_997 : vector<16xi32> to vector<16xi32>
      %sub3A_999 = vector.broadcast %mul3A_763 : i32 to vector<16xi32>
      %sub3A_1000 = arith.subi %get3A_998, %sub3A_999 : vector<16xi32>
      %ge3A_1001 = vector.broadcast %add3A_546 : i32 to vector<16xi32>
      %ge3A_1002 = arith.cmpi sge, %add3A_995, %ge3A_1001 : vector<16xi32>
      %lt3A_1003 = vector.broadcast %add3A_574 : i32 to vector<16xi32>
      %lt3A_1004 = arith.cmpi slt, %add3A_995, %lt3A_1003 : vector<16xi32>
      %and3A_1005 = arith.andi %ge3A_1002, %lt3A_1004 : vector<16xi1>
      %ge3A_1006 = arith.constant 0 : i32
      %ge3A_1007 = vector.broadcast %ge3A_1006 : i32 to vector<16xi32>
      %ge3A_1008 = arith.cmpi sge, %sub3A_1000, %ge3A_1007 : vector<16xi32>
      %and3A_1009 = arith.andi %and3A_1005, %ge3A_1008 : vector<16xi1>
      %lt3A_1010 = arith.constant 8192 : i32
      %lt3A_1011 = vector.broadcast %lt3A_1010 : i32 to vector<16xi32>
      %lt3A_1012 = arith.cmpi slt, %sub3A_1000, %lt3A_1011 : vector<16xi32>
      %and3A_1013 = arith.andi %and3A_1009, %lt3A_1012 : vector<16xi1>
      %jit3A_1014 = arith.constant 8192 : i32
      %broadcast_in_dim3A_1015 = vector.broadcast %jit3A_1014 : i32 to vector<16xi32>
      %select_n3A_1016 = arith.select %and3A_1013, %sub3A_1000, %broadcast_in_dim3A_1015 : vector<16xi1>, vector<16xi32>
      %swap3A_1017 = arith.constant 64 : index
      %swap3A_1018 = tpu.vector_load %arg11[%swap3A_1017] {strides = array<i32>} : memref<128xi32, #tpu.memory_space<vmem>>, vector<16xi32>,
      %swap3A_1019 = vector.shape_cast %swap3A_1018 : vector<16xi32> to vector<16xi32>
      %swap3A_1020 = vector.shape_cast %select_n3A_1016 : vector<16xi32> to vector<16xi32>
      tpu.vector_store %arg11[%swap3A_1017], %swap3A_1020 {strides = array<i32>} : memref<128xi32, #tpu.memory_space<vmem>>, vector<16xi32>,
      %add3A_1021 = arith.constant 640 : i32
      %add3A_1022 = arith.addi %multiple_of3A, %add3A_1021 : i32
      %add3A_1023 = arith.constant 80 : i32
      %add3A_1024 = arith.addi %add3A_1022, %add3A_1023 : i32
      %add3A_1025 = vector.broadcast %add3A_1024 : i32 to vector<16xi32>
      %add3A_1026 = arith.addi %add3A_1025, %iota3A : vector<16xi32>
      %get3A_1027 = arith.constant 720 : index
      %get3A_1028 = tpu.vector_load %arg8[%get3A_1027] {strides = array<i32>} : memref<1152xi32, #tpu.memory_space<vmem>>, vector<16xi32>,
      %get3A_1029 = vector.shape_cast %get3A_1028 : vector<16xi32> to vector<16xi32>
      %sub3A_1030 = vector.broadcast %mul3A_763 : i32 to vector<16xi32>
      %sub3A_1031 = arith.subi %get3A_1029, %sub3A_1030 : vector<16xi32>
      %ge3A_1032 = vector.broadcast %add3A_546 : i32 to vector<16xi32>
      %ge3A_1033 = arith.cmpi sge, %add3A_1026, %ge3A_1032 : vector<16xi32>
      %lt3A_1034 = vector.broadcast %add3A_574 : i32 to vector<16xi32>
      %lt3A_1035 = arith.cmpi slt, %add3A_1026, %lt3A_1034 : vector<16xi32>
      %and3A_1036 = arith.andi %ge3A_1033, %lt3A_1035 : vector<16xi1>
      %ge3A_1037 = arith.constant 0 : i32
      %ge3A_1038 = vector.broadcast %ge3A_1037 : i32 to vector<16xi32>
      %ge3A_1039 = arith.cmpi sge, %sub3A_1031, %ge3A_1038 : vector<16xi32>
      %and3A_1040 = arith.andi %and3A_1036, %ge3A_1039 : vector<16xi1>
      %lt3A_1041 = arith.constant 8192 : i32
      %lt3A_1042 = vector.broadcast %lt3A_1041 : i32 to vector<16xi32>
      %lt3A_1043 = arith.cmpi slt, %sub3A_1031, %lt3A_1042 : vector<16xi32>
      %and3A_1044 = arith.andi %and3A_1040, %lt3A_1043 : vector<16xi1>
      %jit3A_1045 = arith.constant 8192 : i32
      %broadcast_in_dim3A_1046 = vector.broadcast %jit3A_1045 : i32 to vector<16xi32>
      %select_n3A_1047 = arith.select %and3A_1044, %sub3A_1031, %broadcast_in_dim3A_1046 : vector<16xi1>, vector<16xi32>
      %swap3A_1048 = arith.constant 80 : index
      %swap3A_1049 = tpu.vector_load %arg11[%swap3A_1048] {strides = array<i32>} : memref<128xi32, #tpu.memory_space<vmem>>, vector<16xi32>,
      %swap3A_1050 = vector.shape_cast %swap3A_1049 : vector<16xi32> to vector<16xi32>
      %swap3A_1051 = vector.shape_cast %select_n3A_1047 : vector<16xi32> to vector<16xi32>
      tpu.vector_store %arg11[%swap3A_1048], %swap3A_1051 {strides = array<i32>} : memref<128xi32, #tpu.memory_space<vmem>>, vector<16xi32>,
      %add3A_1052 = arith.constant 640 : i32
      %add3A_1053 = arith.addi %multiple_of3A, %add3A_1052 : i32
      %add3A_1054 = arith.constant 96 : i32
      %add3A_1055 = arith.addi %add3A_1053, %add3A_1054 : i32
      %add3A_1056 = vector.broadcast %add3A_1055 : i32 to vector<16xi32>
      %add3A_1057 = arith.addi %add3A_1056, %iota3A : vector<16xi32>
      %get3A_1058 = arith.constant 736 : index
      %get3A_1059 = tpu.vector_load %arg8[%get3A_1058] {strides = array<i32>} : memref<1152xi32, #tpu.memory_space<vmem>>, vector<16xi32>,
      %get3A_1060 = vector.shape_cast %get3A_1059 : vector<16xi32> to vector<16xi32>
      %sub3A_1061 = vector.broadcast %mul3A_763 : i32 to vector<16xi32>
      %sub3A_1062 = arith.subi %get3A_1060, %sub3A_1061 : vector<16xi32>
      %ge3A_1063 = vector.broadcast %add3A_546 : i32 to vector<16xi32>
      %ge3A_1064 = arith.cmpi sge, %add3A_1057, %ge3A_1063 : vector<16xi32>
      %lt3A_1065 = vector.broadcast %add3A_574 : i32 to vector<16xi32>
      %lt3A_1066 = arith.cmpi slt, %add3A_1057, %lt3A_1065 : vector<16xi32>
      %and3A_1067 = arith.andi %ge3A_1064, %lt3A_1066 : vector<16xi1>
      %ge3A_1068 = arith.constant 0 : i32
      %ge3A_1069 = vector.broadcast %ge3A_1068 : i32 to vector<16xi32>
      %ge3A_1070 = arith.cmpi sge, %sub3A_1062, %ge3A_1069 : vector<16xi32>
      %and3A_1071 = arith.andi %and3A_1067, %ge3A_1070 : vector<16xi1>
      %lt3A_1072 = arith.constant 8192 : i32
      %lt3A_1073 = vector.broadcast %lt3A_1072 : i32 to vector<16xi32>
      %lt3A_1074 = arith.cmpi slt, %sub3A_1062, %lt3A_1073 : vector<16xi32>
      %and3A_1075 = arith.andi %and3A_1071, %lt3A_1074 : vector<16xi1>
      %jit3A_1076 = arith.constant 8192 : i32
      %broadcast_in_dim3A_1077 = vector.broadcast %jit3A_1076 : i32 to vector<16xi32>
      %select_n3A_1078 = arith.select %and3A_1075, %sub3A_1062, %broadcast_in_dim3A_1077 : vector<16xi1>, vector<16xi32>
      %swap3A_1079 = arith.constant 96 : index
      %swap3A_1080 = tpu.vector_load %arg11[%swap3A_1079] {strides = array<i32>} : memref<128xi32, #tpu.memory_space<vmem>>, vector<16xi32>,
      %swap3A_1081 = vector.shape_cast %swap3A_1080 : vector<16xi32> to vector<16xi32>
      %swap3A_1082 = vector.shape_cast %select_n3A_1078 : vector<16xi32> to vector<16xi32>
      tpu.vector_store %arg11[%swap3A_1079], %swap3A_1082 {strides = array<i32>} : memref<128xi32, #tpu.memory_space<vmem>>, vector<16xi32>,
      %add3A_1083 = arith.constant 640 : i32
      %add3A_1084 = arith.addi %multiple_of3A, %add3A_1083 : i32
      %add3A_1085 = arith.constant 112 : i32
      %add3A_1086 = arith.addi %add3A_1084, %add3A_1085 : i32
      %add3A_1087 = vector.broadcast %add3A_1086 : i32 to vector<16xi32>
      %add3A_1088 = arith.addi %add3A_1087, %iota3A : vector<16xi32>
      %get3A_1089 = arith.constant 752 : index
      %get3A_1090 = tpu.vector_load %arg8[%get3A_1089] {strides = array<i32>} : memref<1152xi32, #tpu.memory_space<vmem>>, vector<16xi32>,
      %get3A_1091 = vector.shape_cast %get3A_1090 : vector<16xi32> to vector<16xi32>
      %sub3A_1092 = vector.broadcast %mul3A_763 : i32 to vector<16xi32>
      %sub3A_1093 = arith.subi %get3A_1091, %sub3A_1092 : vector<16xi32>
      %ge3A_1094 = vector.broadcast %add3A_546 : i32 to vector<16xi32>
      %ge3A_1095 = arith.cmpi sge, %add3A_1088, %ge3A_1094 : vector<16xi32>
      %lt3A_1096 = vector.broadcast %add3A_574 : i32 to vector<16xi32>
      %lt3A_1097 = arith.cmpi slt, %add3A_1088, %lt3A_1096 : vector<16xi32>
      %and3A_1098 = arith.andi %ge3A_1095, %lt3A_1097 : vector<16xi1>
      %ge3A_1099 = arith.constant 0 : i32
      %ge3A_1100 = vector.broadcast %ge3A_1099 : i32 to vector<16xi32>
      %ge3A_1101 = arith.cmpi sge, %sub3A_1093, %ge3A_1100 : vector<16xi32>
      %and3A_1102 = arith.andi %and3A_1098, %ge3A_1101 : vector<16xi1>
      %lt3A_1103 = arith.constant 8192 : i32
      %lt3A_1104 = vector.broadcast %lt3A_1103 : i32 to vector<16xi32>
      %lt3A_1105 = arith.cmpi slt, %sub3A_1093, %lt3A_1104 : vector<16xi32>
      %and3A_1106 = arith.andi %and3A_1102, %lt3A_1105 : vector<16xi1>
      %jit3A_1107 = arith.constant 8192 : i32
      %broadcast_in_dim3A_1108 = vector.broadcast %jit3A_1107 : i32 to vector<16xi32>
      %select_n3A_1109 = arith.select %and3A_1106, %sub3A_1093, %broadcast_in_dim3A_1108 : vector<16xi1>, vector<16xi32>
      %swap3A_1110 = arith.constant 112 : index
      %swap3A_1111 = tpu.vector_load %arg11[%swap3A_1110] {strides = array<i32>} : memref<128xi32, #tpu.memory_space<vmem>>, vector<16xi32>,
      %swap3A_1112 = vector.shape_cast %swap3A_1111 : vector<16xi32> to vector<16xi32>
      %swap3A_1113 = vector.shape_cast %select_n3A_1109 : vector<16xi32> to vector<16xi32>
      tpu.vector_store %arg11[%swap3A_1110], %swap3A_1113 {strides = array<i32>} : memref<128xi32, #tpu.memory_space<vmem>>, vector<16xi32>,
      %dma_wait3A_1114 = arith.constant 2 : i32
      %dma_wait3A_1115 = arith.constant 0 : i32
      %dma_wait3A_1116 = arith.constant 0 : i32
      %dma_wait3A_1117 = tpu.memref_slice %arg12[%dma_wait3A_1114, %dma_wait3A_1115, %dma_wait3A_1116] : memref<3x128x128xf32, #tpu.memory_space<vmem>> -> memref<1x128x128xf32, #tpu.memory_space<vmem>>
      %dma_wait3A_1118 = tpu.memref_squeeze %dma_wait3A_1117 : memref<1x128x128xf32, #tpu.memory_space<vmem>> -> memref<128x128xf32, #tpu.memory_space<vmem>>
      %dma_wait3A_1119 = arith.constant 640 : i32
      %dma_wait3A_1120 = tpu.memref_slice %arg7[%dma_wait3A_1119] : memref<1152xi32, #tpu.memory_space<vmem>> -> memref<128xi32, #tpu.memory_space<vmem>>
      %dma_wait3A_1121 = arith.constant 0 : i32
      %dma_wait3A_1122 = arith.constant 0 : i32
      %dma_wait3A_1123 = tpu.memref_slice %arg2[%dma_wait3A_1121, %dma_wait3A_1122] : memref<100000x128xf32, #tpu.memory_space<hbm>> -> memref<100000x128xf32, #tpu.memory_space<hbm>>
      tpu.wait_indirect_dma semaphore(%arg16 : memref<!tpu.dma_semaphore, #tpu.memory_space<semaphore_mem>>) src(%dma_wait3A_1123 : memref<100000x128xf32, #tpu.memory_space<hbm>>) dst(%dma_wait3A_1118 : memref<128x128xf32, #tpu.memory_space<vmem>>)
      %run_scoped3A = arith.constant 2 : i32
      "tpu.region"() ({
        %run_scoped3A_1124 = tpu.sem_alloc : memref<!tpu.dma_semaphore, #tpu.memory_space<semaphore_mem>>
        %dma_start3A_1125 = arith.constant 0 : i32
        %dma_start3A_1126 = arith.constant 0 : i32
        %dma_start3A_1127 = tpu.memref_slice %arg12[%run_scoped3A, %dma_start3A_1125, %dma_start3A_1126] : memref<3x128x128xf32, #tpu.memory_space<vmem>> -> memref<1x128x128xf32, #tpu.memory_space<vmem>>
        %dma_start3A_1128 = tpu.memref_squeeze %dma_start3A_1127 : memref<1x128x128xf32, #tpu.memory_space<vmem>> -> memref<128x128xf32, #tpu.memory_space<vmem>>
        %dma_start3A_1129 = arith.constant 0 : i32
        %dma_start3A_1130 = arith.constant 0 : i32
        %dma_start3A_1131 = tpu.memref_slice %arg13[%dma_start3A_1129, %dma_start3A_1130] : memref<8200x128xf32, #tpu.memory_space<vmem_shared>> -> memref<8200x128xf32, #tpu.memory_space<vmem_shared>>
        tpu.enqueue_indirect_dma source(%dma_start3A_1128 : memref<128x128xf32, #tpu.memory_space<vmem>>) target(%dma_start3A_1131 : memref<8200x128xf32, #tpu.memory_space<vmem_shared>>) offsets(%arg11 : memref<128xi32, #tpu.memory_space<vmem>>) semaphore(%run_scoped3A_1124 : memref<!tpu.dma_semaphore, #tpu.memory_space<semaphore_mem>>) {add = true}
        %dma_wait3A_1132 = arith.constant 0 : i32
        %dma_wait3A_1133 = arith.constant 0 : i32
        %dma_wait3A_1134 = tpu.memref_slice %arg12[%run_scoped3A, %dma_wait3A_1132, %dma_wait3A_1133] : memref<3x128x128xf32, #tpu.memory_space<vmem>> -> memref<1x128x128xf32, #tpu.memory_space<vmem>>
        %dma_wait3A_1135 = tpu.memref_squeeze %dma_wait3A_1134 : memref<1x128x128xf32, #tpu.memory_space<vmem>> -> memref<128x128xf32, #tpu.memory_space<vmem>>
        %dma_wait3A_1136 = arith.constant 0 : i32
        %dma_wait3A_1137 = arith.constant 0 : i32
        %dma_wait3A_1138 = tpu.memref_slice %arg13[%dma_wait3A_1136, %dma_wait3A_1137] : memref<8200x128xf32, #tpu.memory_space<vmem_shared>> -> memref<8200x128xf32, #tpu.memory_space<vmem_shared>>
        tpu.wait_indirect_dma semaphore(%run_scoped3A_1124 : memref<!tpu.dma_semaphore, #tpu.memory_space<semaphore_mem>>) src(%dma_wait3A_1135 : memref<128x128xf32, #tpu.memory_space<vmem>>) dst(%dma_wait3A_1138 : memref<8200x128xf32, #tpu.memory_space<vmem_shared>>)
        tpu.yield
      }) : () -> ()
    } else {
    }
    %add3A_836 = arith.constant 1024 : i32
    %add3A_837 = arith.addi %multiple_of3A, %add3A_836 : i32
    %lt3A_838 = arith.cmpi slt, %add3A_837, %add3A_574 : i32
    %convert_element_type3A_839 = arith.extui %lt3A_838 : i1 to i32
    %cond3A_840 = arith.constant 0 : i32
    %cond3A_841 = arith.cmpi ne, %convert_element_type3A_839, %cond3A_840 : i32
    scf.if %cond3A_841 {
      %dma_start3A_868 = arith.constant 2 : i32
      %dma_start3A_869 = arith.constant 0 : i32
      %dma_start3A_870 = arith.constant 0 : i32
      %dma_start3A_871 = tpu.memref_slice %arg12[%dma_start3A_868, %dma_start3A_869, %dma_start3A_870] : memref<3x128x128xf32, #tpu.memory_space<vmem>> -> memref<1x128x128xf32, #tpu.memory_space<vmem>>
      %dma_start3A_872 = tpu.memref_squeeze %dma_start3A_871 : memref<1x128x128xf32, #tpu.memory_space<vmem>> -> memref<128x128xf32, #tpu.memory_space<vmem>>
      %dma_start3A_873 = arith.constant 1024 : i32
      %dma_start3A_874 = tpu.memref_slice %arg7[%dma_start3A_873] : memref<1152xi32, #tpu.memory_space<vmem>> -> memref<128xi32, #tpu.memory_space<vmem>>
      %dma_start3A_875 = arith.constant 0 : i32
      %dma_start3A_876 = arith.constant 0 : i32
      %dma_start3A_877 = tpu.memref_slice %arg2[%dma_start3A_875, %dma_start3A_876] : memref<100000x128xf32, #tpu.memory_space<hbm>> -> memref<100000x128xf32, #tpu.memory_space<hbm>>
      tpu.enqueue_indirect_dma source(%dma_start3A_877 : memref<100000x128xf32, #tpu.memory_space<hbm>>) target(%dma_start3A_872 : memref<128x128xf32, #tpu.memory_space<vmem>>) offsets(%dma_start3A_874 : memref<128xi32, #tpu.memory_space<vmem>>) semaphore(%arg16 : memref<!tpu.dma_semaphore, #tpu.memory_space<semaphore_mem>>)
    } else {
    }
    %add3A_842 = arith.constant 768 : i32
    %add3A_843 = arith.addi %multiple_of3A, %add3A_842 : i32
    %lt3A_844 = arith.cmpi slt, %add3A_843, %add3A_574 : i32
    %convert_element_type3A_845 = arith.extui %lt3A_844 : i1 to i32
    %cond3A_846 = arith.constant 0 : i32
    %cond3A_847 = arith.cmpi ne, %convert_element_type3A_845, %cond3A_846 : i32
    scf.if %cond3A_847 {
      %add3A_868 = arith.constant 768 : i32
      %add3A_869 = arith.addi %multiple_of3A, %add3A_868 : i32
      %add3A_870 = arith.constant 0 : i32
      %add3A_871 = arith.addi %add3A_869, %add3A_870 : i32
      %add3A_872 = vector.broadcast %add3A_871 : i32 to vector<16xi32>
      %add3A_873 = arith.addi %add3A_872, %iota3A : vector<16xi32>
      %get3A_874 = arith.constant 768 : index
      %get3A_875 = tpu.vector_load %arg8[%get3A_874] {strides = array<i32>} : memref<1152xi32, #tpu.memory_space<vmem>>, vector<16xi32>,
      %get3A_876 = vector.shape_cast %get3A_875 : vector<16xi32> to vector<16xi32>
      %sub3A_877 = vector.broadcast %mul3A_763 : i32 to vector<16xi32>
      %sub3A_878 = arith.subi %get3A_876, %sub3A_877 : vector<16xi32>
      %ge3A = vector.broadcast %add3A_546 : i32 to vector<16xi32>
      %ge3A_879 = arith.cmpi sge, %add3A_873, %ge3A : vector<16xi32>
      %lt3A_880 = vector.broadcast %add3A_574 : i32 to vector<16xi32>
      %lt3A_881 = arith.cmpi slt, %add3A_873, %lt3A_880 : vector<16xi32>
      %and3A_882 = arith.andi %ge3A_879, %lt3A_881 : vector<16xi1>
      %ge3A_883 = arith.constant 0 : i32
      %ge3A_884 = vector.broadcast %ge3A_883 : i32 to vector<16xi32>
      %ge3A_885 = arith.cmpi sge, %sub3A_878, %ge3A_884 : vector<16xi32>
      %and3A_886 = arith.andi %and3A_882, %ge3A_885 : vector<16xi1>
      %lt3A_887 = arith.constant 8192 : i32
      %lt3A_888 = vector.broadcast %lt3A_887 : i32 to vector<16xi32>
      %lt3A_889 = arith.cmpi slt, %sub3A_878, %lt3A_888 : vector<16xi32>
      %and3A_890 = arith.andi %and3A_886, %lt3A_889 : vector<16xi1>
      %jit3A_891 = arith.constant 8192 : i32
      %broadcast_in_dim3A_892 = vector.broadcast %jit3A_891 : i32 to vector<16xi32>
      %select_n3A_893 = arith.select %and3A_890, %sub3A_878, %broadcast_in_dim3A_892 : vector<16xi1>, vector<16xi32>
      %swap3A = arith.constant 0 : index
      %swap3A_894 = tpu.vector_load %arg9[%swap3A] {strides = array<i32>} : memref<128xi32, #tpu.memory_space<vmem>>, vector<16xi32>,
      %swap3A_895 = vector.shape_cast %swap3A_894 : vector<16xi32> to vector<16xi32>
      %swap3A_896 = vector.shape_cast %select_n3A_893 : vector<16xi32> to vector<16xi32>
      tpu.vector_store %arg9[%swap3A], %swap3A_896 {strides = array<i32>} : memref<128xi32, #tpu.memory_space<vmem>>, vector<16xi32>,
      %add3A_897 = arith.constant 768 : i32
      %add3A_898 = arith.addi %multiple_of3A, %add3A_897 : i32
      %add3A_899 = arith.constant 16 : i32
      %add3A_900 = arith.addi %add3A_898, %add3A_899 : i32
      %add3A_901 = vector.broadcast %add3A_900 : i32 to vector<16xi32>
      %add3A_902 = arith.addi %add3A_901, %iota3A : vector<16xi32>
      %get3A_903 = arith.constant 784 : index
      %get3A_904 = tpu.vector_load %arg8[%get3A_903] {strides = array<i32>} : memref<1152xi32, #tpu.memory_space<vmem>>, vector<16xi32>,
      %get3A_905 = vector.shape_cast %get3A_904 : vector<16xi32> to vector<16xi32>
      %sub3A_906 = vector.broadcast %mul3A_763 : i32 to vector<16xi32>
      %sub3A_907 = arith.subi %get3A_905, %sub3A_906 : vector<16xi32>
      %ge3A_908 = vector.broadcast %add3A_546 : i32 to vector<16xi32>
      %ge3A_909 = arith.cmpi sge, %add3A_902, %ge3A_908 : vector<16xi32>
      %lt3A_910 = vector.broadcast %add3A_574 : i32 to vector<16xi32>
      %lt3A_911 = arith.cmpi slt, %add3A_902, %lt3A_910 : vector<16xi32>
      %and3A_912 = arith.andi %ge3A_909, %lt3A_911 : vector<16xi1>
      %ge3A_913 = arith.constant 0 : i32
      %ge3A_914 = vector.broadcast %ge3A_913 : i32 to vector<16xi32>
      %ge3A_915 = arith.cmpi sge, %sub3A_907, %ge3A_914 : vector<16xi32>
      %and3A_916 = arith.andi %and3A_912, %ge3A_915 : vector<16xi1>
      %lt3A_917 = arith.constant 8192 : i32
      %lt3A_918 = vector.broadcast %lt3A_917 : i32 to vector<16xi32>
      %lt3A_919 = arith.cmpi slt, %sub3A_907, %lt3A_918 : vector<16xi32>
      %and3A_920 = arith.andi %and3A_916, %lt3A_919 : vector<16xi1>
      %jit3A_921 = arith.constant 8192 : i32
      %broadcast_in_dim3A_922 = vector.broadcast %jit3A_921 : i32 to vector<16xi32>
      %select_n3A_923 = arith.select %and3A_920, %sub3A_907, %broadcast_in_dim3A_922 : vector<16xi1>, vector<16xi32>
      %swap3A_924 = arith.constant 16 : index
      %swap3A_925 = tpu.vector_load %arg9[%swap3A_924] {strides = array<i32>} : memref<128xi32, #tpu.memory_space<vmem>>, vector<16xi32>,
      %swap3A_926 = vector.shape_cast %swap3A_925 : vector<16xi32> to vector<16xi32>
      %swap3A_927 = vector.shape_cast %select_n3A_923 : vector<16xi32> to vector<16xi32>
      tpu.vector_store %arg9[%swap3A_924], %swap3A_927 {strides = array<i32>} : memref<128xi32, #tpu.memory_space<vmem>>, vector<16xi32>,
      %add3A_928 = arith.constant 768 : i32
      %add3A_929 = arith.addi %multiple_of3A, %add3A_928 : i32
      %add3A_930 = arith.constant 32 : i32
      %add3A_931 = arith.addi %add3A_929, %add3A_930 : i32
      %add3A_932 = vector.broadcast %add3A_931 : i32 to vector<16xi32>
      %add3A_933 = arith.addi %add3A_932, %iota3A : vector<16xi32>
      %get3A_934 = arith.constant 800 : index
      %get3A_935 = tpu.vector_load %arg8[%get3A_934] {strides = array<i32>} : memref<1152xi32, #tpu.memory_space<vmem>>, vector<16xi32>,
      %get3A_936 = vector.shape_cast %get3A_935 : vector<16xi32> to vector<16xi32>
      %sub3A_937 = vector.broadcast %mul3A_763 : i32 to vector<16xi32>
      %sub3A_938 = arith.subi %get3A_936, %sub3A_937 : vector<16xi32>
      %ge3A_939 = vector.broadcast %add3A_546 : i32 to vector<16xi32>
      %ge3A_940 = arith.cmpi sge, %add3A_933, %ge3A_939 : vector<16xi32>
      %lt3A_941 = vector.broadcast %add3A_574 : i32 to vector<16xi32>
      %lt3A_942 = arith.cmpi slt, %add3A_933, %lt3A_941 : vector<16xi32>
      %and3A_943 = arith.andi %ge3A_940, %lt3A_942 : vector<16xi1>
      %ge3A_944 = arith.constant 0 : i32
      %ge3A_945 = vector.broadcast %ge3A_944 : i32 to vector<16xi32>
      %ge3A_946 = arith.cmpi sge, %sub3A_938, %ge3A_945 : vector<16xi32>
      %and3A_947 = arith.andi %and3A_943, %ge3A_946 : vector<16xi1>
      %lt3A_948 = arith.constant 8192 : i32
      %lt3A_949 = vector.broadcast %lt3A_948 : i32 to vector<16xi32>
      %lt3A_950 = arith.cmpi slt, %sub3A_938, %lt3A_949 : vector<16xi32>
      %and3A_951 = arith.andi %and3A_947, %lt3A_950 : vector<16xi1>
      %jit3A_952 = arith.constant 8192 : i32
      %broadcast_in_dim3A_953 = vector.broadcast %jit3A_952 : i32 to vector<16xi32>
      %select_n3A_954 = arith.select %and3A_951, %sub3A_938, %broadcast_in_dim3A_953 : vector<16xi1>, vector<16xi32>
      %swap3A_955 = arith.constant 32 : index
      %swap3A_956 = tpu.vector_load %arg9[%swap3A_955] {strides = array<i32>} : memref<128xi32, #tpu.memory_space<vmem>>, vector<16xi32>,
      %swap3A_957 = vector.shape_cast %swap3A_956 : vector<16xi32> to vector<16xi32>
      %swap3A_958 = vector.shape_cast %select_n3A_954 : vector<16xi32> to vector<16xi32>
      tpu.vector_store %arg9[%swap3A_955], %swap3A_958 {strides = array<i32>} : memref<128xi32, #tpu.memory_space<vmem>>, vector<16xi32>,
      %add3A_959 = arith.constant 768 : i32
      %add3A_960 = arith.addi %multiple_of3A, %add3A_959 : i32
      %add3A_961 = arith.constant 48 : i32
      %add3A_962 = arith.addi %add3A_960, %add3A_961 : i32
      %add3A_963 = vector.broadcast %add3A_962 : i32 to vector<16xi32>
      %add3A_964 = arith.addi %add3A_963, %iota3A : vector<16xi32>
      %get3A_965 = arith.constant 816 : index
      %get3A_966 = tpu.vector_load %arg8[%get3A_965] {strides = array<i32>} : memref<1152xi32, #tpu.memory_space<vmem>>, vector<16xi32>,
      %get3A_967 = vector.shape_cast %get3A_966 : vector<16xi32> to vector<16xi32>
      %sub3A_968 = vector.broadcast %mul3A_763 : i32 to vector<16xi32>
      %sub3A_969 = arith.subi %get3A_967, %sub3A_968 : vector<16xi32>
      %ge3A_970 = vector.broadcast %add3A_546 : i32 to vector<16xi32>
      %ge3A_971 = arith.cmpi sge, %add3A_964, %ge3A_970 : vector<16xi32>
      %lt3A_972 = vector.broadcast %add3A_574 : i32 to vector<16xi32>
      %lt3A_973 = arith.cmpi slt, %add3A_964, %lt3A_972 : vector<16xi32>
      %and3A_974 = arith.andi %ge3A_971, %lt3A_973 : vector<16xi1>
      %ge3A_975 = arith.constant 0 : i32
      %ge3A_976 = vector.broadcast %ge3A_975 : i32 to vector<16xi32>
      %ge3A_977 = arith.cmpi sge, %sub3A_969, %ge3A_976 : vector<16xi32>
      %and3A_978 = arith.andi %and3A_974, %ge3A_977 : vector<16xi1>
      %lt3A_979 = arith.constant 8192 : i32
      %lt3A_980 = vector.broadcast %lt3A_979 : i32 to vector<16xi32>
      %lt3A_981 = arith.cmpi slt, %sub3A_969, %lt3A_980 : vector<16xi32>
      %and3A_982 = arith.andi %and3A_978, %lt3A_981 : vector<16xi1>
      %jit3A_983 = arith.constant 8192 : i32
      %broadcast_in_dim3A_984 = vector.broadcast %jit3A_983 : i32 to vector<16xi32>
      %select_n3A_985 = arith.select %and3A_982, %sub3A_969, %broadcast_in_dim3A_984 : vector<16xi1>, vector<16xi32>
      %swap3A_986 = arith.constant 48 : index
      %swap3A_987 = tpu.vector_load %arg9[%swap3A_986] {strides = array<i32>} : memref<128xi32, #tpu.memory_space<vmem>>, vector<16xi32>,
      %swap3A_988 = vector.shape_cast %swap3A_987 : vector<16xi32> to vector<16xi32>
      %swap3A_989 = vector.shape_cast %select_n3A_985 : vector<16xi32> to vector<16xi32>
      tpu.vector_store %arg9[%swap3A_986], %swap3A_989 {strides = array<i32>} : memref<128xi32, #tpu.memory_space<vmem>>, vector<16xi32>,
      %add3A_990 = arith.constant 768 : i32
      %add3A_991 = arith.addi %multiple_of3A, %add3A_990 : i32
      %add3A_992 = arith.constant 64 : i32
      %add3A_993 = arith.addi %add3A_991, %add3A_992 : i32
      %add3A_994 = vector.broadcast %add3A_993 : i32 to vector<16xi32>
      %add3A_995 = arith.addi %add3A_994, %iota3A : vector<16xi32>
      %get3A_996 = arith.constant 832 : index
      %get3A_997 = tpu.vector_load %arg8[%get3A_996] {strides = array<i32>} : memref<1152xi32, #tpu.memory_space<vmem>>, vector<16xi32>,
      %get3A_998 = vector.shape_cast %get3A_997 : vector<16xi32> to vector<16xi32>
      %sub3A_999 = vector.broadcast %mul3A_763 : i32 to vector<16xi32>
      %sub3A_1000 = arith.subi %get3A_998, %sub3A_999 : vector<16xi32>
      %ge3A_1001 = vector.broadcast %add3A_546 : i32 to vector<16xi32>
      %ge3A_1002 = arith.cmpi sge, %add3A_995, %ge3A_1001 : vector<16xi32>
      %lt3A_1003 = vector.broadcast %add3A_574 : i32 to vector<16xi32>
      %lt3A_1004 = arith.cmpi slt, %add3A_995, %lt3A_1003 : vector<16xi32>
      %and3A_1005 = arith.andi %ge3A_1002, %lt3A_1004 : vector<16xi1>
      %ge3A_1006 = arith.constant 0 : i32
      %ge3A_1007 = vector.broadcast %ge3A_1006 : i32 to vector<16xi32>
      %ge3A_1008 = arith.cmpi sge, %sub3A_1000, %ge3A_1007 : vector<16xi32>
      %and3A_1009 = arith.andi %and3A_1005, %ge3A_1008 : vector<16xi1>
      %lt3A_1010 = arith.constant 8192 : i32
      %lt3A_1011 = vector.broadcast %lt3A_1010 : i32 to vector<16xi32>
      %lt3A_1012 = arith.cmpi slt, %sub3A_1000, %lt3A_1011 : vector<16xi32>
      %and3A_1013 = arith.andi %and3A_1009, %lt3A_1012 : vector<16xi1>
      %jit3A_1014 = arith.constant 8192 : i32
      %broadcast_in_dim3A_1015 = vector.broadcast %jit3A_1014 : i32 to vector<16xi32>
      %select_n3A_1016 = arith.select %and3A_1013, %sub3A_1000, %broadcast_in_dim3A_1015 : vector<16xi1>, vector<16xi32>
      %swap3A_1017 = arith.constant 64 : index
      %swap3A_1018 = tpu.vector_load %arg9[%swap3A_1017] {strides = array<i32>} : memref<128xi32, #tpu.memory_space<vmem>>, vector<16xi32>,
      %swap3A_1019 = vector.shape_cast %swap3A_1018 : vector<16xi32> to vector<16xi32>
      %swap3A_1020 = vector.shape_cast %select_n3A_1016 : vector<16xi32> to vector<16xi32>
      tpu.vector_store %arg9[%swap3A_1017], %swap3A_1020 {strides = array<i32>} : memref<128xi32, #tpu.memory_space<vmem>>, vector<16xi32>,
      %add3A_1021 = arith.constant 768 : i32
      %add3A_1022 = arith.addi %multiple_of3A, %add3A_1021 : i32
      %add3A_1023 = arith.constant 80 : i32
      %add3A_1024 = arith.addi %add3A_1022, %add3A_1023 : i32
      %add3A_1025 = vector.broadcast %add3A_1024 : i32 to vector<16xi32>
      %add3A_1026 = arith.addi %add3A_1025, %iota3A : vector<16xi32>
      %get3A_1027 = arith.constant 848 : index
      %get3A_1028 = tpu.vector_load %arg8[%get3A_1027] {strides = array<i32>} : memref<1152xi32, #tpu.memory_space<vmem>>, vector<16xi32>,
      %get3A_1029 = vector.shape_cast %get3A_1028 : vector<16xi32> to vector<16xi32>
      %sub3A_1030 = vector.broadcast %mul3A_763 : i32 to vector<16xi32>
      %sub3A_1031 = arith.subi %get3A_1029, %sub3A_1030 : vector<16xi32>
      %ge3A_1032 = vector.broadcast %add3A_546 : i32 to vector<16xi32>
      %ge3A_1033 = arith.cmpi sge, %add3A_1026, %ge3A_1032 : vector<16xi32>
      %lt3A_1034 = vector.broadcast %add3A_574 : i32 to vector<16xi32>
      %lt3A_1035 = arith.cmpi slt, %add3A_1026, %lt3A_1034 : vector<16xi32>
      %and3A_1036 = arith.andi %ge3A_1033, %lt3A_1035 : vector<16xi1>
      %ge3A_1037 = arith.constant 0 : i32
      %ge3A_1038 = vector.broadcast %ge3A_1037 : i32 to vector<16xi32>
      %ge3A_1039 = arith.cmpi sge, %sub3A_1031, %ge3A_1038 : vector<16xi32>
      %and3A_1040 = arith.andi %and3A_1036, %ge3A_1039 : vector<16xi1>
      %lt3A_1041 = arith.constant 8192 : i32
      %lt3A_1042 = vector.broadcast %lt3A_1041 : i32 to vector<16xi32>
      %lt3A_1043 = arith.cmpi slt, %sub3A_1031, %lt3A_1042 : vector<16xi32>
      %and3A_1044 = arith.andi %and3A_1040, %lt3A_1043 : vector<16xi1>
      %jit3A_1045 = arith.constant 8192 : i32
      %broadcast_in_dim3A_1046 = vector.broadcast %jit3A_1045 : i32 to vector<16xi32>
      %select_n3A_1047 = arith.select %and3A_1044, %sub3A_1031, %broadcast_in_dim3A_1046 : vector<16xi1>, vector<16xi32>
      %swap3A_1048 = arith.constant 80 : index
      %swap3A_1049 = tpu.vector_load %arg9[%swap3A_1048] {strides = array<i32>} : memref<128xi32, #tpu.memory_space<vmem>>, vector<16xi32>,
      %swap3A_1050 = vector.shape_cast %swap3A_1049 : vector<16xi32> to vector<16xi32>
      %swap3A_1051 = vector.shape_cast %select_n3A_1047 : vector<16xi32> to vector<16xi32>
      tpu.vector_store %arg9[%swap3A_1048], %swap3A_1051 {strides = array<i32>} : memref<128xi32, #tpu.memory_space<vmem>>, vector<16xi32>,
      %add3A_1052 = arith.constant 768 : i32
      %add3A_1053 = arith.addi %multiple_of3A, %add3A_1052 : i32
      %add3A_1054 = arith.constant 96 : i32
      %add3A_1055 = arith.addi %add3A_1053, %add3A_1054 : i32
      %add3A_1056 = vector.broadcast %add3A_1055 : i32 to vector<16xi32>
      %add3A_1057 = arith.addi %add3A_1056, %iota3A : vector<16xi32>
      %get3A_1058 = arith.constant 864 : index
      %get3A_1059 = tpu.vector_load %arg8[%get3A_1058] {strides = array<i32>} : memref<1152xi32, #tpu.memory_space<vmem>>, vector<16xi32>,
      %get3A_1060 = vector.shape_cast %get3A_1059 : vector<16xi32> to vector<16xi32>
      %sub3A_1061 = vector.broadcast %mul3A_763 : i32 to vector<16xi32>
      %sub3A_1062 = arith.subi %get3A_1060, %sub3A_1061 : vector<16xi32>
      %ge3A_1063 = vector.broadcast %add3A_546 : i32 to vector<16xi32>
      %ge3A_1064 = arith.cmpi sge, %add3A_1057, %ge3A_1063 : vector<16xi32>
      %lt3A_1065 = vector.broadcast %add3A_574 : i32 to vector<16xi32>
      %lt3A_1066 = arith.cmpi slt, %add3A_1057, %lt3A_1065 : vector<16xi32>
      %and3A_1067 = arith.andi %ge3A_1064, %lt3A_1066 : vector<16xi1>
      %ge3A_1068 = arith.constant 0 : i32
      %ge3A_1069 = vector.broadcast %ge3A_1068 : i32 to vector<16xi32>
      %ge3A_1070 = arith.cmpi sge, %sub3A_1062, %ge3A_1069 : vector<16xi32>
      %and3A_1071 = arith.andi %and3A_1067, %ge3A_1070 : vector<16xi1>
      %lt3A_1072 = arith.constant 8192 : i32
      %lt3A_1073 = vector.broadcast %lt3A_1072 : i32 to vector<16xi32>
      %lt3A_1074 = arith.cmpi slt, %sub3A_1062, %lt3A_1073 : vector<16xi32>
      %and3A_1075 = arith.andi %and3A_1071, %lt3A_1074 : vector<16xi1>
      %jit3A_1076 = arith.constant 8192 : i32
      %broadcast_in_dim3A_1077 = vector.broadcast %jit3A_1076 : i32 to vector<16xi32>
      %select_n3A_1078 = arith.select %and3A_1075, %sub3A_1062, %broadcast_in_dim3A_1077 : vector<16xi1>, vector<16xi32>
      %swap3A_1079 = arith.constant 96 : index
      %swap3A_1080 = tpu.vector_load %arg9[%swap3A_1079] {strides = array<i32>} : memref<128xi32, #tpu.memory_space<vmem>>, vector<16xi32>,
      %swap3A_1081 = vector.shape_cast %swap3A_1080 : vector<16xi32> to vector<16xi32>
      %swap3A_1082 = vector.shape_cast %select_n3A_1078 : vector<16xi32> to vector<16xi32>
      tpu.vector_store %arg9[%swap3A_1079], %swap3A_1082 {strides = array<i32>} : memref<128xi32, #tpu.memory_space<vmem>>, vector<16xi32>,
      %add3A_1083 = arith.constant 768 : i32
      %add3A_1084 = arith.addi %multiple_of3A, %add3A_1083 : i32
      %add3A_1085 = arith.constant 112 : i32
      %add3A_1086 = arith.addi %add3A_1084, %add3A_1085 : i32
      %add3A_1087 = vector.broadcast %add3A_1086 : i32 to vector<16xi32>
      %add3A_1088 = arith.addi %add3A_1087, %iota3A : vector<16xi32>
      %get3A_1089 = arith.constant 880 : index
      %get3A_1090 = tpu.vector_load %arg8[%get3A_1089] {strides = array<i32>} : memref<1152xi32, #tpu.memory_space<vmem>>, vector<16xi32>,
      %get3A_1091 = vector.shape_cast %get3A_1090 : vector<16xi32> to vector<16xi32>
      %sub3A_1092 = vector.broadcast %mul3A_763 : i32 to vector<16xi32>
      %sub3A_1093 = arith.subi %get3A_1091, %sub3A_1092 : vector<16xi32>
      %ge3A_1094 = vector.broadcast %add3A_546 : i32 to vector<16xi32>
      %ge3A_1095 = arith.cmpi sge, %add3A_1088, %ge3A_1094 : vector<16xi32>
      %lt3A_1096 = vector.broadcast %add3A_574 : i32 to vector<16xi32>
      %lt3A_1097 = arith.cmpi slt, %add3A_1088, %lt3A_1096 : vector<16xi32>
      %and3A_1098 = arith.andi %ge3A_1095, %lt3A_1097 : vector<16xi1>
      %ge3A_1099 = arith.constant 0 : i32
      %ge3A_1100 = vector.broadcast %ge3A_1099 : i32 to vector<16xi32>
      %ge3A_1101 = arith.cmpi sge, %sub3A_1093, %ge3A_1100 : vector<16xi32>
      %and3A_1102 = arith.andi %and3A_1098, %ge3A_1101 : vector<16xi1>
      %lt3A_1103 = arith.constant 8192 : i32
      %lt3A_1104 = vector.broadcast %lt3A_1103 : i32 to vector<16xi32>
      %lt3A_1105 = arith.cmpi slt, %sub3A_1093, %lt3A_1104 : vector<16xi32>
      %and3A_1106 = arith.andi %and3A_1102, %lt3A_1105 : vector<16xi1>
      %jit3A_1107 = arith.constant 8192 : i32
      %broadcast_in_dim3A_1108 = vector.broadcast %jit3A_1107 : i32 to vector<16xi32>
      %select_n3A_1109 = arith.select %and3A_1106, %sub3A_1093, %broadcast_in_dim3A_1108 : vector<16xi1>, vector<16xi32>
      %swap3A_1110 = arith.constant 112 : index
      %swap3A_1111 = tpu.vector_load %arg9[%swap3A_1110] {strides = array<i32>} : memref<128xi32, #tpu.memory_space<vmem>>, vector<16xi32>,
      %swap3A_1112 = vector.shape_cast %swap3A_1111 : vector<16xi32> to vector<16xi32>
      %swap3A_1113 = vector.shape_cast %select_n3A_1109 : vector<16xi32> to vector<16xi32>
      tpu.vector_store %arg9[%swap3A_1110], %swap3A_1113 {strides = array<i32>} : memref<128xi32, #tpu.memory_space<vmem>>, vector<16xi32>,
      %dma_wait3A_1114 = arith.constant 0 : i32
      %dma_wait3A_1115 = arith.constant 0 : i32
      %dma_wait3A_1116 = arith.constant 0 : i32
      %dma_wait3A_1117 = tpu.memref_slice %arg12[%dma_wait3A_1114, %dma_wait3A_1115, %dma_wait3A_1116] : memref<3x128x128xf32, #tpu.memory_space<vmem>> -> memref<1x128x128xf32, #tpu.memory_space<vmem>>
      %dma_wait3A_1118 = tpu.memref_squeeze %dma_wait3A_1117 : memref<1x128x128xf32, #tpu.memory_space<vmem>> -> memref<128x128xf32, #tpu.memory_space<vmem>>
      %dma_wait3A_1119 = arith.constant 768 : i32
      %dma_wait3A_1120 = tpu.memref_slice %arg7[%dma_wait3A_1119] : memref<1152xi32, #tpu.memory_space<vmem>> -> memref<128xi32, #tpu.memory_space<vmem>>
      %dma_wait3A_1121 = arith.constant 0 : i32
      %dma_wait3A_1122 = arith.constant 0 : i32
      %dma_wait3A_1123 = tpu.memref_slice %arg2[%dma_wait3A_1121, %dma_wait3A_1122] : memref<100000x128xf32, #tpu.memory_space<hbm>> -> memref<100000x128xf32, #tpu.memory_space<hbm>>
      tpu.wait_indirect_dma semaphore(%arg14 : memref<!tpu.dma_semaphore, #tpu.memory_space<semaphore_mem>>) src(%dma_wait3A_1123 : memref<100000x128xf32, #tpu.memory_space<hbm>>) dst(%dma_wait3A_1118 : memref<128x128xf32, #tpu.memory_space<vmem>>)
      %run_scoped3A = arith.constant 0 : i32
      "tpu.region"() ({
        %run_scoped3A_1124 = tpu.sem_alloc : memref<!tpu.dma_semaphore, #tpu.memory_space<semaphore_mem>>
        %dma_start3A_1125 = arith.constant 0 : i32
        %dma_start3A_1126 = arith.constant 0 : i32
        %dma_start3A_1127 = tpu.memref_slice %arg12[%run_scoped3A, %dma_start3A_1125, %dma_start3A_1126] : memref<3x128x128xf32, #tpu.memory_space<vmem>> -> memref<1x128x128xf32, #tpu.memory_space<vmem>>
        %dma_start3A_1128 = tpu.memref_squeeze %dma_start3A_1127 : memref<1x128x128xf32, #tpu.memory_space<vmem>> -> memref<128x128xf32, #tpu.memory_space<vmem>>
        %dma_start3A_1129 = arith.constant 0 : i32
        %dma_start3A_1130 = arith.constant 0 : i32
        %dma_start3A_1131 = tpu.memref_slice %arg13[%dma_start3A_1129, %dma_start3A_1130] : memref<8200x128xf32, #tpu.memory_space<vmem_shared>> -> memref<8200x128xf32, #tpu.memory_space<vmem_shared>>
        tpu.enqueue_indirect_dma source(%dma_start3A_1128 : memref<128x128xf32, #tpu.memory_space<vmem>>) target(%dma_start3A_1131 : memref<8200x128xf32, #tpu.memory_space<vmem_shared>>) offsets(%arg9 : memref<128xi32, #tpu.memory_space<vmem>>) semaphore(%run_scoped3A_1124 : memref<!tpu.dma_semaphore, #tpu.memory_space<semaphore_mem>>) {add = true}
        %dma_wait3A_1132 = arith.constant 0 : i32
        %dma_wait3A_1133 = arith.constant 0 : i32
        %dma_wait3A_1134 = tpu.memref_slice %arg12[%run_scoped3A, %dma_wait3A_1132, %dma_wait3A_1133] : memref<3x128x128xf32, #tpu.memory_space<vmem>> -> memref<1x128x128xf32, #tpu.memory_space<vmem>>
        %dma_wait3A_1135 = tpu.memref_squeeze %dma_wait3A_1134 : memref<1x128x128xf32, #tpu.memory_space<vmem>> -> memref<128x128xf32, #tpu.memory_space<vmem>>
        %dma_wait3A_1136 = arith.constant 0 : i32
        %dma_wait3A_1137 = arith.constant 0 : i32
        %dma_wait3A_1138 = tpu.memref_slice %arg13[%dma_wait3A_1136, %dma_wait3A_1137] : memref<8200x128xf32, #tpu.memory_space<vmem_shared>> -> memref<8200x128xf32, #tpu.memory_space<vmem_shared>>
        tpu.wait_indirect_dma semaphore(%run_scoped3A_1124 : memref<!tpu.dma_semaphore, #tpu.memory_space<semaphore_mem>>) src(%dma_wait3A_1135 : memref<128x128xf32, #tpu.memory_space<vmem>>) dst(%dma_wait3A_1138 : memref<8200x128xf32, #tpu.memory_space<vmem_shared>>)
        tpu.yield
      }) : () -> ()
    } else {
    }
    %add3A_848 = arith.constant 896 : i32
    %add3A_849 = arith.addi %multiple_of3A, %add3A_848 : i32
    %lt3A_850 = arith.cmpi slt, %add3A_849, %add3A_574 : i32
    %convert_element_type3A_851 = arith.extui %lt3A_850 : i1 to i32
    %cond3A_852 = arith.constant 0 : i32
    %cond3A_853 = arith.cmpi ne, %convert_element_type3A_851, %cond3A_852 : i32
    scf.if %cond3A_853 {
      %add3A_868 = arith.constant 896 : i32
      %add3A_869 = arith.addi %multiple_of3A, %add3A_868 : i32
      %add3A_870 = arith.constant 0 : i32
      %add3A_871 = arith.addi %add3A_869, %add3A_870 : i32
      %add3A_872 = vector.broadcast %add3A_871 : i32 to vector<16xi32>
      %add3A_873 = arith.addi %add3A_872, %iota3A : vector<16xi32>
      %get3A_874 = arith.constant 896 : index
      %get3A_875 = tpu.vector_load %arg8[%get3A_874] {strides = array<i32>} : memref<1152xi32, #tpu.memory_space<vmem>>, vector<16xi32>,
      %get3A_876 = vector.shape_cast %get3A_875 : vector<16xi32> to vector<16xi32>
      %sub3A_877 = vector.broadcast %mul3A_763 : i32 to vector<16xi32>
      %sub3A_878 = arith.subi %get3A_876, %sub3A_877 : vector<16xi32>
      %ge3A = vector.broadcast %add3A_546 : i32 to vector<16xi32>
      %ge3A_879 = arith.cmpi sge, %add3A_873, %ge3A : vector<16xi32>
      %lt3A_880 = vector.broadcast %add3A_574 : i32 to vector<16xi32>
      %lt3A_881 = arith.cmpi slt, %add3A_873, %lt3A_880 : vector<16xi32>
      %and3A_882 = arith.andi %ge3A_879, %lt3A_881 : vector<16xi1>
      %ge3A_883 = arith.constant 0 : i32
      %ge3A_884 = vector.broadcast %ge3A_883 : i32 to vector<16xi32>
      %ge3A_885 = arith.cmpi sge, %sub3A_878, %ge3A_884 : vector<16xi32>
      %and3A_886 = arith.andi %and3A_882, %ge3A_885 : vector<16xi1>
      %lt3A_887 = arith.constant 8192 : i32
      %lt3A_888 = vector.broadcast %lt3A_887 : i32 to vector<16xi32>
      %lt3A_889 = arith.cmpi slt, %sub3A_878, %lt3A_888 : vector<16xi32>
      %and3A_890 = arith.andi %and3A_886, %lt3A_889 : vector<16xi1>
      %jit3A_891 = arith.constant 8192 : i32
      %broadcast_in_dim3A_892 = vector.broadcast %jit3A_891 : i32 to vector<16xi32>
      %select_n3A_893 = arith.select %and3A_890, %sub3A_878, %broadcast_in_dim3A_892 : vector<16xi1>, vector<16xi32>
      %swap3A = arith.constant 0 : index
      %swap3A_894 = tpu.vector_load %arg10[%swap3A] {strides = array<i32>} : memref<128xi32, #tpu.memory_space<vmem>>, vector<16xi32>,
      %swap3A_895 = vector.shape_cast %swap3A_894 : vector<16xi32> to vector<16xi32>
      %swap3A_896 = vector.shape_cast %select_n3A_893 : vector<16xi32> to vector<16xi32>
      tpu.vector_store %arg10[%swap3A], %swap3A_896 {strides = array<i32>} : memref<128xi32, #tpu.memory_space<vmem>>, vector<16xi32>,
      %add3A_897 = arith.constant 896 : i32
      %add3A_898 = arith.addi %multiple_of3A, %add3A_897 : i32
      %add3A_899 = arith.constant 16 : i32
      %add3A_900 = arith.addi %add3A_898, %add3A_899 : i32
      %add3A_901 = vector.broadcast %add3A_900 : i32 to vector<16xi32>
      %add3A_902 = arith.addi %add3A_901, %iota3A : vector<16xi32>
      %get3A_903 = arith.constant 912 : index
      %get3A_904 = tpu.vector_load %arg8[%get3A_903] {strides = array<i32>} : memref<1152xi32, #tpu.memory_space<vmem>>, vector<16xi32>,
      %get3A_905 = vector.shape_cast %get3A_904 : vector<16xi32> to vector<16xi32>
      %sub3A_906 = vector.broadcast %mul3A_763 : i32 to vector<16xi32>
      %sub3A_907 = arith.subi %get3A_905, %sub3A_906 : vector<16xi32>
      %ge3A_908 = vector.broadcast %add3A_546 : i32 to vector<16xi32>
      %ge3A_909 = arith.cmpi sge, %add3A_902, %ge3A_908 : vector<16xi32>
      %lt3A_910 = vector.broadcast %add3A_574 : i32 to vector<16xi32>
      %lt3A_911 = arith.cmpi slt, %add3A_902, %lt3A_910 : vector<16xi32>
      %and3A_912 = arith.andi %ge3A_909, %lt3A_911 : vector<16xi1>
      %ge3A_913 = arith.constant 0 : i32
      %ge3A_914 = vector.broadcast %ge3A_913 : i32 to vector<16xi32>
      %ge3A_915 = arith.cmpi sge, %sub3A_907, %ge3A_914 : vector<16xi32>
      %and3A_916 = arith.andi %and3A_912, %ge3A_915 : vector<16xi1>
      %lt3A_917 = arith.constant 8192 : i32
      %lt3A_918 = vector.broadcast %lt3A_917 : i32 to vector<16xi32>
      %lt3A_919 = arith.cmpi slt, %sub3A_907, %lt3A_918 : vector<16xi32>
      %and3A_920 = arith.andi %and3A_916, %lt3A_919 : vector<16xi1>
      %jit3A_921 = arith.constant 8192 : i32
      %broadcast_in_dim3A_922 = vector.broadcast %jit3A_921 : i32 to vector<16xi32>
      %select_n3A_923 = arith.select %and3A_920, %sub3A_907, %broadcast_in_dim3A_922 : vector<16xi1>, vector<16xi32>
      %swap3A_924 = arith.constant 16 : index
      %swap3A_925 = tpu.vector_load %arg10[%swap3A_924] {strides = array<i32>} : memref<128xi32, #tpu.memory_space<vmem>>, vector<16xi32>,
      %swap3A_926 = vector.shape_cast %swap3A_925 : vector<16xi32> to vector<16xi32>
      %swap3A_927 = vector.shape_cast %select_n3A_923 : vector<16xi32> to vector<16xi32>
      tpu.vector_store %arg10[%swap3A_924], %swap3A_927 {strides = array<i32>} : memref<128xi32, #tpu.memory_space<vmem>>, vector<16xi32>,
      %add3A_928 = arith.constant 896 : i32
      %add3A_929 = arith.addi %multiple_of3A, %add3A_928 : i32
      %add3A_930 = arith.constant 32 : i32
      %add3A_931 = arith.addi %add3A_929, %add3A_930 : i32
      %add3A_932 = vector.broadcast %add3A_931 : i32 to vector<16xi32>
      %add3A_933 = arith.addi %add3A_932, %iota3A : vector<16xi32>
      %get3A_934 = arith.constant 928 : index
      %get3A_935 = tpu.vector_load %arg8[%get3A_934] {strides = array<i32>} : memref<1152xi32, #tpu.memory_space<vmem>>, vector<16xi32>,
      %get3A_936 = vector.shape_cast %get3A_935 : vector<16xi32> to vector<16xi32>
      %sub3A_937 = vector.broadcast %mul3A_763 : i32 to vector<16xi32>
      %sub3A_938 = arith.subi %get3A_936, %sub3A_937 : vector<16xi32>
      %ge3A_939 = vector.broadcast %add3A_546 : i32 to vector<16xi32>
      %ge3A_940 = arith.cmpi sge, %add3A_933, %ge3A_939 : vector<16xi32>
      %lt3A_941 = vector.broadcast %add3A_574 : i32 to vector<16xi32>
      %lt3A_942 = arith.cmpi slt, %add3A_933, %lt3A_941 : vector<16xi32>
      %and3A_943 = arith.andi %ge3A_940, %lt3A_942 : vector<16xi1>
      %ge3A_944 = arith.constant 0 : i32
      %ge3A_945 = vector.broadcast %ge3A_944 : i32 to vector<16xi32>
      %ge3A_946 = arith.cmpi sge, %sub3A_938, %ge3A_945 : vector<16xi32>
      %and3A_947 = arith.andi %and3A_943, %ge3A_946 : vector<16xi1>
      %lt3A_948 = arith.constant 8192 : i32
      %lt3A_949 = vector.broadcast %lt3A_948 : i32 to vector<16xi32>
      %lt3A_950 = arith.cmpi slt, %sub3A_938, %lt3A_949 : vector<16xi32>
      %and3A_951 = arith.andi %and3A_947, %lt3A_950 : vector<16xi1>
      %jit3A_952 = arith.constant 8192 : i32
      %broadcast_in_dim3A_953 = vector.broadcast %jit3A_952 : i32 to vector<16xi32>
      %select_n3A_954 = arith.select %and3A_951, %sub3A_938, %broadcast_in_dim3A_953 : vector<16xi1>, vector<16xi32>
      %swap3A_955 = arith.constant 32 : index
      %swap3A_956 = tpu.vector_load %arg10[%swap3A_955] {strides = array<i32>} : memref<128xi32, #tpu.memory_space<vmem>>, vector<16xi32>,
      %swap3A_957 = vector.shape_cast %swap3A_956 : vector<16xi32> to vector<16xi32>
      %swap3A_958 = vector.shape_cast %select_n3A_954 : vector<16xi32> to vector<16xi32>
      tpu.vector_store %arg10[%swap3A_955], %swap3A_958 {strides = array<i32>} : memref<128xi32, #tpu.memory_space<vmem>>, vector<16xi32>,
      %add3A_959 = arith.constant 896 : i32
      %add3A_960 = arith.addi %multiple_of3A, %add3A_959 : i32
      %add3A_961 = arith.constant 48 : i32
      %add3A_962 = arith.addi %add3A_960, %add3A_961 : i32
      %add3A_963 = vector.broadcast %add3A_962 : i32 to vector<16xi32>
      %add3A_964 = arith.addi %add3A_963, %iota3A : vector<16xi32>
      %get3A_965 = arith.constant 944 : index
      %get3A_966 = tpu.vector_load %arg8[%get3A_965] {strides = array<i32>} : memref<1152xi32, #tpu.memory_space<vmem>>, vector<16xi32>,
      %get3A_967 = vector.shape_cast %get3A_966 : vector<16xi32> to vector<16xi32>
      %sub3A_968 = vector.broadcast %mul3A_763 : i32 to vector<16xi32>
      %sub3A_969 = arith.subi %get3A_967, %sub3A_968 : vector<16xi32>
      %ge3A_970 = vector.broadcast %add3A_546 : i32 to vector<16xi32>
      %ge3A_971 = arith.cmpi sge, %add3A_964, %ge3A_970 : vector<16xi32>
      %lt3A_972 = vector.broadcast %add3A_574 : i32 to vector<16xi32>
      %lt3A_973 = arith.cmpi slt, %add3A_964, %lt3A_972 : vector<16xi32>
      %and3A_974 = arith.andi %ge3A_971, %lt3A_973 : vector<16xi1>
      %ge3A_975 = arith.constant 0 : i32
      %ge3A_976 = vector.broadcast %ge3A_975 : i32 to vector<16xi32>
      %ge3A_977 = arith.cmpi sge, %sub3A_969, %ge3A_976 : vector<16xi32>
      %and3A_978 = arith.andi %and3A_974, %ge3A_977 : vector<16xi1>
      %lt3A_979 = arith.constant 8192 : i32
      %lt3A_980 = vector.broadcast %lt3A_979 : i32 to vector<16xi32>
      %lt3A_981 = arith.cmpi slt, %sub3A_969, %lt3A_980 : vector<16xi32>
      %and3A_982 = arith.andi %and3A_978, %lt3A_981 : vector<16xi1>
      %jit3A_983 = arith.constant 8192 : i32
      %broadcast_in_dim3A_984 = vector.broadcast %jit3A_983 : i32 to vector<16xi32>
      %select_n3A_985 = arith.select %and3A_982, %sub3A_969, %broadcast_in_dim3A_984 : vector<16xi1>, vector<16xi32>
      %swap3A_986 = arith.constant 48 : index
      %swap3A_987 = tpu.vector_load %arg10[%swap3A_986] {strides = array<i32>} : memref<128xi32, #tpu.memory_space<vmem>>, vector<16xi32>,
      %swap3A_988 = vector.shape_cast %swap3A_987 : vector<16xi32> to vector<16xi32>
      %swap3A_989 = vector.shape_cast %select_n3A_985 : vector<16xi32> to vector<16xi32>
      tpu.vector_store %arg10[%swap3A_986], %swap3A_989 {strides = array<i32>} : memref<128xi32, #tpu.memory_space<vmem>>, vector<16xi32>,
      %add3A_990 = arith.constant 896 : i32
      %add3A_991 = arith.addi %multiple_of3A, %add3A_990 : i32
      %add3A_992 = arith.constant 64 : i32
      %add3A_993 = arith.addi %add3A_991, %add3A_992 : i32
      %add3A_994 = vector.broadcast %add3A_993 : i32 to vector<16xi32>
      %add3A_995 = arith.addi %add3A_994, %iota3A : vector<16xi32>
      %get3A_996 = arith.constant 960 : index
      %get3A_997 = tpu.vector_load %arg8[%get3A_996] {strides = array<i32>} : memref<1152xi32, #tpu.memory_space<vmem>>, vector<16xi32>,
      %get3A_998 = vector.shape_cast %get3A_997 : vector<16xi32> to vector<16xi32>
      %sub3A_999 = vector.broadcast %mul3A_763 : i32 to vector<16xi32>
      %sub3A_1000 = arith.subi %get3A_998, %sub3A_999 : vector<16xi32>
      %ge3A_1001 = vector.broadcast %add3A_546 : i32 to vector<16xi32>
      %ge3A_1002 = arith.cmpi sge, %add3A_995, %ge3A_1001 : vector<16xi32>
      %lt3A_1003 = vector.broadcast %add3A_574 : i32 to vector<16xi32>
      %lt3A_1004 = arith.cmpi slt, %add3A_995, %lt3A_1003 : vector<16xi32>
      %and3A_1005 = arith.andi %ge3A_1002, %lt3A_1004 : vector<16xi1>
      %ge3A_1006 = arith.constant 0 : i32
      %ge3A_1007 = vector.broadcast %ge3A_1006 : i32 to vector<16xi32>
      %ge3A_1008 = arith.cmpi sge, %sub3A_1000, %ge3A_1007 : vector<16xi32>
      %and3A_1009 = arith.andi %and3A_1005, %ge3A_1008 : vector<16xi1>
      %lt3A_1010 = arith.constant 8192 : i32
      %lt3A_1011 = vector.broadcast %lt3A_1010 : i32 to vector<16xi32>
      %lt3A_1012 = arith.cmpi slt, %sub3A_1000, %lt3A_1011 : vector<16xi32>
      %and3A_1013 = arith.andi %and3A_1009, %lt3A_1012 : vector<16xi1>
      %jit3A_1014 = arith.constant 8192 : i32
      %broadcast_in_dim3A_1015 = vector.broadcast %jit3A_1014 : i32 to vector<16xi32>
      %select_n3A_1016 = arith.select %and3A_1013, %sub3A_1000, %broadcast_in_dim3A_1015 : vector<16xi1>, vector<16xi32>
      %swap3A_1017 = arith.constant 64 : index
      %swap3A_1018 = tpu.vector_load %arg10[%swap3A_1017] {strides = array<i32>} : memref<128xi32, #tpu.memory_space<vmem>>, vector<16xi32>,
      %swap3A_1019 = vector.shape_cast %swap3A_1018 : vector<16xi32> to vector<16xi32>
      %swap3A_1020 = vector.shape_cast %select_n3A_1016 : vector<16xi32> to vector<16xi32>
      tpu.vector_store %arg10[%swap3A_1017], %swap3A_1020 {strides = array<i32>} : memref<128xi32, #tpu.memory_space<vmem>>, vector<16xi32>,
      %add3A_1021 = arith.constant 896 : i32
      %add3A_1022 = arith.addi %multiple_of3A, %add3A_1021 : i32
      %add3A_1023 = arith.constant 80 : i32
      %add3A_1024 = arith.addi %add3A_1022, %add3A_1023 : i32
      %add3A_1025 = vector.broadcast %add3A_1024 : i32 to vector<16xi32>
      %add3A_1026 = arith.addi %add3A_1025, %iota3A : vector<16xi32>
      %get3A_1027 = arith.constant 976 : index
      %get3A_1028 = tpu.vector_load %arg8[%get3A_1027] {strides = array<i32>} : memref<1152xi32, #tpu.memory_space<vmem>>, vector<16xi32>,
      %get3A_1029 = vector.shape_cast %get3A_1028 : vector<16xi32> to vector<16xi32>
      %sub3A_1030 = vector.broadcast %mul3A_763 : i32 to vector<16xi32>
      %sub3A_1031 = arith.subi %get3A_1029, %sub3A_1030 : vector<16xi32>
      %ge3A_1032 = vector.broadcast %add3A_546 : i32 to vector<16xi32>
      %ge3A_1033 = arith.cmpi sge, %add3A_1026, %ge3A_1032 : vector<16xi32>
      %lt3A_1034 = vector.broadcast %add3A_574 : i32 to vector<16xi32>
      %lt3A_1035 = arith.cmpi slt, %add3A_1026, %lt3A_1034 : vector<16xi32>
      %and3A_1036 = arith.andi %ge3A_1033, %lt3A_1035 : vector<16xi1>
      %ge3A_1037 = arith.constant 0 : i32
      %ge3A_1038 = vector.broadcast %ge3A_1037 : i32 to vector<16xi32>
      %ge3A_1039 = arith.cmpi sge, %sub3A_1031, %ge3A_1038 : vector<16xi32>
      %and3A_1040 = arith.andi %and3A_1036, %ge3A_1039 : vector<16xi1>
      %lt3A_1041 = arith.constant 8192 : i32
      %lt3A_1042 = vector.broadcast %lt3A_1041 : i32 to vector<16xi32>
      %lt3A_1043 = arith.cmpi slt, %sub3A_1031, %lt3A_1042 : vector<16xi32>
      %and3A_1044 = arith.andi %and3A_1040, %lt3A_1043 : vector<16xi1>
      %jit3A_1045 = arith.constant 8192 : i32
      %broadcast_in_dim3A_1046 = vector.broadcast %jit3A_1045 : i32 to vector<16xi32>
      %select_n3A_1047 = arith.select %and3A_1044, %sub3A_1031, %broadcast_in_dim3A_1046 : vector<16xi1>, vector<16xi32>
      %swap3A_1048 = arith.constant 80 : index
      %swap3A_1049 = tpu.vector_load %arg10[%swap3A_1048] {strides = array<i32>} : memref<128xi32, #tpu.memory_space<vmem>>, vector<16xi32>,
      %swap3A_1050 = vector.shape_cast %swap3A_1049 : vector<16xi32> to vector<16xi32>
      %swap3A_1051 = vector.shape_cast %select_n3A_1047 : vector<16xi32> to vector<16xi32>
      tpu.vector_store %arg10[%swap3A_1048], %swap3A_1051 {strides = array<i32>} : memref<128xi32, #tpu.memory_space<vmem>>, vector<16xi32>,
      %add3A_1052 = arith.constant 896 : i32
      %add3A_1053 = arith.addi %multiple_of3A, %add3A_1052 : i32
      %add3A_1054 = arith.constant 96 : i32
      %add3A_1055 = arith.addi %add3A_1053, %add3A_1054 : i32
      %add3A_1056 = vector.broadcast %add3A_1055 : i32 to vector<16xi32>
      %add3A_1057 = arith.addi %add3A_1056, %iota3A : vector<16xi32>
      %get3A_1058 = arith.constant 992 : index
      %get3A_1059 = tpu.vector_load %arg8[%get3A_1058] {strides = array<i32>} : memref<1152xi32, #tpu.memory_space<vmem>>, vector<16xi32>,
      %get3A_1060 = vector.shape_cast %get3A_1059 : vector<16xi32> to vector<16xi32>
      %sub3A_1061 = vector.broadcast %mul3A_763 : i32 to vector<16xi32>
      %sub3A_1062 = arith.subi %get3A_1060, %sub3A_1061 : vector<16xi32>
      %ge3A_1063 = vector.broadcast %add3A_546 : i32 to vector<16xi32>
      %ge3A_1064 = arith.cmpi sge, %add3A_1057, %ge3A_1063 : vector<16xi32>
      %lt3A_1065 = vector.broadcast %add3A_574 : i32 to vector<16xi32>
      %lt3A_1066 = arith.cmpi slt, %add3A_1057, %lt3A_1065 : vector<16xi32>
      %and3A_1067 = arith.andi %ge3A_1064, %lt3A_1066 : vector<16xi1>
      %ge3A_1068 = arith.constant 0 : i32
      %ge3A_1069 = vector.broadcast %ge3A_1068 : i32 to vector<16xi32>
      %ge3A_1070 = arith.cmpi sge, %sub3A_1062, %ge3A_1069 : vector<16xi32>
      %and3A_1071 = arith.andi %and3A_1067, %ge3A_1070 : vector<16xi1>
      %lt3A_1072 = arith.constant 8192 : i32
      %lt3A_1073 = vector.broadcast %lt3A_1072 : i32 to vector<16xi32>
      %lt3A_1074 = arith.cmpi slt, %sub3A_1062, %lt3A_1073 : vector<16xi32>
      %and3A_1075 = arith.andi %and3A_1071, %lt3A_1074 : vector<16xi1>
      %jit3A_1076 = arith.constant 8192 : i32
      %broadcast_in_dim3A_1077 = vector.broadcast %jit3A_1076 : i32 to vector<16xi32>
      %select_n3A_1078 = arith.select %and3A_1075, %sub3A_1062, %broadcast_in_dim3A_1077 : vector<16xi1>, vector<16xi32>
      %swap3A_1079 = arith.constant 96 : index
      %swap3A_1080 = tpu.vector_load %arg10[%swap3A_1079] {strides = array<i32>} : memref<128xi32, #tpu.memory_space<vmem>>, vector<16xi32>,
      %swap3A_1081 = vector.shape_cast %swap3A_1080 : vector<16xi32> to vector<16xi32>
      %swap3A_1082 = vector.shape_cast %select_n3A_1078 : vector<16xi32> to vector<16xi32>
      tpu.vector_store %arg10[%swap3A_1079], %swap3A_1082 {strides = array<i32>} : memref<128xi32, #tpu.memory_space<vmem>>, vector<16xi32>,
      %add3A_1083 = arith.constant 896 : i32
      %add3A_1084 = arith.addi %multiple_of3A, %add3A_1083 : i32
      %add3A_1085 = arith.constant 112 : i32
      %add3A_1086 = arith.addi %add3A_1084, %add3A_1085 : i32
      %add3A_1087 = vector.broadcast %add3A_1086 : i32 to vector<16xi32>
      %add3A_1088 = arith.addi %add3A_1087, %iota3A : vector<16xi32>
      %get3A_1089 = arith.constant 1008 : index
      %get3A_1090 = tpu.vector_load %arg8[%get3A_1089] {strides = array<i32>} : memref<1152xi32, #tpu.memory_space<vmem>>, vector<16xi32>,
      %get3A_1091 = vector.shape_cast %get3A_1090 : vector<16xi32> to vector<16xi32>
      %sub3A_1092 = vector.broadcast %mul3A_763 : i32 to vector<16xi32>
      %sub3A_1093 = arith.subi %get3A_1091, %sub3A_1092 : vector<16xi32>
      %ge3A_1094 = vector.broadcast %add3A_546 : i32 to vector<16xi32>
      %ge3A_1095 = arith.cmpi sge, %add3A_1088, %ge3A_1094 : vector<16xi32>
      %lt3A_1096 = vector.broadcast %add3A_574 : i32 to vector<16xi32>
      %lt3A_1097 = arith.cmpi slt, %add3A_1088, %lt3A_1096 : vector<16xi32>
      %and3A_1098 = arith.andi %ge3A_1095, %lt3A_1097 : vector<16xi1>
      %ge3A_1099 = arith.constant 0 : i32
      %ge3A_1100 = vector.broadcast %ge3A_1099 : i32 to vector<16xi32>
      %ge3A_1101 = arith.cmpi sge, %sub3A_1093, %ge3A_1100 : vector<16xi32>
      %and3A_1102 = arith.andi %and3A_1098, %ge3A_1101 : vector<16xi1>
      %lt3A_1103 = arith.constant 8192 : i32
      %lt3A_1104 = vector.broadcast %lt3A_1103 : i32 to vector<16xi32>
      %lt3A_1105 = arith.cmpi slt, %sub3A_1093, %lt3A_1104 : vector<16xi32>
      %and3A_1106 = arith.andi %and3A_1102, %lt3A_1105 : vector<16xi1>
      %jit3A_1107 = arith.constant 8192 : i32
      %broadcast_in_dim3A_1108 = vector.broadcast %jit3A_1107 : i32 to vector<16xi32>
      %select_n3A_1109 = arith.select %and3A_1106, %sub3A_1093, %broadcast_in_dim3A_1108 : vector<16xi1>, vector<16xi32>
      %swap3A_1110 = arith.constant 112 : index
      %swap3A_1111 = tpu.vector_load %arg10[%swap3A_1110] {strides = array<i32>} : memref<128xi32, #tpu.memory_space<vmem>>, vector<16xi32>,
      %swap3A_1112 = vector.shape_cast %swap3A_1111 : vector<16xi32> to vector<16xi32>
      %swap3A_1113 = vector.shape_cast %select_n3A_1109 : vector<16xi32> to vector<16xi32>
      tpu.vector_store %arg10[%swap3A_1110], %swap3A_1113 {strides = array<i32>} : memref<128xi32, #tpu.memory_space<vmem>>, vector<16xi32>,
      %dma_wait3A_1114 = arith.constant 1 : i32
      %dma_wait3A_1115 = arith.constant 0 : i32
      %dma_wait3A_1116 = arith.constant 0 : i32
      %dma_wait3A_1117 = tpu.memref_slice %arg12[%dma_wait3A_1114, %dma_wait3A_1115, %dma_wait3A_1116] : memref<3x128x128xf32, #tpu.memory_space<vmem>> -> memref<1x128x128xf32, #tpu.memory_space<vmem>>
      %dma_wait3A_1118 = tpu.memref_squeeze %dma_wait3A_1117 : memref<1x128x128xf32, #tpu.memory_space<vmem>> -> memref<128x128xf32, #tpu.memory_space<vmem>>
      %dma_wait3A_1119 = arith.constant 896 : i32
      %dma_wait3A_1120 = tpu.memref_slice %arg7[%dma_wait3A_1119] : memref<1152xi32, #tpu.memory_space<vmem>> -> memref<128xi32, #tpu.memory_space<vmem>>
      %dma_wait3A_1121 = arith.constant 0 : i32
      %dma_wait3A_1122 = arith.constant 0 : i32
      %dma_wait3A_1123 = tpu.memref_slice %arg2[%dma_wait3A_1121, %dma_wait3A_1122] : memref<100000x128xf32, #tpu.memory_space<hbm>> -> memref<100000x128xf32, #tpu.memory_space<hbm>>
      tpu.wait_indirect_dma semaphore(%arg15 : memref<!tpu.dma_semaphore, #tpu.memory_space<semaphore_mem>>) src(%dma_wait3A_1123 : memref<100000x128xf32, #tpu.memory_space<hbm>>) dst(%dma_wait3A_1118 : memref<128x128xf32, #tpu.memory_space<vmem>>)
      %run_scoped3A = arith.constant 1 : i32
      "tpu.region"() ({
        %run_scoped3A_1124 = tpu.sem_alloc : memref<!tpu.dma_semaphore, #tpu.memory_space<semaphore_mem>>
        %dma_start3A_1125 = arith.constant 0 : i32
        %dma_start3A_1126 = arith.constant 0 : i32
        %dma_start3A_1127 = tpu.memref_slice %arg12[%run_scoped3A, %dma_start3A_1125, %dma_start3A_1126] : memref<3x128x128xf32, #tpu.memory_space<vmem>> -> memref<1x128x128xf32, #tpu.memory_space<vmem>>
        %dma_start3A_1128 = tpu.memref_squeeze %dma_start3A_1127 : memref<1x128x128xf32, #tpu.memory_space<vmem>> -> memref<128x128xf32, #tpu.memory_space<vmem>>
        %dma_start3A_1129 = arith.constant 0 : i32
        %dma_start3A_1130 = arith.constant 0 : i32
        %dma_start3A_1131 = tpu.memref_slice %arg13[%dma_start3A_1129, %dma_start3A_1130] : memref<8200x128xf32, #tpu.memory_space<vmem_shared>> -> memref<8200x128xf32, #tpu.memory_space<vmem_shared>>
        tpu.enqueue_indirect_dma source(%dma_start3A_1128 : memref<128x128xf32, #tpu.memory_space<vmem>>) target(%dma_start3A_1131 : memref<8200x128xf32, #tpu.memory_space<vmem_shared>>) offsets(%arg10 : memref<128xi32, #tpu.memory_space<vmem>>) semaphore(%run_scoped3A_1124 : memref<!tpu.dma_semaphore, #tpu.memory_space<semaphore_mem>>) {add = true}
        %dma_wait3A_1132 = arith.constant 0 : i32
        %dma_wait3A_1133 = arith.constant 0 : i32
        %dma_wait3A_1134 = tpu.memref_slice %arg12[%run_scoped3A, %dma_wait3A_1132, %dma_wait3A_1133] : memref<3x128x128xf32, #tpu.memory_space<vmem>> -> memref<1x128x128xf32, #tpu.memory_space<vmem>>
        %dma_wait3A_1135 = tpu.memref_squeeze %dma_wait3A_1134 : memref<1x128x128xf32, #tpu.memory_space<vmem>> -> memref<128x128xf32, #tpu.memory_space<vmem>>
        %dma_wait3A_1136 = arith.constant 0 : i32
        %dma_wait3A_1137 = arith.constant 0 : i32
        %dma_wait3A_1138 = tpu.memref_slice %arg13[%dma_wait3A_1136, %dma_wait3A_1137] : memref<8200x128xf32, #tpu.memory_space<vmem_shared>> -> memref<8200x128xf32, #tpu.memory_space<vmem_shared>>
        tpu.wait_indirect_dma semaphore(%run_scoped3A_1124 : memref<!tpu.dma_semaphore, #tpu.memory_space<semaphore_mem>>) src(%dma_wait3A_1135 : memref<128x128xf32, #tpu.memory_space<vmem>>) dst(%dma_wait3A_1138 : memref<8200x128xf32, #tpu.memory_space<vmem_shared>>)
        tpu.yield
      }) : () -> ()
    } else {
    }
    %add3A_854 = arith.constant 1024 : i32
    %add3A_855 = arith.addi %multiple_of3A, %add3A_854 : i32
    %lt3A_856 = arith.cmpi slt, %add3A_855, %add3A_574 : i32
    %convert_element_type3A_857 = arith.extui %lt3A_856 : i1 to i32
    %cond3A_858 = arith.constant 0 : i32
    %cond3A_859 = arith.cmpi ne, %convert_element_type3A_857, %cond3A_858 : i32
    scf.if %cond3A_859 {
      %add3A_868 = arith.constant 1024 : i32
      %add3A_869 = arith.addi %multiple_of3A, %add3A_868 : i32
      %add3A_870 = arith.constant 0 : i32
      %add3A_871 = arith.addi %add3A_869, %add3A_870 : i32
      %add3A_872 = vector.broadcast %add3A_871 : i32 to vector<16xi32>
      %add3A_873 = arith.addi %add3A_872, %iota3A : vector<16xi32>
      %get3A_874 = arith.constant 1024 : index
      %get3A_875 = tpu.vector_load %arg8[%get3A_874] {strides = array<i32>} : memref<1152xi32, #tpu.memory_space<vmem>>, vector<16xi32>,
      %get3A_876 = vector.shape_cast %get3A_875 : vector<16xi32> to vector<16xi32>
      %sub3A_877 = vector.broadcast %mul3A_763 : i32 to vector<16xi32>
      %sub3A_878 = arith.subi %get3A_876, %sub3A_877 : vector<16xi32>
      %ge3A = vector.broadcast %add3A_546 : i32 to vector<16xi32>
      %ge3A_879 = arith.cmpi sge, %add3A_873, %ge3A : vector<16xi32>
      %lt3A_880 = vector.broadcast %add3A_574 : i32 to vector<16xi32>
      %lt3A_881 = arith.cmpi slt, %add3A_873, %lt3A_880 : vector<16xi32>
      %and3A_882 = arith.andi %ge3A_879, %lt3A_881 : vector<16xi1>
      %ge3A_883 = arith.constant 0 : i32
      %ge3A_884 = vector.broadcast %ge3A_883 : i32 to vector<16xi32>
      %ge3A_885 = arith.cmpi sge, %sub3A_878, %ge3A_884 : vector<16xi32>
      %and3A_886 = arith.andi %and3A_882, %ge3A_885 : vector<16xi1>
      %lt3A_887 = arith.constant 8192 : i32
      %lt3A_888 = vector.broadcast %lt3A_887 : i32 to vector<16xi32>
      %lt3A_889 = arith.cmpi slt, %sub3A_878, %lt3A_888 : vector<16xi32>
      %and3A_890 = arith.andi %and3A_886, %lt3A_889 : vector<16xi1>
      %jit3A_891 = arith.constant 8192 : i32
      %broadcast_in_dim3A_892 = vector.broadcast %jit3A_891 : i32 to vector<16xi32>
      %select_n3A_893 = arith.select %and3A_890, %sub3A_878, %broadcast_in_dim3A_892 : vector<16xi1>, vector<16xi32>
      %swap3A = arith.constant 0 : index
      %swap3A_894 = tpu.vector_load %arg11[%swap3A] {strides = array<i32>} : memref<128xi32, #tpu.memory_space<vmem>>, vector<16xi32>,
      %swap3A_895 = vector.shape_cast %swap3A_894 : vector<16xi32> to vector<16xi32>
      %swap3A_896 = vector.shape_cast %select_n3A_893 : vector<16xi32> to vector<16xi32>
      tpu.vector_store %arg11[%swap3A], %swap3A_896 {strides = array<i32>} : memref<128xi32, #tpu.memory_space<vmem>>, vector<16xi32>,
      %add3A_897 = arith.constant 1024 : i32
      %add3A_898 = arith.addi %multiple_of3A, %add3A_897 : i32
      %add3A_899 = arith.constant 16 : i32
      %add3A_900 = arith.addi %add3A_898, %add3A_899 : i32
      %add3A_901 = vector.broadcast %add3A_900 : i32 to vector<16xi32>
      %add3A_902 = arith.addi %add3A_901, %iota3A : vector<16xi32>
      %get3A_903 = arith.constant 1040 : index
      %get3A_904 = tpu.vector_load %arg8[%get3A_903] {strides = array<i32>} : memref<1152xi32, #tpu.memory_space<vmem>>, vector<16xi32>,
      %get3A_905 = vector.shape_cast %get3A_904 : vector<16xi32> to vector<16xi32>
      %sub3A_906 = vector.broadcast %mul3A_763 : i32 to vector<16xi32>
      %sub3A_907 = arith.subi %get3A_905, %sub3A_906 : vector<16xi32>
      %ge3A_908 = vector.broadcast %add3A_546 : i32 to vector<16xi32>
      %ge3A_909 = arith.cmpi sge, %add3A_902, %ge3A_908 : vector<16xi32>
      %lt3A_910 = vector.broadcast %add3A_574 : i32 to vector<16xi32>
      %lt3A_911 = arith.cmpi slt, %add3A_902, %lt3A_910 : vector<16xi32>
      %and3A_912 = arith.andi %ge3A_909, %lt3A_911 : vector<16xi1>
      %ge3A_913 = arith.constant 0 : i32
      %ge3A_914 = vector.broadcast %ge3A_913 : i32 to vector<16xi32>
      %ge3A_915 = arith.cmpi sge, %sub3A_907, %ge3A_914 : vector<16xi32>
      %and3A_916 = arith.andi %and3A_912, %ge3A_915 : vector<16xi1>
      %lt3A_917 = arith.constant 8192 : i32
      %lt3A_918 = vector.broadcast %lt3A_917 : i32 to vector<16xi32>
      %lt3A_919 = arith.cmpi slt, %sub3A_907, %lt3A_918 : vector<16xi32>
      %and3A_920 = arith.andi %and3A_916, %lt3A_919 : vector<16xi1>
      %jit3A_921 = arith.constant 8192 : i32
      %broadcast_in_dim3A_922 = vector.broadcast %jit3A_921 : i32 to vector<16xi32>
      %select_n3A_923 = arith.select %and3A_920, %sub3A_907, %broadcast_in_dim3A_922 : vector<16xi1>, vector<16xi32>
      %swap3A_924 = arith.constant 16 : index
      %swap3A_925 = tpu.vector_load %arg11[%swap3A_924] {strides = array<i32>} : memref<128xi32, #tpu.memory_space<vmem>>, vector<16xi32>,
      %swap3A_926 = vector.shape_cast %swap3A_925 : vector<16xi32> to vector<16xi32>
      %swap3A_927 = vector.shape_cast %select_n3A_923 : vector<16xi32> to vector<16xi32>
      tpu.vector_store %arg11[%swap3A_924], %swap3A_927 {strides = array<i32>} : memref<128xi32, #tpu.memory_space<vmem>>, vector<16xi32>,
      %add3A_928 = arith.constant 1024 : i32
      %add3A_929 = arith.addi %multiple_of3A, %add3A_928 : i32
      %add3A_930 = arith.constant 32 : i32
      %add3A_931 = arith.addi %add3A_929, %add3A_930 : i32
      %add3A_932 = vector.broadcast %add3A_931 : i32 to vector<16xi32>
      %add3A_933 = arith.addi %add3A_932, %iota3A : vector<16xi32>
      %get3A_934 = arith.constant 1056 : index
      %get3A_935 = tpu.vector_load %arg8[%get3A_934] {strides = array<i32>} : memref<1152xi32, #tpu.memory_space<vmem>>, vector<16xi32>,
      %get3A_936 = vector.shape_cast %get3A_935 : vector<16xi32> to vector<16xi32>
      %sub3A_937 = vector.broadcast %mul3A_763 : i32 to vector<16xi32>
      %sub3A_938 = arith.subi %get3A_936, %sub3A_937 : vector<16xi32>
      %ge3A_939 = vector.broadcast %add3A_546 : i32 to vector<16xi32>
      %ge3A_940 = arith.cmpi sge, %add3A_933, %ge3A_939 : vector<16xi32>
      %lt3A_941 = vector.broadcast %add3A_574 : i32 to vector<16xi32>
      %lt3A_942 = arith.cmpi slt, %add3A_933, %lt3A_941 : vector<16xi32>
      %and3A_943 = arith.andi %ge3A_940, %lt3A_942 : vector<16xi1>
      %ge3A_944 = arith.constant 0 : i32
      %ge3A_945 = vector.broadcast %ge3A_944 : i32 to vector<16xi32>
      %ge3A_946 = arith.cmpi sge, %sub3A_938, %ge3A_945 : vector<16xi32>
      %and3A_947 = arith.andi %and3A_943, %ge3A_946 : vector<16xi1>
      %lt3A_948 = arith.constant 8192 : i32
      %lt3A_949 = vector.broadcast %lt3A_948 : i32 to vector<16xi32>
      %lt3A_950 = arith.cmpi slt, %sub3A_938, %lt3A_949 : vector<16xi32>
      %and3A_951 = arith.andi %and3A_947, %lt3A_950 : vector<16xi1>
      %jit3A_952 = arith.constant 8192 : i32
      %broadcast_in_dim3A_953 = vector.broadcast %jit3A_952 : i32 to vector<16xi32>
      %select_n3A_954 = arith.select %and3A_951, %sub3A_938, %broadcast_in_dim3A_953 : vector<16xi1>, vector<16xi32>
      %swap3A_955 = arith.constant 32 : index
      %swap3A_956 = tpu.vector_load %arg11[%swap3A_955] {strides = array<i32>} : memref<128xi32, #tpu.memory_space<vmem>>, vector<16xi32>,
      %swap3A_957 = vector.shape_cast %swap3A_956 : vector<16xi32> to vector<16xi32>
      %swap3A_958 = vector.shape_cast %select_n3A_954 : vector<16xi32> to vector<16xi32>
      tpu.vector_store %arg11[%swap3A_955], %swap3A_958 {strides = array<i32>} : memref<128xi32, #tpu.memory_space<vmem>>, vector<16xi32>,
      %add3A_959 = arith.constant 1024 : i32
      %add3A_960 = arith.addi %multiple_of3A, %add3A_959 : i32
      %add3A_961 = arith.constant 48 : i32
      %add3A_962 = arith.addi %add3A_960, %add3A_961 : i32
      %add3A_963 = vector.broadcast %add3A_962 : i32 to vector<16xi32>
      %add3A_964 = arith.addi %add3A_963, %iota3A : vector<16xi32>
      %get3A_965 = arith.constant 1072 : index
      %get3A_966 = tpu.vector_load %arg8[%get3A_965] {strides = array<i32>} : memref<1152xi32, #tpu.memory_space<vmem>>, vector<16xi32>,
      %get3A_967 = vector.shape_cast %get3A_966 : vector<16xi32> to vector<16xi32>
      %sub3A_968 = vector.broadcast %mul3A_763 : i32 to vector<16xi32>
      %sub3A_969 = arith.subi %get3A_967, %sub3A_968 : vector<16xi32>
      %ge3A_970 = vector.broadcast %add3A_546 : i32 to vector<16xi32>
      %ge3A_971 = arith.cmpi sge, %add3A_964, %ge3A_970 : vector<16xi32>
      %lt3A_972 = vector.broadcast %add3A_574 : i32 to vector<16xi32>
      %lt3A_973 = arith.cmpi slt, %add3A_964, %lt3A_972 : vector<16xi32>
      %and3A_974 = arith.andi %ge3A_971, %lt3A_973 : vector<16xi1>
      %ge3A_975 = arith.constant 0 : i32
      %ge3A_976 = vector.broadcast %ge3A_975 : i32 to vector<16xi32>
      %ge3A_977 = arith.cmpi sge, %sub3A_969, %ge3A_976 : vector<16xi32>
      %and3A_978 = arith.andi %and3A_974, %ge3A_977 : vector<16xi1>
      %lt3A_979 = arith.constant 8192 : i32
      %lt3A_980 = vector.broadcast %lt3A_979 : i32 to vector<16xi32>
      %lt3A_981 = arith.cmpi slt, %sub3A_969, %lt3A_980 : vector<16xi32>
      %and3A_982 = arith.andi %and3A_978, %lt3A_981 : vector<16xi1>
      %jit3A_983 = arith.constant 8192 : i32
      %broadcast_in_dim3A_984 = vector.broadcast %jit3A_983 : i32 to vector<16xi32>
      %select_n3A_985 = arith.select %and3A_982, %sub3A_969, %broadcast_in_dim3A_984 : vector<16xi1>, vector<16xi32>
      %swap3A_986 = arith.constant 48 : index
      %swap3A_987 = tpu.vector_load %arg11[%swap3A_986] {strides = array<i32>} : memref<128xi32, #tpu.memory_space<vmem>>, vector<16xi32>,
      %swap3A_988 = vector.shape_cast %swap3A_987 : vector<16xi32> to vector<16xi32>
      %swap3A_989 = vector.shape_cast %select_n3A_985 : vector<16xi32> to vector<16xi32>
      tpu.vector_store %arg11[%swap3A_986], %swap3A_989 {strides = array<i32>} : memref<128xi32, #tpu.memory_space<vmem>>, vector<16xi32>,
      %add3A_990 = arith.constant 1024 : i32
      %add3A_991 = arith.addi %multiple_of3A, %add3A_990 : i32
      %add3A_992 = arith.constant 64 : i32
      %add3A_993 = arith.addi %add3A_991, %add3A_992 : i32
      %add3A_994 = vector.broadcast %add3A_993 : i32 to vector<16xi32>
      %add3A_995 = arith.addi %add3A_994, %iota3A : vector<16xi32>
      %get3A_996 = arith.constant 1088 : index
      %get3A_997 = tpu.vector_load %arg8[%get3A_996] {strides = array<i32>} : memref<1152xi32, #tpu.memory_space<vmem>>, vector<16xi32>,
      %get3A_998 = vector.shape_cast %get3A_997 : vector<16xi32> to vector<16xi32>
      %sub3A_999 = vector.broadcast %mul3A_763 : i32 to vector<16xi32>
      %sub3A_1000 = arith.subi %get3A_998, %sub3A_999 : vector<16xi32>
      %ge3A_1001 = vector.broadcast %add3A_546 : i32 to vector<16xi32>
      %ge3A_1002 = arith.cmpi sge, %add3A_995, %ge3A_1001 : vector<16xi32>
      %lt3A_1003 = vector.broadcast %add3A_574 : i32 to vector<16xi32>
      %lt3A_1004 = arith.cmpi slt, %add3A_995, %lt3A_1003 : vector<16xi32>
      %and3A_1005 = arith.andi %ge3A_1002, %lt3A_1004 : vector<16xi1>
      %ge3A_1006 = arith.constant 0 : i32
      %ge3A_1007 = vector.broadcast %ge3A_1006 : i32 to vector<16xi32>
      %ge3A_1008 = arith.cmpi sge, %sub3A_1000, %ge3A_1007 : vector<16xi32>
      %and3A_1009 = arith.andi %and3A_1005, %ge3A_1008 : vector<16xi1>
      %lt3A_1010 = arith.constant 8192 : i32
      %lt3A_1011 = vector.broadcast %lt3A_1010 : i32 to vector<16xi32>
      %lt3A_1012 = arith.cmpi slt, %sub3A_1000, %lt3A_1011 : vector<16xi32>
      %and3A_1013 = arith.andi %and3A_1009, %lt3A_1012 : vector<16xi1>
      %jit3A_1014 = arith.constant 8192 : i32
      %broadcast_in_dim3A_1015 = vector.broadcast %jit3A_1014 : i32 to vector<16xi32>
      %select_n3A_1016 = arith.select %and3A_1013, %sub3A_1000, %broadcast_in_dim3A_1015 : vector<16xi1>, vector<16xi32>
      %swap3A_1017 = arith.constant 64 : index
      %swap3A_1018 = tpu.vector_load %arg11[%swap3A_1017] {strides = array<i32>} : memref<128xi32, #tpu.memory_space<vmem>>, vector<16xi32>,
      %swap3A_1019 = vector.shape_cast %swap3A_1018 : vector<16xi32> to vector<16xi32>
      %swap3A_1020 = vector.shape_cast %select_n3A_1016 : vector<16xi32> to vector<16xi32>
      tpu.vector_store %arg11[%swap3A_1017], %swap3A_1020 {strides = array<i32>} : memref<128xi32, #tpu.memory_space<vmem>>, vector<16xi32>,
      %add3A_1021 = arith.constant 1024 : i32
      %add3A_1022 = arith.addi %multiple_of3A, %add3A_1021 : i32
      %add3A_1023 = arith.constant 80 : i32
      %add3A_1024 = arith.addi %add3A_1022, %add3A_1023 : i32
      %add3A_1025 = vector.broadcast %add3A_1024 : i32 to vector<16xi32>
      %add3A_1026 = arith.addi %add3A_1025, %iota3A : vector<16xi32>
      %get3A_1027 = arith.constant 1104 : index
      %get3A_1028 = tpu.vector_load %arg8[%get3A_1027] {strides = array<i32>} : memref<1152xi32, #tpu.memory_space<vmem>>, vector<16xi32>,
      %get3A_1029 = vector.shape_cast %get3A_1028 : vector<16xi32> to vector<16xi32>
      %sub3A_1030 = vector.broadcast %mul3A_763 : i32 to vector<16xi32>
      %sub3A_1031 = arith.subi %get3A_1029, %sub3A_1030 : vector<16xi32>
      %ge3A_1032 = vector.broadcast %add3A_546 : i32 to vector<16xi32>
      %ge3A_1033 = arith.cmpi sge, %add3A_1026, %ge3A_1032 : vector<16xi32>
      %lt3A_1034 = vector.broadcast %add3A_574 : i32 to vector<16xi32>
      %lt3A_1035 = arith.cmpi slt, %add3A_1026, %lt3A_1034 : vector<16xi32>
      %and3A_1036 = arith.andi %ge3A_1033, %lt3A_1035 : vector<16xi1>
      %ge3A_1037 = arith.constant 0 : i32
      %ge3A_1038 = vector.broadcast %ge3A_1037 : i32 to vector<16xi32>
      %ge3A_1039 = arith.cmpi sge, %sub3A_1031, %ge3A_1038 : vector<16xi32>
      %and3A_1040 = arith.andi %and3A_1036, %ge3A_1039 : vector<16xi1>
      %lt3A_1041 = arith.constant 8192 : i32
      %lt3A_1042 = vector.broadcast %lt3A_1041 : i32 to vector<16xi32>
      %lt3A_1043 = arith.cmpi slt, %sub3A_1031, %lt3A_1042 : vector<16xi32>
      %and3A_1044 = arith.andi %and3A_1040, %lt3A_1043 : vector<16xi1>
      %jit3A_1045 = arith.constant 8192 : i32
      %broadcast_in_dim3A_1046 = vector.broadcast %jit3A_1045 : i32 to vector<16xi32>
      %select_n3A_1047 = arith.select %and3A_1044, %sub3A_1031, %broadcast_in_dim3A_1046 : vector<16xi1>, vector<16xi32>
      %swap3A_1048 = arith.constant 80 : index
      %swap3A_1049 = tpu.vector_load %arg11[%swap3A_1048] {strides = array<i32>} : memref<128xi32, #tpu.memory_space<vmem>>, vector<16xi32>,
      %swap3A_1050 = vector.shape_cast %swap3A_1049 : vector<16xi32> to vector<16xi32>
      %swap3A_1051 = vector.shape_cast %select_n3A_1047 : vector<16xi32> to vector<16xi32>
      tpu.vector_store %arg11[%swap3A_1048], %swap3A_1051 {strides = array<i32>} : memref<128xi32, #tpu.memory_space<vmem>>, vector<16xi32>,
      %add3A_1052 = arith.constant 1024 : i32
      %add3A_1053 = arith.addi %multiple_of3A, %add3A_1052 : i32
      %add3A_1054 = arith.constant 96 : i32
      %add3A_1055 = arith.addi %add3A_1053, %add3A_1054 : i32
      %add3A_1056 = vector.broadcast %add3A_1055 : i32 to vector<16xi32>
      %add3A_1057 = arith.addi %add3A_1056, %iota3A : vector<16xi32>
      %get3A_1058 = arith.constant 1120 : index
      %get3A_1059 = tpu.vector_load %arg8[%get3A_1058] {strides = array<i32>} : memref<1152xi32, #tpu.memory_space<vmem>>, vector<16xi32>,
      %get3A_1060 = vector.shape_cast %get3A_1059 : vector<16xi32> to vector<16xi32>
      %sub3A_1061 = vector.broadcast %mul3A_763 : i32 to vector<16xi32>
      %sub3A_1062 = arith.subi %get3A_1060, %sub3A_1061 : vector<16xi32>
      %ge3A_1063 = vector.broadcast %add3A_546 : i32 to vector<16xi32>
      %ge3A_1064 = arith.cmpi sge, %add3A_1057, %ge3A_1063 : vector<16xi32>
      %lt3A_1065 = vector.broadcast %add3A_574 : i32 to vector<16xi32>
      %lt3A_1066 = arith.cmpi slt, %add3A_1057, %lt3A_1065 : vector<16xi32>
      %and3A_1067 = arith.andi %ge3A_1064, %lt3A_1066 : vector<16xi1>
      %ge3A_1068 = arith.constant 0 : i32
      %ge3A_1069 = vector.broadcast %ge3A_1068 : i32 to vector<16xi32>
      %ge3A_1070 = arith.cmpi sge, %sub3A_1062, %ge3A_1069 : vector<16xi32>
      %and3A_1071 = arith.andi %and3A_1067, %ge3A_1070 : vector<16xi1>
      %lt3A_1072 = arith.constant 8192 : i32
      %lt3A_1073 = vector.broadcast %lt3A_1072 : i32 to vector<16xi32>
      %lt3A_1074 = arith.cmpi slt, %sub3A_1062, %lt3A_1073 : vector<16xi32>
      %and3A_1075 = arith.andi %and3A_1071, %lt3A_1074 : vector<16xi1>
      %jit3A_1076 = arith.constant 8192 : i32
      %broadcast_in_dim3A_1077 = vector.broadcast %jit3A_1076 : i32 to vector<16xi32>
      %select_n3A_1078 = arith.select %and3A_1075, %sub3A_1062, %broadcast_in_dim3A_1077 : vector<16xi1>, vector<16xi32>
      %swap3A_1079 = arith.constant 96 : index
      %swap3A_1080 = tpu.vector_load %arg11[%swap3A_1079] {strides = array<i32>} : memref<128xi32, #tpu.memory_space<vmem>>, vector<16xi32>,
      %swap3A_1081 = vector.shape_cast %swap3A_1080 : vector<16xi32> to vector<16xi32>
      %swap3A_1082 = vector.shape_cast %select_n3A_1078 : vector<16xi32> to vector<16xi32>
      tpu.vector_store %arg11[%swap3A_1079], %swap3A_1082 {strides = array<i32>} : memref<128xi32, #tpu.memory_space<vmem>>, vector<16xi32>,
      %add3A_1083 = arith.constant 1024 : i32
      %add3A_1084 = arith.addi %multiple_of3A, %add3A_1083 : i32
      %add3A_1085 = arith.constant 112 : i32
      %add3A_1086 = arith.addi %add3A_1084, %add3A_1085 : i32
      %add3A_1087 = vector.broadcast %add3A_1086 : i32 to vector<16xi32>
      %add3A_1088 = arith.addi %add3A_1087, %iota3A : vector<16xi32>
      %get3A_1089 = arith.constant 1136 : index
      %get3A_1090 = tpu.vector_load %arg8[%get3A_1089] {strides = array<i32>} : memref<1152xi32, #tpu.memory_space<vmem>>, vector<16xi32>,
      %get3A_1091 = vector.shape_cast %get3A_1090 : vector<16xi32> to vector<16xi32>
      %sub3A_1092 = vector.broadcast %mul3A_763 : i32 to vector<16xi32>
      %sub3A_1093 = arith.subi %get3A_1091, %sub3A_1092 : vector<16xi32>
      %ge3A_1094 = vector.broadcast %add3A_546 : i32 to vector<16xi32>
      %ge3A_1095 = arith.cmpi sge, %add3A_1088, %ge3A_1094 : vector<16xi32>
      %lt3A_1096 = vector.broadcast %add3A_574 : i32 to vector<16xi32>
      %lt3A_1097 = arith.cmpi slt, %add3A_1088, %lt3A_1096 : vector<16xi32>
      %and3A_1098 = arith.andi %ge3A_1095, %lt3A_1097 : vector<16xi1>
      %ge3A_1099 = arith.constant 0 : i32
      %ge3A_1100 = vector.broadcast %ge3A_1099 : i32 to vector<16xi32>
      %ge3A_1101 = arith.cmpi sge, %sub3A_1093, %ge3A_1100 : vector<16xi32>
      %and3A_1102 = arith.andi %and3A_1098, %ge3A_1101 : vector<16xi1>
      %lt3A_1103 = arith.constant 8192 : i32
      %lt3A_1104 = vector.broadcast %lt3A_1103 : i32 to vector<16xi32>
      %lt3A_1105 = arith.cmpi slt, %sub3A_1093, %lt3A_1104 : vector<16xi32>
      %and3A_1106 = arith.andi %and3A_1102, %lt3A_1105 : vector<16xi1>
      %jit3A_1107 = arith.constant 8192 : i32
      %broadcast_in_dim3A_1108 = vector.broadcast %jit3A_1107 : i32 to vector<16xi32>
      %select_n3A_1109 = arith.select %and3A_1106, %sub3A_1093, %broadcast_in_dim3A_1108 : vector<16xi1>, vector<16xi32>
      %swap3A_1110 = arith.constant 112 : index
      %swap3A_1111 = tpu.vector_load %arg11[%swap3A_1110] {strides = array<i32>} : memref<128xi32, #tpu.memory_space<vmem>>, vector<16xi32>,
      %swap3A_1112 = vector.shape_cast %swap3A_1111 : vector<16xi32> to vector<16xi32>
      %swap3A_1113 = vector.shape_cast %select_n3A_1109 : vector<16xi32> to vector<16xi32>
      tpu.vector_store %arg11[%swap3A_1110], %swap3A_1113 {strides = array<i32>} : memref<128xi32, #tpu.memory_space<vmem>>, vector<16xi32>,
      %dma_wait3A_1114 = arith.constant 2 : i32
      %dma_wait3A_1115 = arith.constant 0 : i32
      %dma_wait3A_1116 = arith.constant 0 : i32
      %dma_wait3A_1117 = tpu.memref_slice %arg12[%dma_wait3A_1114, %dma_wait3A_1115, %dma_wait3A_1116] : memref<3x128x128xf32, #tpu.memory_space<vmem>> -> memref<1x128x128xf32, #tpu.memory_space<vmem>>
      %dma_wait3A_1118 = tpu.memref_squeeze %dma_wait3A_1117 : memref<1x128x128xf32, #tpu.memory_space<vmem>> -> memref<128x128xf32, #tpu.memory_space<vmem>>
      %dma_wait3A_1119 = arith.constant 1024 : i32
      %dma_wait3A_1120 = tpu.memref_slice %arg7[%dma_wait3A_1119] : memref<1152xi32, #tpu.memory_space<vmem>> -> memref<128xi32, #tpu.memory_space<vmem>>
      %dma_wait3A_1121 = arith.constant 0 : i32
      %dma_wait3A_1122 = arith.constant 0 : i32
      %dma_wait3A_1123 = tpu.memref_slice %arg2[%dma_wait3A_1121, %dma_wait3A_1122] : memref<100000x128xf32, #tpu.memory_space<hbm>> -> memref<100000x128xf32, #tpu.memory_space<hbm>>
      tpu.wait_indirect_dma semaphore(%arg16 : memref<!tpu.dma_semaphore, #tpu.memory_space<semaphore_mem>>) src(%dma_wait3A_1123 : memref<100000x128xf32, #tpu.memory_space<hbm>>) dst(%dma_wait3A_1118 : memref<128x128xf32, #tpu.memory_space<vmem>>)
      %run_scoped3A = arith.constant 2 : i32
      "tpu.region"() ({
        %run_scoped3A_1124 = tpu.sem_alloc : memref<!tpu.dma_semaphore, #tpu.memory_space<semaphore_mem>>
        %dma_start3A_1125 = arith.constant 0 : i32
        %dma_start3A_1126 = arith.constant 0 : i32
        %dma_start3A_1127 = tpu.memref_slice %arg12[%run_scoped3A, %dma_start3A_1125, %dma_start3A_1126] : memref<3x128x128xf32, #tpu.memory_space<vmem>> -> memref<1x128x128xf32, #tpu.memory_space<vmem>>
        %dma_start3A_1128 = tpu.memref_squeeze %dma_start3A_1127 : memref<1x128x128xf32, #tpu.memory_space<vmem>> -> memref<128x128xf32, #tpu.memory_space<vmem>>
        %dma_start3A_1129 = arith.constant 0 : i32
        %dma_start3A_1130 = arith.constant 0 : i32
        %dma_start3A_1131 = tpu.memref_slice %arg13[%dma_start3A_1129, %dma_start3A_1130] : memref<8200x128xf32, #tpu.memory_space<vmem_shared>> -> memref<8200x128xf32, #tpu.memory_space<vmem_shared>>
        tpu.enqueue_indirect_dma source(%dma_start3A_1128 : memref<128x128xf32, #tpu.memory_space<vmem>>) target(%dma_start3A_1131 : memref<8200x128xf32, #tpu.memory_space<vmem_shared>>) offsets(%arg11 : memref<128xi32, #tpu.memory_space<vmem>>) semaphore(%run_scoped3A_1124 : memref<!tpu.dma_semaphore, #tpu.memory_space<semaphore_mem>>) {add = true}
        %dma_wait3A_1132 = arith.constant 0 : i32
        %dma_wait3A_1133 = arith.constant 0 : i32
        %dma_wait3A_1134 = tpu.memref_slice %arg12[%run_scoped3A, %dma_wait3A_1132, %dma_wait3A_1133] : memref<3x128x128xf32, #tpu.memory_space<vmem>> -> memref<1x128x128xf32, #tpu.memory_space<vmem>>
        %dma_wait3A_1135 = tpu.memref_squeeze %dma_wait3A_1134 : memref<1x128x128xf32, #tpu.memory_space<vmem>> -> memref<128x128xf32, #tpu.memory_space<vmem>>
        %dma_wait3A_1136 = arith.constant 0 : i32
        %dma_wait3A_1137 = arith.constant 0 : i32
        %dma_wait3A_1138 = tpu.memref_slice %arg13[%dma_wait3A_1136, %dma_wait3A_1137] : memref<8200x128xf32, #tpu.memory_space<vmem_shared>> -> memref<8200x128xf32, #tpu.memory_space<vmem_shared>>
        tpu.wait_indirect_dma semaphore(%run_scoped3A_1124 : memref<!tpu.dma_semaphore, #tpu.memory_space<semaphore_mem>>) src(%dma_wait3A_1135 : memref<128x128xf32, #tpu.memory_space<vmem>>) dst(%dma_wait3A_1138 : memref<8200x128xf32, #tpu.memory_space<vmem_shared>>)
        tpu.yield
      }) : () -> ()
    } else {
    }
    %barrier3A_860 = arith.constant 0 : index
    tpu.barrier barrier_id(%barrier3A_860)
    %mul3A_861 = arith.constant 8192 : i32
    %mul3A_862 = arith.muli %arg0, %mul3A_861 : i32
    %mul3A_863 = arith.constant 512 : i32
    %mul3A_864 = arith.muli %arg1, %mul3A_863 : i32
    %add3A_865 = arith.addi %mul3A_862, %mul3A_864 : i32
    %mul3A_866 = arith.constant 512 : i32
    %mul3A_867 = arith.muli %arg1, %mul3A_866 : i32
    "tpu.region"() ({
      %run_scoped3A = tpu.sem_alloc : memref<!tpu.dma_semaphore, #tpu.memory_space<semaphore_mem>>
      %dma_start3A_868 = arith.constant 0 : i32
      %dma_start3A_869 = tpu.memref_slice %arg6[%add3A_865, %dma_start3A_868] : memref<16384x128xf32, #tpu.memory_space<hbm>> -> memref<512x128xf32, #tpu.memory_space<hbm>>
      %dma_start3A_870 = arith.constant 0 : i32
      %dma_start3A_871 = tpu.memref_slice %arg13[%mul3A_867, %dma_start3A_870] : memref<8200x128xf32, #tpu.memory_space<vmem_shared>> -> memref<512x128xf32, #tpu.memory_space<vmem_shared>>
      tpu.enqueue_dma source(%dma_start3A_871 : memref<512x128xf32, #tpu.memory_space<vmem_shared>>) target(%dma_start3A_869 : memref<512x128xf32, #tpu.memory_space<hbm>>) target_semaphore(%run_scoped3A : memref<!tpu.dma_semaphore, #tpu.memory_space<semaphore_mem>>)
      %dma_wait3A_872 = arith.constant 0 : i32
      %dma_wait3A_873 = tpu.memref_slice %arg6[%add3A_865, %dma_wait3A_872] : memref<16384x128xf32, #tpu.memory_space<hbm>> -> memref<512x128xf32, #tpu.memory_space<hbm>>
      %dma_wait3A_874 = arith.constant 0 : i32
      %dma_wait3A_875 = tpu.memref_slice %arg13[%mul3A_867, %dma_wait3A_874] : memref<8200x128xf32, #tpu.memory_space<vmem_shared>> -> memref<512x128xf32, #tpu.memory_space<vmem_shared>>
      tpu.wait_dma2 semaphore(%run_scoped3A : memref<!tpu.dma_semaphore, #tpu.memory_space<semaphore_mem>>) src(%dma_wait3A_875 : memref<512x128xf32, #tpu.memory_space<vmem_shared>>) dst(%dma_wait3A_873 : memref<512x128xf32, #tpu.memory_space<hbm>>)
      tpu.yield
    }) : () -> ()
    return
  }
}

</mosaic_0001>

<sc_bundles>
// kernel: kernel.3.cloned.1.call-start
scs
__scs_entry_jumppad:
0x0: {  	(pc) =	sbr.rel $0x88, $3  }
0x1: {  	(tag) =	ssettag $0x0;
	lr =	simm.s32 $0x1  }
0x2: {  	[smem:$0x3F9E] =	sst lr;
	_ =	strace $0xD0000000  }
0x3: {  	_ = 	snop  }
0x4: {  	_ = 	snop  }
0x5: {  	_ = 	snop  }
0x6: {  	_ = 	snop  }
0x7: {  	_ = 	snop  }
__scs_overlays_trampoline_lowered:
0x8: {  	[smem:$0x3FAD] =	sst s0  }
0x9: {  	[smem:$0x3FAE] =	sst s1  }
0xa: {  	[smem:$0x3FAF] =	sst s2  }
0xb: {  	[smem:$0x3FB0] =	sst s3  }
0xc: {  	[smem:$0x3FB1] =	sst s4  }
0xd: {  	[smem:$0x3FB2] =	sst s5  }
0xe: {  	[smem:$0x3FB3] =	sst s6  }
0xf: {  	[smem:$0x3FB4] =	sst s7  }
0x10: {  	[smem:$0x3FB5] =	sst s8  }
0x11: {  	[smem:$0x3FB6] =	sst s9;
	s0 =	simm.s32 @!p0 $0x0  }
0x12: {  	s1 =	sld [smem:$0x3F9C];
	s0 =	simm.s32 @p0 $0x1  }
0x13: {  	[smem:$0x3FB7] =	sst s0;
	s0 =	simm.s32 @!p1 $0x0  }
0x14: {  	s2 =	sld [smem:$0x3F9B];
	s0 =	simm.s32 @p1 $0x1  }
0x15: {  	[smem:$0x3FB8] =	sst s0;
	s0 =	simm.s32 @!p2 $0x0  }
0x16: {  	s3 =	sld [smem:$0x3FDB];
	s0 =	simm.s32 @p2 $0x1  }
0x17: {  	s4 =	simm.s32 $0x1BF5;
	[smem:$0x3FBA] =	sst s0  }
0x18: {  	s0 =	sld [smem:$0x3F9D];
	_ =	swait.ge [sflag:s4], $0x0  }
0x19: {  	s7 =	sld [smem:$0x3F9E]  }
0x1a: {  	s8 =	sadd.s32 $0xFFFFE003, lr  }
0x1b: {  	s9 =	sadd.s32 $0xFFFFFEF7, lr;
	s5 =	simm.s32 $0xFFFFFFFF;
	p2 =	slt.u32 s8, $0xFFFFF086  }
0x1c: {  	p1 =	slt.u32 s9, $0xF7A;
	s5 =	simm.s32 @!p2 $0x0  }
0x1d: {  	s5 =	simm.s32 @p1 $0x1;
	p0 =	seq.s32 s7, s2  }
0x1e: {  	s7 =	smul.u32 @!p0 $0xF7A, s2;
	p2 =	seq.s32 @!p0 s5, $0x0  }
0x1f: {  	s9 =	smul.u32 $0xF7A, s1;
	s8 =	simm.s32 @!p0 $0x1BF5;
	p2 =	por !p2, p0  }
0x20: {  	[sflag:s8] =	ssyncset.s32 @!p0 $0xFFFFF086;
	s6 =	sadd.s32 @!p0 s3, s7;
	s7 =	simm.s32 @!p0 $0x108  }
0x21: {  	s3 =	sadd.s32 s3, s9;
	s6 =	sadd.s32 @!p0 $0x88, s6;
	s7 =	simm.s32 @p2 $0x1082  }
0x22: {  	[simem:s7], [sflag:s8] =	dma.local @!p0 [hbm:s6], $0xF7A  }
0x23: {  	s9 =	sor.u32 $0xD0000000, s2;
	s6 =	simm.s32 $0x108;
	_ =	swait.ge @!p0 [sflag:s8], $0x0  }
0x24: {  	s3 =	sadd.s32 $0x88, s3;
	s6 =	simm.s32 @!p1 $0x1082;
	[sflag:s4] =	ssyncset.s32 $0xFFFFF086  }
0x25: {  	[simem:s6], [sflag:s4] =	dma.local [hbm:s3], $0xF7A  }
0x26: {  	[smem:$0x3F9E] =	sst s1;
	(tag) =	ssettag s2;
	_ =	strace s9  }
0x27: {  	s1 =	sld [smem:$0x3FAE]  }
0x28: {  	s2 =	sld [smem:$0x3FAF]  }
0x29: {  	s4 =	sld [smem:$0x3FB1]  }
0x2a: {  	p0 =	seq.s32 s5, $0x0;
	s5 =	sld [smem:$0x3FB2]  }
0x2b: {  	s6 =	sld [smem:$0x3FB3]  }
0x2c: {  	s7 =	sld [smem:$0x3FB4]  }
0x2d: {  	s3 =	simm.s32 $0x108;
	s8 =	sld [smem:$0x3FB5]  }
0x2e: {  	s3 =	simm.s32 @!p0 $0x1082;
	s9 =	sld [smem:$0x3FB6]  }
0x2f: {  	lr =	sadd.s32 s0, s3;
	s0 =	sld [smem:$0x3FAD]  }
0x30: {  	s3 =	sld [smem:$0x3FB0]  }
0x31: {  	[smem:$0x3FB9] =	sst s10  }
0x32: {  	s10 =	sld [smem:$0x3FB7];
	_ =	sdelay $0x3  }
0x33: {  	p0 =	seq.s32 s10, $0x1;
	s10 =	sld [smem:$0x3FB9];
	_ =	sdelay $0x3  }
0x34: {  	[smem:$0x3FB9] =	sst s10  }
0x35: {  	s10 =	sld [smem:$0x3FB8];
	_ =	sdelay $0x3  }
0x36: {  	p1 =	seq.s32 s10, $0x1;
	s10 =	sld [smem:$0x3FB9];
	_ =	sdelay $0x3  }
0x37: {  	[smem:$0x3FB9] =	sst s10  }
0x38: {  	s10 =	sld [smem:$0x3FBA]  }
0x39: {  	_ = 	snop;
	(pc) =	sbr.ind lr, $3  }
0x3a: {  	_ = 	snop  }
0x3b: {  	_ = 	snop  }
0x3c: {  	p2 =	seq.s32 s10, $0x1;
	s10 =	sld [smem:$0x3FB9]  }
0x3d: {  	_ =	shalt  }
0x3e: {  	_ =	shalt  }
0x3f: {  	_ =	shalt  }
0x40: {  	_ =	shalt  }
0x41: {  	_ =	shalt  }
0x42: {  	_ =	shalt  }
0x43: {  	_ =	shalt  }
0x44: {  	_ =	shalt  }
0x45: {  	_ =	shalt  }
0x46: {  	_ =	shalt  }
0x47: {  	_ =	shalt  }
0x48: {  	_ =	shalt  }
0x49: {  	_ =	shalt  }
0x4a: {  	_ =	shalt  }
0x4b: {  	_ =	shalt  }
0x4c: {  	_ =	shalt  }
0x4d: {  	_ =	shalt  }
0x4e: {  	_ =	shalt  }
0x4f: {  	_ =	shalt  }
0x50: {  	_ =	shalt  }
0x51: {  	_ =	shalt  }
0x52: {  	_ =	shalt  }
0x53: {  	_ =	shalt  }
0x54: {  	_ =	shalt  }
0x55: {  	_ =	shalt  }
0x56: {  	_ =	shalt  }
0x57: {  	_ =	shalt  }
0x58: {  	_ =	shalt  }
0x59: {  	_ =	shalt  }
0x5a: {  	_ =	shalt  }
0x5b: {  	_ =	shalt  }
0x5c: {  	_ =	shalt  }
0x5d: {  	_ =	shalt  }
0x5e: {  	_ =	shalt  }
0x5f: {  	_ =	shalt  }
0x60: {  	_ =	shalt  }
0x61: {  	_ =	shalt  }
0x62: {  	_ =	shalt  }
0x63: {  	_ =	shalt  }
0x64: {  	_ =	shalt  }
0x65: {  	_ =	shalt  }
0x66: {  	_ =	shalt  }
0x67: {  	_ =	shalt  }
0x68: {  	_ =	shalt  }
0x69: {  	_ =	shalt  }
0x6a: {  	_ =	shalt  }
0x6b: {  	_ =	shalt  }
0x6c: {  	_ =	shalt  }
0x6d: {  	_ =	shalt  }
0x6e: {  	_ =	shalt  }
0x6f: {  	_ =	shalt  }
0x70: {  	_ =	shalt  }
0x71: {  	_ =	shalt  }
0x72: {  	_ =	shalt  }
0x73: {  	_ =	shalt  }
0x74: {  	_ =	shalt  }
0x75: {  	_ =	shalt  }
0x76: {  	_ =	shalt  }
0x77: {  	_ =	shalt  }
0x78: {  	_ =	shalt  }
0x79: {  	_ =	shalt  }
0x7a: {  	_ =	shalt  }
0x7b: {  	_ =	shalt  }
0x7c: {  	_ =	shalt  }
0x7d: {  	_ =	shalt  }
0x7e: {  	_ =	shalt  }
0x7f: {  	_ =	shalt  }
0x80: {  	_ =	shalt  }
0x81: {  	_ =	shalt  }
0x82: {  	_ =	shalt  }
0x83: {  	_ =	shalt  }
0x84: {  	_ =	shalt  }
0x85: {  	_ =	shalt  }
0x86: {  	_ =	shalt  }
0x87: {  	_ =	shalt  }
.Lfunc_end0:
.L_simem_size_0:
called_computation_lowered:
.L_overlay_start_0:
0x88: {  	s2 =	sld [smem:$0x3FD9]  }
0x89: {  	s3 =	sld [smem:$0x3FFE];
	_ =	sdelay $0x1  }
0x8a: {  	s1 =	srdreg.scid  }
0x8b: {  	s0 =	sand.u32 $0x1, s1  }
0x8c: {  	s17 =	sshll.u32 s0, $0xA;
	s2 =	sadd.s32 s3, s2  }
0x8d: {  	s2 =	sadd.s32 s2, s17  }
0x8e: {  	[smem:$0x3FC5] =	sst s2  }
0x8f: {  	_ = 	snop  }
0x90: {  	s2 =	sld [smem:$0x3FC9]  }
0x91: {  	s18 =	sld [smem:$0x3FC8]  }
0x92: {  	s4 =	sld [smem:$0x3FC7]  }
0x93: {  	s5 =	sld [smem:$0x3FD0];
	(tm) =	ssettm $0x1  }
0x94: {  	s6 =	sld [smem:$0x3FFB];
	_ =	sdelay $0x3  }
0x95: {  	_ =	strace s6  }
0x96: {  	s6 =	sld [smem:$0x3FFC];
	_ =	sdelay $0x3  }
0x97: {  	_ =	strace s6  }
0x98: {  	s6 =	sld [smem:$0x3FFD];
	_ =	sdelay $0x3  }
0x99: {  	_ =	strace s6  }
0x9a: {  	_ =	strace $0x8FFFFFFF  }
0x9b: {  	s19 =	sld [smem:$0x3FDB];
	_ =	sdelay $0x1  }
0x9c: {  	s7 =	simm.s32 $_scs_section_size  }
0x9d: {  	s8 =	simm.s32 $_size__tile_overlayer_lowered;
	s9 =	simm.s32 $_tile_overlayer_lowered  }
0x9e: {  	s22 =	simm.s32 $0x1BFF;
	s21 =	sshll.u32 s9, $0x1;
	s6 =	sadd.s32 s7, s19  }
0x9f: {  	s10 =	simm.s32 $0x0;
	s20 =	sshll.u32 s8, $0x1;
	s8 =	sadd.s32 s21, s6  }
0xa0: {  	[timem:s10], [sflag:s22] =	dma.local [hbm:s8], s20  }
0xa1: {  	_ =	swait.ge [sflag:s22], s20  }
0xa2: {  	s7 =	ssub.s32 $0x0, s20;
	[sflag:s22] =	ssyncset.done $0x0  }
0xa3: {  	[sflag:s22] =	ssyncadd.s32 s7;
	_ =	sdelay $0x1  }
0xa4: {  	s23 =	simm.s32 $0x1B8B  }
0xa5: {  	_ =	swait.ge [sflag:s23], $0x1  }
0xa6: {  	[sflag:s23] =	ssyncset.done $0x0  }
0xa7: {  	s25 =	simm.s32 $0x1B8E;
	s24 =	sld [smem:$0x3FFE];
	[sflag:s23] =	ssyncadd.s32 $0xFFFFFFFF  }
0xa8: {  	s26 =	simm.s32 $execute0_lowered;
	[smem:$0x3FD2] =	sst s25  }
0xa9: {  	s8 =	sshll.u32 s26, $0x1;
	_ =	strace $0x80000046;
	[dreg:$0x1] =	wrdreg $0xFFFFFFFF  }
0xaa: {  	s28 =	simm.s32 $_size_execute0_lowered;
	s6 =	sadd.s32 s6, s8;
	[dreg:$0x0] =	wrdreg $0x0  }
0xab: {  	s8 =	sshll.u32 s28, $0x1;
	[dreg:$0x2] =	wrdreg s6  }
0xac: {  	[dreg:$0x3] =	wrdreg s8  }
0xad: {  	[dreg:$0x4] =	wrdreg $0xC0  }
0xae: {  	_ =	task [dreg:s10], $0x5FFFF  }
0xaf: {  	[dreg:$0x1] =	wrdreg $0xFFFFFFFF  }
0xb0: {  	[dreg:$0x0] =	wrdreg $0x60  }
0xb1: {  	[dreg:$0x2] =	wrdreg s2  }
0xb2: {  	[dreg:$0x3] =	wrdreg s18  }
0xb3: {  	[dreg:$0x4] =	wrdreg s4  }
0xb4: {  	[dreg:$0x5] =	wrdreg s24  }
0xb5: {  	[dreg:$0x6] =	wrdreg s5  }
0xb6: {  	[dreg:$0x7] =	wrdreg $0xCA800  }
0xb7: {  	[dreg:$0x8] =	wrdreg $0x9  }
0xb8: {  	_ =	task.clear_ibuf [dreg:s10], $0x9FFFF;
	_ =	strace $0x90000046  }
0xb9: {  	s29 =	simm.s32 $0x9;
	_ =	strace $0x80000048  }
0xba: {  	_ =	swait.ge [sflag:s29], $0x1  }
0xbb: {  	[sflag:s29] =	ssyncadd.s32 $0xFFFFFFFF  }
0xbc: {  	_ =	strace $0x90000048  }
0xbd: {  	_ =	sfence  }
0xbe: {  	s30 =	sld [smem:$0x0];
	_ =	sdelay $0x2  }
0xbf: {  	s31 =	sshll.u32 s1, $0xD;
	s1 =	sshrl.u32 s1, $0x2  }
0xc0: {  	s3 =	sand.u32 $0x4000, s31;
	s1 =	sadd.s32 s1, s30  }
0xc1: {  	s0 =	sor.u32 s3, s0;
	s1 =	sshll.u32 s1, $0x11  }
0xc2: {  	s0 =	sor.u32 s1, s0  }
0xc3: {  	s0 =	sadd.s32 $0x8F2B, s0  }
0xc4: {  	[sflag:s0] =	ssyncadd.remote.s32 $0x1  }
0xc5: {  	_ =	sfence.sel $0xFFFF  }
0xc6: {  	[dreg:$0x0] =	wrdreg $0xFFFFFFFF;
	(pc) =	sbr.abs _section_cstart, $3  }
0xc7: {  	[dreg:$0x1] =	wrdreg $0xFFFFFFFF  }
0xc8: {  	_ =	task.clear_ibuf [dreg:s10], $0x2FFFF;
	_ =	strace $0x9FFFFFFF  }
0xc9: {  	(tm) =	ssettm $0x7FFFFFFF  }
tec
execute0_lowered:
.L_overlay_start_1:
0x0: {  	(tag) =	ssettag $0x1  }
0x1: {  	s0 =	rddreg [dreg:$0x0]  }
0x2: {  	s1 =	rddreg [dreg:$0x3]  }
0x3: {  	s2 =	rddreg [dreg:$0x4]  }
0x4: {  	s4 =	rddreg [dreg:$0x5];
	s3 =	srdreg.scid;
	s6 =	simm.s32 $0x0  }
0x5: {  	s5 =	stileid.u32;
	s16 =	simm.s32 $0x480;
	s17 =	simm.s32 $0x5  }
0x6: {  	s18 =	simm.s32 $0x1;
	s19 =	simm.s32 $0x8A80;
	s20 =	simm.s32 $0x2  }
0x7: {  	s21 =	simm.s32 $0x4;
	s22 =	simm.s32 $0x80;
	s28 =	simm.s32 $0x3  }
0x8: {  	s30 =	simm.s32 $0x0;
	s7 =	sand.u32 $0x1, s3;
	[smem:$0x7FF] =	sst s6  }
0x9: {  	s10 =	sshll.u32 s5, $0x10;
	s8 =	sadd.s32 $0x400, s1;
	s14 =	sshll.u32 s5, $0xD  }
.Ltmp0:
0xa: {  	s3 =	ssub.s32 $0x2, s7;
	_ =	strace $0x80000047;
	(pc) =	sbr.rel .LBB2_1-.Ltmp0, $4  }
0xb: {  	s29 =	sshll.u32 s7, $0x11;
	s31 =	sshll.u32 s7, $0xD;
	s9 =	sshrl.u32 s3, $0x1  }
0xc: {  	s2 =	sadd.s32 s2, s29;
	s26 =	ssub.s32 s3, s9;
	s9 =	sadd.s32 s10, s4  }
0xd: {  	v1 =	vimm.s32 $0x0;
	s10 =	sadd.s32 $0x1, s5;
	s14 =	sadd.s32 s14, s2;
	s11 =	sadd.s32 $0x4000, s9  }
0xe: {  	v2 =	vimm.f32 $0.0e+00;
	v3 =	vlaneseq.u32;
	v0 =	vmov s31;
	s12 =	sadd.s32 $0x8000, s9;
	s13 =	sadd.s32 $0xC000, s9;
	s15 =	smax.u32 s26, $0x1  }
.LBB2_21:
0xf: {  	s30 =	sadd.s32 $0x1, s30  }
0x10: {  	s1 =	sshll.u32 s5, $0x6;
	[bflag:$0x0] =	sbarrier.arrive $0xFFFF;
	p0 =	sne.s32 s30, s15  }
.Ltmp1:
0x11: {  	s2 =	sshrl.u32 s9, $0x3;
	s1 =	sor.u32 $0x1C05, s1;
	(pc) =	sbr.rel @!p0 .LBB2_22-.Ltmp1, $4  }
0x12: {  	[hbm:s14], [sflag:s1] =	dma.local [spmem:s2], $0x2000  }
0x13: {  	_ =	swait.ge [sflag:s17], $0x2000  }
0x14: {  	[sflag:s17] =	ssyncset.done $0x0  }
0x15: {  	[sflag:s17] =	ssyncadd.s32 $0xFFFFE000  }
.LBB2_1:
0x16: {  	[tilespmem:s16], [sflag:$0x5] =	stream.linear.gather [hbm4b:s8+s6], $0x400, $0x38;
	[tilespmem:$0x1CAC0] =	vst v63  }
0x17: {  	_ =	swait.ge [sflag:s17], $0x400  }
0x18: {  	[sflag:s17] =	ssyncset.done $0x0  }
0x19: {  	[sflag:s17] =	ssyncadd.s32 $0xFFFFFC00  }
0x1a: {  	v4 =	vld [tilespmem:$0x480]  }
0x1b: {  	v5 =	vld [tilespmem:$0x490]  }
0x1c: {  	v6 =	vld [tilespmem:$0x4A0]  }
0x1d: {  	v7 =	vld [tilespmem:$0x4B0]  }
0x1e: {  	v8 =	vld [tilespmem:$0x4C0]  }
0x1f: {  	v9 =	vld [tilespmem:$0x4D0]  }
0x20: {  	vm0 =	vlt.s32 v4, $0x2000;
	vm1 =	vlt.s32 v5, $0x2000;
	v4 =	vld [tilespmem:$0x4E0]  }
0x21: {  	v12 =	vld [tilespmem:$0x4F0];
	vm14 =	vlt.s32 v6, $0x2000;
	v5 =	vsel vm0, $0x1, v1;
	v10 =	vsel vm1, $0x1, v1  }
0x22: {  	v14 =	vld [tilespmem:$0x500];
	vm15 =	vlt.s32 v7, $0x2000;
	v13 =	vsel vm14, $0x1, v1;
	v5 =	vadd.s32 v5, v10  }
0x23: {  	v16 =	vld [tilespmem:$0x510];
	vm4 =	vlt.s32 v8, $0x2000;
	v15 =	vsel vm15, $0x1, v1;
	v5 =	vadd.s32 v13, v5  }
0x24: {  	v18 =	vld [tilespmem:$0x520];
	vm5 =	vlt.s32 v9, $0x2000;
	v17 =	vsel vm4, $0x1, v1;
	v5 =	vadd.s32 v15, v5  }
0x25: {  	v19 =	vsel vm5, $0x1, v1;
	v5 =	vadd.s32 v17, v5;
	vm6 =	vlt.s32 v4, $0x2000;
	v4 =	vld [tilespmem:$0x530]  }
0x26: {  	v21 =	vld [tilespmem:$0x540];
	vm7 =	vlt.s32 v12, $0x2000;
	v5 =	vadd.s32 v19, v5;
	v20 =	vsel vm6, $0x1, v1  }
0x27: {  	v23 =	vld [tilespmem:$0x550];
	vm8 =	vlt.s32 v14, $0x2000;
	v22 =	vsel vm7, $0x1, v1;
	v5 =	vadd.s32 v20, v5  }
0x28: {  	v25 =	vld [tilespmem:$0x560];
	vm9 =	vlt.s32 v16, $0x2000;
	v24 =	vsel vm8, $0x1, v1;
	v5 =	vadd.s32 v22, v5  }
0x29: {  	v27 =	vld [tilespmem:$0x570];
	vm10 =	vlt.s32 v18, $0x2000;
	v26 =	vsel vm9, $0x1, v1;
	v5 =	vadd.s32 v24, v5  }
0x2a: {  	v28 =	vsel vm10, $0x1, v1;
	v5 =	vadd.s32 v26, v5;
	vm11 =	vlt.s32 v4, $0x2000;
	v4 =	vld [tilespmem:$0x580]  }
0x2b: {  	v30 =	vld [tilespmem:$0x590];
	vm12 =	vlt.s32 v21, $0x2000;
	v5 =	vadd.s32 v28, v5;
	v29 =	vsel vm11, $0x1, v1  }
0x2c: {  	v32 =	vld [tilespmem:$0x5A0];
	vm13 =	vlt.s32 v23, $0x2000;
	v31 =	vsel vm12, $0x1, v1;
	v5 =	vadd.s32 v29, v5  }
0x2d: {  	v34 =	vld [tilespmem:$0x5B0];
	v33 =	vsel vm13, $0x1, v1;
	vm14 =	vlt.s32 v25, $0x2000;
	v5 =	vadd.s32 v31, v5  }
0x2e: {  	v36 =	vld [tilespmem:$0x5C0];
	vm15 =	vlt.s32 v27, $0x2000;
	v35 =	vsel vm14, $0x1, v1;
	v5 =	vadd.s32 v33, v5  }
0x2f: {  	v37 =	vsel vm15, $0x1, v1;
	v5 =	vadd.s32 v35, v5;
	vm4 =	vlt.s32 v4, $0x2000;
	v4 =	vld [tilespmem:$0x5D0]  }
0x30: {  	v39 =	vld [tilespmem:$0x5E0];
	vm5 =	vlt.s32 v30, $0x2000;
	v5 =	vadd.s32 v37, v5;
	v38 =	vsel vm4, $0x1, v1  }
0x31: {  	v41 =	vld [tilespmem:$0x5F0];
	v40 =	vsel vm5, $0x1, v1;
	vm6 =	vlt.s32 v32, $0x2000;
	v5 =	vadd.s32 v38, v5  }
0x32: {  	v43 =	vld [tilespmem:$0x600];
	vm7 =	vlt.s32 v34, $0x2000;
	v42 =	vsel vm6, $0x1, v1;
	v5 =	vadd.s32 v40, v5  }
0x33: {  	v45 =	vld [tilespmem:$0x610];
	vm8 =	vlt.s32 v36, $0x2000;
	v44 =	vsel vm7, $0x1, v1;
	v5 =	vadd.s32 v42, v5  }
0x34: {  	v46 =	vsel vm8, $0x1, v1;
	v5 =	vadd.s32 v44, v5;
	vm9 =	vlt.s32 v4, $0x2000;
	v4 =	vld [tilespmem:$0x620]  }
0x35: {  	v48 =	vld [tilespmem:$0x630];
	vm10 =	vlt.s32 v39, $0x2000;
	v5 =	vadd.s32 v46, v5;
	v47 =	vsel vm9, $0x1, v1  }
0x36: {  	v50 =	vld [tilespmem:$0x640];
	v49 =	vsel vm10, $0x1, v1;
	vm11 =	vlt.s32 v41, $0x2000;
	v5 =	vadd.s32 v47, v5  }
0x37: {  	v52 =	vld [tilespmem:$0x650];
	vm12 =	vlt.s32 v43, $0x2000;
	v51 =	vsel vm11, $0x1, v1;
	v5 =	vadd.s32 v49, v5  }
0x38: {  	v54 =	vld [tilespmem:$0x660];
	vm13 =	vlt.s32 v45, $0x2000;
	v53 =	vsel vm12, $0x1, v1;
	v5 =	vadd.s32 v51, v5  }
0x39: {  	v55 =	vsel vm13, $0x1, v1;
	v5 =	vadd.s32 v53, v5;
	vm14 =	vlt.s32 v4, $0x2000;
	v4 =	vld [tilespmem:$0x670]  }
0x3a: {  	v57 =	vld [tilespmem:$0x680];
	vm15 =	vlt.s32 v48, $0x2000;
	v5 =	vadd.s32 v55, v5;
	v56 =	vsel vm14, $0x1, v1  }
0x3b: {  	v59 =	vld [tilespmem:$0x690];
	v58 =	vsel vm15, $0x1, v1;
	vm4 =	vlt.s32 v50, $0x2000;
	v5 =	vadd.s32 v56, v5  }
0x3c: {  	v61 =	vld [tilespmem:$0x6A0];
	vm5 =	vlt.s32 v52, $0x2000;
	v60 =	vsel vm4, $0x1, v1;
	v5 =	vadd.s32 v58, v5  }
0x3d: {  	v63 =	vld [tilespmem:$0x6B0];
	v62 =	vsel vm5, $0x1, v1;
	vm6 =	vlt.s32 v54, $0x2000;
	v5 =	vadd.s32 v60, v5  }
0x3e: {  	v12 =	vsel vm6, $0x1, v1;
	v5 =	vadd.s32 v62, v5;
	vm7 =	vlt.s32 v4, $0x2000;
	v4 =	vld [tilespmem:$0x6C0]  }
0x3f: {  	v14 =	vld [tilespmem:$0x6D0];
	vm8 =	vlt.s32 v57, $0x2000;
	v5 =	vadd.s32 v12, v5;
	v13 =	vsel vm7, $0x1, v1  }
0x40: {  	v16 =	vld [tilespmem:$0x6E0];
	v15 =	vsel vm8, $0x1, v1;
	vm9 =	vlt.s32 v59, $0x2000;
	v5 =	vadd.s32 v13, v5  }
0x41: {  	v18 =	vld [tilespmem:$0x6F0];
	vm10 =	vlt.s32 v61, $0x2000;
	v17 =	vsel vm9, $0x1, v1;
	v5 =	vadd.s32 v15, v5  }
0x42: {  	v19 =	vsel vm10, $0x1, v1;
	v20 =	vld [tilespmem:$0x700];
	vm11 =	vlt.s32 v63, $0x2000;
	v5 =	vadd.s32 v17, v5  }
0x43: {  	v21 =	vsel vm11, $0x1, v1;
	v5 =	vadd.s32 v19, v5;
	vm12 =	vlt.s32 v4, $0x2000;
	v4 =	vld [tilespmem:$0x710]  }
0x44: {  	v23 =	vld [tilespmem:$0x720];
	vm13 =	vlt.s32 v14, $0x2000;
	v5 =	vadd.s32 v21, v5;
	v22 =	vsel vm12, $0x1, v1  }
0x45: {  	v25 =	vld [tilespmem:$0x730];
	v24 =	vsel vm13, $0x1, v1;
	vm14 =	vlt.s32 v16, $0x2000;
	v5 =	vadd.s32 v22, v5  }
0x46: {  	v27 =	vld [tilespmem:$0x740];
	vm15 =	vlt.s32 v18, $0x2000;
	v26 =	vsel vm14, $0x1, v1;
	v5 =	vadd.s32 v24, v5  }
0x47: {  	v28 =	vsel vm15, $0x1, v1;
	v29 =	vld [tilespmem:$0x750];
	vm4 =	vlt.s32 v20, $0x2000;
	v5 =	vadd.s32 v26, v5  }
0x48: {  	v30 =	vsel vm4, $0x1, v1;
	v5 =	vadd.s32 v28, v5;
	vm5 =	vlt.s32 v4, $0x2000;
	v4 =	vld [tilespmem:$0x760]  }
0x49: {  	v32 =	vld [tilespmem:$0x770];
	vm6 =	vlt.s32 v23, $0x2000;
	v5 =	vadd.s32 v30, v5;
	v31 =	vsel vm5, $0x1, v1  }
0x4a: {  	v34 =	vld [tilespmem:$0x780];
	v33 =	vsel vm6, $0x1, v1;
	vm7 =	vlt.s32 v25, $0x2000;
	v5 =	vadd.s32 v31, v5  }
0x4b: {  	v36 =	vld [tilespmem:$0x790];
	vm8 =	vlt.s32 v27, $0x2000;
	v35 =	vsel vm7, $0x1, v1;
	v5 =	vadd.s32 v33, v5  }
0x4c: {  	v37 =	vsel vm8, $0x1, v1;
	v38 =	vld [tilespmem:$0x7A0];
	vm9 =	vlt.s32 v29, $0x2000;
	v5 =	vadd.s32 v35, v5  }
0x4d: {  	v39 =	vsel vm9, $0x1, v1;
	v5 =	vadd.s32 v37, v5;
	vm10 =	vlt.s32 v4, $0x2000;
	v4 =	vld [tilespmem:$0x7B0]  }
0x4e: {  	v41 =	vld [tilespmem:$0x7C0];
	vm11 =	vlt.s32 v32, $0x2000;
	v5 =	vadd.s32 v39, v5;
	v40 =	vsel vm10, $0x1, v1  }
0x4f: {  	v43 =	vld [tilespmem:$0x7D0];
	v42 =	vsel vm11, $0x1, v1;
	vm12 =	vlt.s32 v34, $0x2000;
	v5 =	vadd.s32 v40, v5  }
0x50: {  	v45 =	vld [tilespmem:$0x7E0];
	vm13 =	vlt.s32 v36, $0x2000;
	v44 =	vsel vm12, $0x1, v1;
	v5 =	vadd.s32 v42, v5  }
0x51: {  	v46 =	vsel vm13, $0x1, v1;
	v47 =	vld [tilespmem:$0x7F0];
	vm14 =	vlt.s32 v38, $0x2000;
	v5 =	vadd.s32 v44, v5  }
0x52: {  	v48 =	vsel vm14, $0x1, v1;
	v5 =	vadd.s32 v46, v5;
	vm15 =	vlt.s32 v4, $0x2000;
	v4 =	vld [tilespmem:$0x800]  }
0x53: {  	v50 =	vld [tilespmem:$0x810];
	vm4 =	vlt.s32 v41, $0x2000;
	v5 =	vadd.s32 v48, v5;
	v49 =	vsel vm15, $0x1, v1  }
0x54: {  	v52 =	vld [tilespmem:$0x820];
	v51 =	vsel vm4, $0x1, v1;
	vm5 =	vlt.s32 v43, $0x2000;
	v5 =	vadd.s32 v49, v5  }
0x55: {  	v54 =	vld [tilespmem:$0x830];
	vm6 =	vlt.s32 v45, $0x2000;
	v53 =	vsel vm5, $0x1, v1;
	v5 =	vadd.s32 v51, v5  }
0x56: {  	v55 =	vsel vm6, $0x1, v1;
	v56 =	vld [tilespmem:$0x840];
	vm7 =	vlt.s32 v47, $0x2000;
	v5 =	vadd.s32 v53, v5  }
0x57: {  	v57 =	vsel vm7, $0x1, v1;
	v5 =	vadd.s32 v55, v5;
	vm8 =	vlt.s32 v4, $0x2000;
	v4 =	vld [tilespmem:$0x850]  }
0x58: {  	v59 =	vld [tilespmem:$0x860];
	vm9 =	vlt.s32 v50, $0x2000;
	v5 =	vadd.s32 v57, v5;
	v58 =	vsel vm8, $0x1, v1  }
0x59: {  	v61 =	vld [tilespmem:$0x870];
	v60 =	vsel vm9, $0x1, v1;
	vm10 =	vlt.s32 v52, $0x2000;
	v5 =	vadd.s32 v58, v5  }
0x5a: {  	vm11 =	vlt.s32 v54, $0x2000;
	v62 =	vsel vm10, $0x1, v1;
	v5 =	vadd.s32 v60, v5  }
0x5b: {  	v8 =	vsel vm11, $0x1, v1;
	vm12 =	vlt.s32 v56, $0x2000;
	v5 =	vadd.s32 v62, v5  }
0x5c: {  	v63 =	vsel vm12, $0x1, v1;
	v5 =	vadd.s32 v8, v5;
	vm13 =	vlt.s32 v4, $0x2000  }
0x5d: {  	vm14 =	vlt.s32 v59, $0x2000;
	v4 =	vadd.s32 v63, v5;
	v5 =	vsel vm13, $0x1, v1  }
0x5e: {  	vm15 =	vlt.s32 v61, $0x2000;
	v4 =	vadd.s32 v5, v4;
	v5 =	vsel vm14, $0x1, v1  }
0x5f: {  	v4 =	vadd.s32 v5, v4;
	v5 =	vsel vm15, $0x1, v1  }
0x60: {  	v4 =	vadd.s32 v5, v4  }
0x61: {  	(v2sf) =	vpush v4, $0x0;
	_ =	sdelay $0xe  }
0x62: {  	s1 =	spop (v2sf)  }
0x63: {  	s1 =	sshll.u32 s1, $0x8  }
0x64: {  	s2 =	sadd.s32 $0x100, s1;
	s1 =	sadd.s32 $0xFFFFFF00, s1  }
0x65: {  	p0 =	slt.s32 s2, $0x4000;
	p1 =	sgt.s32 s1, $0x0  }
0x66: {  	s2 =	simm.s32 @!p0 $0x4000;
	s1 =	simm.s32 @!p1 $0x0  }
0x67: {  	s3 =	sadd.s32 s1, s2  }
0x68: {  	s3 =	ssub.s32 $0x4000, s3  }
0x69: {  	s3 =	smul.u32 s7, s3;
	_ =	sdelay $0x1  }
0x6a: {  	s3 =	sadd.s32 s2, s3  }
0x6b: {  	s2 =	smul.u32 s5, s3;
	_ =	sdelay $0x1  }
0x6c: {  	s23 =	sand.u32 $0xF, s2  }
0x6d: {  	s24 =	sshra.s32 s2, $0x1F;
	p3 =	slt.s32 s2, $0x1;
	p4 =	sne.s32 s23, $0x0  }
0x6e: {  	s25 =	sshrl.u32 s24, $0x1C;
	p0 =	por !p3, !p4  }
0x6f: {  	s24 =	simm.s32 $0x1;
	s23 =	sadd.s32 s25, s2;
	p0 =	por !p0, !p0  }
0x70: {  	s2 =	smul.u32 s7, s1;
	s26 =	sshra.s32 s23, $0x4;
	s24 =	simm.s32 @!p0 $0x0  }
0x71: {  	s1 =	ssub.s32 s26, s24  }
0x72: {  	s31 =	sadd.s32 s2, s1;
	s1 =	sand.u32 $0x7, s1  }
0x73: {  	s29 =	sshra.s32 s31, $0x1F;
	p5 =	slt.s32 s31, $0x1;
	p6 =	sne.s32 s1, $0x0  }
0x74: {  	s24 =	sshrl.u32 s29, $0x1D;
	p0 =	por !p5, !p6  }
0x75: {  	s23 =	simm.s32 $0x1;
	s1 =	sadd.s32 s24, s31;
	p0 =	por !p0, !p0  }
0x76: {  	s1 =	sshrl.u32 s1, $0x3;
	s23 =	simm.s32 @!p0 $0x0  }
0x77: {  	s1 =	ssub.s32 s1, s23  }
0x78: {  	s1 =	sshll.u32 s1, $0x3  }
0x79: {  	p0 =	slt.s32 s1, $0x3B80  }
0x7a: {  	s1 =	simm.s32 @!p0 $0x3B80  }
0x7b: {  	s26 =	rddreg [dreg:$0x1];
	s25 =	sshrl.u32 s1, $0x3  }
0x7c: {  	s29 =	rddreg [dreg:$0x2];
	s24 =	sadd.s32 s26, s25  }
0x7d: {  	[tilespmem:s6], [sflag:$0x1] =	stream.linear.gather [hbm4b:s24+s6], $0x480, $0x38;
	[tilespmem:$0x1CAC0] =	vst v63  }
0x7e: {  	s23 =	sadd.s32 s29, s25  }
0x7f: {  	[tilespmem:s16], [sflag:$0x2] =	stream.linear.gather [hbm4b:s23+s6], $0x480, $0x38;
	[tilespmem:$0x1CAC0] =	vst v63  }
0x80: {  	s24 =	simm.s32 $0x200;
	s23 =	simm.s32 $0x0  }
.LBB2_2:
0x81: {  	p0 =	sne.s32 s24, $0xFE00;
	[tilespmem:s23+$0x8AF0] =	vst v2  }
0x82: {  	[tilespmem:s23+$0x8A80] =	vst v2  }
0x83: {  	[tilespmem:s23+$0x8A90] =	vst v2  }
.Ltmp2:
0x84: {  	[tilespmem:s23+$0x8AA0] =	vst v2;
	(pc) =	sbr.rel @p0 .LBB2_2-.Ltmp2, $4  }
0x85: {  	[tilespmem:s23+$0x8AB0] =	vst v2  }
0x86: {  	[tilespmem:s23+$0x8AC0] =	vst v2  }
0x87: {  	[tilespmem:s23+$0x8AD0] =	vst v2  }
0x88: {  	[tilespmem:s23+$0x8AE0] =	vst v2;
	s23 =	sshra.s32 s24, $0x2;
	s24 =	sadd.s32 $0x200, s24  }
0x89: {  	[tilespmem:s23+$0x8AF0] =	vst v2  }
0x8a: {  	[tilespmem:s23+$0x8A80] =	vst v2  }
0x8b: {  	[tilespmem:s23+$0x8A90] =	vst v2  }
0x8c: {  	[tilespmem:s23+$0x8AA0] =	vst v2  }
0x8d: {  	[tilespmem:s23+$0x8AB0] =	vst v2  }
0x8e: {  	[tilespmem:s23+$0x8AC0] =	vst v2  }
0x8f: {  	[tilespmem:s23+$0x8AD0] =	vst v2  }
0x90: {  	[tilespmem:s23+$0x8AE0] =	vst v2;
	s3 =	smul.u32 s10, s3  }
0x91: {  	[spmem:s9] =	stream.linear.scatter [tilespmem:s19], [sflag:$0x4], $0x4000, $0x38;
	[tilespmem:$0x1CAC0] =	vst v63  }
0x92: {  	s26 =	sshra.s32 s3, $0x1F  }
0x93: {  	[spmem:s11] =	stream.linear.scatter [tilespmem:s19], [sflag:$0x4], $0x4000, $0x38;
	[tilespmem:$0x1CAC0] =	vst v63  }
0x94: {  	s24 =	sand.u32 $0xF, s3;
	s23 =	sshrl.u32 s26, $0x1C  }
0x95: {  	p0 =	slt.s32 s3, $0x1;
	p1 =	sne.s32 s24, $0x0;
	s23 =	sadd.s32 s23, s3  }
0x96: {  	[spmem:s12] =	stream.linear.scatter [tilespmem:s19], [sflag:$0x4], $0x4000, $0x38;
	[tilespmem:$0x1CAC0] =	vst v63  }
0x97: {  	p0 =	por !p0, !p1;
	s29 =	sshra.s32 s23, $0x4  }
0x98: {  	[spmem:s13] =	stream.linear.scatter [tilespmem:s19], [sflag:$0x4], $0x4000, $0x38;
	[tilespmem:$0x1CAC0] =	vst v63  }
0x99: {  	p0 =	por !p0, !p0;
	s23 =	simm.s32 $0x1;
	_ =	swait.ge [sflag:s18], $0x480  }
0x9a: {  	s2 =	sadd.s32 s2, s29;
	s23 =	simm.s32 @!p0 $0x0;
	[sflag:s18] =	ssyncset.done $0x0  }
0x9b: {  	s2 =	ssub.s32 s2, s23;
	[sflag:s18] =	ssyncadd.s32 $0xFFFFFB80  }
0x9c: {  	p1 =	sge.s32 s1, s2;
	_ =	swait.ge [sflag:s20], $0x480  }
0x9d: {  	s3 =	simm.s32 @!p1 $0x80;
	[sflag:s20] =	ssyncset.done $0x0  }
0x9e: {  	s23 =	simm.s32 @!p1 $0x0;
	s24 =	simm.s32 @!p1 $0xA80;
	[sflag:s20] =	ssyncadd.s32 $0xFFFFFB80  }
0x9f: {  	[tilespmem:s24], [sflag:$0x1] =	stream.indirect.gather @!p1 [hbm4b:s0+s3], $0x80, s23, s3, $0xb8;
	[tilespmem:$0x1CAC0] =	vst v63  }
0xa0: {  	s24 =	sadd.s32 $0x80, s1  }
0xa1: {  	p2 =	sge.s32 s24, s2  }
0xa2: {  	s3 =	simm.s32 @!p2 $0x80;
	s23 =	simm.s32 @!p2 $0x4A80  }
0xa3: {  	[tilespmem:s23], [sflag:$0x2] =	stream.indirect.gather @!p2 [hbm4b:s0+s3], $0x80, s3, s3, $0xb8;
	[tilespmem:$0x1CAC0] =	vst v63  }
0xa4: {  	_ =	swait.ge [sflag:s21], $0x4000  }
0xa5: {  	[sflag:s21] =	ssyncset.done $0x0  }
0xa6: {  	[sflag:s21] =	ssyncadd.s32 $0xFFFFC000  }
0xa7: {  	_ =	swait.ge [sflag:s21], $0x4000  }
0xa8: {  	[sflag:s21] =	ssyncset.done $0x0  }
0xa9: {  	[sflag:s21] =	ssyncadd.s32 $0xFFFFC000  }
0xaa: {  	_ =	swait.ge [sflag:s21], $0x4000  }
0xab: {  	[sflag:s21] =	ssyncset.done $0x0  }
0xac: {  	[sflag:s21] =	ssyncadd.s32 $0xFFFFC000  }
.Ltmp3:
0xad: {  	s3 =	sadd.s32 $0x100, s1;
	_ =	swait.ge [sflag:s21], $0x4000;
	(pc) =	sbr.rel @p1 .LBB2_5-.Ltmp3, $4  }
0xae: {  	p0 =	sge.s32 s3, s2;
	[sflag:s21] =	ssyncset.done $0x0  }
0xaf: {  	s23 =	simm.s32 @!p0 $0x80;
	[sflag:s21] =	ssyncadd.s32 $0xFFFFC000  }
0xb0: {  	s25 =	simm.s32 @!p0 $0x100;
	s26 =	simm.s32 @!p0 $0x8A80;
	[bflag:$0x0] =	sbarrier.arrive $0xFFFF  }
0xb1: {  	[tilespmem:s26], [sflag:$0x3] =	stream.indirect.gather @!p0 [hbm4b:s0+s23], $0x80, s25, s23, $0xb8;
	[tilespmem:$0x1CAC0] =	vst v63  }
0xb2: {  	v4 =	vld [tilespmem:$0x480]  }
0xb3: {  	v5 =	vld [tilespmem:$0x490];
	v6 =	vadd.s32 s1, v3;
	s23 =	sadd.s32 $0x10, s1  }
0xb4: {  	v7 =	vld [tilespmem:$0x4A0];
	s29 =	sadd.s32 $0x20, s1;
	s25 =	sadd.s32 $0x30, s1;
	s26 =	sadd.s32 $0x40, s1;
	vm0 =	vge.s32 v6, s31;
	vm1 =	vlt.s32 v6, s2;
	v53 =	vadd.s32 s23, v3  }
0xb5: {  	v54 =	vld [tilespmem:$0x4B0];
	v8 =	vadd.s32 s29, v3;
	v9 =	vadd.s32 s25, v3;
	v56 =	vadd.s32 s26, v3  }
0xb6: {  	v55 =	vld [tilespmem:$0x4C0];
	vm0 =	vmand vm0, vm1;
	vm14 =	vge.s32 v53, s31;
	vm15 =	vlt.s32 v53, s2  }
0xb7: {  	v10 =	vld [tilespmem:$0x4D0];
	vm4 =	vge.s32 v8, s31;
	vm2 =	vlt.s32 v8, s2;
	vm5 =	vge.s32 v9, s31  }
0xb8: {  	v11 =	vld [tilespmem:$0x4E0];
	s29 =	sadd.s32 $0x50, s1;
	s25 =	sadd.s32 $0x60, s1;
	s26 =	sadd.s32 $0x70, s1;
	vm6 =	vlt.s32 v9, s2;
	vm7 =	vge.s32 v56, s31;
	vm8 =	vlt.s32 v56, s2  }
0xb9: {  	v58 =	vld [tilespmem:$0x4F0];
	v57 =	vadd.s32 s29, v3;
	v60 =	vadd.s32 s25, v3;
	v61 =	vadd.s32 s26, v3  }
0xba: {  	vm1 =	vmand vm4, vm2;
	vm9 =	vge.s32 v57, s31;
	vm10 =	vlt.s32 v57, s2  }
0xbb: {  	vm11 =	vge.s32 v60, s31;
	vm12 =	vlt.s32 v60, s2;
	vm13 =	vge.s32 v61, s31  }
0xbc: {  	v4 =	vsub.s32 v4, v0;
	v5 =	vsub.s32 v5, v0;
	v7 =	vsub.s32 v7, v0  }
0xbd: {  	v6 =	vsub.s32 v54, v0;
	v8 =	vsub.s32 v55, v0;
	v10 =	vsub.s32 v10, v0  }
0xbe: {  	v62 =	vsub.s32 v11, v0;
	v63 =	vsub.s32 v58, v0;
	v4 =	vmin.u32 v4, $0x2000  }
0xbf: {  	v5 =	vmin.u32 v5, $0x2000;
	v7 =	vmin.u32 v7, $0x2000;
	v4 =	vnsel vm0, $0x2000, v4  }
0xc0: {  	v6 =	vmin.u32 v6, $0x2000;
	vm0 =	vmand vm14, vm15;
	v7 =	vnsel vm1, $0x2000, v7;
	[tilespmem:$0x900] =	vst v4  }
0xc1: {  	v59 =	vmin.u32 v10, $0x2000;
	v5 =	vnsel vm0, $0x2000, v5;
	vm0 =	vmand vm5, vm6;
	[tilespmem:$0x920] =	vst v7  }
0xc2: {  	v4 =	vmin.u32 v8, $0x2000;
	v6 =	vnsel vm0, $0x2000, v6;
	vm0 =	vmand vm7, vm8;
	[tilespmem:$0x910] =	vst v5  }
0xc3: {  	vm1 =	vmand vm9, vm10;
	vm14 =	vlt.s32 v61, s2;
	v4 =	vnsel vm0, $0x2000, v4;
	[tilespmem:$0x930] =	vst v6  }
0xc4: {  	v5 =	vnsel vm1, $0x2000, v59;
	vm0 =	vmand vm11, vm12;
	[tilespmem:$0x940] =	vst v4;
	v4 =	vmin.u32 v62, $0x2000  }
0xc5: {  	vm15 =	vmand vm13, vm14;
	[tilespmem:$0x950] =	vst v5;
	v5 =	vmin.u32 v63, $0x2000;
	v4 =	vnsel vm0, $0x2000, v4  }
0xc6: {  	[tilespmem:$0x960] =	vst v4;
	v4 =	vnsel vm15, $0x2000, v5  }
0xc7: {  	[tilespmem:$0x970] =	vst v4  }
0xc8: {  	_ =	swait.ge [sflag:s18], $0x4000  }
0xc9: {  	[sflag:s18] =	ssyncset.done $0x0  }
0xca: {  	s29 =	simm.s32 $0x900;
	s25 =	simm.s32 $0xA80;
	[sflag:s18] =	ssyncadd.s32 $0xFFFFC000  }
0xcb: {  	[spmem:s4] =	stream.indirect.scatter.add.f32 [tilespmem:s25], [sflag:$0x5], $0x80, s29, s22, $0xb8;
	[tilespmem:$0x1CAC0] =	vst v63  }
0xcc: {  	_ =	swait.ge [sflag:s17], $0x4000  }
0xcd: {  	[sflag:s17] =	ssyncset.done $0x0  }
0xce: {  	[sflag:s17] =	ssyncadd.s32 $0xFFFFC000  }
.LBB2_5:
.Ltmp4:
0xcf: {  	(pc) =	sbr.rel @p2 .LBB2_7-.Ltmp4, $4  }
0xd0: {  	s23 =	sadd.s32 $0x180, s1  }
0xd1: {  	p1 =	sge.s32 s23, s2  }
0xd2: {  	s25 =	simm.s32 @!p1 $0x80;
	s26 =	simm.s32 @!p1 $0x180;
	s29 =	simm.s32 @!p1 $0xA80  }
0xd3: {  	[tilespmem:s29], [sflag:$0x1] =	stream.indirect.gather @!p1 [hbm4b:s0+s25], $0x80, s26, s25, $0xb8;
	[tilespmem:$0x1CAC0] =	vst v63  }
0xd4: {  	v4 =	vld [tilespmem:$0x500]  }
0xd5: {  	v5 =	vld [tilespmem:$0x510];
	v6 =	vadd.s32 s24, v3;
	s26 =	sadd.s32 $0x90, s1  }
0xd6: {  	v7 =	vld [tilespmem:$0x520];
	s29 =	sadd.s32 $0xA0, s1;
	s25 =	sadd.s32 $0xB0, s1;
	vm0 =	vge.s32 v6, s31;
	vm1 =	vlt.s32 v6, s2;
	v53 =	vadd.s32 s26, v3  }
0xd7: {  	v54 =	vld [tilespmem:$0x530];
	v8 =	vadd.s32 s29, v3;
	v9 =	vadd.s32 s25, v3;
	vm0 =	vmand vm0, vm1  }
0xd8: {  	v55 =	vld [tilespmem:$0x540];
	vm14 =	vge.s32 v53, s31;
	vm15 =	vlt.s32 v53, s2;
	vm4 =	vge.s32 v8, s31  }
0xd9: {  	v10 =	vld [tilespmem:$0x550];
	s26 =	sadd.s32 $0xC0, s1;
	s29 =	sadd.s32 $0xD0, s1;
	s25 =	sadd.s32 $0xE0, s1;
	vm2 =	vlt.s32 v8, s2;
	vm5 =	vge.s32 v9, s31;
	vm6 =	vlt.s32 v9, s2  }
0xda: {  	v11 =	vld [tilespmem:$0x560];
	v56 =	vadd.s32 s26, v3;
	v57 =	vadd.s32 s29, v3;
	v60 =	vadd.s32 s25, v3  }
0xdb: {  	v58 =	vld [tilespmem:$0x570];
	s26 =	sadd.s32 $0xF0, s1;
	vm1 =	vmand vm4, vm2;
	vm7 =	vge.s32 v56, s31;
	vm8 =	vlt.s32 v56, s2  }
0xdc: {  	vm9 =	vge.s32 v57, s31;
	vm10 =	vlt.s32 v57, s2;
	v61 =	vadd.s32 s26, v3  }
0xdd: {  	vm11 =	vge.s32 v60, s31;
	vm12 =	vlt.s32 v60, s2;
	vm13 =	vge.s32 v61, s31  }
0xde: {  	v4 =	vsub.s32 v4, v0;
	v5 =	vsub.s32 v5, v0;
	v7 =	vsub.s32 v7, v0  }
0xdf: {  	v6 =	vsub.s32 v54, v0;
	v8 =	vsub.s32 v55, v0;
	v10 =	vsub.s32 v10, v0  }
0xe0: {  	v62 =	vsub.s32 v11, v0;
	v63 =	vsub.s32 v58, v0;
	v4 =	vmin.u32 v4, $0x2000  }
0xe1: {  	v5 =	vmin.u32 v5, $0x2000;
	v7 =	vmin.u32 v7, $0x2000;
	v4 =	vnsel vm0, $0x2000, v4  }
0xe2: {  	v6 =	vmin.u32 v6, $0x2000;
	vm0 =	vmand vm14, vm15;
	v7 =	vnsel vm1, $0x2000, v7;
	[tilespmem:$0x980] =	vst v4  }
0xe3: {  	v59 =	vmin.u32 v10, $0x2000;
	v5 =	vnsel vm0, $0x2000, v5;
	vm0 =	vmand vm5, vm6;
	[tilespmem:$0x9A0] =	vst v7  }
0xe4: {  	v4 =	vmin.u32 v8, $0x2000;
	v6 =	vnsel vm0, $0x2000, v6;
	vm0 =	vmand vm7, vm8;
	[tilespmem:$0x990] =	vst v5  }
0xe5: {  	vm1 =	vmand vm9, vm10;
	vm14 =	vlt.s32 v61, s2;
	v4 =	vnsel vm0, $0x2000, v4;
	[tilespmem:$0x9B0] =	vst v6  }
0xe6: {  	v5 =	vnsel vm1, $0x2000, v59;
	vm0 =	vmand vm11, vm12;
	[tilespmem:$0x9C0] =	vst v4;
	v4 =	vmin.u32 v62, $0x2000  }
0xe7: {  	vm15 =	vmand vm13, vm14;
	[tilespmem:$0x9D0] =	vst v5;
	v5 =	vmin.u32 v63, $0x2000;
	v4 =	vnsel vm0, $0x2000, v4  }
0xe8: {  	[tilespmem:$0x9E0] =	vst v4;
	v4 =	vnsel vm15, $0x2000, v5  }
0xe9: {  	[tilespmem:$0x9F0] =	vst v4  }
0xea: {  	_ =	swait.ge [sflag:s20], $0x4000  }
0xeb: {  	[sflag:s20] =	ssyncset.done $0x0  }
0xec: {  	s29 =	simm.s32 $0x980;
	s25 =	simm.s32 $0x4A80;
	[sflag:s20] =	ssyncadd.s32 $0xFFFFC000  }
0xed: {  	[spmem:s4] =	stream.indirect.scatter.add.f32 [tilespmem:s25], [sflag:$0x5], $0x80, s29, s22, $0xb8;
	[tilespmem:$0x1CAC0] =	vst v63  }
0xee: {  	_ =	swait.ge [sflag:s17], $0x4000  }
0xef: {  	[sflag:s17] =	ssyncset.done $0x0  }
0xf0: {  	[sflag:s17] =	ssyncadd.s32 $0xFFFFC000  }
.LBB2_7:
.Ltmp5:
0xf1: {  	(pc) =	sbr.rel @p0 .LBB2_9-.Ltmp5, $4  }
0xf2: {  	s24 =	sadd.s32 $0x200, s1  }
0xf3: {  	p2 =	sge.s32 s24, s2  }
0xf4: {  	s25 =	simm.s32 @!p2 $0x80;
	s26 =	simm.s32 @!p2 $0x200;
	s29 =	simm.s32 @!p2 $0x4A80  }
0xf5: {  	[tilespmem:s29], [sflag:$0x2] =	stream.indirect.gather @!p2 [hbm4b:s0+s25], $0x80, s26, s25, $0xb8;
	[tilespmem:$0x1CAC0] =	vst v63  }
0xf6: {  	v4 =	vld [tilespmem:$0x580]  }
0xf7: {  	v5 =	vld [tilespmem:$0x590];
	v6 =	vadd.s32 s3, v3;
	s26 =	sadd.s32 $0x110, s1  }
0xf8: {  	v7 =	vld [tilespmem:$0x5A0];
	s29 =	sadd.s32 $0x120, s1;
	s25 =	sadd.s32 $0x130, s1;
	vm0 =	vge.s32 v6, s31;
	vm1 =	vlt.s32 v6, s2;
	v53 =	vadd.s32 s26, v3  }
0xf9: {  	v54 =	vld [tilespmem:$0x5B0];
	v8 =	vadd.s32 s29, v3;
	v9 =	vadd.s32 s25, v3;
	vm0 =	vmand vm0, vm1  }
0xfa: {  	v55 =	vld [tilespmem:$0x5C0];
	vm14 =	vge.s32 v53, s31;
	vm15 =	vlt.s32 v53, s2;
	vm4 =	vge.s32 v8, s31  }
0xfb: {  	v10 =	vld [tilespmem:$0x5D0];
	s26 =	sadd.s32 $0x140, s1;
	s29 =	sadd.s32 $0x150, s1;
	s25 =	sadd.s32 $0x160, s1;
	vm2 =	vlt.s32 v8, s2;
	vm5 =	vge.s32 v9, s31;
	vm6 =	vlt.s32 v9, s2  }
0xfc: {  	v11 =	vld [tilespmem:$0x5E0];
	v56 =	vadd.s32 s26, v3;
	v57 =	vadd.s32 s29, v3;
	v60 =	vadd.s32 s25, v3  }
0xfd: {  	v58 =	vld [tilespmem:$0x5F0];
	s26 =	sadd.s32 $0x170, s1;
	vm1 =	vmand vm4, vm2;
	vm7 =	vge.s32 v56, s31;
	vm8 =	vlt.s32 v56, s2  }
0xfe: {  	vm9 =	vge.s32 v57, s31;
	vm10 =	vlt.s32 v57, s2;
	v61 =	vadd.s32 s26, v3  }
0xff: {  	vm11 =	vge.s32 v60, s31;
	vm12 =	vlt.s32 v60, s2;
	vm13 =	vge.s32 v61, s31  }
0x100: {  	v4 =	vsub.s32 v4, v0;
	v5 =	vsub.s32 v5, v0;
	v7 =	vsub.s32 v7, v0  }
0x101: {  	v6 =	vsub.s32 v54, v0;
	v8 =	vsub.s32 v55, v0;
	v10 =	vsub.s32 v10, v0  }
0x102: {  	v62 =	vsub.s32 v11, v0;
	v63 =	vsub.s32 v58, v0;
	v4 =	vmin.u32 v4, $0x2000  }
0x103: {  	v5 =	vmin.u32 v5, $0x2000;
	v7 =	vmin.u32 v7, $0x2000;
	v4 =	vnsel vm0, $0x2000, v4  }
0x104: {  	v6 =	vmin.u32 v6, $0x2000;
	vm0 =	vmand vm14, vm15;
	v7 =	vnsel vm1, $0x2000, v7;
	[tilespmem:$0xA00] =	vst v4  }
0x105: {  	v59 =	vmin.u32 v10, $0x2000;
	v5 =	vnsel vm0, $0x2000, v5;
	vm0 =	vmand vm5, vm6;
	[tilespmem:$0xA20] =	vst v7  }
0x106: {  	v4 =	vmin.u32 v8, $0x2000;
	v6 =	vnsel vm0, $0x2000, v6;
	vm0 =	vmand vm7, vm8;
	[tilespmem:$0xA10] =	vst v5  }
0x107: {  	vm1 =	vmand vm9, vm10;
	vm14 =	vlt.s32 v61, s2;
	v4 =	vnsel vm0, $0x2000, v4;
	[tilespmem:$0xA30] =	vst v6  }
0x108: {  	v5 =	vnsel vm1, $0x2000, v59;
	vm0 =	vmand vm11, vm12;
	[tilespmem:$0xA40] =	vst v4;
	v4 =	vmin.u32 v62, $0x2000  }
0x109: {  	vm15 =	vmand vm13, vm14;
	[tilespmem:$0xA50] =	vst v5;
	v5 =	vmin.u32 v63, $0x2000;
	v4 =	vnsel vm0, $0x2000, v4  }
0x10a: {  	[tilespmem:$0xA60] =	vst v4;
	v4 =	vnsel vm15, $0x2000, v5  }
0x10b: {  	[tilespmem:$0xA70] =	vst v4  }
0x10c: {  	_ =	swait.ge [sflag:s28], $0x4000  }
0x10d: {  	[sflag:s28] =	ssyncset.done $0x0  }
0x10e: {  	s29 =	simm.s32 $0xA00;
	[sflag:s28] =	ssyncadd.s32 $0xFFFFC000  }
0x10f: {  	[spmem:s4] =	stream.indirect.scatter.add.f32 [tilespmem:s19], [sflag:$0x5], $0x80, s29, s22, $0xb8;
	[tilespmem:$0x1CAC0] =	vst v63  }
0x110: {  	_ =	swait.ge [sflag:s17], $0x4000  }
0x111: {  	[sflag:s17] =	ssyncset.done $0x0  }
0x112: {  	[sflag:s17] =	ssyncadd.s32 $0xFFFFC000  }
.LBB2_9:
.Ltmp6:
0x113: {  	(pc) =	sbr.rel @p1 .LBB2_11-.Ltmp6, $4  }
0x114: {  	s3 =	sadd.s32 $0x280, s1  }
0x115: {  	p0 =	sge.s32 s3, s2  }
0x116: {  	s25 =	simm.s32 @!p0 $0x80;
	s26 =	simm.s32 @!p0 $0x280;
	s29 =	simm.s32 @!p0 $0x8A80  }
0x117: {  	[tilespmem:s29], [sflag:$0x3] =	stream.indirect.gather @!p0 [hbm4b:s0+s25], $0x80, s26, s25, $0xb8;
	[tilespmem:$0x1CAC0] =	vst v63  }
0x118: {  	v4 =	vld [tilespmem:$0x600]  }
0x119: {  	v5 =	vld [tilespmem:$0x610];
	v6 =	vadd.s32 s23, v3;
	s26 =	sadd.s32 $0x190, s1  }
0x11a: {  	v7 =	vld [tilespmem:$0x620];
	s29 =	sadd.s32 $0x1A0, s1;
	s25 =	sadd.s32 $0x1B0, s1;
	vm0 =	vge.s32 v6, s31;
	vm1 =	vlt.s32 v6, s2;
	v53 =	vadd.s32 s26, v3  }
0x11b: {  	v54 =	vld [tilespmem:$0x630];
	v8 =	vadd.s32 s29, v3;
	v9 =	vadd.s32 s25, v3;
	vm0 =	vmand vm0, vm1  }
0x11c: {  	v55 =	vld [tilespmem:$0x640];
	vm14 =	vge.s32 v53, s31;
	vm15 =	vlt.s32 v53, s2;
	vm4 =	vge.s32 v8, s31  }
0x11d: {  	v10 =	vld [tilespmem:$0x650];
	s26 =	sadd.s32 $0x1C0, s1;
	s29 =	sadd.s32 $0x1D0, s1;
	s25 =	sadd.s32 $0x1E0, s1;
	vm2 =	vlt.s32 v8, s2;
	vm5 =	vge.s32 v9, s31;
	vm6 =	vlt.s32 v9, s2  }
0x11e: {  	v11 =	vld [tilespmem:$0x660];
	v56 =	vadd.s32 s26, v3;
	v57 =	vadd.s32 s29, v3;
	v60 =	vadd.s32 s25, v3  }
0x11f: {  	v58 =	vld [tilespmem:$0x670];
	s26 =	sadd.s32 $0x1F0, s1;
	vm1 =	vmand vm4, vm2;
	vm7 =	vge.s32 v56, s31;
	vm8 =	vlt.s32 v56, s2  }
0x120: {  	vm9 =	vge.s32 v57, s31;
	vm10 =	vlt.s32 v57, s2;
	v61 =	vadd.s32 s26, v3  }
0x121: {  	vm11 =	vge.s32 v60, s31;
	vm12 =	vlt.s32 v60, s2;
	vm13 =	vge.s32 v61, s31  }
0x122: {  	v4 =	vsub.s32 v4, v0;
	v5 =	vsub.s32 v5, v0;
	v7 =	vsub.s32 v7, v0  }
0x123: {  	v6 =	vsub.s32 v54, v0;
	v8 =	vsub.s32 v55, v0;
	v10 =	vsub.s32 v10, v0  }
0x124: {  	v62 =	vsub.s32 v11, v0;
	v63 =	vsub.s32 v58, v0;
	v4 =	vmin.u32 v4, $0x2000  }
0x125: {  	v5 =	vmin.u32 v5, $0x2000;
	v7 =	vmin.u32 v7, $0x2000;
	v4 =	vnsel vm0, $0x2000, v4  }
0x126: {  	v6 =	vmin.u32 v6, $0x2000;
	vm0 =	vmand vm14, vm15;
	v7 =	vnsel vm1, $0x2000, v7;
	[tilespmem:$0x900] =	vst v4  }
0x127: {  	v59 =	vmin.u32 v10, $0x2000;
	v5 =	vnsel vm0, $0x2000, v5;
	vm0 =	vmand vm5, vm6;
	[tilespmem:$0x920] =	vst v7  }
0x128: {  	v4 =	vmin.u32 v8, $0x2000;
	v6 =	vnsel vm0, $0x2000, v6;
	vm0 =	vmand vm7, vm8;
	[tilespmem:$0x910] =	vst v5  }
0x129: {  	vm1 =	vmand vm9, vm10;
	vm14 =	vlt.s32 v61, s2;
	v4 =	vnsel vm0, $0x2000, v4;
	[tilespmem:$0x930] =	vst v6  }
0x12a: {  	v5 =	vnsel vm1, $0x2000, v59;
	vm0 =	vmand vm11, vm12;
	[tilespmem:$0x940] =	vst v4;
	v4 =	vmin.u32 v62, $0x2000  }
0x12b: {  	vm15 =	vmand vm13, vm14;
	[tilespmem:$0x950] =	vst v5;
	v5 =	vmin.u32 v63, $0x2000;
	v4 =	vnsel vm0, $0x2000, v4  }
0x12c: {  	[tilespmem:$0x960] =	vst v4;
	v4 =	vnsel vm15, $0x2000, v5  }
0x12d: {  	[tilespmem:$0x970] =	vst v4  }
0x12e: {  	_ =	swait.ge [sflag:s18], $0x4000  }
0x12f: {  	[sflag:s18] =	ssyncset.done $0x0  }
0x130: {  	s29 =	simm.s32 $0x900;
	s25 =	simm.s32 $0xA80;
	[sflag:s18] =	ssyncadd.s32 $0xFFFFC000  }
0x131: {  	[spmem:s4] =	stream.indirect.scatter.add.f32 [tilespmem:s25], [sflag:$0x5], $0x80, s29, s22, $0xb8;
	[tilespmem:$0x1CAC0] =	vst v63  }
0x132: {  	_ =	swait.ge [sflag:s17], $0x4000  }
0x133: {  	[sflag:s17] =	ssyncset.done $0x0  }
0x134: {  	[sflag:s17] =	ssyncadd.s32 $0xFFFFC000  }
.LBB2_11:
.Ltmp7:
0x135: {  	(pc) =	sbr.rel @p2 .LBB2_13-.Ltmp7, $4  }
0x136: {  	s23 =	sadd.s32 $0x300, s1  }
0x137: {  	p1 =	sge.s32 s23, s2  }
0x138: {  	s25 =	simm.s32 @!p1 $0x80;
	s26 =	simm.s32 @!p1 $0x300;
	s29 =	simm.s32 @!p1 $0xA80  }
0x139: {  	[tilespmem:s29], [sflag:$0x1] =	stream.indirect.gather @!p1 [hbm4b:s0+s25], $0x80, s26, s25, $0xb8;
	[tilespmem:$0x1CAC0] =	vst v63  }
0x13a: {  	v4 =	vld [tilespmem:$0x680]  }
0x13b: {  	v5 =	vld [tilespmem:$0x690];
	v6 =	vadd.s32 s24, v3;
	s26 =	sadd.s32 $0x210, s1  }
0x13c: {  	v7 =	vld [tilespmem:$0x6A0];
	s29 =	sadd.s32 $0x220, s1;
	s25 =	sadd.s32 $0x230, s1;
	vm0 =	vge.s32 v6, s31;
	vm1 =	vlt.s32 v6, s2;
	v53 =	vadd.s32 s26, v3  }
0x13d: {  	v54 =	vld [tilespmem:$0x6B0];
	v8 =	vadd.s32 s29, v3;
	v9 =	vadd.s32 s25, v3;
	vm0 =	vmand vm0, vm1  }
0x13e: {  	v55 =	vld [tilespmem:$0x6C0];
	vm14 =	vge.s32 v53, s31;
	vm15 =	vlt.s32 v53, s2;
	vm4 =	vge.s32 v8, s31  }
0x13f: {  	v10 =	vld [tilespmem:$0x6D0];
	s26 =	sadd.s32 $0x240, s1;
	s29 =	sadd.s32 $0x250, s1;
	s25 =	sadd.s32 $0x260, s1;
	vm2 =	vlt.s32 v8, s2;
	vm5 =	vge.s32 v9, s31;
	vm6 =	vlt.s32 v9, s2  }
0x140: {  	v11 =	vld [tilespmem:$0x6E0];
	v56 =	vadd.s32 s26, v3;
	v57 =	vadd.s32 s29, v3;
	v60 =	vadd.s32 s25, v3  }
0x141: {  	v58 =	vld [tilespmem:$0x6F0];
	s26 =	sadd.s32 $0x270, s1;
	vm1 =	vmand vm4, vm2;
	vm7 =	vge.s32 v56, s31;
	vm8 =	vlt.s32 v56, s2  }
0x142: {  	vm9 =	vge.s32 v57, s31;
	vm10 =	vlt.s32 v57, s2;
	v61 =	vadd.s32 s26, v3  }
0x143: {  	vm11 =	vge.s32 v60, s31;
	vm12 =	vlt.s32 v60, s2;
	vm13 =	vge.s32 v61, s31  }
0x144: {  	v4 =	vsub.s32 v4, v0;
	v5 =	vsub.s32 v5, v0;
	v7 =	vsub.s32 v7, v0  }
0x145: {  	v6 =	vsub.s32 v54, v0;
	v8 =	vsub.s32 v55, v0;
	v10 =	vsub.s32 v10, v0  }
0x146: {  	v62 =	vsub.s32 v11, v0;
	v63 =	vsub.s32 v58, v0;
	v4 =	vmin.u32 v4, $0x2000  }
0x147: {  	v5 =	vmin.u32 v5, $0x2000;
	v7 =	vmin.u32 v7, $0x2000;
	v4 =	vnsel vm0, $0x2000, v4  }
0x148: {  	v6 =	vmin.u32 v6, $0x2000;
	vm0 =	vmand vm14, vm15;
	v7 =	vnsel vm1, $0x2000, v7;
	[tilespmem:$0x980] =	vst v4  }
0x149: {  	v59 =	vmin.u32 v10, $0x2000;
	v5 =	vnsel vm0, $0x2000, v5;
	vm0 =	vmand vm5, vm6;
	[tilespmem:$0x9A0] =	vst v7  }
0x14a: {  	v4 =	vmin.u32 v8, $0x2000;
	v6 =	vnsel vm0, $0x2000, v6;
	vm0 =	vmand vm7, vm8;
	[tilespmem:$0x990] =	vst v5  }
0x14b: {  	vm1 =	vmand vm9, vm10;
	vm14 =	vlt.s32 v61, s2;
	v4 =	vnsel vm0, $0x2000, v4;
	[tilespmem:$0x9B0] =	vst v6  }
0x14c: {  	v5 =	vnsel vm1, $0x2000, v59;
	vm0 =	vmand vm11, vm12;
	[tilespmem:$0x9C0] =	vst v4;
	v4 =	vmin.u32 v62, $0x2000  }
0x14d: {  	vm15 =	vmand vm13, vm14;
	[tilespmem:$0x9D0] =	vst v5;
	v5 =	vmin.u32 v63, $0x2000;
	v4 =	vnsel vm0, $0x2000, v4  }
0x14e: {  	[tilespmem:$0x9E0] =	vst v4;
	v4 =	vnsel vm15, $0x2000, v5  }
0x14f: {  	[tilespmem:$0x9F0] =	vst v4  }
0x150: {  	_ =	swait.ge [sflag:s20], $0x4000  }
0x151: {  	[sflag:s20] =	ssyncset.done $0x0  }
0x152: {  	s29 =	simm.s32 $0x980;
	s25 =	simm.s32 $0x4A80;
	[sflag:s20] =	ssyncadd.s32 $0xFFFFC000  }
0x153: {  	[spmem:s4] =	stream.indirect.scatter.add.f32 [tilespmem:s25], [sflag:$0x5], $0x80, s29, s22, $0xb8;
	[tilespmem:$0x1CAC0] =	vst v63  }
0x154: {  	_ =	swait.ge [sflag:s17], $0x4000  }
0x155: {  	[sflag:s17] =	ssyncset.done $0x0  }
0x156: {  	[sflag:s17] =	ssyncadd.s32 $0xFFFFC000  }
.LBB2_13:
.Ltmp8:
0x157: {  	(pc) =	sbr.rel @p0 .LBB2_15-.Ltmp8, $4  }
0x158: {  	s24 =	sadd.s32 $0x380, s1  }
0x159: {  	p2 =	sge.s32 s24, s2  }
0x15a: {  	s25 =	simm.s32 @!p2 $0x80;
	s26 =	simm.s32 @!p2 $0x380;
	s29 =	simm.s32 @!p2 $0x4A80  }
0x15b: {  	[tilespmem:s29], [sflag:$0x2] =	stream.indirect.gather @!p2 [hbm4b:s0+s25], $0x80, s26, s25, $0xb8;
	[tilespmem:$0x1CAC0] =	vst v63  }
0x15c: {  	v4 =	vld [tilespmem:$0x700]  }
0x15d: {  	v5 =	vld [tilespmem:$0x710];
	v6 =	vadd.s32 s3, v3;
	s26 =	sadd.s32 $0x290, s1  }
0x15e: {  	v7 =	vld [tilespmem:$0x720];
	s29 =	sadd.s32 $0x2A0, s1;
	s25 =	sadd.s32 $0x2B0, s1;
	vm0 =	vge.s32 v6, s31;
	vm1 =	vlt.s32 v6, s2;
	v53 =	vadd.s32 s26, v3  }
0x15f: {  	v54 =	vld [tilespmem:$0x730];
	v8 =	vadd.s32 s29, v3;
	v9 =	vadd.s32 s25, v3;
	vm0 =	vmand vm0, vm1  }
0x160: {  	v55 =	vld [tilespmem:$0x740];
	vm14 =	vge.s32 v53, s31;
	vm15 =	vlt.s32 v53, s2;
	vm4 =	vge.s32 v8, s31  }
0x161: {  	v10 =	vld [tilespmem:$0x750];
	s26 =	sadd.s32 $0x2C0, s1;
	s29 =	sadd.s32 $0x2D0, s1;
	s25 =	sadd.s32 $0x2E0, s1;
	vm2 =	vlt.s32 v8, s2;
	vm5 =	vge.s32 v9, s31;
	vm6 =	vlt.s32 v9, s2  }
0x162: {  	v11 =	vld [tilespmem:$0x760];
	v56 =	vadd.s32 s26, v3;
	v57 =	vadd.s32 s29, v3;
	v60 =	vadd.s32 s25, v3  }
0x163: {  	v58 =	vld [tilespmem:$0x770];
	s26 =	sadd.s32 $0x2F0, s1;
	vm1 =	vmand vm4, vm2;
	vm7 =	vge.s32 v56, s31;
	vm8 =	vlt.s32 v56, s2  }
0x164: {  	vm9 =	vge.s32 v57, s31;
	vm10 =	vlt.s32 v57, s2;
	v61 =	vadd.s32 s26, v3  }
0x165: {  	vm11 =	vge.s32 v60, s31;
	vm12 =	vlt.s32 v60, s2;
	vm13 =	vge.s32 v61, s31  }
0x166: {  	v4 =	vsub.s32 v4, v0;
	v5 =	vsub.s32 v5, v0;
	v7 =	vsub.s32 v7, v0  }
0x167: {  	v6 =	vsub.s32 v54, v0;
	v8 =	vsub.s32 v55, v0;
	v10 =	vsub.s32 v10, v0  }
0x168: {  	v62 =	vsub.s32 v11, v0;
	v63 =	vsub.s32 v58, v0;
	v4 =	vmin.u32 v4, $0x2000  }
0x169: {  	v5 =	vmin.u32 v5, $0x2000;
	v7 =	vmin.u32 v7, $0x2000;
	v4 =	vnsel vm0, $0x2000, v4  }
0x16a: {  	v6 =	vmin.u32 v6, $0x2000;
	vm0 =	vmand vm14, vm15;
	v7 =	vnsel vm1, $0x2000, v7;
	[tilespmem:$0xA00] =	vst v4  }
0x16b: {  	v59 =	vmin.u32 v10, $0x2000;
	v5 =	vnsel vm0, $0x2000, v5;
	vm0 =	vmand vm5, vm6;
	[tilespmem:$0xA20] =	vst v7  }
0x16c: {  	v4 =	vmin.u32 v8, $0x2000;
	v6 =	vnsel vm0, $0x2000, v6;
	vm0 =	vmand vm7, vm8;
	[tilespmem:$0xA10] =	vst v5  }
0x16d: {  	vm1 =	vmand vm9, vm10;
	vm14 =	vlt.s32 v61, s2;
	v4 =	vnsel vm0, $0x2000, v4;
	[tilespmem:$0xA30] =	vst v6  }
0x16e: {  	v5 =	vnsel vm1, $0x2000, v59;
	vm0 =	vmand vm11, vm12;
	[tilespmem:$0xA40] =	vst v4;
	v4 =	vmin.u32 v62, $0x2000  }
0x16f: {  	vm15 =	vmand vm13, vm14;
	[tilespmem:$0xA50] =	vst v5;
	v5 =	vmin.u32 v63, $0x2000;
	v4 =	vnsel vm0, $0x2000, v4  }
0x170: {  	[tilespmem:$0xA60] =	vst v4;
	v4 =	vnsel vm15, $0x2000, v5  }
0x171: {  	[tilespmem:$0xA70] =	vst v4  }
0x172: {  	_ =	swait.ge [sflag:s28], $0x4000  }
0x173: {  	[sflag:s28] =	ssyncset.done $0x0  }
0x174: {  	s29 =	simm.s32 $0xA00;
	[sflag:s28] =	ssyncadd.s32 $0xFFFFC000  }
0x175: {  	[spmem:s4] =	stream.indirect.scatter.add.f32 [tilespmem:s19], [sflag:$0x5], $0x80, s29, s22, $0xb8;
	[tilespmem:$0x1CAC0] =	vst v63  }
0x176: {  	_ =	swait.ge [sflag:s17], $0x4000  }
0x177: {  	[sflag:s17] =	ssyncset.done $0x0  }
0x178: {  	[sflag:s17] =	ssyncadd.s32 $0xFFFFC000  }
.LBB2_15:
.Ltmp9:
0x179: {  	(pc) =	sbr.rel @p1 .LBB2_17-.Ltmp9, $4  }
0x17a: {  	s3 =	sadd.s32 $0x400, s1  }
0x17b: {  	p0 =	sge.s32 s3, s2  }
0x17c: {  	s25 =	simm.s32 @!p0 $0x80;
	s26 =	simm.s32 @!p0 $0x400;
	s29 =	simm.s32 @!p0 $0x8A80  }
0x17d: {  	[tilespmem:s29], [sflag:$0x3] =	stream.indirect.gather @!p0 [hbm4b:s0+s25], $0x80, s26, s25, $0xb8;
	[tilespmem:$0x1CAC0] =	vst v63  }
0x17e: {  	v4 =	vld [tilespmem:$0x780]  }
0x17f: {  	v5 =	vld [tilespmem:$0x790];
	v6 =	vadd.s32 s23, v3;
	s26 =	sadd.s32 $0x310, s1  }
0x180: {  	v7 =	vld [tilespmem:$0x7A0];
	s29 =	sadd.s32 $0x320, s1;
	s25 =	sadd.s32 $0x330, s1;
	vm0 =	vge.s32 v6, s31;
	vm1 =	vlt.s32 v6, s2;
	v53 =	vadd.s32 s26, v3  }
0x181: {  	v54 =	vld [tilespmem:$0x7B0];
	v8 =	vadd.s32 s29, v3;
	v9 =	vadd.s32 s25, v3;
	vm0 =	vmand vm0, vm1  }
0x182: {  	v55 =	vld [tilespmem:$0x7C0];
	vm14 =	vge.s32 v53, s31;
	vm15 =	vlt.s32 v53, s2;
	vm4 =	vge.s32 v8, s31  }
0x183: {  	v10 =	vld [tilespmem:$0x7D0];
	s26 =	sadd.s32 $0x340, s1;
	s29 =	sadd.s32 $0x350, s1;
	s25 =	sadd.s32 $0x360, s1;
	vm2 =	vlt.s32 v8, s2;
	vm5 =	vge.s32 v9, s31;
	vm6 =	vlt.s32 v9, s2  }
0x184: {  	v11 =	vld [tilespmem:$0x7E0];
	v56 =	vadd.s32 s26, v3;
	v57 =	vadd.s32 s29, v3;
	v60 =	vadd.s32 s25, v3  }
0x185: {  	v58 =	vld [tilespmem:$0x7F0];
	s26 =	sadd.s32 $0x370, s1;
	vm1 =	vmand vm4, vm2;
	vm7 =	vge.s32 v56, s31;
	vm8 =	vlt.s32 v56, s2  }
0x186: {  	vm9 =	vge.s32 v57, s31;
	vm10 =	vlt.s32 v57, s2;
	v61 =	vadd.s32 s26, v3  }
0x187: {  	vm11 =	vge.s32 v60, s31;
	vm12 =	vlt.s32 v60, s2;
	vm13 =	vge.s32 v61, s31  }
0x188: {  	v4 =	vsub.s32 v4, v0;
	v5 =	vsub.s32 v5, v0;
	v7 =	vsub.s32 v7, v0  }
0x189: {  	v6 =	vsub.s32 v54, v0;
	v8 =	vsub.s32 v55, v0;
	v10 =	vsub.s32 v10, v0  }
0x18a: {  	v62 =	vsub.s32 v11, v0;
	v63 =	vsub.s32 v58, v0;
	v4 =	vmin.u32 v4, $0x2000  }
0x18b: {  	v5 =	vmin.u32 v5, $0x2000;
	v7 =	vmin.u32 v7, $0x2000;
	v4 =	vnsel vm0, $0x2000, v4  }
0x18c: {  	v6 =	vmin.u32 v6, $0x2000;
	vm0 =	vmand vm14, vm15;
	v7 =	vnsel vm1, $0x2000, v7;
	[tilespmem:$0x900] =	vst v4  }
0x18d: {  	v59 =	vmin.u32 v10, $0x2000;
	v5 =	vnsel vm0, $0x2000, v5;
	vm0 =	vmand vm5, vm6;
	[tilespmem:$0x920] =	vst v7  }
0x18e: {  	v4 =	vmin.u32 v8, $0x2000;
	v6 =	vnsel vm0, $0x2000, v6;
	vm0 =	vmand vm7, vm8;
	[tilespmem:$0x910] =	vst v5  }
0x18f: {  	vm1 =	vmand vm9, vm10;
	vm14 =	vlt.s32 v61, s2;
	v4 =	vnsel vm0, $0x2000, v4;
	[tilespmem:$0x930] =	vst v6  }
0x190: {  	v5 =	vnsel vm1, $0x2000, v59;
	vm0 =	vmand vm11, vm12;
	[tilespmem:$0x940] =	vst v4;
	v4 =	vmin.u32 v62, $0x2000  }
0x191: {  	vm15 =	vmand vm13, vm14;
	[tilespmem:$0x950] =	vst v5;
	v5 =	vmin.u32 v63, $0x2000;
	v4 =	vnsel vm0, $0x2000, v4  }
0x192: {  	[tilespmem:$0x960] =	vst v4;
	v4 =	vnsel vm15, $0x2000, v5  }
0x193: {  	[tilespmem:$0x970] =	vst v4  }
0x194: {  	_ =	swait.ge [sflag:s18], $0x4000  }
0x195: {  	[sflag:s18] =	ssyncset.done $0x0  }
0x196: {  	s29 =	simm.s32 $0x900;
	s25 =	simm.s32 $0xA80;
	[sflag:s18] =	ssyncadd.s32 $0xFFFFC000  }
0x197: {  	[spmem:s4] =	stream.indirect.scatter.add.f32 [tilespmem:s25], [sflag:$0x5], $0x80, s29, s22, $0xb8;
	[tilespmem:$0x1CAC0] =	vst v63  }
0x198: {  	_ =	swait.ge [sflag:s17], $0x4000  }
0x199: {  	[sflag:s17] =	ssyncset.done $0x0  }
0x19a: {  	[sflag:s17] =	ssyncadd.s32 $0xFFFFC000  }
.LBB2_17:
.Ltmp10:
0x19b: {  	(pc) =	sbr.rel @p2 .LBB2_19-.Ltmp10, $1  }
0x19c: {  	_ =	sdelay $0x3  }
0x19d: {  	v4 =	vld [tilespmem:$0x800]  }
0x19e: {  	v5 =	vld [tilespmem:$0x810];
	v6 =	vadd.s32 s24, v3;
	s23 =	sadd.s32 $0x390, s1  }
0x19f: {  	v7 =	vld [tilespmem:$0x820];
	s24 =	sadd.s32 $0x3A0, s1;
	s25 =	sadd.s32 $0x3B0, s1;
	s26 =	sadd.s32 $0x3C0, s1;
	vm0 =	vge.s32 v6, s31;
	vm1 =	vlt.s32 v6, s2;
	v53 =	vadd.s32 s23, v3  }
0x1a0: {  	v54 =	vld [tilespmem:$0x830];
	s29 =	sadd.s32 $0x3D0, s1;
	v8 =	vadd.s32 s24, v3;
	v9 =	vadd.s32 s25, v3;
	v56 =	vadd.s32 s26, v3  }
0x1a1: {  	v55 =	vld [tilespmem:$0x840];
	v57 =	vadd.s32 s29, v3;
	vm0 =	vmand vm0, vm1;
	vm14 =	vge.s32 v53, s31  }
0x1a2: {  	v10 =	vld [tilespmem:$0x850];
	vm15 =	vlt.s32 v53, s2;
	vm4 =	vge.s32 v8, s31;
	vm2 =	vlt.s32 v8, s2  }
0x1a3: {  	v11 =	vld [tilespmem:$0x860];
	vm5 =	vge.s32 v9, s31;
	vm6 =	vlt.s32 v9, s2;
	vm7 =	vge.s32 v56, s31  }
0x1a4: {  	v58 =	vld [tilespmem:$0x870];
	s24 =	sadd.s32 $0x3E0, s1;
	s25 =	sadd.s32 $0x3F0, s1;
	vm8 =	vlt.s32 v56, s2;
	vm9 =	vge.s32 v57, s31;
	vm10 =	vlt.s32 v57, s2  }
0x1a5: {  	v60 =	vadd.s32 s24, v3;
	v61 =	vadd.s32 s25, v3;
	vm1 =	vmand vm4, vm2  }
0x1a6: {  	vm11 =	vge.s32 v60, s31;
	vm12 =	vlt.s32 v60, s2;
	vm13 =	vge.s32 v61, s31  }
0x1a7: {  	v4 =	vsub.s32 v4, v0;
	v5 =	vsub.s32 v5, v0;
	v7 =	vsub.s32 v7, v0  }
0x1a8: {  	v6 =	vsub.s32 v54, v0;
	v8 =	vsub.s32 v55, v0;
	v10 =	vsub.s32 v10, v0  }
0x1a9: {  	v62 =	vsub.s32 v11, v0;
	v63 =	vsub.s32 v58, v0;
	v4 =	vmin.u32 v4, $0x2000  }
0x1aa: {  	v5 =	vmin.u32 v5, $0x2000;
	v7 =	vmin.u32 v7, $0x2000;
	v4 =	vnsel vm0, $0x2000, v4  }
0x1ab: {  	v6 =	vmin.u32 v6, $0x2000;
	vm0 =	vmand vm14, vm15;
	v7 =	vnsel vm1, $0x2000, v7;
	[tilespmem:$0x980] =	vst v4  }
0x1ac: {  	v59 =	vmin.u32 v10, $0x2000;
	v5 =	vnsel vm0, $0x2000, v5;
	vm0 =	vmand vm5, vm6;
	[tilespmem:$0x9A0] =	vst v7  }
0x1ad: {  	v4 =	vmin.u32 v8, $0x2000;
	v6 =	vnsel vm0, $0x2000, v6;
	vm0 =	vmand vm7, vm8;
	[tilespmem:$0x990] =	vst v5  }
0x1ae: {  	vm1 =	vmand vm9, vm10;
	vm14 =	vlt.s32 v61, s2;
	v4 =	vnsel vm0, $0x2000, v4;
	[tilespmem:$0x9B0] =	vst v6  }
0x1af: {  	v5 =	vnsel vm1, $0x2000, v59;
	vm0 =	vmand vm11, vm12;
	[tilespmem:$0x9C0] =	vst v4;
	v4 =	vmin.u32 v62, $0x2000  }
0x1b0: {  	vm15 =	vmand vm13, vm14;
	[tilespmem:$0x9D0] =	vst v5;
	v5 =	vmin.u32 v63, $0x2000;
	v4 =	vnsel vm0, $0x2000, v4  }
0x1b1: {  	[tilespmem:$0x9E0] =	vst v4;
	v4 =	vnsel vm15, $0x2000, v5  }
0x1b2: {  	[tilespmem:$0x9F0] =	vst v4  }
0x1b3: {  	_ =	swait.ge [sflag:s20], $0x4000  }
0x1b4: {  	[sflag:s20] =	ssyncset.done $0x0  }
0x1b5: {  	s26 =	simm.s32 $0x980;
	s29 =	simm.s32 $0x4A80;
	[sflag:s20] =	ssyncadd.s32 $0xFFFFC000  }
0x1b6: {  	[spmem:s4] =	stream.indirect.scatter.add.f32 [tilespmem:s29], [sflag:$0x5], $0x80, s26, s22, $0xb8;
	[tilespmem:$0x1CAC0] =	vst v63  }
0x1b7: {  	_ =	swait.ge [sflag:s17], $0x4000  }
0x1b8: {  	[sflag:s17] =	ssyncset.done $0x0  }
0x1b9: {  	[sflag:s17] =	ssyncadd.s32 $0xFFFFC000  }
.LBB2_19:
.Ltmp11:
0x1ba: {  	(pc) =	sbr.rel @p0 .LBB2_21-.Ltmp11, $1  }
0x1bb: {  	_ =	sdelay $0x3  }
0x1bc: {  	v4 =	vld [tilespmem:$0x880]  }
0x1bd: {  	v5 =	vld [tilespmem:$0x890];
	v6 =	vadd.s32 s3, v3;
	s26 =	sadd.s32 $0x410, s1  }
0x1be: {  	v7 =	vld [tilespmem:$0x8A0];
	s29 =	sadd.s32 $0x420, s1;
	s23 =	sadd.s32 $0x430, s1;
	s24 =	sadd.s32 $0x440, s1;
	vm0 =	vge.s32 v6, s31;
	vm1 =	vlt.s32 v6, s2;
	v53 =	vadd.s32 s26, v3  }
0x1bf: {  	v54 =	vld [tilespmem:$0x8B0];
	s25 =	sadd.s32 $0x450, s1;
	v8 =	vadd.s32 s29, v3;
	v9 =	vadd.s32 s23, v3;
	v56 =	vadd.s32 s24, v3  }
0x1c0: {  	v55 =	vld [tilespmem:$0x8C0];
	v57 =	vadd.s32 s25, v3;
	vm0 =	vmand vm0, vm1;
	vm14 =	vge.s32 v53, s31  }
0x1c1: {  	v10 =	vld [tilespmem:$0x8D0];
	vm15 =	vlt.s32 v53, s2;
	vm4 =	vge.s32 v8, s31;
	vm2 =	vlt.s32 v8, s2  }
0x1c2: {  	v11 =	vld [tilespmem:$0x8E0];
	vm5 =	vge.s32 v9, s31;
	vm6 =	vlt.s32 v9, s2;
	vm7 =	vge.s32 v56, s31  }
0x1c3: {  	v58 =	vld [tilespmem:$0x8F0];
	s26 =	sadd.s32 $0x460, s1;
	s29 =	sadd.s32 $0x470, s1;
	vm8 =	vlt.s32 v56, s2;
	vm9 =	vge.s32 v57, s31;
	vm10 =	vlt.s32 v57, s2  }
0x1c4: {  	v60 =	vadd.s32 s26, v3;
	v61 =	vadd.s32 s29, v3;
	vm1 =	vmand vm4, vm2  }
0x1c5: {  	vm11 =	vge.s32 v60, s31;
	vm12 =	vlt.s32 v60, s2;
	vm13 =	vge.s32 v61, s31  }
0x1c6: {  	v4 =	vsub.s32 v4, v0;
	v5 =	vsub.s32 v5, v0;
	v7 =	vsub.s32 v7, v0  }
0x1c7: {  	v6 =	vsub.s32 v54, v0;
	v8 =	vsub.s32 v55, v0;
	v10 =	vsub.s32 v10, v0  }
0x1c8: {  	v62 =	vsub.s32 v11, v0;
	v63 =	vsub.s32 v58, v0;
	v4 =	vmin.u32 v4, $0x2000  }
0x1c9: {  	v5 =	vmin.u32 v5, $0x2000;
	v7 =	vmin.u32 v7, $0x2000;
	v4 =	vnsel vm0, $0x2000, v4  }
0x1ca: {  	v6 =	vmin.u32 v6, $0x2000;
	vm0 =	vmand vm14, vm15;
	v7 =	vnsel vm1, $0x2000, v7;
	[tilespmem:$0xA00] =	vst v4  }
0x1cb: {  	v59 =	vmin.u32 v10, $0x2000;
	v5 =	vnsel vm0, $0x2000, v5;
	vm0 =	vmand vm5, vm6;
	[tilespmem:$0xA20] =	vst v7  }
0x1cc: {  	v4 =	vmin.u32 v8, $0x2000;
	v6 =	vnsel vm0, $0x2000, v6;
	vm0 =	vmand vm7, vm8;
	[tilespmem:$0xA10] =	vst v5  }
0x1cd: {  	vm1 =	vmand vm9, vm10;
	vm14 =	vlt.s32 v61, s2;
	v4 =	vnsel vm0, $0x2000, v4;
	[tilespmem:$0xA30] =	vst v6  }
0x1ce: {  	v5 =	vnsel vm1, $0x2000, v59;
	vm0 =	vmand vm11, vm12;
	[tilespmem:$0xA40] =	vst v4;
	v4 =	vmin.u32 v62, $0x2000  }
0x1cf: {  	vm15 =	vmand vm13, vm14;
	[tilespmem:$0xA50] =	vst v5;
	v5 =	vmin.u32 v63, $0x2000;
	v4 =	vnsel vm0, $0x2000, v4  }
0x1d0: {  	[tilespmem:$0xA60] =	vst v4;
	v4 =	vnsel vm15, $0x2000, v5  }
0x1d1: {  	[tilespmem:$0xA70] =	vst v4  }
0x1d2: {  	_ =	swait.ge [sflag:s28], $0x4000  }
0x1d3: {  	[sflag:s28] =	ssyncset.done $0x0  }
.Ltmp12:
0x1d4: {  	s31 =	simm.s32 $0xA00;
	[sflag:s28] =	ssyncadd.s32 $0xFFFFC000;
	(pc) =	sbr.rel .LBB2_21-.Ltmp12, $4  }
0x1d5: {  	[spmem:s4] =	stream.indirect.scatter.add.f32 [tilespmem:s19], [sflag:$0x5], $0x80, s31, s22, $0xb8;
	[tilespmem:$0x1CAC0] =	vst v63  }
0x1d6: {  	_ =	swait.ge [sflag:s17], $0x4000  }
0x1d7: {  	[sflag:s17] =	ssyncset.done $0x0  }
0x1d8: {  	[sflag:s17] =	ssyncadd.s32 $0xFFFFC000  }
.LBB2_22:
0x1d9: {  	_ =	sfence.sel $0x180000  }
0x1da: {  	[bflag:$0x0] =	sbarrier.arrive $0xFFFF  }
0x1db: {  	_ =	strace $0x90000047  }
0x1dc: {  	[bflag:$0x2] =	sbarrier.arrive $0xFFFF  }
0x1dd: {  	p0 =	sne.s32 s5, $0x0;
	s0 =	rddreg [dreg:$0x6]  }
0x1de: {  	s0 =	sadd.s32 @!p0 $0x100000, s0  }
0x1df: {  	[sflag:s0] =	ssyncadd.tile.s32 @!p0 $0x1;
	_ =	shalt  }
.Lfunc_end2:
_tile_overlayer_lowered:
.L_overlay_start_2:
0x1e0: {  	(tag) =	ssettag $0x2  }
0x1e1: {  	s0 =	rddreg [dreg:$0x0];
	s2 =	stileid.u32  }
0x1e2: {  	s1 =	rddreg [dreg:$0x1];
	p0 =	sne.s32 s2, $0x0  }
0x1e3: {  	s3 =	rddreg [dreg:$0x2];
	[bflag:$0x3] =	sbarrier.arrive $0xFFFF;
	s2 =	simm.s32 @!p0 $0x1C05  }
0x1e4: {  	[timem:s3], [sflag:s2] =	dma.local @!p0 [hbm:s0], s1  }
0x1e5: {  	s0 =	simm.s32 @!p0 $0x5  }
0x1e6: {  	_ =	swait.ge @!p0 [sflag:s0], s1  }
0x1e7: {  	s1 =	ssub.s32 @!p0 $0x0, s1;
	[sflag:s0] =	ssyncset.done @!p0 $0x0  }
0x1e8: {  	[sflag:s0] =	ssyncadd.s32 @!p0 s1  }
0x1e9: {  	[bflag:$0x3] =	sbarrier.arrive $0xFFFF  }
0x1ea: {  	_ =	shalt  }

</sc_bundles>
